<compile_context>
chip_gen: v7x
topology: tpu7x:2x2x1
jax: 0.10.2.dev20260603
libtpu: 0.0.44.dev20260713+nightly
codegen_flags: <defaults>
</compile_context>

<pallas_src>
import functools

import jax
import jax.numpy as jnp
from jax import lax
from jax.experimental import pallas as pl
from jax.experimental.pallas import tpu as pltpu
from jax.experimental.pallas import tpu_sc as plsc

_NUM_UNIQ = [1000000, 1000000]
_D = 32
_F = 2

_NC = 2
_NS = 16
_NW = _NC * _NS
_LANES = 16

_SUB = 128


def _tc_convert(table, block_cols=16000):
    v_rows = table.shape[0]
    tt = table.T
    n_blk = v_rows // block_cols
    rows_out = block_cols // 4
    eye = jnp.eye(_D, dtype=jnp.float32)

    def tr_kernel(tt_ref, eye_ref, out_ref):
        t = jax.lax.dot_general(
            tt_ref[...], eye_ref[...], (((0,), (0,)), ((), ())),
            preferred_element_type=jnp.float32)
        for k in range(block_cols // 128):
            r0 = 128 * k
            tile = jnp.concatenate(
                [t[r0 + 32 * q:r0 + 32 * (q + 1), :] for q in range(4)],
                axis=1)
            out_ref[pl.ds(32 * k, 32), :] = tile

    out = pl.pallas_call(
        tr_kernel,
        grid=(n_blk,),
        in_specs=[
            pl.BlockSpec((_D, block_cols), lambda i: (0, i)),
            pl.BlockSpec((_D, _D), lambda i: (0, 0)),
        ],
        out_specs=pl.BlockSpec((rows_out, 4 * _D), lambda i: (i, 0)),
        out_shape=jax.ShapeDtypeStruct((v_rows // 4, 4 * _D), jnp.float32),
        compiler_params=pltpu.CompilerParams(
            dimension_semantics=("parallel",)),
    )(tt, eye)
    return out.reshape(v_rows, _D)


def _sc_gather(x_flat, table_l, rows_total, chunk, field1_off):
    per_w = rows_total // _NW
    n_chunks = per_w // chunk
    n_sub = chunk // _SUB
    n_vec = chunk // _LANES

    mesh = plsc.VectorSubcoreMesh(core_axis_name="c", subcore_axis_name="s")

    @functools.partial(
        pl.kernel,
        mesh=mesh,
        out_type=jax.ShapeDtypeStruct((rows_total, _D), jnp.float32),
        scratch_types=[
            pltpu.VMEM((chunk,), jnp.int32),
            pltpu.VMEM((chunk, _D), jnp.float32),
            pltpu.SemaphoreType.DMA,
        ],
        compiler_params=pltpu.CompilerParams(use_tc_tiling_on_sc=False),
    )
    def gather_kernel(table_hbm, idx_hbm, out_hbm, idx_v, rows_v, sem):
        wid = lax.axis_index("s") * _NC + lax.axis_index("c")
        base = wid * per_w

        def chunk_body(i, carry):
            off = pl.multiple_of(base + i * chunk, _SUB)
            pltpu.sync_copy(idx_hbm.at[pl.ds(off, chunk)], idx_v)
            for j in range(n_vec):
                sl = pl.ds(j * _LANES, _LANES)
                fbit = (lax.shift_right_logical(off, 7) + (j // 8)) & 1
                r = idx_v[sl] + fbit * field1_off
                idx_v[sl] = (
                    (r & ~jnp.int32(127))
                    | lax.shift_left((r & 31), 2)
                    | (lax.shift_right_logical(r, 5) & 3)
                )
            handles = []
            for j in range(n_sub):
                handles.append(
                    pltpu.async_copy(
                        table_hbm.at[idx_v.at[pl.ds(j * _SUB, _SUB)]],
                        rows_v.at[pl.ds(j * _SUB, _SUB)],
                        sem,
                    )
                )
            for h in handles:
                h.wait()
            pltpu.sync_copy(rows_v, out_hbm.at[pl.ds(off, chunk)])
            return carry

        lax.fori_loop(0, n_chunks, chunk_body, 0)

    return gather_kernel(table_l, x_flat)


def _tc_project(emb4, w0b, w1b, b4, units):
    n4 = emb4.shape[0]

    def mm_kernel(emb_ref, w0_ref, w1_ref, b_ref, out_ref):
        a = emb_ref[...]
        o0 = jnp.dot(a, w0_ref[...], preferred_element_type=jnp.float32)
        o1 = jnp.dot(a, w1_ref[...], preferred_element_type=jnp.float32)
        for u in range(units):
            o = (o0[64 * u:64 * u + 32, :]
                 + o1[64 * u + 32:64 * u + 64, :] + b_ref[...])
            out_ref[pl.ds(32 * u, 32), :] = o

    tile_in = 64 * units
    tile_out = 32 * units
    return pl.pallas_call(
        mm_kernel,
        grid=(n4 // tile_in,),
        in_specs=[
            pl.BlockSpec((tile_in, 128), lambda i: (i, 0)),
            pl.BlockSpec((128, 128), lambda i: (0, 0)),
            pl.BlockSpec((128, 128), lambda i: (0, 0)),
            pl.BlockSpec((1, 128), lambda i: (0, 0)),
        ],
        out_specs=pl.BlockSpec((tile_out, 128), lambda i: (i, 0)),
        out_shape=jax.ShapeDtypeStruct((n4 // 2, 128), jnp.float32),
        compiler_params=pltpu.CompilerParams(
            dimension_semantics=("parallel",)),
    )(emb4, w0b, w1b, b4)


def kernel(x, table, W, b):
    B, S, G, F = x.shape
    n_rows = B * S * G
    rows_total = n_rows * F

    x_native = (x.reshape(32, 128, S, F).transpose((2, 0, 3, 1))
                .reshape(rows_total))
    table_l = _tc_convert(table)
    gathered = _sc_gather(x_native, table_l, rows_total, chunk=1280,
                          field1_off=_NUM_UNIQ[0])
    emb4 = gathered.reshape(rows_total // 4, 4 * _D)
    wt = W.T
    z = jnp.zeros((_D, _D), jnp.float32)
    w0t, w1t = wt[:_D], wt[_D:]
    w0b = jnp.block([
        [w0t, z, z, z],
        [z, w0t, z, z],
        [z, z, w0t, z],
        [z, z, z, w0t],
    ])
    w1b = jnp.block([
        [w1t, z, z, z],
        [z, w1t, z, z],
        [z, z, w1t, z],
        [z, z, z, w1t],
    ])
    b4 = jnp.tile(b, 4).reshape(1, 4 * _D)
    out4 = _tc_project(emb4, w0b, w1b, b4, units=16)
    return (out4.reshape(S, B, _D).transpose((1, 0, 2))
            .reshape(B, S, G, _D))

# --- scband reference (transcript-rebuilt; emitter-appended) ---
"""Pipeline reference for scband-cate-feature-embedding-7851200217418 (READ-ONLY COPY).

The authoritative reference and input builder live on the scoring server;
editing this copy changes nothing except your own understanding.
"""

import jax, jax.numpy as jnp
import numpy as np

NUM_UNIQ = [1000000, 1000000]
EMBED_DIM = 32
B, S, G, F = 4096, 50, 1, 2


def setup_inputs(seed: int = 0) -> dict:
    key = jax.random.key(seed)
    k1, k2, k3, k4 = jax.random.split(key, 4)
    x = jax.random.randint(k1, (B, S, G, F), 0, min(NUM_UNIQ), dtype=jnp.int32)
    num_emb = int(np.sum(NUM_UNIQ))
    table = jax.random.normal(k2, (num_emb, EMBED_DIM), dtype=jnp.float32) * 0.05
    W = jax.random.normal(k3, (EMBED_DIM, EMBED_DIM * F), dtype=jnp.float32) * 0.05
    b = jax.random.normal(k4, (EMBED_DIM,), dtype=jnp.float32) * 0.05
    return {"x": x, "table": table, "W": W, "b": b}


def reference(x, table, W, b):
    # starts = cumsum offsets per categorical field: [0, 1000000]
    csum = np.cumsum(np.array(NUM_UNIQ, dtype=np.int64))
    starts = jnp.array(np.concatenate(([0], csum[:-1])), dtype=jnp.int32).reshape(1, -1)
    xs = x + starts  # broadcast over last dim (fields)
    emb = jnp.take(table, xs, axis=0)  # (B, S, G, F, D)
    emb = jnp.reshape(emb, (emb.shape[0], emb.shape[1], emb.shape[2], -1))  # (B, S, G, F*D)
    out = emb @ W.T + b  # Linear(F*D -> D)
    return out

if __name__ == "__main__":
    import jax
    _d = setup_inputs()
    print(jax.jit(kernel)(*tuple(_d.values())))

</pallas_src>

<mosaic_0001>
#map = affine_map<(d0, d1) -> (0, 0)>
#map1 = affine_map<(d0, d1) -> (0)>
module attributes {stable_mosaic.version = 14 : i64} {
  func.func @gather_kernel(%arg0: i32, %arg1: i32, %arg2: memref<2000000x32xf32, #tpu.memory_space<hbm>>, %arg3: memref<409600xi32, #tpu.memory_space<hbm>>, %arg4: memref<409600x32xf32, #tpu.memory_space<hbm>>, %arg5: memref<1280xi32, #tpu.memory_space<vmem>>, %arg6: memref<1280x32xf32, #tpu.memory_space<vmem>>, %arg7: memref<!tpu.dma_semaphore, #tpu.memory_space<semaphore_mem>>) attributes {dimension_semantics = [#tpu.dimension_semantics<core_parallel>, #tpu.dimension_semantics<subcore_parallel>], iteration_bounds = array<i64: 2, 16>, scalar_prefetch = 0 : i64, scratch_operands = 3 : i64, tpu.core_type = #tpu.core_type<sc_vector_subcore>, window_params = [{transform_indices = #map}, {transform_indices = #map1}, {transform_indices = #map}]} {
    %mul3A = arith.constant 2 : i32
    %mul3A_0 = arith.muli %arg1, %mul3A : i32
    %add3A = arith.addi %mul3A_0, %arg0 : i32
    %mul3A_1 = arith.constant 12800 : i32
    %mul3A_2 = arith.muli %add3A, %mul3A_1 : i32
    %scan3A = arith.constant 0 : i32
    %scan3A_3 = arith.constant 0 : i32
    %scan3A_4 = arith.constant 10 : i32
    %scan3A_5 = arith.addi %scan3A_3, %scan3A_4 : i32
    %scan3A_6 = arith.constant 1 : i32
    scf.for %scan3A_8 = %scan3A_3 to %scan3A_5 step %scan3A_6  : i32 {
      %mul3A_9 = arith.constant 1280 : i32
      %mul3A_10 = arith.muli %scan3A_8, %mul3A_9 : i32
      %add3A_11 = arith.addi %mul3A_2, %mul3A_10 : i32
      %multiple_of3A = tpu.assume_multiple %add3A_11, 128 : i32
      "tpu.region"() ({
        %run_scoped3A = tpu.sem_alloc : memref<!tpu.dma_semaphore, #tpu.memory_space<semaphore_mem>>
        %dma_start3A_3043 = tpu.memref_slice %arg3[%multiple_of3A] : memref<409600xi32, #tpu.memory_space<hbm>> -> memref<1280xi32, #tpu.memory_space<hbm>>
        %dma_start3A_3044 = tpu.memref_slice %arg3[%multiple_of3A] : memref<409600xi32, #tpu.memory_space<hbm>> -> memref<1280xi32, #tpu.memory_space<hbm>>
        tpu.enqueue_dma source(%dma_start3A_3044 : memref<1280xi32, #tpu.memory_space<hbm>>) target(%arg5 : memref<1280xi32, #tpu.memory_space<vmem>>) target_semaphore(%run_scoped3A : memref<!tpu.dma_semaphore, #tpu.memory_space<semaphore_mem>>)
        %dma_wait3A_3045 = tpu.memref_slice %arg3[%multiple_of3A] : memref<409600xi32, #tpu.memory_space<hbm>> -> memref<1280xi32, #tpu.memory_space<hbm>>
        %dma_wait3A_3046 = tpu.memref_slice %arg3[%multiple_of3A] : memref<409600xi32, #tpu.memory_space<hbm>> -> memref<1280xi32, #tpu.memory_space<hbm>>
        tpu.wait_dma2 semaphore(%run_scoped3A : memref<!tpu.dma_semaphore, #tpu.memory_space<semaphore_mem>>) src(%dma_wait3A_3046 : memref<1280xi32, #tpu.memory_space<hbm>>) dst(%arg5 : memref<1280xi32, #tpu.memory_space<vmem>>)
        tpu.yield
      }) : () -> ()
      %shift_right_logical3A = arith.constant 7 : i32
      %shift_right_logical3A_12 = arith.shrui %multiple_of3A, %shift_right_logical3A : i32
      %add3A_13 = arith.constant 0 : i32
      %add3A_14 = arith.addi %shift_right_logical3A_12, %add3A_13 : i32
      %and3A = arith.constant 1 : i32
      %and3A_15 = arith.andi %add3A_14, %and3A : i32
      %get3A = arith.constant 0 : index
      %get3A_16 = tpu.vector_load %arg5[%get3A] {strides = array<i32>} : memref<1280xi32, #tpu.memory_space<vmem>>, vector<16xi32>,
      %get3A_17 = vector.shape_cast %get3A_16 : vector<16xi32> to vector<16xi32>
      %mul3A_18 = arith.constant 1000000 : i32
      %mul3A_19 = arith.muli %and3A_15, %mul3A_18 : i32
      %add3A_20 = vector.broadcast %mul3A_19 : i32 to vector<16xi32>
      %add3A_21 = arith.addi %get3A_17, %add3A_20 : vector<16xi32>
      %not3A = arith.constant 127 : i32
      %not3A_22 = arith.constant -1 : i32
      %not3A_23 = arith.xori %not3A, %not3A_22 : i32
      %and3A_24 = vector.broadcast %not3A_23 : i32 to vector<16xi32>
      %and3A_25 = arith.andi %add3A_21, %and3A_24 : vector<16xi32>
      %and3A_26 = arith.constant 31 : i32
      %and3A_27 = vector.broadcast %and3A_26 : i32 to vector<16xi32>
      %and3A_28 = arith.andi %add3A_21, %and3A_27 : vector<16xi32>
      %shift_left3A = arith.constant 2 : i32
      %shift_left3A_29 = vector.broadcast %shift_left3A : i32 to vector<16xi32>
      %shift_left3A_30 = arith.shli %and3A_28, %shift_left3A_29 : vector<16xi32>
      %or3A = arith.ori %and3A_25, %shift_left3A_30 : vector<16xi32>
      %shift_right_logical3A_31 = arith.constant 5 : i32
      %shift_right_logical3A_32 = vector.broadcast %shift_right_logical3A_31 : i32 to vector<16xi32>
      %shift_right_logical3A_33 = arith.shrui %add3A_21, %shift_right_logical3A_32 : vector<16xi32>
      %and3A_34 = arith.constant 3 : i32
      %and3A_35 = vector.broadcast %and3A_34 : i32 to vector<16xi32>
      %and3A_36 = arith.andi %shift_right_logical3A_33, %and3A_35 : vector<16xi32>
      %or3A_37 = arith.ori %or3A, %and3A_36 : vector<16xi32>
      %swap3A = arith.constant 0 : index
      %swap3A_38 = tpu.vector_load %arg5[%swap3A] {strides = array<i32>} : memref<1280xi32, #tpu.memory_space<vmem>>, vector<16xi32>,
      %swap3A_39 = vector.shape_cast %swap3A_38 : vector<16xi32> to vector<16xi32>
      %swap3A_40 = vector.shape_cast %or3A_37 : vector<16xi32> to vector<16xi32>
      tpu.vector_store %arg5[%swap3A], %swap3A_40 {strides = array<i32>} : memref<1280xi32, #tpu.memory_space<vmem>>, vector<16xi32>,
      %shift_right_logical3A_41 = arith.constant 7 : i32
      %shift_right_logical3A_42 = arith.shrui %multiple_of3A, %shift_right_logical3A_41 : i32
      %add3A_43 = arith.constant 0 : i32
      %add3A_44 = arith.addi %shift_right_logical3A_42, %add3A_43 : i32
      %and3A_45 = arith.constant 1 : i32
      %and3A_46 = arith.andi %add3A_44, %and3A_45 : i32
      %get3A_47 = arith.constant 16 : index
      %get3A_48 = tpu.vector_load %arg5[%get3A_47] {strides = array<i32>} : memref<1280xi32, #tpu.memory_space<vmem>>, vector<16xi32>,
      %get3A_49 = vector.shape_cast %get3A_48 : vector<16xi32> to vector<16xi32>
      %mul3A_50 = arith.constant 1000000 : i32
      %mul3A_51 = arith.muli %and3A_46, %mul3A_50 : i32
      %add3A_52 = vector.broadcast %mul3A_51 : i32 to vector<16xi32>
      %add3A_53 = arith.addi %get3A_49, %add3A_52 : vector<16xi32>
      %not3A_54 = arith.constant 127 : i32
      %not3A_55 = arith.constant -1 : i32
      %not3A_56 = arith.xori %not3A_54, %not3A_55 : i32
      %and3A_57 = vector.broadcast %not3A_56 : i32 to vector<16xi32>
      %and3A_58 = arith.andi %add3A_53, %and3A_57 : vector<16xi32>
      %and3A_59 = arith.constant 31 : i32
      %and3A_60 = vector.broadcast %and3A_59 : i32 to vector<16xi32>
      %and3A_61 = arith.andi %add3A_53, %and3A_60 : vector<16xi32>
      %shift_left3A_62 = arith.constant 2 : i32
      %shift_left3A_63 = vector.broadcast %shift_left3A_62 : i32 to vector<16xi32>
      %shift_left3A_64 = arith.shli %and3A_61, %shift_left3A_63 : vector<16xi32>
      %or3A_65 = arith.ori %and3A_58, %shift_left3A_64 : vector<16xi32>
      %shift_right_logical3A_66 = arith.constant 5 : i32
      %shift_right_logical3A_67 = vector.broadcast %shift_right_logical3A_66 : i32 to vector<16xi32>
      %shift_right_logical3A_68 = arith.shrui %add3A_53, %shift_right_logical3A_67 : vector<16xi32>
      %and3A_69 = arith.constant 3 : i32
      %and3A_70 = vector.broadcast %and3A_69 : i32 to vector<16xi32>
      %and3A_71 = arith.andi %shift_right_logical3A_68, %and3A_70 : vector<16xi32>
      %or3A_72 = arith.ori %or3A_65, %and3A_71 : vector<16xi32>
      %swap3A_73 = arith.constant 16 : index
      %swap3A_74 = tpu.vector_load %arg5[%swap3A_73] {strides = array<i32>} : memref<1280xi32, #tpu.memory_space<vmem>>, vector<16xi32>,
      %swap3A_75 = vector.shape_cast %swap3A_74 : vector<16xi32> to vector<16xi32>
      %swap3A_76 = vector.shape_cast %or3A_72 : vector<16xi32> to vector<16xi32>
      tpu.vector_store %arg5[%swap3A_73], %swap3A_76 {strides = array<i32>} : memref<1280xi32, #tpu.memory_space<vmem>>, vector<16xi32>,
      %shift_right_logical3A_77 = arith.constant 7 : i32
      %shift_right_logical3A_78 = arith.shrui %multiple_of3A, %shift_right_logical3A_77 : i32
      %add3A_79 = arith.constant 0 : i32
      %add3A_80 = arith.addi %shift_right_logical3A_78, %add3A_79 : i32
      %and3A_81 = arith.constant 1 : i32
      %and3A_82 = arith.andi %add3A_80, %and3A_81 : i32
      %get3A_83 = arith.constant 32 : index
      %get3A_84 = tpu.vector_load %arg5[%get3A_83] {strides = array<i32>} : memref<1280xi32, #tpu.memory_space<vmem>>, vector<16xi32>,
      %get3A_85 = vector.shape_cast %get3A_84 : vector<16xi32> to vector<16xi32>
      %mul3A_86 = arith.constant 1000000 : i32
      %mul3A_87 = arith.muli %and3A_82, %mul3A_86 : i32
      %add3A_88 = vector.broadcast %mul3A_87 : i32 to vector<16xi32>
      %add3A_89 = arith.addi %get3A_85, %add3A_88 : vector<16xi32>
      %not3A_90 = arith.constant 127 : i32
      %not3A_91 = arith.constant -1 : i32
      %not3A_92 = arith.xori %not3A_90, %not3A_91 : i32
      %and3A_93 = vector.broadcast %not3A_92 : i32 to vector<16xi32>
      %and3A_94 = arith.andi %add3A_89, %and3A_93 : vector<16xi32>
      %and3A_95 = arith.constant 31 : i32
      %and3A_96 = vector.broadcast %and3A_95 : i32 to vector<16xi32>
      %and3A_97 = arith.andi %add3A_89, %and3A_96 : vector<16xi32>
      %shift_left3A_98 = arith.constant 2 : i32
      %shift_left3A_99 = vector.broadcast %shift_left3A_98 : i32 to vector<16xi32>
      %shift_left3A_100 = arith.shli %and3A_97, %shift_left3A_99 : vector<16xi32>
      %or3A_101 = arith.ori %and3A_94, %shift_left3A_100 : vector<16xi32>
      %shift_right_logical3A_102 = arith.constant 5 : i32
      %shift_right_logical3A_103 = vector.broadcast %shift_right_logical3A_102 : i32 to vector<16xi32>
      %shift_right_logical3A_104 = arith.shrui %add3A_89, %shift_right_logical3A_103 : vector<16xi32>
      %and3A_105 = arith.constant 3 : i32
      %and3A_106 = vector.broadcast %and3A_105 : i32 to vector<16xi32>
      %and3A_107 = arith.andi %shift_right_logical3A_104, %and3A_106 : vector<16xi32>
      %or3A_108 = arith.ori %or3A_101, %and3A_107 : vector<16xi32>
      %swap3A_109 = arith.constant 32 : index
      %swap3A_110 = tpu.vector_load %arg5[%swap3A_109] {strides = array<i32>} : memref<1280xi32, #tpu.memory_space<vmem>>, vector<16xi32>,
      %swap3A_111 = vector.shape_cast %swap3A_110 : vector<16xi32> to vector<16xi32>
      %swap3A_112 = vector.shape_cast %or3A_108 : vector<16xi32> to vector<16xi32>
      tpu.vector_store %arg5[%swap3A_109], %swap3A_112 {strides = array<i32>} : memref<1280xi32, #tpu.memory_space<vmem>>, vector<16xi32>,
      %shift_right_logical3A_113 = arith.constant 7 : i32
      %shift_right_logical3A_114 = arith.shrui %multiple_of3A, %shift_right_logical3A_113 : i32
      %add3A_115 = arith.constant 0 : i32
      %add3A_116 = arith.addi %shift_right_logical3A_114, %add3A_115 : i32
      %and3A_117 = arith.constant 1 : i32
      %and3A_118 = arith.andi %add3A_116, %and3A_117 : i32
      %get3A_119 = arith.constant 48 : index
      %get3A_120 = tpu.vector_load %arg5[%get3A_119] {strides = array<i32>} : memref<1280xi32, #tpu.memory_space<vmem>>, vector<16xi32>,
      %get3A_121 = vector.shape_cast %get3A_120 : vector<16xi32> to vector<16xi32>
      %mul3A_122 = arith.constant 1000000 : i32
      %mul3A_123 = arith.muli %and3A_118, %mul3A_122 : i32
      %add3A_124 = vector.broadcast %mul3A_123 : i32 to vector<16xi32>
      %add3A_125 = arith.addi %get3A_121, %add3A_124 : vector<16xi32>
      %not3A_126 = arith.constant 127 : i32
      %not3A_127 = arith.constant -1 : i32
      %not3A_128 = arith.xori %not3A_126, %not3A_127 : i32
      %and3A_129 = vector.broadcast %not3A_128 : i32 to vector<16xi32>
      %and3A_130 = arith.andi %add3A_125, %and3A_129 : vector<16xi32>
      %and3A_131 = arith.constant 31 : i32
      %and3A_132 = vector.broadcast %and3A_131 : i32 to vector<16xi32>
      %and3A_133 = arith.andi %add3A_125, %and3A_132 : vector<16xi32>
      %shift_left3A_134 = arith.constant 2 : i32
      %shift_left3A_135 = vector.broadcast %shift_left3A_134 : i32 to vector<16xi32>
      %shift_left3A_136 = arith.shli %and3A_133, %shift_left3A_135 : vector<16xi32>
      %or3A_137 = arith.ori %and3A_130, %shift_left3A_136 : vector<16xi32>
      %shift_right_logical3A_138 = arith.constant 5 : i32
      %shift_right_logical3A_139 = vector.broadcast %shift_right_logical3A_138 : i32 to vector<16xi32>
      %shift_right_logical3A_140 = arith.shrui %add3A_125, %shift_right_logical3A_139 : vector<16xi32>
      %and3A_141 = arith.constant 3 : i32
      %and3A_142 = vector.broadcast %and3A_141 : i32 to vector<16xi32>
      %and3A_143 = arith.andi %shift_right_logical3A_140, %and3A_142 : vector<16xi32>
      %or3A_144 = arith.ori %or3A_137, %and3A_143 : vector<16xi32>
      %swap3A_145 = arith.constant 48 : index
      %swap3A_146 = tpu.vector_load %arg5[%swap3A_145] {strides = array<i32>} : memref<1280xi32, #tpu.memory_space<vmem>>, vector<16xi32>,
      %swap3A_147 = vector.shape_cast %swap3A_146 : vector<16xi32> to vector<16xi32>
      %swap3A_148 = vector.shape_cast %or3A_144 : vector<16xi32> to vector<16xi32>
      tpu.vector_store %arg5[%swap3A_145], %swap3A_148 {strides = array<i32>} : memref<1280xi32, #tpu.memory_space<vmem>>, vector<16xi32>,
      %shift_right_logical3A_149 = arith.constant 7 : i32
      %shift_right_logical3A_150 = arith.shrui %multiple_of3A, %shift_right_logical3A_149 : i32
      %add3A_151 = arith.constant 0 : i32
      %add3A_152 = arith.addi %shift_right_logical3A_150, %add3A_151 : i32
      %and3A_153 = arith.constant 1 : i32
      %and3A_154 = arith.andi %add3A_152, %and3A_153 : i32
      %get3A_155 = arith.constant 64 : index
      %get3A_156 = tpu.vector_load %arg5[%get3A_155] {strides = array<i32>} : memref<1280xi32, #tpu.memory_space<vmem>>, vector<16xi32>,
      %get3A_157 = vector.shape_cast %get3A_156 : vector<16xi32> to vector<16xi32>
      %mul3A_158 = arith.constant 1000000 : i32
      %mul3A_159 = arith.muli %and3A_154, %mul3A_158 : i32
      %add3A_160 = vector.broadcast %mul3A_159 : i32 to vector<16xi32>
      %add3A_161 = arith.addi %get3A_157, %add3A_160 : vector<16xi32>
      %not3A_162 = arith.constant 127 : i32
      %not3A_163 = arith.constant -1 : i32
      %not3A_164 = arith.xori %not3A_162, %not3A_163 : i32
      %and3A_165 = vector.broadcast %not3A_164 : i32 to vector<16xi32>
      %and3A_166 = arith.andi %add3A_161, %and3A_165 : vector<16xi32>
      %and3A_167 = arith.constant 31 : i32
      %and3A_168 = vector.broadcast %and3A_167 : i32 to vector<16xi32>
      %and3A_169 = arith.andi %add3A_161, %and3A_168 : vector<16xi32>
      %shift_left3A_170 = arith.constant 2 : i32
      %shift_left3A_171 = vector.broadcast %shift_left3A_170 : i32 to vector<16xi32>
      %shift_left3A_172 = arith.shli %and3A_169, %shift_left3A_171 : vector<16xi32>
      %or3A_173 = arith.ori %and3A_166, %shift_left3A_172 : vector<16xi32>
      %shift_right_logical3A_174 = arith.constant 5 : i32
      %shift_right_logical3A_175 = vector.broadcast %shift_right_logical3A_174 : i32 to vector<16xi32>
      %shift_right_logical3A_176 = arith.shrui %add3A_161, %shift_right_logical3A_175 : vector<16xi32>
      %and3A_177 = arith.constant 3 : i32
      %and3A_178 = vector.broadcast %and3A_177 : i32 to vector<16xi32>
      %and3A_179 = arith.andi %shift_right_logical3A_176, %and3A_178 : vector<16xi32>
      %or3A_180 = arith.ori %or3A_173, %and3A_179 : vector<16xi32>
      %swap3A_181 = arith.constant 64 : index
      %swap3A_182 = tpu.vector_load %arg5[%swap3A_181] {strides = array<i32>} : memref<1280xi32, #tpu.memory_space<vmem>>, vector<16xi32>,
      %swap3A_183 = vector.shape_cast %swap3A_182 : vector<16xi32> to vector<16xi32>
      %swap3A_184 = vector.shape_cast %or3A_180 : vector<16xi32> to vector<16xi32>
      tpu.vector_store %arg5[%swap3A_181], %swap3A_184 {strides = array<i32>} : memref<1280xi32, #tpu.memory_space<vmem>>, vector<16xi32>,
      %shift_right_logical3A_185 = arith.constant 7 : i32
      %shift_right_logical3A_186 = arith.shrui %multiple_of3A, %shift_right_logical3A_185 : i32
      %add3A_187 = arith.constant 0 : i32
      %add3A_188 = arith.addi %shift_right_logical3A_186, %add3A_187 : i32
      %and3A_189 = arith.constant 1 : i32
      %and3A_190 = arith.andi %add3A_188, %and3A_189 : i32
      %get3A_191 = arith.constant 80 : index
      %get3A_192 = tpu.vector_load %arg5[%get3A_191] {strides = array<i32>} : memref<1280xi32, #tpu.memory_space<vmem>>, vector<16xi32>,
      %get3A_193 = vector.shape_cast %get3A_192 : vector<16xi32> to vector<16xi32>
      %mul3A_194 = arith.constant 1000000 : i32
      %mul3A_195 = arith.muli %and3A_190, %mul3A_194 : i32
      %add3A_196 = vector.broadcast %mul3A_195 : i32 to vector<16xi32>
      %add3A_197 = arith.addi %get3A_193, %add3A_196 : vector<16xi32>
      %not3A_198 = arith.constant 127 : i32
      %not3A_199 = arith.constant -1 : i32
      %not3A_200 = arith.xori %not3A_198, %not3A_199 : i32
      %and3A_201 = vector.broadcast %not3A_200 : i32 to vector<16xi32>
      %and3A_202 = arith.andi %add3A_197, %and3A_201 : vector<16xi32>
      %and3A_203 = arith.constant 31 : i32
      %and3A_204 = vector.broadcast %and3A_203 : i32 to vector<16xi32>
      %and3A_205 = arith.andi %add3A_197, %and3A_204 : vector<16xi32>
      %shift_left3A_206 = arith.constant 2 : i32
      %shift_left3A_207 = vector.broadcast %shift_left3A_206 : i32 to vector<16xi32>
      %shift_left3A_208 = arith.shli %and3A_205, %shift_left3A_207 : vector<16xi32>
      %or3A_209 = arith.ori %and3A_202, %shift_left3A_208 : vector<16xi32>
      %shift_right_logical3A_210 = arith.constant 5 : i32
      %shift_right_logical3A_211 = vector.broadcast %shift_right_logical3A_210 : i32 to vector<16xi32>
      %shift_right_logical3A_212 = arith.shrui %add3A_197, %shift_right_logical3A_211 : vector<16xi32>
      %and3A_213 = arith.constant 3 : i32
      %and3A_214 = vector.broadcast %and3A_213 : i32 to vector<16xi32>
      %and3A_215 = arith.andi %shift_right_logical3A_212, %and3A_214 : vector<16xi32>
      %or3A_216 = arith.ori %or3A_209, %and3A_215 : vector<16xi32>
      %swap3A_217 = arith.constant 80 : index
      %swap3A_218 = tpu.vector_load %arg5[%swap3A_217] {strides = array<i32>} : memref<1280xi32, #tpu.memory_space<vmem>>, vector<16xi32>,
      %swap3A_219 = vector.shape_cast %swap3A_218 : vector<16xi32> to vector<16xi32>
      %swap3A_220 = vector.shape_cast %or3A_216 : vector<16xi32> to vector<16xi32>
      tpu.vector_store %arg5[%swap3A_217], %swap3A_220 {strides = array<i32>} : memref<1280xi32, #tpu.memory_space<vmem>>, vector<16xi32>,
      %shift_right_logical3A_221 = arith.constant 7 : i32
      %shift_right_logical3A_222 = arith.shrui %multiple_of3A, %shift_right_logical3A_221 : i32
      %add3A_223 = arith.constant 0 : i32
      %add3A_224 = arith.addi %shift_right_logical3A_222, %add3A_223 : i32
      %and3A_225 = arith.constant 1 : i32
      %and3A_226 = arith.andi %add3A_224, %and3A_225 : i32
      %get3A_227 = arith.constant 96 : index
      %get3A_228 = tpu.vector_load %arg5[%get3A_227] {strides = array<i32>} : memref<1280xi32, #tpu.memory_space<vmem>>, vector<16xi32>,
      %get3A_229 = vector.shape_cast %get3A_228 : vector<16xi32> to vector<16xi32>
      %mul3A_230 = arith.constant 1000000 : i32
      %mul3A_231 = arith.muli %and3A_226, %mul3A_230 : i32
      %add3A_232 = vector.broadcast %mul3A_231 : i32 to vector<16xi32>
      %add3A_233 = arith.addi %get3A_229, %add3A_232 : vector<16xi32>
      %not3A_234 = arith.constant 127 : i32
      %not3A_235 = arith.constant -1 : i32
      %not3A_236 = arith.xori %not3A_234, %not3A_235 : i32
      %and3A_237 = vector.broadcast %not3A_236 : i32 to vector<16xi32>
      %and3A_238 = arith.andi %add3A_233, %and3A_237 : vector<16xi32>
      %and3A_239 = arith.constant 31 : i32
      %and3A_240 = vector.broadcast %and3A_239 : i32 to vector<16xi32>
      %and3A_241 = arith.andi %add3A_233, %and3A_240 : vector<16xi32>
      %shift_left3A_242 = arith.constant 2 : i32
      %shift_left3A_243 = vector.broadcast %shift_left3A_242 : i32 to vector<16xi32>
      %shift_left3A_244 = arith.shli %and3A_241, %shift_left3A_243 : vector<16xi32>
      %or3A_245 = arith.ori %and3A_238, %shift_left3A_244 : vector<16xi32>
      %shift_right_logical3A_246 = arith.constant 5 : i32
      %shift_right_logical3A_247 = vector.broadcast %shift_right_logical3A_246 : i32 to vector<16xi32>
      %shift_right_logical3A_248 = arith.shrui %add3A_233, %shift_right_logical3A_247 : vector<16xi32>
      %and3A_249 = arith.constant 3 : i32
      %and3A_250 = vector.broadcast %and3A_249 : i32 to vector<16xi32>
      %and3A_251 = arith.andi %shift_right_logical3A_248, %and3A_250 : vector<16xi32>
      %or3A_252 = arith.ori %or3A_245, %and3A_251 : vector<16xi32>
      %swap3A_253 = arith.constant 96 : index
      %swap3A_254 = tpu.vector_load %arg5[%swap3A_253] {strides = array<i32>} : memref<1280xi32, #tpu.memory_space<vmem>>, vector<16xi32>,
      %swap3A_255 = vector.shape_cast %swap3A_254 : vector<16xi32> to vector<16xi32>
      %swap3A_256 = vector.shape_cast %or3A_252 : vector<16xi32> to vector<16xi32>
      tpu.vector_store %arg5[%swap3A_253], %swap3A_256 {strides = array<i32>} : memref<1280xi32, #tpu.memory_space<vmem>>, vector<16xi32>,
      %shift_right_logical3A_257 = arith.constant 7 : i32
      %shift_right_logical3A_258 = arith.shrui %multiple_of3A, %shift_right_logical3A_257 : i32
      %add3A_259 = arith.constant 0 : i32
      %add3A_260 = arith.addi %shift_right_logical3A_258, %add3A_259 : i32
      %and3A_261 = arith.constant 1 : i32
      %and3A_262 = arith.andi %add3A_260, %and3A_261 : i32
      %get3A_263 = arith.constant 112 : index
      %get3A_264 = tpu.vector_load %arg5[%get3A_263] {strides = array<i32>} : memref<1280xi32, #tpu.memory_space<vmem>>, vector<16xi32>,
      %get3A_265 = vector.shape_cast %get3A_264 : vector<16xi32> to vector<16xi32>
      %mul3A_266 = arith.constant 1000000 : i32
      %mul3A_267 = arith.muli %and3A_262, %mul3A_266 : i32
      %add3A_268 = vector.broadcast %mul3A_267 : i32 to vector<16xi32>
      %add3A_269 = arith.addi %get3A_265, %add3A_268 : vector<16xi32>
      %not3A_270 = arith.constant 127 : i32
      %not3A_271 = arith.constant -1 : i32
      %not3A_272 = arith.xori %not3A_270, %not3A_271 : i32
      %and3A_273 = vector.broadcast %not3A_272 : i32 to vector<16xi32>
      %and3A_274 = arith.andi %add3A_269, %and3A_273 : vector<16xi32>
      %and3A_275 = arith.constant 31 : i32
      %and3A_276 = vector.broadcast %and3A_275 : i32 to vector<16xi32>
      %and3A_277 = arith.andi %add3A_269, %and3A_276 : vector<16xi32>
      %shift_left3A_278 = arith.constant 2 : i32
      %shift_left3A_279 = vector.broadcast %shift_left3A_278 : i32 to vector<16xi32>
      %shift_left3A_280 = arith.shli %and3A_277, %shift_left3A_279 : vector<16xi32>
      %or3A_281 = arith.ori %and3A_274, %shift_left3A_280 : vector<16xi32>
      %shift_right_logical3A_282 = arith.constant 5 : i32
      %shift_right_logical3A_283 = vector.broadcast %shift_right_logical3A_282 : i32 to vector<16xi32>
      %shift_right_logical3A_284 = arith.shrui %add3A_269, %shift_right_logical3A_283 : vector<16xi32>
      %and3A_285 = arith.constant 3 : i32
      %and3A_286 = vector.broadcast %and3A_285 : i32 to vector<16xi32>
      %and3A_287 = arith.andi %shift_right_logical3A_284, %and3A_286 : vector<16xi32>
      %or3A_288 = arith.ori %or3A_281, %and3A_287 : vector<16xi32>
      %swap3A_289 = arith.constant 112 : index
      %swap3A_290 = tpu.vector_load %arg5[%swap3A_289] {strides = array<i32>} : memref<1280xi32, #tpu.memory_space<vmem>>, vector<16xi32>,
      %swap3A_291 = vector.shape_cast %swap3A_290 : vector<16xi32> to vector<16xi32>
      %swap3A_292 = vector.shape_cast %or3A_288 : vector<16xi32> to vector<16xi32>
      tpu.vector_store %arg5[%swap3A_289], %swap3A_292 {strides = array<i32>} : memref<1280xi32, #tpu.memory_space<vmem>>, vector<16xi32>,
      %shift_right_logical3A_293 = arith.constant 7 : i32
      %shift_right_logical3A_294 = arith.shrui %multiple_of3A, %shift_right_logical3A_293 : i32
      %add3A_295 = arith.constant 1 : i32
      %add3A_296 = arith.addi %shift_right_logical3A_294, %add3A_295 : i32
      %and3A_297 = arith.constant 1 : i32
      %and3A_298 = arith.andi %add3A_296, %and3A_297 : i32
      %get3A_299 = arith.constant 128 : index
      %get3A_300 = tpu.vector_load %arg5[%get3A_299] {strides = array<i32>} : memref<1280xi32, #tpu.memory_space<vmem>>, vector<16xi32>,
      %get3A_301 = vector.shape_cast %get3A_300 : vector<16xi32> to vector<16xi32>
      %mul3A_302 = arith.constant 1000000 : i32
      %mul3A_303 = arith.muli %and3A_298, %mul3A_302 : i32
      %add3A_304 = vector.broadcast %mul3A_303 : i32 to vector<16xi32>
      %add3A_305 = arith.addi %get3A_301, %add3A_304 : vector<16xi32>
      %not3A_306 = arith.constant 127 : i32
      %not3A_307 = arith.constant -1 : i32
      %not3A_308 = arith.xori %not3A_306, %not3A_307 : i32
      %and3A_309 = vector.broadcast %not3A_308 : i32 to vector<16xi32>
      %and3A_310 = arith.andi %add3A_305, %and3A_309 : vector<16xi32>
      %and3A_311 = arith.constant 31 : i32
      %and3A_312 = vector.broadcast %and3A_311 : i32 to vector<16xi32>
      %and3A_313 = arith.andi %add3A_305, %and3A_312 : vector<16xi32>
      %shift_left3A_314 = arith.constant 2 : i32
      %shift_left3A_315 = vector.broadcast %shift_left3A_314 : i32 to vector<16xi32>
      %shift_left3A_316 = arith.shli %and3A_313, %shift_left3A_315 : vector<16xi32>
      %or3A_317 = arith.ori %and3A_310, %shift_left3A_316 : vector<16xi32>
      %shift_right_logical3A_318 = arith.constant 5 : i32
      %shift_right_logical3A_319 = vector.broadcast %shift_right_logical3A_318 : i32 to vector<16xi32>
      %shift_right_logical3A_320 = arith.shrui %add3A_305, %shift_right_logical3A_319 : vector<16xi32>
      %and3A_321 = arith.constant 3 : i32
      %and3A_322 = vector.broadcast %and3A_321 : i32 to vector<16xi32>
      %and3A_323 = arith.andi %shift_right_logical3A_320, %and3A_322 : vector<16xi32>
      %or3A_324 = arith.ori %or3A_317, %and3A_323 : vector<16xi32>
      %swap3A_325 = arith.constant 128 : index
      %swap3A_326 = tpu.vector_load %arg5[%swap3A_325] {strides = array<i32>} : memref<1280xi32, #tpu.memory_space<vmem>>, vector<16xi32>,
      %swap3A_327 = vector.shape_cast %swap3A_326 : vector<16xi32> to vector<16xi32>
      %swap3A_328 = vector.shape_cast %or3A_324 : vector<16xi32> to vector<16xi32>
      tpu.vector_store %arg5[%swap3A_325], %swap3A_328 {strides = array<i32>} : memref<1280xi32, #tpu.memory_space<vmem>>, vector<16xi32>,
      %shift_right_logical3A_329 = arith.constant 7 : i32
      %shift_right_logical3A_330 = arith.shrui %multiple_of3A, %shift_right_logical3A_329 : i32
      %add3A_331 = arith.constant 1 : i32
      %add3A_332 = arith.addi %shift_right_logical3A_330, %add3A_331 : i32
      %and3A_333 = arith.constant 1 : i32
      %and3A_334 = arith.andi %add3A_332, %and3A_333 : i32
      %get3A_335 = arith.constant 144 : index
      %get3A_336 = tpu.vector_load %arg5[%get3A_335] {strides = array<i32>} : memref<1280xi32, #tpu.memory_space<vmem>>, vector<16xi32>,
      %get3A_337 = vector.shape_cast %get3A_336 : vector<16xi32> to vector<16xi32>
      %mul3A_338 = arith.constant 1000000 : i32
      %mul3A_339 = arith.muli %and3A_334, %mul3A_338 : i32
      %add3A_340 = vector.broadcast %mul3A_339 : i32 to vector<16xi32>
      %add3A_341 = arith.addi %get3A_337, %add3A_340 : vector<16xi32>
      %not3A_342 = arith.constant 127 : i32
      %not3A_343 = arith.constant -1 : i32
      %not3A_344 = arith.xori %not3A_342, %not3A_343 : i32
      %and3A_345 = vector.broadcast %not3A_344 : i32 to vector<16xi32>
      %and3A_346 = arith.andi %add3A_341, %and3A_345 : vector<16xi32>
      %and3A_347 = arith.constant 31 : i32
      %and3A_348 = vector.broadcast %and3A_347 : i32 to vector<16xi32>
      %and3A_349 = arith.andi %add3A_341, %and3A_348 : vector<16xi32>
      %shift_left3A_350 = arith.constant 2 : i32
      %shift_left3A_351 = vector.broadcast %shift_left3A_350 : i32 to vector<16xi32>
      %shift_left3A_352 = arith.shli %and3A_349, %shift_left3A_351 : vector<16xi32>
      %or3A_353 = arith.ori %and3A_346, %shift_left3A_352 : vector<16xi32>
      %shift_right_logical3A_354 = arith.constant 5 : i32
      %shift_right_logical3A_355 = vector.broadcast %shift_right_logical3A_354 : i32 to vector<16xi32>
      %shift_right_logical3A_356 = arith.shrui %add3A_341, %shift_right_logical3A_355 : vector<16xi32>
      %and3A_357 = arith.constant 3 : i32
      %and3A_358 = vector.broadcast %and3A_357 : i32 to vector<16xi32>
      %and3A_359 = arith.andi %shift_right_logical3A_356, %and3A_358 : vector<16xi32>
      %or3A_360 = arith.ori %or3A_353, %and3A_359 : vector<16xi32>
      %swap3A_361 = arith.constant 144 : index
      %swap3A_362 = tpu.vector_load %arg5[%swap3A_361] {strides = array<i32>} : memref<1280xi32, #tpu.memory_space<vmem>>, vector<16xi32>,
      %swap3A_363 = vector.shape_cast %swap3A_362 : vector<16xi32> to vector<16xi32>
      %swap3A_364 = vector.shape_cast %or3A_360 : vector<16xi32> to vector<16xi32>
      tpu.vector_store %arg5[%swap3A_361], %swap3A_364 {strides = array<i32>} : memref<1280xi32, #tpu.memory_space<vmem>>, vector<16xi32>,
      %shift_right_logical3A_365 = arith.constant 7 : i32
      %shift_right_logical3A_366 = arith.shrui %multiple_of3A, %shift_right_logical3A_365 : i32
      %add3A_367 = arith.constant 1 : i32
      %add3A_368 = arith.addi %shift_right_logical3A_366, %add3A_367 : i32
      %and3A_369 = arith.constant 1 : i32
      %and3A_370 = arith.andi %add3A_368, %and3A_369 : i32
      %get3A_371 = arith.constant 160 : index
      %get3A_372 = tpu.vector_load %arg5[%get3A_371] {strides = array<i32>} : memref<1280xi32, #tpu.memory_space<vmem>>, vector<16xi32>,
      %get3A_373 = vector.shape_cast %get3A_372 : vector<16xi32> to vector<16xi32>
      %mul3A_374 = arith.constant 1000000 : i32
      %mul3A_375 = arith.muli %and3A_370, %mul3A_374 : i32
      %add3A_376 = vector.broadcast %mul3A_375 : i32 to vector<16xi32>
      %add3A_377 = arith.addi %get3A_373, %add3A_376 : vector<16xi32>
      %not3A_378 = arith.constant 127 : i32
      %not3A_379 = arith.constant -1 : i32
      %not3A_380 = arith.xori %not3A_378, %not3A_379 : i32
      %and3A_381 = vector.broadcast %not3A_380 : i32 to vector<16xi32>
      %and3A_382 = arith.andi %add3A_377, %and3A_381 : vector<16xi32>
      %and3A_383 = arith.constant 31 : i32
      %and3A_384 = vector.broadcast %and3A_383 : i32 to vector<16xi32>
      %and3A_385 = arith.andi %add3A_377, %and3A_384 : vector<16xi32>
      %shift_left3A_386 = arith.constant 2 : i32
      %shift_left3A_387 = vector.broadcast %shift_left3A_386 : i32 to vector<16xi32>
      %shift_left3A_388 = arith.shli %and3A_385, %shift_left3A_387 : vector<16xi32>
      %or3A_389 = arith.ori %and3A_382, %shift_left3A_388 : vector<16xi32>
      %shift_right_logical3A_390 = arith.constant 5 : i32
      %shift_right_logical3A_391 = vector.broadcast %shift_right_logical3A_390 : i32 to vector<16xi32>
      %shift_right_logical3A_392 = arith.shrui %add3A_377, %shift_right_logical3A_391 : vector<16xi32>
      %and3A_393 = arith.constant 3 : i32
      %and3A_394 = vector.broadcast %and3A_393 : i32 to vector<16xi32>
      %and3A_395 = arith.andi %shift_right_logical3A_392, %and3A_394 : vector<16xi32>
      %or3A_396 = arith.ori %or3A_389, %and3A_395 : vector<16xi32>
      %swap3A_397 = arith.constant 160 : index
      %swap3A_398 = tpu.vector_load %arg5[%swap3A_397] {strides = array<i32>} : memref<1280xi32, #tpu.memory_space<vmem>>, vector<16xi32>,
      %swap3A_399 = vector.shape_cast %swap3A_398 : vector<16xi32> to vector<16xi32>
      %swap3A_400 = vector.shape_cast %or3A_396 : vector<16xi32> to vector<16xi32>
      tpu.vector_store %arg5[%swap3A_397], %swap3A_400 {strides = array<i32>} : memref<1280xi32, #tpu.memory_space<vmem>>, vector<16xi32>,
      %shift_right_logical3A_401 = arith.constant 7 : i32
      %shift_right_logical3A_402 = arith.shrui %multiple_of3A, %shift_right_logical3A_401 : i32
      %add3A_403 = arith.constant 1 : i32
      %add3A_404 = arith.addi %shift_right_logical3A_402, %add3A_403 : i32
      %and3A_405 = arith.constant 1 : i32
      %and3A_406 = arith.andi %add3A_404, %and3A_405 : i32
      %get3A_407 = arith.constant 176 : index
      %get3A_408 = tpu.vector_load %arg5[%get3A_407] {strides = array<i32>} : memref<1280xi32, #tpu.memory_space<vmem>>, vector<16xi32>,
      %get3A_409 = vector.shape_cast %get3A_408 : vector<16xi32> to vector<16xi32>
      %mul3A_410 = arith.constant 1000000 : i32
      %mul3A_411 = arith.muli %and3A_406, %mul3A_410 : i32
      %add3A_412 = vector.broadcast %mul3A_411 : i32 to vector<16xi32>
      %add3A_413 = arith.addi %get3A_409, %add3A_412 : vector<16xi32>
      %not3A_414 = arith.constant 127 : i32
      %not3A_415 = arith.constant -1 : i32
      %not3A_416 = arith.xori %not3A_414, %not3A_415 : i32
      %and3A_417 = vector.broadcast %not3A_416 : i32 to vector<16xi32>
      %and3A_418 = arith.andi %add3A_413, %and3A_417 : vector<16xi32>
      %and3A_419 = arith.constant 31 : i32
      %and3A_420 = vector.broadcast %and3A_419 : i32 to vector<16xi32>
      %and3A_421 = arith.andi %add3A_413, %and3A_420 : vector<16xi32>
      %shift_left3A_422 = arith.constant 2 : i32
      %shift_left3A_423 = vector.broadcast %shift_left3A_422 : i32 to vector<16xi32>
      %shift_left3A_424 = arith.shli %and3A_421, %shift_left3A_423 : vector<16xi32>
      %or3A_425 = arith.ori %and3A_418, %shift_left3A_424 : vector<16xi32>
      %shift_right_logical3A_426 = arith.constant 5 : i32
      %shift_right_logical3A_427 = vector.broadcast %shift_right_logical3A_426 : i32 to vector<16xi32>
      %shift_right_logical3A_428 = arith.shrui %add3A_413, %shift_right_logical3A_427 : vector<16xi32>
      %and3A_429 = arith.constant 3 : i32
      %and3A_430 = vector.broadcast %and3A_429 : i32 to vector<16xi32>
      %and3A_431 = arith.andi %shift_right_logical3A_428, %and3A_430 : vector<16xi32>
      %or3A_432 = arith.ori %or3A_425, %and3A_431 : vector<16xi32>
      %swap3A_433 = arith.constant 176 : index
      %swap3A_434 = tpu.vector_load %arg5[%swap3A_433] {strides = array<i32>} : memref<1280xi32, #tpu.memory_space<vmem>>, vector<16xi32>,
      %swap3A_435 = vector.shape_cast %swap3A_434 : vector<16xi32> to vector<16xi32>
      %swap3A_436 = vector.shape_cast %or3A_432 : vector<16xi32> to vector<16xi32>
      tpu.vector_store %arg5[%swap3A_433], %swap3A_436 {strides = array<i32>} : memref<1280xi32, #tpu.memory_space<vmem>>, vector<16xi32>,
      %shift_right_logical3A_437 = arith.constant 7 : i32
      %shift_right_logical3A_438 = arith.shrui %multiple_of3A, %shift_right_logical3A_437 : i32
      %add3A_439 = arith.constant 1 : i32
      %add3A_440 = arith.addi %shift_right_logical3A_438, %add3A_439 : i32
      %and3A_441 = arith.constant 1 : i32
      %and3A_442 = arith.andi %add3A_440, %and3A_441 : i32
      %get3A_443 = arith.constant 192 : index
      %get3A_444 = tpu.vector_load %arg5[%get3A_443] {strides = array<i32>} : memref<1280xi32, #tpu.memory_space<vmem>>, vector<16xi32>,
      %get3A_445 = vector.shape_cast %get3A_444 : vector<16xi32> to vector<16xi32>
      %mul3A_446 = arith.constant 1000000 : i32
      %mul3A_447 = arith.muli %and3A_442, %mul3A_446 : i32
      %add3A_448 = vector.broadcast %mul3A_447 : i32 to vector<16xi32>
      %add3A_449 = arith.addi %get3A_445, %add3A_448 : vector<16xi32>
      %not3A_450 = arith.constant 127 : i32
      %not3A_451 = arith.constant -1 : i32
      %not3A_452 = arith.xori %not3A_450, %not3A_451 : i32
      %and3A_453 = vector.broadcast %not3A_452 : i32 to vector<16xi32>
      %and3A_454 = arith.andi %add3A_449, %and3A_453 : vector<16xi32>
      %and3A_455 = arith.constant 31 : i32
      %and3A_456 = vector.broadcast %and3A_455 : i32 to vector<16xi32>
      %and3A_457 = arith.andi %add3A_449, %and3A_456 : vector<16xi32>
      %shift_left3A_458 = arith.constant 2 : i32
      %shift_left3A_459 = vector.broadcast %shift_left3A_458 : i32 to vector<16xi32>
      %shift_left3A_460 = arith.shli %and3A_457, %shift_left3A_459 : vector<16xi32>
      %or3A_461 = arith.ori %and3A_454, %shift_left3A_460 : vector<16xi32>
      %shift_right_logical3A_462 = arith.constant 5 : i32
      %shift_right_logical3A_463 = vector.broadcast %shift_right_logical3A_462 : i32 to vector<16xi32>
      %shift_right_logical3A_464 = arith.shrui %add3A_449, %shift_right_logical3A_463 : vector<16xi32>
      %and3A_465 = arith.constant 3 : i32
      %and3A_466 = vector.broadcast %and3A_465 : i32 to vector<16xi32>
      %and3A_467 = arith.andi %shift_right_logical3A_464, %and3A_466 : vector<16xi32>
      %or3A_468 = arith.ori %or3A_461, %and3A_467 : vector<16xi32>
      %swap3A_469 = arith.constant 192 : index
      %swap3A_470 = tpu.vector_load %arg5[%swap3A_469] {strides = array<i32>} : memref<1280xi32, #tpu.memory_space<vmem>>, vector<16xi32>,
      %swap3A_471 = vector.shape_cast %swap3A_470 : vector<16xi32> to vector<16xi32>
      %swap3A_472 = vector.shape_cast %or3A_468 : vector<16xi32> to vector<16xi32>
      tpu.vector_store %arg5[%swap3A_469], %swap3A_472 {strides = array<i32>} : memref<1280xi32, #tpu.memory_space<vmem>>, vector<16xi32>,
      %shift_right_logical3A_473 = arith.constant 7 : i32
      %shift_right_logical3A_474 = arith.shrui %multiple_of3A, %shift_right_logical3A_473 : i32
      %add3A_475 = arith.constant 1 : i32
      %add3A_476 = arith.addi %shift_right_logical3A_474, %add3A_475 : i32
      %and3A_477 = arith.constant 1 : i32
      %and3A_478 = arith.andi %add3A_476, %and3A_477 : i32
      %get3A_479 = arith.constant 208 : index
      %get3A_480 = tpu.vector_load %arg5[%get3A_479] {strides = array<i32>} : memref<1280xi32, #tpu.memory_space<vmem>>, vector<16xi32>,
      %get3A_481 = vector.shape_cast %get3A_480 : vector<16xi32> to vector<16xi32>
      %mul3A_482 = arith.constant 1000000 : i32
      %mul3A_483 = arith.muli %and3A_478, %mul3A_482 : i32
      %add3A_484 = vector.broadcast %mul3A_483 : i32 to vector<16xi32>
      %add3A_485 = arith.addi %get3A_481, %add3A_484 : vector<16xi32>
      %not3A_486 = arith.constant 127 : i32
      %not3A_487 = arith.constant -1 : i32
      %not3A_488 = arith.xori %not3A_486, %not3A_487 : i32
      %and3A_489 = vector.broadcast %not3A_488 : i32 to vector<16xi32>
      %and3A_490 = arith.andi %add3A_485, %and3A_489 : vector<16xi32>
      %and3A_491 = arith.constant 31 : i32
      %and3A_492 = vector.broadcast %and3A_491 : i32 to vector<16xi32>
      %and3A_493 = arith.andi %add3A_485, %and3A_492 : vector<16xi32>
      %shift_left3A_494 = arith.constant 2 : i32
      %shift_left3A_495 = vector.broadcast %shift_left3A_494 : i32 to vector<16xi32>
      %shift_left3A_496 = arith.shli %and3A_493, %shift_left3A_495 : vector<16xi32>
      %or3A_497 = arith.ori %and3A_490, %shift_left3A_496 : vector<16xi32>
      %shift_right_logical3A_498 = arith.constant 5 : i32
      %shift_right_logical3A_499 = vector.broadcast %shift_right_logical3A_498 : i32 to vector<16xi32>
      %shift_right_logical3A_500 = arith.shrui %add3A_485, %shift_right_logical3A_499 : vector<16xi32>
      %and3A_501 = arith.constant 3 : i32
      %and3A_502 = vector.broadcast %and3A_501 : i32 to vector<16xi32>
      %and3A_503 = arith.andi %shift_right_logical3A_500, %and3A_502 : vector<16xi32>
      %or3A_504 = arith.ori %or3A_497, %and3A_503 : vector<16xi32>
      %swap3A_505 = arith.constant 208 : index
      %swap3A_506 = tpu.vector_load %arg5[%swap3A_505] {strides = array<i32>} : memref<1280xi32, #tpu.memory_space<vmem>>, vector<16xi32>,
      %swap3A_507 = vector.shape_cast %swap3A_506 : vector<16xi32> to vector<16xi32>
      %swap3A_508 = vector.shape_cast %or3A_504 : vector<16xi32> to vector<16xi32>
      tpu.vector_store %arg5[%swap3A_505], %swap3A_508 {strides = array<i32>} : memref<1280xi32, #tpu.memory_space<vmem>>, vector<16xi32>,
      %shift_right_logical3A_509 = arith.constant 7 : i32
      %shift_right_logical3A_510 = arith.shrui %multiple_of3A, %shift_right_logical3A_509 : i32
      %add3A_511 = arith.constant 1 : i32
      %add3A_512 = arith.addi %shift_right_logical3A_510, %add3A_511 : i32
      %and3A_513 = arith.constant 1 : i32
      %and3A_514 = arith.andi %add3A_512, %and3A_513 : i32
      %get3A_515 = arith.constant 224 : index
      %get3A_516 = tpu.vector_load %arg5[%get3A_515] {strides = array<i32>} : memref<1280xi32, #tpu.memory_space<vmem>>, vector<16xi32>,
      %get3A_517 = vector.shape_cast %get3A_516 : vector<16xi32> to vector<16xi32>
      %mul3A_518 = arith.constant 1000000 : i32
      %mul3A_519 = arith.muli %and3A_514, %mul3A_518 : i32
      %add3A_520 = vector.broadcast %mul3A_519 : i32 to vector<16xi32>
      %add3A_521 = arith.addi %get3A_517, %add3A_520 : vector<16xi32>
      %not3A_522 = arith.constant 127 : i32
      %not3A_523 = arith.constant -1 : i32
      %not3A_524 = arith.xori %not3A_522, %not3A_523 : i32
      %and3A_525 = vector.broadcast %not3A_524 : i32 to vector<16xi32>
      %and3A_526 = arith.andi %add3A_521, %and3A_525 : vector<16xi32>
      %and3A_527 = arith.constant 31 : i32
      %and3A_528 = vector.broadcast %and3A_527 : i32 to vector<16xi32>
      %and3A_529 = arith.andi %add3A_521, %and3A_528 : vector<16xi32>
      %shift_left3A_530 = arith.constant 2 : i32
      %shift_left3A_531 = vector.broadcast %shift_left3A_530 : i32 to vector<16xi32>
      %shift_left3A_532 = arith.shli %and3A_529, %shift_left3A_531 : vector<16xi32>
      %or3A_533 = arith.ori %and3A_526, %shift_left3A_532 : vector<16xi32>
      %shift_right_logical3A_534 = arith.constant 5 : i32
      %shift_right_logical3A_535 = vector.broadcast %shift_right_logical3A_534 : i32 to vector<16xi32>
      %shift_right_logical3A_536 = arith.shrui %add3A_521, %shift_right_logical3A_535 : vector<16xi32>
      %and3A_537 = arith.constant 3 : i32
      %and3A_538 = vector.broadcast %and3A_537 : i32 to vector<16xi32>
      %and3A_539 = arith.andi %shift_right_logical3A_536, %and3A_538 : vector<16xi32>
      %or3A_540 = arith.ori %or3A_533, %and3A_539 : vector<16xi32>
      %swap3A_541 = arith.constant 224 : index
      %swap3A_542 = tpu.vector_load %arg5[%swap3A_541] {strides = array<i32>} : memref<1280xi32, #tpu.memory_space<vmem>>, vector<16xi32>,
      %swap3A_543 = vector.shape_cast %swap3A_542 : vector<16xi32> to vector<16xi32>
      %swap3A_544 = vector.shape_cast %or3A_540 : vector<16xi32> to vector<16xi32>
      tpu.vector_store %arg5[%swap3A_541], %swap3A_544 {strides = array<i32>} : memref<1280xi32, #tpu.memory_space<vmem>>, vector<16xi32>,
      %shift_right_logical3A_545 = arith.constant 7 : i32
      %shift_right_logical3A_546 = arith.shrui %multiple_of3A, %shift_right_logical3A_545 : i32
      %add3A_547 = arith.constant 1 : i32
      %add3A_548 = arith.addi %shift_right_logical3A_546, %add3A_547 : i32
      %and3A_549 = arith.constant 1 : i32
      %and3A_550 = arith.andi %add3A_548, %and3A_549 : i32
      %get3A_551 = arith.constant 240 : index
      %get3A_552 = tpu.vector_load %arg5[%get3A_551] {strides = array<i32>} : memref<1280xi32, #tpu.memory_space<vmem>>, vector<16xi32>,
      %get3A_553 = vector.shape_cast %get3A_552 : vector<16xi32> to vector<16xi32>
      %mul3A_554 = arith.constant 1000000 : i32
      %mul3A_555 = arith.muli %and3A_550, %mul3A_554 : i32
      %add3A_556 = vector.broadcast %mul3A_555 : i32 to vector<16xi32>
      %add3A_557 = arith.addi %get3A_553, %add3A_556 : vector<16xi32>
      %not3A_558 = arith.constant 127 : i32
      %not3A_559 = arith.constant -1 : i32
      %not3A_560 = arith.xori %not3A_558, %not3A_559 : i32
      %and3A_561 = vector.broadcast %not3A_560 : i32 to vector<16xi32>
      %and3A_562 = arith.andi %add3A_557, %and3A_561 : vector<16xi32>
      %and3A_563 = arith.constant 31 : i32
      %and3A_564 = vector.broadcast %and3A_563 : i32 to vector<16xi32>
      %and3A_565 = arith.andi %add3A_557, %and3A_564 : vector<16xi32>
      %shift_left3A_566 = arith.constant 2 : i32
      %shift_left3A_567 = vector.broadcast %shift_left3A_566 : i32 to vector<16xi32>
      %shift_left3A_568 = arith.shli %and3A_565, %shift_left3A_567 : vector<16xi32>
      %or3A_569 = arith.ori %and3A_562, %shift_left3A_568 : vector<16xi32>
      %shift_right_logical3A_570 = arith.constant 5 : i32
      %shift_right_logical3A_571 = vector.broadcast %shift_right_logical3A_570 : i32 to vector<16xi32>
      %shift_right_logical3A_572 = arith.shrui %add3A_557, %shift_right_logical3A_571 : vector<16xi32>
      %and3A_573 = arith.constant 3 : i32
      %and3A_574 = vector.broadcast %and3A_573 : i32 to vector<16xi32>
      %and3A_575 = arith.andi %shift_right_logical3A_572, %and3A_574 : vector<16xi32>
      %or3A_576 = arith.ori %or3A_569, %and3A_575 : vector<16xi32>
      %swap3A_577 = arith.constant 240 : index
      %swap3A_578 = tpu.vector_load %arg5[%swap3A_577] {strides = array<i32>} : memref<1280xi32, #tpu.memory_space<vmem>>, vector<16xi32>,
      %swap3A_579 = vector.shape_cast %swap3A_578 : vector<16xi32> to vector<16xi32>
      %swap3A_580 = vector.shape_cast %or3A_576 : vector<16xi32> to vector<16xi32>
      tpu.vector_store %arg5[%swap3A_577], %swap3A_580 {strides = array<i32>} : memref<1280xi32, #tpu.memory_space<vmem>>, vector<16xi32>,
      %shift_right_logical3A_581 = arith.constant 7 : i32
      %shift_right_logical3A_582 = arith.shrui %multiple_of3A, %shift_right_logical3A_581 : i32
      %add3A_583 = arith.constant 2 : i32
      %add3A_584 = arith.addi %shift_right_logical3A_582, %add3A_583 : i32
      %and3A_585 = arith.constant 1 : i32
      %and3A_586 = arith.andi %add3A_584, %and3A_585 : i32
      %get3A_587 = arith.constant 256 : index
      %get3A_588 = tpu.vector_load %arg5[%get3A_587] {strides = array<i32>} : memref<1280xi32, #tpu.memory_space<vmem>>, vector<16xi32>,
      %get3A_589 = vector.shape_cast %get3A_588 : vector<16xi32> to vector<16xi32>
      %mul3A_590 = arith.constant 1000000 : i32
      %mul3A_591 = arith.muli %and3A_586, %mul3A_590 : i32
      %add3A_592 = vector.broadcast %mul3A_591 : i32 to vector<16xi32>
      %add3A_593 = arith.addi %get3A_589, %add3A_592 : vector<16xi32>
      %not3A_594 = arith.constant 127 : i32
      %not3A_595 = arith.constant -1 : i32
      %not3A_596 = arith.xori %not3A_594, %not3A_595 : i32
      %and3A_597 = vector.broadcast %not3A_596 : i32 to vector<16xi32>
      %and3A_598 = arith.andi %add3A_593, %and3A_597 : vector<16xi32>
      %and3A_599 = arith.constant 31 : i32
      %and3A_600 = vector.broadcast %and3A_599 : i32 to vector<16xi32>
      %and3A_601 = arith.andi %add3A_593, %and3A_600 : vector<16xi32>
      %shift_left3A_602 = arith.constant 2 : i32
      %shift_left3A_603 = vector.broadcast %shift_left3A_602 : i32 to vector<16xi32>
      %shift_left3A_604 = arith.shli %and3A_601, %shift_left3A_603 : vector<16xi32>
      %or3A_605 = arith.ori %and3A_598, %shift_left3A_604 : vector<16xi32>
      %shift_right_logical3A_606 = arith.constant 5 : i32
      %shift_right_logical3A_607 = vector.broadcast %shift_right_logical3A_606 : i32 to vector<16xi32>
      %shift_right_logical3A_608 = arith.shrui %add3A_593, %shift_right_logical3A_607 : vector<16xi32>
      %and3A_609 = arith.constant 3 : i32
      %and3A_610 = vector.broadcast %and3A_609 : i32 to vector<16xi32>
      %and3A_611 = arith.andi %shift_right_logical3A_608, %and3A_610 : vector<16xi32>
      %or3A_612 = arith.ori %or3A_605, %and3A_611 : vector<16xi32>
      %swap3A_613 = arith.constant 256 : index
      %swap3A_614 = tpu.vector_load %arg5[%swap3A_613] {strides = array<i32>} : memref<1280xi32, #tpu.memory_space<vmem>>, vector<16xi32>,
      %swap3A_615 = vector.shape_cast %swap3A_614 : vector<16xi32> to vector<16xi32>
      %swap3A_616 = vector.shape_cast %or3A_612 : vector<16xi32> to vector<16xi32>
      tpu.vector_store %arg5[%swap3A_613], %swap3A_616 {strides = array<i32>} : memref<1280xi32, #tpu.memory_space<vmem>>, vector<16xi32>,
      %shift_right_logical3A_617 = arith.constant 7 : i32
      %shift_right_logical3A_618 = arith.shrui %multiple_of3A, %shift_right_logical3A_617 : i32
      %add3A_619 = arith.constant 2 : i32
      %add3A_620 = arith.addi %shift_right_logical3A_618, %add3A_619 : i32
      %and3A_621 = arith.constant 1 : i32
      %and3A_622 = arith.andi %add3A_620, %and3A_621 : i32
      %get3A_623 = arith.constant 272 : index
      %get3A_624 = tpu.vector_load %arg5[%get3A_623] {strides = array<i32>} : memref<1280xi32, #tpu.memory_space<vmem>>, vector<16xi32>,
      %get3A_625 = vector.shape_cast %get3A_624 : vector<16xi32> to vector<16xi32>
      %mul3A_626 = arith.constant 1000000 : i32
      %mul3A_627 = arith.muli %and3A_622, %mul3A_626 : i32
      %add3A_628 = vector.broadcast %mul3A_627 : i32 to vector<16xi32>
      %add3A_629 = arith.addi %get3A_625, %add3A_628 : vector<16xi32>
      %not3A_630 = arith.constant 127 : i32
      %not3A_631 = arith.constant -1 : i32
      %not3A_632 = arith.xori %not3A_630, %not3A_631 : i32
      %and3A_633 = vector.broadcast %not3A_632 : i32 to vector<16xi32>
      %and3A_634 = arith.andi %add3A_629, %and3A_633 : vector<16xi32>
      %and3A_635 = arith.constant 31 : i32
      %and3A_636 = vector.broadcast %and3A_635 : i32 to vector<16xi32>
      %and3A_637 = arith.andi %add3A_629, %and3A_636 : vector<16xi32>
      %shift_left3A_638 = arith.constant 2 : i32
      %shift_left3A_639 = vector.broadcast %shift_left3A_638 : i32 to vector<16xi32>
      %shift_left3A_640 = arith.shli %and3A_637, %shift_left3A_639 : vector<16xi32>
      %or3A_641 = arith.ori %and3A_634, %shift_left3A_640 : vector<16xi32>
      %shift_right_logical3A_642 = arith.constant 5 : i32
      %shift_right_logical3A_643 = vector.broadcast %shift_right_logical3A_642 : i32 to vector<16xi32>
      %shift_right_logical3A_644 = arith.shrui %add3A_629, %shift_right_logical3A_643 : vector<16xi32>
      %and3A_645 = arith.constant 3 : i32
      %and3A_646 = vector.broadcast %and3A_645 : i32 to vector<16xi32>
      %and3A_647 = arith.andi %shift_right_logical3A_644, %and3A_646 : vector<16xi32>
      %or3A_648 = arith.ori %or3A_641, %and3A_647 : vector<16xi32>
      %swap3A_649 = arith.constant 272 : index
      %swap3A_650 = tpu.vector_load %arg5[%swap3A_649] {strides = array<i32>} : memref<1280xi32, #tpu.memory_space<vmem>>, vector<16xi32>,
      %swap3A_651 = vector.shape_cast %swap3A_650 : vector<16xi32> to vector<16xi32>
      %swap3A_652 = vector.shape_cast %or3A_648 : vector<16xi32> to vector<16xi32>
      tpu.vector_store %arg5[%swap3A_649], %swap3A_652 {strides = array<i32>} : memref<1280xi32, #tpu.memory_space<vmem>>, vector<16xi32>,
      %shift_right_logical3A_653 = arith.constant 7 : i32
      %shift_right_logical3A_654 = arith.shrui %multiple_of3A, %shift_right_logical3A_653 : i32
      %add3A_655 = arith.constant 2 : i32
      %add3A_656 = arith.addi %shift_right_logical3A_654, %add3A_655 : i32
      %and3A_657 = arith.constant 1 : i32
      %and3A_658 = arith.andi %add3A_656, %and3A_657 : i32
      %get3A_659 = arith.constant 288 : index
      %get3A_660 = tpu.vector_load %arg5[%get3A_659] {strides = array<i32>} : memref<1280xi32, #tpu.memory_space<vmem>>, vector<16xi32>,
      %get3A_661 = vector.shape_cast %get3A_660 : vector<16xi32> to vector<16xi32>
      %mul3A_662 = arith.constant 1000000 : i32
      %mul3A_663 = arith.muli %and3A_658, %mul3A_662 : i32
      %add3A_664 = vector.broadcast %mul3A_663 : i32 to vector<16xi32>
      %add3A_665 = arith.addi %get3A_661, %add3A_664 : vector<16xi32>
      %not3A_666 = arith.constant 127 : i32
      %not3A_667 = arith.constant -1 : i32
      %not3A_668 = arith.xori %not3A_666, %not3A_667 : i32
      %and3A_669 = vector.broadcast %not3A_668 : i32 to vector<16xi32>
      %and3A_670 = arith.andi %add3A_665, %and3A_669 : vector<16xi32>
      %and3A_671 = arith.constant 31 : i32
      %and3A_672 = vector.broadcast %and3A_671 : i32 to vector<16xi32>
      %and3A_673 = arith.andi %add3A_665, %and3A_672 : vector<16xi32>
      %shift_left3A_674 = arith.constant 2 : i32
      %shift_left3A_675 = vector.broadcast %shift_left3A_674 : i32 to vector<16xi32>
      %shift_left3A_676 = arith.shli %and3A_673, %shift_left3A_675 : vector<16xi32>
      %or3A_677 = arith.ori %and3A_670, %shift_left3A_676 : vector<16xi32>
      %shift_right_logical3A_678 = arith.constant 5 : i32
      %shift_right_logical3A_679 = vector.broadcast %shift_right_logical3A_678 : i32 to vector<16xi32>
      %shift_right_logical3A_680 = arith.shrui %add3A_665, %shift_right_logical3A_679 : vector<16xi32>
      %and3A_681 = arith.constant 3 : i32
      %and3A_682 = vector.broadcast %and3A_681 : i32 to vector<16xi32>
      %and3A_683 = arith.andi %shift_right_logical3A_680, %and3A_682 : vector<16xi32>
      %or3A_684 = arith.ori %or3A_677, %and3A_683 : vector<16xi32>
      %swap3A_685 = arith.constant 288 : index
      %swap3A_686 = tpu.vector_load %arg5[%swap3A_685] {strides = array<i32>} : memref<1280xi32, #tpu.memory_space<vmem>>, vector<16xi32>,
      %swap3A_687 = vector.shape_cast %swap3A_686 : vector<16xi32> to vector<16xi32>
      %swap3A_688 = vector.shape_cast %or3A_684 : vector<16xi32> to vector<16xi32>
      tpu.vector_store %arg5[%swap3A_685], %swap3A_688 {strides = array<i32>} : memref<1280xi32, #tpu.memory_space<vmem>>, vector<16xi32>,
      %shift_right_logical3A_689 = arith.constant 7 : i32
      %shift_right_logical3A_690 = arith.shrui %multiple_of3A, %shift_right_logical3A_689 : i32
      %add3A_691 = arith.constant 2 : i32
      %add3A_692 = arith.addi %shift_right_logical3A_690, %add3A_691 : i32
      %and3A_693 = arith.constant 1 : i32
      %and3A_694 = arith.andi %add3A_692, %and3A_693 : i32
      %get3A_695 = arith.constant 304 : index
      %get3A_696 = tpu.vector_load %arg5[%get3A_695] {strides = array<i32>} : memref<1280xi32, #tpu.memory_space<vmem>>, vector<16xi32>,
      %get3A_697 = vector.shape_cast %get3A_696 : vector<16xi32> to vector<16xi32>
      %mul3A_698 = arith.constant 1000000 : i32
      %mul3A_699 = arith.muli %and3A_694, %mul3A_698 : i32
      %add3A_700 = vector.broadcast %mul3A_699 : i32 to vector<16xi32>
      %add3A_701 = arith.addi %get3A_697, %add3A_700 : vector<16xi32>
      %not3A_702 = arith.constant 127 : i32
      %not3A_703 = arith.constant -1 : i32
      %not3A_704 = arith.xori %not3A_702, %not3A_703 : i32
      %and3A_705 = vector.broadcast %not3A_704 : i32 to vector<16xi32>
      %and3A_706 = arith.andi %add3A_701, %and3A_705 : vector<16xi32>
      %and3A_707 = arith.constant 31 : i32
      %and3A_708 = vector.broadcast %and3A_707 : i32 to vector<16xi32>
      %and3A_709 = arith.andi %add3A_701, %and3A_708 : vector<16xi32>
      %shift_left3A_710 = arith.constant 2 : i32
      %shift_left3A_711 = vector.broadcast %shift_left3A_710 : i32 to vector<16xi32>
      %shift_left3A_712 = arith.shli %and3A_709, %shift_left3A_711 : vector<16xi32>
      %or3A_713 = arith.ori %and3A_706, %shift_left3A_712 : vector<16xi32>
      %shift_right_logical3A_714 = arith.constant 5 : i32
      %shift_right_logical3A_715 = vector.broadcast %shift_right_logical3A_714 : i32 to vector<16xi32>
      %shift_right_logical3A_716 = arith.shrui %add3A_701, %shift_right_logical3A_715 : vector<16xi32>
      %and3A_717 = arith.constant 3 : i32
      %and3A_718 = vector.broadcast %and3A_717 : i32 to vector<16xi32>
      %and3A_719 = arith.andi %shift_right_logical3A_716, %and3A_718 : vector<16xi32>
      %or3A_720 = arith.ori %or3A_713, %and3A_719 : vector<16xi32>
      %swap3A_721 = arith.constant 304 : index
      %swap3A_722 = tpu.vector_load %arg5[%swap3A_721] {strides = array<i32>} : memref<1280xi32, #tpu.memory_space<vmem>>, vector<16xi32>,
      %swap3A_723 = vector.shape_cast %swap3A_722 : vector<16xi32> to vector<16xi32>
      %swap3A_724 = vector.shape_cast %or3A_720 : vector<16xi32> to vector<16xi32>
      tpu.vector_store %arg5[%swap3A_721], %swap3A_724 {strides = array<i32>} : memref<1280xi32, #tpu.memory_space<vmem>>, vector<16xi32>,
      %shift_right_logical3A_725 = arith.constant 7 : i32
      %shift_right_logical3A_726 = arith.shrui %multiple_of3A, %shift_right_logical3A_725 : i32
      %add3A_727 = arith.constant 2 : i32
      %add3A_728 = arith.addi %shift_right_logical3A_726, %add3A_727 : i32
      %and3A_729 = arith.constant 1 : i32
      %and3A_730 = arith.andi %add3A_728, %and3A_729 : i32
      %get3A_731 = arith.constant 320 : index
      %get3A_732 = tpu.vector_load %arg5[%get3A_731] {strides = array<i32>} : memref<1280xi32, #tpu.memory_space<vmem>>, vector<16xi32>,
      %get3A_733 = vector.shape_cast %get3A_732 : vector<16xi32> to vector<16xi32>
      %mul3A_734 = arith.constant 1000000 : i32
      %mul3A_735 = arith.muli %and3A_730, %mul3A_734 : i32
      %add3A_736 = vector.broadcast %mul3A_735 : i32 to vector<16xi32>
      %add3A_737 = arith.addi %get3A_733, %add3A_736 : vector<16xi32>
      %not3A_738 = arith.constant 127 : i32
      %not3A_739 = arith.constant -1 : i32
      %not3A_740 = arith.xori %not3A_738, %not3A_739 : i32
      %and3A_741 = vector.broadcast %not3A_740 : i32 to vector<16xi32>
      %and3A_742 = arith.andi %add3A_737, %and3A_741 : vector<16xi32>
      %and3A_743 = arith.constant 31 : i32
      %and3A_744 = vector.broadcast %and3A_743 : i32 to vector<16xi32>
      %and3A_745 = arith.andi %add3A_737, %and3A_744 : vector<16xi32>
      %shift_left3A_746 = arith.constant 2 : i32
      %shift_left3A_747 = vector.broadcast %shift_left3A_746 : i32 to vector<16xi32>
      %shift_left3A_748 = arith.shli %and3A_745, %shift_left3A_747 : vector<16xi32>
      %or3A_749 = arith.ori %and3A_742, %shift_left3A_748 : vector<16xi32>
      %shift_right_logical3A_750 = arith.constant 5 : i32
      %shift_right_logical3A_751 = vector.broadcast %shift_right_logical3A_750 : i32 to vector<16xi32>
      %shift_right_logical3A_752 = arith.shrui %add3A_737, %shift_right_logical3A_751 : vector<16xi32>
      %and3A_753 = arith.constant 3 : i32
      %and3A_754 = vector.broadcast %and3A_753 : i32 to vector<16xi32>
      %and3A_755 = arith.andi %shift_right_logical3A_752, %and3A_754 : vector<16xi32>
      %or3A_756 = arith.ori %or3A_749, %and3A_755 : vector<16xi32>
      %swap3A_757 = arith.constant 320 : index
      %swap3A_758 = tpu.vector_load %arg5[%swap3A_757] {strides = array<i32>} : memref<1280xi32, #tpu.memory_space<vmem>>, vector<16xi32>,
      %swap3A_759 = vector.shape_cast %swap3A_758 : vector<16xi32> to vector<16xi32>
      %swap3A_760 = vector.shape_cast %or3A_756 : vector<16xi32> to vector<16xi32>
      tpu.vector_store %arg5[%swap3A_757], %swap3A_760 {strides = array<i32>} : memref<1280xi32, #tpu.memory_space<vmem>>, vector<16xi32>,
      %shift_right_logical3A_761 = arith.constant 7 : i32
      %shift_right_logical3A_762 = arith.shrui %multiple_of3A, %shift_right_logical3A_761 : i32
      %add3A_763 = arith.constant 2 : i32
      %add3A_764 = arith.addi %shift_right_logical3A_762, %add3A_763 : i32
      %and3A_765 = arith.constant 1 : i32
      %and3A_766 = arith.andi %add3A_764, %and3A_765 : i32
      %get3A_767 = arith.constant 336 : index
      %get3A_768 = tpu.vector_load %arg5[%get3A_767] {strides = array<i32>} : memref<1280xi32, #tpu.memory_space<vmem>>, vector<16xi32>,
      %get3A_769 = vector.shape_cast %get3A_768 : vector<16xi32> to vector<16xi32>
      %mul3A_770 = arith.constant 1000000 : i32
      %mul3A_771 = arith.muli %and3A_766, %mul3A_770 : i32
      %add3A_772 = vector.broadcast %mul3A_771 : i32 to vector<16xi32>
      %add3A_773 = arith.addi %get3A_769, %add3A_772 : vector<16xi32>
      %not3A_774 = arith.constant 127 : i32
      %not3A_775 = arith.constant -1 : i32
      %not3A_776 = arith.xori %not3A_774, %not3A_775 : i32
      %and3A_777 = vector.broadcast %not3A_776 : i32 to vector<16xi32>
      %and3A_778 = arith.andi %add3A_773, %and3A_777 : vector<16xi32>
      %and3A_779 = arith.constant 31 : i32
      %and3A_780 = vector.broadcast %and3A_779 : i32 to vector<16xi32>
      %and3A_781 = arith.andi %add3A_773, %and3A_780 : vector<16xi32>
      %shift_left3A_782 = arith.constant 2 : i32
      %shift_left3A_783 = vector.broadcast %shift_left3A_782 : i32 to vector<16xi32>
      %shift_left3A_784 = arith.shli %and3A_781, %shift_left3A_783 : vector<16xi32>
      %or3A_785 = arith.ori %and3A_778, %shift_left3A_784 : vector<16xi32>
      %shift_right_logical3A_786 = arith.constant 5 : i32
      %shift_right_logical3A_787 = vector.broadcast %shift_right_logical3A_786 : i32 to vector<16xi32>
      %shift_right_logical3A_788 = arith.shrui %add3A_773, %shift_right_logical3A_787 : vector<16xi32>
      %and3A_789 = arith.constant 3 : i32
      %and3A_790 = vector.broadcast %and3A_789 : i32 to vector<16xi32>
      %and3A_791 = arith.andi %shift_right_logical3A_788, %and3A_790 : vector<16xi32>
      %or3A_792 = arith.ori %or3A_785, %and3A_791 : vector<16xi32>
      %swap3A_793 = arith.constant 336 : index
      %swap3A_794 = tpu.vector_load %arg5[%swap3A_793] {strides = array<i32>} : memref<1280xi32, #tpu.memory_space<vmem>>, vector<16xi32>,
      %swap3A_795 = vector.shape_cast %swap3A_794 : vector<16xi32> to vector<16xi32>
      %swap3A_796 = vector.shape_cast %or3A_792 : vector<16xi32> to vector<16xi32>
      tpu.vector_store %arg5[%swap3A_793], %swap3A_796 {strides = array<i32>} : memref<1280xi32, #tpu.memory_space<vmem>>, vector<16xi32>,
      %shift_right_logical3A_797 = arith.constant 7 : i32
      %shift_right_logical3A_798 = arith.shrui %multiple_of3A, %shift_right_logical3A_797 : i32
      %add3A_799 = arith.constant 2 : i32
      %add3A_800 = arith.addi %shift_right_logical3A_798, %add3A_799 : i32
      %and3A_801 = arith.constant 1 : i32
      %and3A_802 = arith.andi %add3A_800, %and3A_801 : i32
      %get3A_803 = arith.constant 352 : index
      %get3A_804 = tpu.vector_load %arg5[%get3A_803] {strides = array<i32>} : memref<1280xi32, #tpu.memory_space<vmem>>, vector<16xi32>,
      %get3A_805 = vector.shape_cast %get3A_804 : vector<16xi32> to vector<16xi32>
      %mul3A_806 = arith.constant 1000000 : i32
      %mul3A_807 = arith.muli %and3A_802, %mul3A_806 : i32
      %add3A_808 = vector.broadcast %mul3A_807 : i32 to vector<16xi32>
      %add3A_809 = arith.addi %get3A_805, %add3A_808 : vector<16xi32>
      %not3A_810 = arith.constant 127 : i32
      %not3A_811 = arith.constant -1 : i32
      %not3A_812 = arith.xori %not3A_810, %not3A_811 : i32
      %and3A_813 = vector.broadcast %not3A_812 : i32 to vector<16xi32>
      %and3A_814 = arith.andi %add3A_809, %and3A_813 : vector<16xi32>
      %and3A_815 = arith.constant 31 : i32
      %and3A_816 = vector.broadcast %and3A_815 : i32 to vector<16xi32>
      %and3A_817 = arith.andi %add3A_809, %and3A_816 : vector<16xi32>
      %shift_left3A_818 = arith.constant 2 : i32
      %shift_left3A_819 = vector.broadcast %shift_left3A_818 : i32 to vector<16xi32>
      %shift_left3A_820 = arith.shli %and3A_817, %shift_left3A_819 : vector<16xi32>
      %or3A_821 = arith.ori %and3A_814, %shift_left3A_820 : vector<16xi32>
      %shift_right_logical3A_822 = arith.constant 5 : i32
      %shift_right_logical3A_823 = vector.broadcast %shift_right_logical3A_822 : i32 to vector<16xi32>
      %shift_right_logical3A_824 = arith.shrui %add3A_809, %shift_right_logical3A_823 : vector<16xi32>
      %and3A_825 = arith.constant 3 : i32
      %and3A_826 = vector.broadcast %and3A_825 : i32 to vector<16xi32>
      %and3A_827 = arith.andi %shift_right_logical3A_824, %and3A_826 : vector<16xi32>
      %or3A_828 = arith.ori %or3A_821, %and3A_827 : vector<16xi32>
      %swap3A_829 = arith.constant 352 : index
      %swap3A_830 = tpu.vector_load %arg5[%swap3A_829] {strides = array<i32>} : memref<1280xi32, #tpu.memory_space<vmem>>, vector<16xi32>,
      %swap3A_831 = vector.shape_cast %swap3A_830 : vector<16xi32> to vector<16xi32>
      %swap3A_832 = vector.shape_cast %or3A_828 : vector<16xi32> to vector<16xi32>
      tpu.vector_store %arg5[%swap3A_829], %swap3A_832 {strides = array<i32>} : memref<1280xi32, #tpu.memory_space<vmem>>, vector<16xi32>,
      %shift_right_logical3A_833 = arith.constant 7 : i32
      %shift_right_logical3A_834 = arith.shrui %multiple_of3A, %shift_right_logical3A_833 : i32
      %add3A_835 = arith.constant 2 : i32
      %add3A_836 = arith.addi %shift_right_logical3A_834, %add3A_835 : i32
      %and3A_837 = arith.constant 1 : i32
      %and3A_838 = arith.andi %add3A_836, %and3A_837 : i32
      %get3A_839 = arith.constant 368 : index
      %get3A_840 = tpu.vector_load %arg5[%get3A_839] {strides = array<i32>} : memref<1280xi32, #tpu.memory_space<vmem>>, vector<16xi32>,
      %get3A_841 = vector.shape_cast %get3A_840 : vector<16xi32> to vector<16xi32>
      %mul3A_842 = arith.constant 1000000 : i32
      %mul3A_843 = arith.muli %and3A_838, %mul3A_842 : i32
      %add3A_844 = vector.broadcast %mul3A_843 : i32 to vector<16xi32>
      %add3A_845 = arith.addi %get3A_841, %add3A_844 : vector<16xi32>
      %not3A_846 = arith.constant 127 : i32
      %not3A_847 = arith.constant -1 : i32
      %not3A_848 = arith.xori %not3A_846, %not3A_847 : i32
      %and3A_849 = vector.broadcast %not3A_848 : i32 to vector<16xi32>
      %and3A_850 = arith.andi %add3A_845, %and3A_849 : vector<16xi32>
      %and3A_851 = arith.constant 31 : i32
      %and3A_852 = vector.broadcast %and3A_851 : i32 to vector<16xi32>
      %and3A_853 = arith.andi %add3A_845, %and3A_852 : vector<16xi32>
      %shift_left3A_854 = arith.constant 2 : i32
      %shift_left3A_855 = vector.broadcast %shift_left3A_854 : i32 to vector<16xi32>
      %shift_left3A_856 = arith.shli %and3A_853, %shift_left3A_855 : vector<16xi32>
      %or3A_857 = arith.ori %and3A_850, %shift_left3A_856 : vector<16xi32>
      %shift_right_logical3A_858 = arith.constant 5 : i32
      %shift_right_logical3A_859 = vector.broadcast %shift_right_logical3A_858 : i32 to vector<16xi32>
      %shift_right_logical3A_860 = arith.shrui %add3A_845, %shift_right_logical3A_859 : vector<16xi32>
      %and3A_861 = arith.constant 3 : i32
      %and3A_862 = vector.broadcast %and3A_861 : i32 to vector<16xi32>
      %and3A_863 = arith.andi %shift_right_logical3A_860, %and3A_862 : vector<16xi32>
      %or3A_864 = arith.ori %or3A_857, %and3A_863 : vector<16xi32>
      %swap3A_865 = arith.constant 368 : index
      %swap3A_866 = tpu.vector_load %arg5[%swap3A_865] {strides = array<i32>} : memref<1280xi32, #tpu.memory_space<vmem>>, vector<16xi32>,
      %swap3A_867 = vector.shape_cast %swap3A_866 : vector<16xi32> to vector<16xi32>
      %swap3A_868 = vector.shape_cast %or3A_864 : vector<16xi32> to vector<16xi32>
      tpu.vector_store %arg5[%swap3A_865], %swap3A_868 {strides = array<i32>} : memref<1280xi32, #tpu.memory_space<vmem>>, vector<16xi32>,
      %shift_right_logical3A_869 = arith.constant 7 : i32
      %shift_right_logical3A_870 = arith.shrui %multiple_of3A, %shift_right_logical3A_869 : i32
      %add3A_871 = arith.constant 3 : i32
      %add3A_872 = arith.addi %shift_right_logical3A_870, %add3A_871 : i32
      %and3A_873 = arith.constant 1 : i32
      %and3A_874 = arith.andi %add3A_872, %and3A_873 : i32
      %get3A_875 = arith.constant 384 : index
      %get3A_876 = tpu.vector_load %arg5[%get3A_875] {strides = array<i32>} : memref<1280xi32, #tpu.memory_space<vmem>>, vector<16xi32>,
      %get3A_877 = vector.shape_cast %get3A_876 : vector<16xi32> to vector<16xi32>
      %mul3A_878 = arith.constant 1000000 : i32
      %mul3A_879 = arith.muli %and3A_874, %mul3A_878 : i32
      %add3A_880 = vector.broadcast %mul3A_879 : i32 to vector<16xi32>
      %add3A_881 = arith.addi %get3A_877, %add3A_880 : vector<16xi32>
      %not3A_882 = arith.constant 127 : i32
      %not3A_883 = arith.constant -1 : i32
      %not3A_884 = arith.xori %not3A_882, %not3A_883 : i32
      %and3A_885 = vector.broadcast %not3A_884 : i32 to vector<16xi32>
      %and3A_886 = arith.andi %add3A_881, %and3A_885 : vector<16xi32>
      %and3A_887 = arith.constant 31 : i32
      %and3A_888 = vector.broadcast %and3A_887 : i32 to vector<16xi32>
      %and3A_889 = arith.andi %add3A_881, %and3A_888 : vector<16xi32>
      %shift_left3A_890 = arith.constant 2 : i32
      %shift_left3A_891 = vector.broadcast %shift_left3A_890 : i32 to vector<16xi32>
      %shift_left3A_892 = arith.shli %and3A_889, %shift_left3A_891 : vector<16xi32>
      %or3A_893 = arith.ori %and3A_886, %shift_left3A_892 : vector<16xi32>
      %shift_right_logical3A_894 = arith.constant 5 : i32
      %shift_right_logical3A_895 = vector.broadcast %shift_right_logical3A_894 : i32 to vector<16xi32>
      %shift_right_logical3A_896 = arith.shrui %add3A_881, %shift_right_logical3A_895 : vector<16xi32>
      %and3A_897 = arith.constant 3 : i32
      %and3A_898 = vector.broadcast %and3A_897 : i32 to vector<16xi32>
      %and3A_899 = arith.andi %shift_right_logical3A_896, %and3A_898 : vector<16xi32>
      %or3A_900 = arith.ori %or3A_893, %and3A_899 : vector<16xi32>
      %swap3A_901 = arith.constant 384 : index
      %swap3A_902 = tpu.vector_load %arg5[%swap3A_901] {strides = array<i32>} : memref<1280xi32, #tpu.memory_space<vmem>>, vector<16xi32>,
      %swap3A_903 = vector.shape_cast %swap3A_902 : vector<16xi32> to vector<16xi32>
      %swap3A_904 = vector.shape_cast %or3A_900 : vector<16xi32> to vector<16xi32>
      tpu.vector_store %arg5[%swap3A_901], %swap3A_904 {strides = array<i32>} : memref<1280xi32, #tpu.memory_space<vmem>>, vector<16xi32>,
      %shift_right_logical3A_905 = arith.constant 7 : i32
      %shift_right_logical3A_906 = arith.shrui %multiple_of3A, %shift_right_logical3A_905 : i32
      %add3A_907 = arith.constant 3 : i32
      %add3A_908 = arith.addi %shift_right_logical3A_906, %add3A_907 : i32
      %and3A_909 = arith.constant 1 : i32
      %and3A_910 = arith.andi %add3A_908, %and3A_909 : i32
      %get3A_911 = arith.constant 400 : index
      %get3A_912 = tpu.vector_load %arg5[%get3A_911] {strides = array<i32>} : memref<1280xi32, #tpu.memory_space<vmem>>, vector<16xi32>,
      %get3A_913 = vector.shape_cast %get3A_912 : vector<16xi32> to vector<16xi32>
      %mul3A_914 = arith.constant 1000000 : i32
      %mul3A_915 = arith.muli %and3A_910, %mul3A_914 : i32
      %add3A_916 = vector.broadcast %mul3A_915 : i32 to vector<16xi32>
      %add3A_917 = arith.addi %get3A_913, %add3A_916 : vector<16xi32>
      %not3A_918 = arith.constant 127 : i32
      %not3A_919 = arith.constant -1 : i32
      %not3A_920 = arith.xori %not3A_918, %not3A_919 : i32
      %and3A_921 = vector.broadcast %not3A_920 : i32 to vector<16xi32>
      %and3A_922 = arith.andi %add3A_917, %and3A_921 : vector<16xi32>
      %and3A_923 = arith.constant 31 : i32
      %and3A_924 = vector.broadcast %and3A_923 : i32 to vector<16xi32>
      %and3A_925 = arith.andi %add3A_917, %and3A_924 : vector<16xi32>
      %shift_left3A_926 = arith.constant 2 : i32
      %shift_left3A_927 = vector.broadcast %shift_left3A_926 : i32 to vector<16xi32>
      %shift_left3A_928 = arith.shli %and3A_925, %shift_left3A_927 : vector<16xi32>
      %or3A_929 = arith.ori %and3A_922, %shift_left3A_928 : vector<16xi32>
      %shift_right_logical3A_930 = arith.constant 5 : i32
      %shift_right_logical3A_931 = vector.broadcast %shift_right_logical3A_930 : i32 to vector<16xi32>
      %shift_right_logical3A_932 = arith.shrui %add3A_917, %shift_right_logical3A_931 : vector<16xi32>
      %and3A_933 = arith.constant 3 : i32
      %and3A_934 = vector.broadcast %and3A_933 : i32 to vector<16xi32>
      %and3A_935 = arith.andi %shift_right_logical3A_932, %and3A_934 : vector<16xi32>
      %or3A_936 = arith.ori %or3A_929, %and3A_935 : vector<16xi32>
      %swap3A_937 = arith.constant 400 : index
      %swap3A_938 = tpu.vector_load %arg5[%swap3A_937] {strides = array<i32>} : memref<1280xi32, #tpu.memory_space<vmem>>, vector<16xi32>,
      %swap3A_939 = vector.shape_cast %swap3A_938 : vector<16xi32> to vector<16xi32>
      %swap3A_940 = vector.shape_cast %or3A_936 : vector<16xi32> to vector<16xi32>
      tpu.vector_store %arg5[%swap3A_937], %swap3A_940 {strides = array<i32>} : memref<1280xi32, #tpu.memory_space<vmem>>, vector<16xi32>,
      %shift_right_logical3A_941 = arith.constant 7 : i32
      %shift_right_logical3A_942 = arith.shrui %multiple_of3A, %shift_right_logical3A_941 : i32
      %add3A_943 = arith.constant 3 : i32
      %add3A_944 = arith.addi %shift_right_logical3A_942, %add3A_943 : i32
      %and3A_945 = arith.constant 1 : i32
      %and3A_946 = arith.andi %add3A_944, %and3A_945 : i32
      %get3A_947 = arith.constant 416 : index
      %get3A_948 = tpu.vector_load %arg5[%get3A_947] {strides = array<i32>} : memref<1280xi32, #tpu.memory_space<vmem>>, vector<16xi32>,
      %get3A_949 = vector.shape_cast %get3A_948 : vector<16xi32> to vector<16xi32>
      %mul3A_950 = arith.constant 1000000 : i32
      %mul3A_951 = arith.muli %and3A_946, %mul3A_950 : i32
      %add3A_952 = vector.broadcast %mul3A_951 : i32 to vector<16xi32>
      %add3A_953 = arith.addi %get3A_949, %add3A_952 : vector<16xi32>
      %not3A_954 = arith.constant 127 : i32
      %not3A_955 = arith.constant -1 : i32
      %not3A_956 = arith.xori %not3A_954, %not3A_955 : i32
      %and3A_957 = vector.broadcast %not3A_956 : i32 to vector<16xi32>
      %and3A_958 = arith.andi %add3A_953, %and3A_957 : vector<16xi32>
      %and3A_959 = arith.constant 31 : i32
      %and3A_960 = vector.broadcast %and3A_959 : i32 to vector<16xi32>
      %and3A_961 = arith.andi %add3A_953, %and3A_960 : vector<16xi32>
      %shift_left3A_962 = arith.constant 2 : i32
      %shift_left3A_963 = vector.broadcast %shift_left3A_962 : i32 to vector<16xi32>
      %shift_left3A_964 = arith.shli %and3A_961, %shift_left3A_963 : vector<16xi32>
      %or3A_965 = arith.ori %and3A_958, %shift_left3A_964 : vector<16xi32>
      %shift_right_logical3A_966 = arith.constant 5 : i32
      %shift_right_logical3A_967 = vector.broadcast %shift_right_logical3A_966 : i32 to vector<16xi32>
      %shift_right_logical3A_968 = arith.shrui %add3A_953, %shift_right_logical3A_967 : vector<16xi32>
      %and3A_969 = arith.constant 3 : i32
      %and3A_970 = vector.broadcast %and3A_969 : i32 to vector<16xi32>
      %and3A_971 = arith.andi %shift_right_logical3A_968, %and3A_970 : vector<16xi32>
      %or3A_972 = arith.ori %or3A_965, %and3A_971 : vector<16xi32>
      %swap3A_973 = arith.constant 416 : index
      %swap3A_974 = tpu.vector_load %arg5[%swap3A_973] {strides = array<i32>} : memref<1280xi32, #tpu.memory_space<vmem>>, vector<16xi32>,
      %swap3A_975 = vector.shape_cast %swap3A_974 : vector<16xi32> to vector<16xi32>
      %swap3A_976 = vector.shape_cast %or3A_972 : vector<16xi32> to vector<16xi32>
      tpu.vector_store %arg5[%swap3A_973], %swap3A_976 {strides = array<i32>} : memref<1280xi32, #tpu.memory_space<vmem>>, vector<16xi32>,
      %shift_right_logical3A_977 = arith.constant 7 : i32
      %shift_right_logical3A_978 = arith.shrui %multiple_of3A, %shift_right_logical3A_977 : i32
      %add3A_979 = arith.constant 3 : i32
      %add3A_980 = arith.addi %shift_right_logical3A_978, %add3A_979 : i32
      %and3A_981 = arith.constant 1 : i32
      %and3A_982 = arith.andi %add3A_980, %and3A_981 : i32
      %get3A_983 = arith.constant 432 : index
      %get3A_984 = tpu.vector_load %arg5[%get3A_983] {strides = array<i32>} : memref<1280xi32, #tpu.memory_space<vmem>>, vector<16xi32>,
      %get3A_985 = vector.shape_cast %get3A_984 : vector<16xi32> to vector<16xi32>
      %mul3A_986 = arith.constant 1000000 : i32
      %mul3A_987 = arith.muli %and3A_982, %mul3A_986 : i32
      %add3A_988 = vector.broadcast %mul3A_987 : i32 to vector<16xi32>
      %add3A_989 = arith.addi %get3A_985, %add3A_988 : vector<16xi32>
      %not3A_990 = arith.constant 127 : i32
      %not3A_991 = arith.constant -1 : i32
      %not3A_992 = arith.xori %not3A_990, %not3A_991 : i32
      %and3A_993 = vector.broadcast %not3A_992 : i32 to vector<16xi32>
      %and3A_994 = arith.andi %add3A_989, %and3A_993 : vector<16xi32>
      %and3A_995 = arith.constant 31 : i32
      %and3A_996 = vector.broadcast %and3A_995 : i32 to vector<16xi32>
      %and3A_997 = arith.andi %add3A_989, %and3A_996 : vector<16xi32>
      %shift_left3A_998 = arith.constant 2 : i32
      %shift_left3A_999 = vector.broadcast %shift_left3A_998 : i32 to vector<16xi32>
      %shift_left3A_1000 = arith.shli %and3A_997, %shift_left3A_999 : vector<16xi32>
      %or3A_1001 = arith.ori %and3A_994, %shift_left3A_1000 : vector<16xi32>
      %shift_right_logical3A_1002 = arith.constant 5 : i32
      %shift_right_logical3A_1003 = vector.broadcast %shift_right_logical3A_1002 : i32 to vector<16xi32>
      %shift_right_logical3A_1004 = arith.shrui %add3A_989, %shift_right_logical3A_1003 : vector<16xi32>
      %and3A_1005 = arith.constant 3 : i32
      %and3A_1006 = vector.broadcast %and3A_1005 : i32 to vector<16xi32>
      %and3A_1007 = arith.andi %shift_right_logical3A_1004, %and3A_1006 : vector<16xi32>
      %or3A_1008 = arith.ori %or3A_1001, %and3A_1007 : vector<16xi32>
      %swap3A_1009 = arith.constant 432 : index
      %swap3A_1010 = tpu.vector_load %arg5[%swap3A_1009] {strides = array<i32>} : memref<1280xi32, #tpu.memory_space<vmem>>, vector<16xi32>,
      %swap3A_1011 = vector.shape_cast %swap3A_1010 : vector<16xi32> to vector<16xi32>
      %swap3A_1012 = vector.shape_cast %or3A_1008 : vector<16xi32> to vector<16xi32>
      tpu.vector_store %arg5[%swap3A_1009], %swap3A_1012 {strides = array<i32>} : memref<1280xi32, #tpu.memory_space<vmem>>, vector<16xi32>,
      %shift_right_logical3A_1013 = arith.constant 7 : i32
      %shift_right_logical3A_1014 = arith.shrui %multiple_of3A, %shift_right_logical3A_1013 : i32
      %add3A_1015 = arith.constant 3 : i32
      %add3A_1016 = arith.addi %shift_right_logical3A_1014, %add3A_1015 : i32
      %and3A_1017 = arith.constant 1 : i32
      %and3A_1018 = arith.andi %add3A_1016, %and3A_1017 : i32
      %get3A_1019 = arith.constant 448 : index
      %get3A_1020 = tpu.vector_load %arg5[%get3A_1019] {strides = array<i32>} : memref<1280xi32, #tpu.memory_space<vmem>>, vector<16xi32>,
      %get3A_1021 = vector.shape_cast %get3A_1020 : vector<16xi32> to vector<16xi32>
      %mul3A_1022 = arith.constant 1000000 : i32
      %mul3A_1023 = arith.muli %and3A_1018, %mul3A_1022 : i32
      %add3A_1024 = vector.broadcast %mul3A_1023 : i32 to vector<16xi32>
      %add3A_1025 = arith.addi %get3A_1021, %add3A_1024 : vector<16xi32>
      %not3A_1026 = arith.constant 127 : i32
      %not3A_1027 = arith.constant -1 : i32
      %not3A_1028 = arith.xori %not3A_1026, %not3A_1027 : i32
      %and3A_1029 = vector.broadcast %not3A_1028 : i32 to vector<16xi32>
      %and3A_1030 = arith.andi %add3A_1025, %and3A_1029 : vector<16xi32>
      %and3A_1031 = arith.constant 31 : i32
      %and3A_1032 = vector.broadcast %and3A_1031 : i32 to vector<16xi32>
      %and3A_1033 = arith.andi %add3A_1025, %and3A_1032 : vector<16xi32>
      %shift_left3A_1034 = arith.constant 2 : i32
      %shift_left3A_1035 = vector.broadcast %shift_left3A_1034 : i32 to vector<16xi32>
      %shift_left3A_1036 = arith.shli %and3A_1033, %shift_left3A_1035 : vector<16xi32>
      %or3A_1037 = arith.ori %and3A_1030, %shift_left3A_1036 : vector<16xi32>
      %shift_right_logical3A_1038 = arith.constant 5 : i32
      %shift_right_logical3A_1039 = vector.broadcast %shift_right_logical3A_1038 : i32 to vector<16xi32>
      %shift_right_logical3A_1040 = arith.shrui %add3A_1025, %shift_right_logical3A_1039 : vector<16xi32>
      %and3A_1041 = arith.constant 3 : i32
      %and3A_1042 = vector.broadcast %and3A_1041 : i32 to vector<16xi32>
      %and3A_1043 = arith.andi %shift_right_logical3A_1040, %and3A_1042 : vector<16xi32>
      %or3A_1044 = arith.ori %or3A_1037, %and3A_1043 : vector<16xi32>
      %swap3A_1045 = arith.constant 448 : index
      %swap3A_1046 = tpu.vector_load %arg5[%swap3A_1045] {strides = array<i32>} : memref<1280xi32, #tpu.memory_space<vmem>>, vector<16xi32>,
      %swap3A_1047 = vector.shape_cast %swap3A_1046 : vector<16xi32> to vector<16xi32>
      %swap3A_1048 = vector.shape_cast %or3A_1044 : vector<16xi32> to vector<16xi32>
      tpu.vector_store %arg5[%swap3A_1045], %swap3A_1048 {strides = array<i32>} : memref<1280xi32, #tpu.memory_space<vmem>>, vector<16xi32>,
      %shift_right_logical3A_1049 = arith.constant 7 : i32
      %shift_right_logical3A_1050 = arith.shrui %multiple_of3A, %shift_right_logical3A_1049 : i32
      %add3A_1051 = arith.constant 3 : i32
      %add3A_1052 = arith.addi %shift_right_logical3A_1050, %add3A_1051 : i32
      %and3A_1053 = arith.constant 1 : i32
      %and3A_1054 = arith.andi %add3A_1052, %and3A_1053 : i32
      %get3A_1055 = arith.constant 464 : index
      %get3A_1056 = tpu.vector_load %arg5[%get3A_1055] {strides = array<i32>} : memref<1280xi32, #tpu.memory_space<vmem>>, vector<16xi32>,
      %get3A_1057 = vector.shape_cast %get3A_1056 : vector<16xi32> to vector<16xi32>
      %mul3A_1058 = arith.constant 1000000 : i32
      %mul3A_1059 = arith.muli %and3A_1054, %mul3A_1058 : i32
      %add3A_1060 = vector.broadcast %mul3A_1059 : i32 to vector<16xi32>
      %add3A_1061 = arith.addi %get3A_1057, %add3A_1060 : vector<16xi32>
      %not3A_1062 = arith.constant 127 : i32
      %not3A_1063 = arith.constant -1 : i32
      %not3A_1064 = arith.xori %not3A_1062, %not3A_1063 : i32
      %and3A_1065 = vector.broadcast %not3A_1064 : i32 to vector<16xi32>
      %and3A_1066 = arith.andi %add3A_1061, %and3A_1065 : vector<16xi32>
      %and3A_1067 = arith.constant 31 : i32
      %and3A_1068 = vector.broadcast %and3A_1067 : i32 to vector<16xi32>
      %and3A_1069 = arith.andi %add3A_1061, %and3A_1068 : vector<16xi32>
      %shift_left3A_1070 = arith.constant 2 : i32
      %shift_left3A_1071 = vector.broadcast %shift_left3A_1070 : i32 to vector<16xi32>
      %shift_left3A_1072 = arith.shli %and3A_1069, %shift_left3A_1071 : vector<16xi32>
      %or3A_1073 = arith.ori %and3A_1066, %shift_left3A_1072 : vector<16xi32>
      %shift_right_logical3A_1074 = arith.constant 5 : i32
      %shift_right_logical3A_1075 = vector.broadcast %shift_right_logical3A_1074 : i32 to vector<16xi32>
      %shift_right_logical3A_1076 = arith.shrui %add3A_1061, %shift_right_logical3A_1075 : vector<16xi32>
      %and3A_1077 = arith.constant 3 : i32
      %and3A_1078 = vector.broadcast %and3A_1077 : i32 to vector<16xi32>
      %and3A_1079 = arith.andi %shift_right_logical3A_1076, %and3A_1078 : vector<16xi32>
      %or3A_1080 = arith.ori %or3A_1073, %and3A_1079 : vector<16xi32>
      %swap3A_1081 = arith.constant 464 : index
      %swap3A_1082 = tpu.vector_load %arg5[%swap3A_1081] {strides = array<i32>} : memref<1280xi32, #tpu.memory_space<vmem>>, vector<16xi32>,
      %swap3A_1083 = vector.shape_cast %swap3A_1082 : vector<16xi32> to vector<16xi32>
      %swap3A_1084 = vector.shape_cast %or3A_1080 : vector<16xi32> to vector<16xi32>
      tpu.vector_store %arg5[%swap3A_1081], %swap3A_1084 {strides = array<i32>} : memref<1280xi32, #tpu.memory_space<vmem>>, vector<16xi32>,
      %shift_right_logical3A_1085 = arith.constant 7 : i32
      %shift_right_logical3A_1086 = arith.shrui %multiple_of3A, %shift_right_logical3A_1085 : i32
      %add3A_1087 = arith.constant 3 : i32
      %add3A_1088 = arith.addi %shift_right_logical3A_1086, %add3A_1087 : i32
      %and3A_1089 = arith.constant 1 : i32
      %and3A_1090 = arith.andi %add3A_1088, %and3A_1089 : i32
      %get3A_1091 = arith.constant 480 : index
      %get3A_1092 = tpu.vector_load %arg5[%get3A_1091] {strides = array<i32>} : memref<1280xi32, #tpu.memory_space<vmem>>, vector<16xi32>,
      %get3A_1093 = vector.shape_cast %get3A_1092 : vector<16xi32> to vector<16xi32>
      %mul3A_1094 = arith.constant 1000000 : i32
      %mul3A_1095 = arith.muli %and3A_1090, %mul3A_1094 : i32
      %add3A_1096 = vector.broadcast %mul3A_1095 : i32 to vector<16xi32>
      %add3A_1097 = arith.addi %get3A_1093, %add3A_1096 : vector<16xi32>
      %not3A_1098 = arith.constant 127 : i32
      %not3A_1099 = arith.constant -1 : i32
      %not3A_1100 = arith.xori %not3A_1098, %not3A_1099 : i32
      %and3A_1101 = vector.broadcast %not3A_1100 : i32 to vector<16xi32>
      %and3A_1102 = arith.andi %add3A_1097, %and3A_1101 : vector<16xi32>
      %and3A_1103 = arith.constant 31 : i32
      %and3A_1104 = vector.broadcast %and3A_1103 : i32 to vector<16xi32>
      %and3A_1105 = arith.andi %add3A_1097, %and3A_1104 : vector<16xi32>
      %shift_left3A_1106 = arith.constant 2 : i32
      %shift_left3A_1107 = vector.broadcast %shift_left3A_1106 : i32 to vector<16xi32>
      %shift_left3A_1108 = arith.shli %and3A_1105, %shift_left3A_1107 : vector<16xi32>
      %or3A_1109 = arith.ori %and3A_1102, %shift_left3A_1108 : vector<16xi32>
      %shift_right_logical3A_1110 = arith.constant 5 : i32
      %shift_right_logical3A_1111 = vector.broadcast %shift_right_logical3A_1110 : i32 to vector<16xi32>
      %shift_right_logical3A_1112 = arith.shrui %add3A_1097, %shift_right_logical3A_1111 : vector<16xi32>
      %and3A_1113 = arith.constant 3 : i32
      %and3A_1114 = vector.broadcast %and3A_1113 : i32 to vector<16xi32>
      %and3A_1115 = arith.andi %shift_right_logical3A_1112, %and3A_1114 : vector<16xi32>
      %or3A_1116 = arith.ori %or3A_1109, %and3A_1115 : vector<16xi32>
      %swap3A_1117 = arith.constant 480 : index
      %swap3A_1118 = tpu.vector_load %arg5[%swap3A_1117] {strides = array<i32>} : memref<1280xi32, #tpu.memory_space<vmem>>, vector<16xi32>,
      %swap3A_1119 = vector.shape_cast %swap3A_1118 : vector<16xi32> to vector<16xi32>
      %swap3A_1120 = vector.shape_cast %or3A_1116 : vector<16xi32> to vector<16xi32>
      tpu.vector_store %arg5[%swap3A_1117], %swap3A_1120 {strides = array<i32>} : memref<1280xi32, #tpu.memory_space<vmem>>, vector<16xi32>,
      %shift_right_logical3A_1121 = arith.constant 7 : i32
      %shift_right_logical3A_1122 = arith.shrui %multiple_of3A, %shift_right_logical3A_1121 : i32
      %add3A_1123 = arith.constant 3 : i32
      %add3A_1124 = arith.addi %shift_right_logical3A_1122, %add3A_1123 : i32
      %and3A_1125 = arith.constant 1 : i32
      %and3A_1126 = arith.andi %add3A_1124, %and3A_1125 : i32
      %get3A_1127 = arith.constant 496 : index
      %get3A_1128 = tpu.vector_load %arg5[%get3A_1127] {strides = array<i32>} : memref<1280xi32, #tpu.memory_space<vmem>>, vector<16xi32>,
      %get3A_1129 = vector.shape_cast %get3A_1128 : vector<16xi32> to vector<16xi32>
      %mul3A_1130 = arith.constant 1000000 : i32
      %mul3A_1131 = arith.muli %and3A_1126, %mul3A_1130 : i32
      %add3A_1132 = vector.broadcast %mul3A_1131 : i32 to vector<16xi32>
      %add3A_1133 = arith.addi %get3A_1129, %add3A_1132 : vector<16xi32>
      %not3A_1134 = arith.constant 127 : i32
      %not3A_1135 = arith.constant -1 : i32
      %not3A_1136 = arith.xori %not3A_1134, %not3A_1135 : i32
      %and3A_1137 = vector.broadcast %not3A_1136 : i32 to vector<16xi32>
      %and3A_1138 = arith.andi %add3A_1133, %and3A_1137 : vector<16xi32>
      %and3A_1139 = arith.constant 31 : i32
      %and3A_1140 = vector.broadcast %and3A_1139 : i32 to vector<16xi32>
      %and3A_1141 = arith.andi %add3A_1133, %and3A_1140 : vector<16xi32>
      %shift_left3A_1142 = arith.constant 2 : i32
      %shift_left3A_1143 = vector.broadcast %shift_left3A_1142 : i32 to vector<16xi32>
      %shift_left3A_1144 = arith.shli %and3A_1141, %shift_left3A_1143 : vector<16xi32>
      %or3A_1145 = arith.ori %and3A_1138, %shift_left3A_1144 : vector<16xi32>
      %shift_right_logical3A_1146 = arith.constant 5 : i32
      %shift_right_logical3A_1147 = vector.broadcast %shift_right_logical3A_1146 : i32 to vector<16xi32>
      %shift_right_logical3A_1148 = arith.shrui %add3A_1133, %shift_right_logical3A_1147 : vector<16xi32>
      %and3A_1149 = arith.constant 3 : i32
      %and3A_1150 = vector.broadcast %and3A_1149 : i32 to vector<16xi32>
      %and3A_1151 = arith.andi %shift_right_logical3A_1148, %and3A_1150 : vector<16xi32>
      %or3A_1152 = arith.ori %or3A_1145, %and3A_1151 : vector<16xi32>
      %swap3A_1153 = arith.constant 496 : index
      %swap3A_1154 = tpu.vector_load %arg5[%swap3A_1153] {strides = array<i32>} : memref<1280xi32, #tpu.memory_space<vmem>>, vector<16xi32>,
      %swap3A_1155 = vector.shape_cast %swap3A_1154 : vector<16xi32> to vector<16xi32>
      %swap3A_1156 = vector.shape_cast %or3A_1152 : vector<16xi32> to vector<16xi32>
      tpu.vector_store %arg5[%swap3A_1153], %swap3A_1156 {strides = array<i32>} : memref<1280xi32, #tpu.memory_space<vmem>>, vector<16xi32>,
      %shift_right_logical3A_1157 = arith.constant 7 : i32
      %shift_right_logical3A_1158 = arith.shrui %multiple_of3A, %shift_right_logical3A_1157 : i32
      %add3A_1159 = arith.constant 4 : i32
      %add3A_1160 = arith.addi %shift_right_logical3A_1158, %add3A_1159 : i32
      %and3A_1161 = arith.constant 1 : i32
      %and3A_1162 = arith.andi %add3A_1160, %and3A_1161 : i32
      %get3A_1163 = arith.constant 512 : index
      %get3A_1164 = tpu.vector_load %arg5[%get3A_1163] {strides = array<i32>} : memref<1280xi32, #tpu.memory_space<vmem>>, vector<16xi32>,
      %get3A_1165 = vector.shape_cast %get3A_1164 : vector<16xi32> to vector<16xi32>
      %mul3A_1166 = arith.constant 1000000 : i32
      %mul3A_1167 = arith.muli %and3A_1162, %mul3A_1166 : i32
      %add3A_1168 = vector.broadcast %mul3A_1167 : i32 to vector<16xi32>
      %add3A_1169 = arith.addi %get3A_1165, %add3A_1168 : vector<16xi32>
      %not3A_1170 = arith.constant 127 : i32
      %not3A_1171 = arith.constant -1 : i32
      %not3A_1172 = arith.xori %not3A_1170, %not3A_1171 : i32
      %and3A_1173 = vector.broadcast %not3A_1172 : i32 to vector<16xi32>
      %and3A_1174 = arith.andi %add3A_1169, %and3A_1173 : vector<16xi32>
      %and3A_1175 = arith.constant 31 : i32
      %and3A_1176 = vector.broadcast %and3A_1175 : i32 to vector<16xi32>
      %and3A_1177 = arith.andi %add3A_1169, %and3A_1176 : vector<16xi32>
      %shift_left3A_1178 = arith.constant 2 : i32
      %shift_left3A_1179 = vector.broadcast %shift_left3A_1178 : i32 to vector<16xi32>
      %shift_left3A_1180 = arith.shli %and3A_1177, %shift_left3A_1179 : vector<16xi32>
      %or3A_1181 = arith.ori %and3A_1174, %shift_left3A_1180 : vector<16xi32>
      %shift_right_logical3A_1182 = arith.constant 5 : i32
      %shift_right_logical3A_1183 = vector.broadcast %shift_right_logical3A_1182 : i32 to vector<16xi32>
      %shift_right_logical3A_1184 = arith.shrui %add3A_1169, %shift_right_logical3A_1183 : vector<16xi32>
      %and3A_1185 = arith.constant 3 : i32
      %and3A_1186 = vector.broadcast %and3A_1185 : i32 to vector<16xi32>
      %and3A_1187 = arith.andi %shift_right_logical3A_1184, %and3A_1186 : vector<16xi32>
      %or3A_1188 = arith.ori %or3A_1181, %and3A_1187 : vector<16xi32>
      %swap3A_1189 = arith.constant 512 : index
      %swap3A_1190 = tpu.vector_load %arg5[%swap3A_1189] {strides = array<i32>} : memref<1280xi32, #tpu.memory_space<vmem>>, vector<16xi32>,
      %swap3A_1191 = vector.shape_cast %swap3A_1190 : vector<16xi32> to vector<16xi32>
      %swap3A_1192 = vector.shape_cast %or3A_1188 : vector<16xi32> to vector<16xi32>
      tpu.vector_store %arg5[%swap3A_1189], %swap3A_1192 {strides = array<i32>} : memref<1280xi32, #tpu.memory_space<vmem>>, vector<16xi32>,
      %shift_right_logical3A_1193 = arith.constant 7 : i32
      %shift_right_logical3A_1194 = arith.shrui %multiple_of3A, %shift_right_logical3A_1193 : i32
      %add3A_1195 = arith.constant 4 : i32
      %add3A_1196 = arith.addi %shift_right_logical3A_1194, %add3A_1195 : i32
      %and3A_1197 = arith.constant 1 : i32
      %and3A_1198 = arith.andi %add3A_1196, %and3A_1197 : i32
      %get3A_1199 = arith.constant 528 : index
      %get3A_1200 = tpu.vector_load %arg5[%get3A_1199] {strides = array<i32>} : memref<1280xi32, #tpu.memory_space<vmem>>, vector<16xi32>,
      %get3A_1201 = vector.shape_cast %get3A_1200 : vector<16xi32> to vector<16xi32>
      %mul3A_1202 = arith.constant 1000000 : i32
      %mul3A_1203 = arith.muli %and3A_1198, %mul3A_1202 : i32
      %add3A_1204 = vector.broadcast %mul3A_1203 : i32 to vector<16xi32>
      %add3A_1205 = arith.addi %get3A_1201, %add3A_1204 : vector<16xi32>
      %not3A_1206 = arith.constant 127 : i32
      %not3A_1207 = arith.constant -1 : i32
      %not3A_1208 = arith.xori %not3A_1206, %not3A_1207 : i32
      %and3A_1209 = vector.broadcast %not3A_1208 : i32 to vector<16xi32>
      %and3A_1210 = arith.andi %add3A_1205, %and3A_1209 : vector<16xi32>
      %and3A_1211 = arith.constant 31 : i32
      %and3A_1212 = vector.broadcast %and3A_1211 : i32 to vector<16xi32>
      %and3A_1213 = arith.andi %add3A_1205, %and3A_1212 : vector<16xi32>
      %shift_left3A_1214 = arith.constant 2 : i32
      %shift_left3A_1215 = vector.broadcast %shift_left3A_1214 : i32 to vector<16xi32>
      %shift_left3A_1216 = arith.shli %and3A_1213, %shift_left3A_1215 : vector<16xi32>
      %or3A_1217 = arith.ori %and3A_1210, %shift_left3A_1216 : vector<16xi32>
      %shift_right_logical3A_1218 = arith.constant 5 : i32
      %shift_right_logical3A_1219 = vector.broadcast %shift_right_logical3A_1218 : i32 to vector<16xi32>
      %shift_right_logical3A_1220 = arith.shrui %add3A_1205, %shift_right_logical3A_1219 : vector<16xi32>
      %and3A_1221 = arith.constant 3 : i32
      %and3A_1222 = vector.broadcast %and3A_1221 : i32 to vector<16xi32>
      %and3A_1223 = arith.andi %shift_right_logical3A_1220, %and3A_1222 : vector<16xi32>
      %or3A_1224 = arith.ori %or3A_1217, %and3A_1223 : vector<16xi32>
      %swap3A_1225 = arith.constant 528 : index
      %swap3A_1226 = tpu.vector_load %arg5[%swap3A_1225] {strides = array<i32>} : memref<1280xi32, #tpu.memory_space<vmem>>, vector<16xi32>,
      %swap3A_1227 = vector.shape_cast %swap3A_1226 : vector<16xi32> to vector<16xi32>
      %swap3A_1228 = vector.shape_cast %or3A_1224 : vector<16xi32> to vector<16xi32>
      tpu.vector_store %arg5[%swap3A_1225], %swap3A_1228 {strides = array<i32>} : memref<1280xi32, #tpu.memory_space<vmem>>, vector<16xi32>,
      %shift_right_logical3A_1229 = arith.constant 7 : i32
      %shift_right_logical3A_1230 = arith.shrui %multiple_of3A, %shift_right_logical3A_1229 : i32
      %add3A_1231 = arith.constant 4 : i32
      %add3A_1232 = arith.addi %shift_right_logical3A_1230, %add3A_1231 : i32
      %and3A_1233 = arith.constant 1 : i32
      %and3A_1234 = arith.andi %add3A_1232, %and3A_1233 : i32
      %get3A_1235 = arith.constant 544 : index
      %get3A_1236 = tpu.vector_load %arg5[%get3A_1235] {strides = array<i32>} : memref<1280xi32, #tpu.memory_space<vmem>>, vector<16xi32>,
      %get3A_1237 = vector.shape_cast %get3A_1236 : vector<16xi32> to vector<16xi32>
      %mul3A_1238 = arith.constant 1000000 : i32
      %mul3A_1239 = arith.muli %and3A_1234, %mul3A_1238 : i32
      %add3A_1240 = vector.broadcast %mul3A_1239 : i32 to vector<16xi32>
      %add3A_1241 = arith.addi %get3A_1237, %add3A_1240 : vector<16xi32>
      %not3A_1242 = arith.constant 127 : i32
      %not3A_1243 = arith.constant -1 : i32
      %not3A_1244 = arith.xori %not3A_1242, %not3A_1243 : i32
      %and3A_1245 = vector.broadcast %not3A_1244 : i32 to vector<16xi32>
      %and3A_1246 = arith.andi %add3A_1241, %and3A_1245 : vector<16xi32>
      %and3A_1247 = arith.constant 31 : i32
      %and3A_1248 = vector.broadcast %and3A_1247 : i32 to vector<16xi32>
      %and3A_1249 = arith.andi %add3A_1241, %and3A_1248 : vector<16xi32>
      %shift_left3A_1250 = arith.constant 2 : i32
      %shift_left3A_1251 = vector.broadcast %shift_left3A_1250 : i32 to vector<16xi32>
      %shift_left3A_1252 = arith.shli %and3A_1249, %shift_left3A_1251 : vector<16xi32>
      %or3A_1253 = arith.ori %and3A_1246, %shift_left3A_1252 : vector<16xi32>
      %shift_right_logical3A_1254 = arith.constant 5 : i32
      %shift_right_logical3A_1255 = vector.broadcast %shift_right_logical3A_1254 : i32 to vector<16xi32>
      %shift_right_logical3A_1256 = arith.shrui %add3A_1241, %shift_right_logical3A_1255 : vector<16xi32>
      %and3A_1257 = arith.constant 3 : i32
      %and3A_1258 = vector.broadcast %and3A_1257 : i32 to vector<16xi32>
      %and3A_1259 = arith.andi %shift_right_logical3A_1256, %and3A_1258 : vector<16xi32>
      %or3A_1260 = arith.ori %or3A_1253, %and3A_1259 : vector<16xi32>
      %swap3A_1261 = arith.constant 544 : index
      %swap3A_1262 = tpu.vector_load %arg5[%swap3A_1261] {strides = array<i32>} : memref<1280xi32, #tpu.memory_space<vmem>>, vector<16xi32>,
      %swap3A_1263 = vector.shape_cast %swap3A_1262 : vector<16xi32> to vector<16xi32>
      %swap3A_1264 = vector.shape_cast %or3A_1260 : vector<16xi32> to vector<16xi32>
      tpu.vector_store %arg5[%swap3A_1261], %swap3A_1264 {strides = array<i32>} : memref<1280xi32, #tpu.memory_space<vmem>>, vector<16xi32>,
      %shift_right_logical3A_1265 = arith.constant 7 : i32
      %shift_right_logical3A_1266 = arith.shrui %multiple_of3A, %shift_right_logical3A_1265 : i32
      %add3A_1267 = arith.constant 4 : i32
      %add3A_1268 = arith.addi %shift_right_logical3A_1266, %add3A_1267 : i32
      %and3A_1269 = arith.constant 1 : i32
      %and3A_1270 = arith.andi %add3A_1268, %and3A_1269 : i32
      %get3A_1271 = arith.constant 560 : index
      %get3A_1272 = tpu.vector_load %arg5[%get3A_1271] {strides = array<i32>} : memref<1280xi32, #tpu.memory_space<vmem>>, vector<16xi32>,
      %get3A_1273 = vector.shape_cast %get3A_1272 : vector<16xi32> to vector<16xi32>
      %mul3A_1274 = arith.constant 1000000 : i32
      %mul3A_1275 = arith.muli %and3A_1270, %mul3A_1274 : i32
      %add3A_1276 = vector.broadcast %mul3A_1275 : i32 to vector<16xi32>
      %add3A_1277 = arith.addi %get3A_1273, %add3A_1276 : vector<16xi32>
      %not3A_1278 = arith.constant 127 : i32
      %not3A_1279 = arith.constant -1 : i32
      %not3A_1280 = arith.xori %not3A_1278, %not3A_1279 : i32
      %and3A_1281 = vector.broadcast %not3A_1280 : i32 to vector<16xi32>
      %and3A_1282 = arith.andi %add3A_1277, %and3A_1281 : vector<16xi32>
      %and3A_1283 = arith.constant 31 : i32
      %and3A_1284 = vector.broadcast %and3A_1283 : i32 to vector<16xi32>
      %and3A_1285 = arith.andi %add3A_1277, %and3A_1284 : vector<16xi32>
      %shift_left3A_1286 = arith.constant 2 : i32
      %shift_left3A_1287 = vector.broadcast %shift_left3A_1286 : i32 to vector<16xi32>
      %shift_left3A_1288 = arith.shli %and3A_1285, %shift_left3A_1287 : vector<16xi32>
      %or3A_1289 = arith.ori %and3A_1282, %shift_left3A_1288 : vector<16xi32>
      %shift_right_logical3A_1290 = arith.constant 5 : i32
      %shift_right_logical3A_1291 = vector.broadcast %shift_right_logical3A_1290 : i32 to vector<16xi32>
      %shift_right_logical3A_1292 = arith.shrui %add3A_1277, %shift_right_logical3A_1291 : vector<16xi32>
      %and3A_1293 = arith.constant 3 : i32
      %and3A_1294 = vector.broadcast %and3A_1293 : i32 to vector<16xi32>
      %and3A_1295 = arith.andi %shift_right_logical3A_1292, %and3A_1294 : vector<16xi32>
      %or3A_1296 = arith.ori %or3A_1289, %and3A_1295 : vector<16xi32>
      %swap3A_1297 = arith.constant 560 : index
      %swap3A_1298 = tpu.vector_load %arg5[%swap3A_1297] {strides = array<i32>} : memref<1280xi32, #tpu.memory_space<vmem>>, vector<16xi32>,
      %swap3A_1299 = vector.shape_cast %swap3A_1298 : vector<16xi32> to vector<16xi32>
      %swap3A_1300 = vector.shape_cast %or3A_1296 : vector<16xi32> to vector<16xi32>
      tpu.vector_store %arg5[%swap3A_1297], %swap3A_1300 {strides = array<i32>} : memref<1280xi32, #tpu.memory_space<vmem>>, vector<16xi32>,
      %shift_right_logical3A_1301 = arith.constant 7 : i32
      %shift_right_logical3A_1302 = arith.shrui %multiple_of3A, %shift_right_logical3A_1301 : i32
      %add3A_1303 = arith.constant 4 : i32
      %add3A_1304 = arith.addi %shift_right_logical3A_1302, %add3A_1303 : i32
      %and3A_1305 = arith.constant 1 : i32
      %and3A_1306 = arith.andi %add3A_1304, %and3A_1305 : i32
      %get3A_1307 = arith.constant 576 : index
      %get3A_1308 = tpu.vector_load %arg5[%get3A_1307] {strides = array<i32>} : memref<1280xi32, #tpu.memory_space<vmem>>, vector<16xi32>,
      %get3A_1309 = vector.shape_cast %get3A_1308 : vector<16xi32> to vector<16xi32>
      %mul3A_1310 = arith.constant 1000000 : i32
      %mul3A_1311 = arith.muli %and3A_1306, %mul3A_1310 : i32
      %add3A_1312 = vector.broadcast %mul3A_1311 : i32 to vector<16xi32>
      %add3A_1313 = arith.addi %get3A_1309, %add3A_1312 : vector<16xi32>
      %not3A_1314 = arith.constant 127 : i32
      %not3A_1315 = arith.constant -1 : i32
      %not3A_1316 = arith.xori %not3A_1314, %not3A_1315 : i32
      %and3A_1317 = vector.broadcast %not3A_1316 : i32 to vector<16xi32>
      %and3A_1318 = arith.andi %add3A_1313, %and3A_1317 : vector<16xi32>
      %and3A_1319 = arith.constant 31 : i32
      %and3A_1320 = vector.broadcast %and3A_1319 : i32 to vector<16xi32>
      %and3A_1321 = arith.andi %add3A_1313, %and3A_1320 : vector<16xi32>
      %shift_left3A_1322 = arith.constant 2 : i32
      %shift_left3A_1323 = vector.broadcast %shift_left3A_1322 : i32 to vector<16xi32>
      %shift_left3A_1324 = arith.shli %and3A_1321, %shift_left3A_1323 : vector<16xi32>
      %or3A_1325 = arith.ori %and3A_1318, %shift_left3A_1324 : vector<16xi32>
      %shift_right_logical3A_1326 = arith.constant 5 : i32
      %shift_right_logical3A_1327 = vector.broadcast %shift_right_logical3A_1326 : i32 to vector<16xi32>
      %shift_right_logical3A_1328 = arith.shrui %add3A_1313, %shift_right_logical3A_1327 : vector<16xi32>
      %and3A_1329 = arith.constant 3 : i32
      %and3A_1330 = vector.broadcast %and3A_1329 : i32 to vector<16xi32>
      %and3A_1331 = arith.andi %shift_right_logical3A_1328, %and3A_1330 : vector<16xi32>
      %or3A_1332 = arith.ori %or3A_1325, %and3A_1331 : vector<16xi32>
      %swap3A_1333 = arith.constant 576 : index
      %swap3A_1334 = tpu.vector_load %arg5[%swap3A_1333] {strides = array<i32>} : memref<1280xi32, #tpu.memory_space<vmem>>, vector<16xi32>,
      %swap3A_1335 = vector.shape_cast %swap3A_1334 : vector<16xi32> to vector<16xi32>
      %swap3A_1336 = vector.shape_cast %or3A_1332 : vector<16xi32> to vector<16xi32>
      tpu.vector_store %arg5[%swap3A_1333], %swap3A_1336 {strides = array<i32>} : memref<1280xi32, #tpu.memory_space<vmem>>, vector<16xi32>,
      %shift_right_logical3A_1337 = arith.constant 7 : i32
      %shift_right_logical3A_1338 = arith.shrui %multiple_of3A, %shift_right_logical3A_1337 : i32
      %add3A_1339 = arith.constant 4 : i32
      %add3A_1340 = arith.addi %shift_right_logical3A_1338, %add3A_1339 : i32
      %and3A_1341 = arith.constant 1 : i32
      %and3A_1342 = arith.andi %add3A_1340, %and3A_1341 : i32
      %get3A_1343 = arith.constant 592 : index
      %get3A_1344 = tpu.vector_load %arg5[%get3A_1343] {strides = array<i32>} : memref<1280xi32, #tpu.memory_space<vmem>>, vector<16xi32>,
      %get3A_1345 = vector.shape_cast %get3A_1344 : vector<16xi32> to vector<16xi32>
      %mul3A_1346 = arith.constant 1000000 : i32
      %mul3A_1347 = arith.muli %and3A_1342, %mul3A_1346 : i32
      %add3A_1348 = vector.broadcast %mul3A_1347 : i32 to vector<16xi32>
      %add3A_1349 = arith.addi %get3A_1345, %add3A_1348 : vector<16xi32>
      %not3A_1350 = arith.constant 127 : i32
      %not3A_1351 = arith.constant -1 : i32
      %not3A_1352 = arith.xori %not3A_1350, %not3A_1351 : i32
      %and3A_1353 = vector.broadcast %not3A_1352 : i32 to vector<16xi32>
      %and3A_1354 = arith.andi %add3A_1349, %and3A_1353 : vector<16xi32>
      %and3A_1355 = arith.constant 31 : i32
      %and3A_1356 = vector.broadcast %and3A_1355 : i32 to vector<16xi32>
      %and3A_1357 = arith.andi %add3A_1349, %and3A_1356 : vector<16xi32>
      %shift_left3A_1358 = arith.constant 2 : i32
      %shift_left3A_1359 = vector.broadcast %shift_left3A_1358 : i32 to vector<16xi32>
      %shift_left3A_1360 = arith.shli %and3A_1357, %shift_left3A_1359 : vector<16xi32>
      %or3A_1361 = arith.ori %and3A_1354, %shift_left3A_1360 : vector<16xi32>
      %shift_right_logical3A_1362 = arith.constant 5 : i32
      %shift_right_logical3A_1363 = vector.broadcast %shift_right_logical3A_1362 : i32 to vector<16xi32>
      %shift_right_logical3A_1364 = arith.shrui %add3A_1349, %shift_right_logical3A_1363 : vector<16xi32>
      %and3A_1365 = arith.constant 3 : i32
      %and3A_1366 = vector.broadcast %and3A_1365 : i32 to vector<16xi32>
      %and3A_1367 = arith.andi %shift_right_logical3A_1364, %and3A_1366 : vector<16xi32>
      %or3A_1368 = arith.ori %or3A_1361, %and3A_1367 : vector<16xi32>
      %swap3A_1369 = arith.constant 592 : index
      %swap3A_1370 = tpu.vector_load %arg5[%swap3A_1369] {strides = array<i32>} : memref<1280xi32, #tpu.memory_space<vmem>>, vector<16xi32>,
      %swap3A_1371 = vector.shape_cast %swap3A_1370 : vector<16xi32> to vector<16xi32>
      %swap3A_1372 = vector.shape_cast %or3A_1368 : vector<16xi32> to vector<16xi32>
      tpu.vector_store %arg5[%swap3A_1369], %swap3A_1372 {strides = array<i32>} : memref<1280xi32, #tpu.memory_space<vmem>>, vector<16xi32>,
      %shift_right_logical3A_1373 = arith.constant 7 : i32
      %shift_right_logical3A_1374 = arith.shrui %multiple_of3A, %shift_right_logical3A_1373 : i32
      %add3A_1375 = arith.constant 4 : i32
      %add3A_1376 = arith.addi %shift_right_logical3A_1374, %add3A_1375 : i32
      %and3A_1377 = arith.constant 1 : i32
      %and3A_1378 = arith.andi %add3A_1376, %and3A_1377 : i32
      %get3A_1379 = arith.constant 608 : index
      %get3A_1380 = tpu.vector_load %arg5[%get3A_1379] {strides = array<i32>} : memref<1280xi32, #tpu.memory_space<vmem>>, vector<16xi32>,
      %get3A_1381 = vector.shape_cast %get3A_1380 : vector<16xi32> to vector<16xi32>
      %mul3A_1382 = arith.constant 1000000 : i32
      %mul3A_1383 = arith.muli %and3A_1378, %mul3A_1382 : i32
      %add3A_1384 = vector.broadcast %mul3A_1383 : i32 to vector<16xi32>
      %add3A_1385 = arith.addi %get3A_1381, %add3A_1384 : vector<16xi32>
      %not3A_1386 = arith.constant 127 : i32
      %not3A_1387 = arith.constant -1 : i32
      %not3A_1388 = arith.xori %not3A_1386, %not3A_1387 : i32
      %and3A_1389 = vector.broadcast %not3A_1388 : i32 to vector<16xi32>
      %and3A_1390 = arith.andi %add3A_1385, %and3A_1389 : vector<16xi32>
      %and3A_1391 = arith.constant 31 : i32
      %and3A_1392 = vector.broadcast %and3A_1391 : i32 to vector<16xi32>
      %and3A_1393 = arith.andi %add3A_1385, %and3A_1392 : vector<16xi32>
      %shift_left3A_1394 = arith.constant 2 : i32
      %shift_left3A_1395 = vector.broadcast %shift_left3A_1394 : i32 to vector<16xi32>
      %shift_left3A_1396 = arith.shli %and3A_1393, %shift_left3A_1395 : vector<16xi32>
      %or3A_1397 = arith.ori %and3A_1390, %shift_left3A_1396 : vector<16xi32>
      %shift_right_logical3A_1398 = arith.constant 5 : i32
      %shift_right_logical3A_1399 = vector.broadcast %shift_right_logical3A_1398 : i32 to vector<16xi32>
      %shift_right_logical3A_1400 = arith.shrui %add3A_1385, %shift_right_logical3A_1399 : vector<16xi32>
      %and3A_1401 = arith.constant 3 : i32
      %and3A_1402 = vector.broadcast %and3A_1401 : i32 to vector<16xi32>
      %and3A_1403 = arith.andi %shift_right_logical3A_1400, %and3A_1402 : vector<16xi32>
      %or3A_1404 = arith.ori %or3A_1397, %and3A_1403 : vector<16xi32>
      %swap3A_1405 = arith.constant 608 : index
      %swap3A_1406 = tpu.vector_load %arg5[%swap3A_1405] {strides = array<i32>} : memref<1280xi32, #tpu.memory_space<vmem>>, vector<16xi32>,
      %swap3A_1407 = vector.shape_cast %swap3A_1406 : vector<16xi32> to vector<16xi32>
      %swap3A_1408 = vector.shape_cast %or3A_1404 : vector<16xi32> to vector<16xi32>
      tpu.vector_store %arg5[%swap3A_1405], %swap3A_1408 {strides = array<i32>} : memref<1280xi32, #tpu.memory_space<vmem>>, vector<16xi32>,
      %shift_right_logical3A_1409 = arith.constant 7 : i32
      %shift_right_logical3A_1410 = arith.shrui %multiple_of3A, %shift_right_logical3A_1409 : i32
      %add3A_1411 = arith.constant 4 : i32
      %add3A_1412 = arith.addi %shift_right_logical3A_1410, %add3A_1411 : i32
      %and3A_1413 = arith.constant 1 : i32
      %and3A_1414 = arith.andi %add3A_1412, %and3A_1413 : i32
      %get3A_1415 = arith.constant 624 : index
      %get3A_1416 = tpu.vector_load %arg5[%get3A_1415] {strides = array<i32>} : memref<1280xi32, #tpu.memory_space<vmem>>, vector<16xi32>,
      %get3A_1417 = vector.shape_cast %get3A_1416 : vector<16xi32> to vector<16xi32>
      %mul3A_1418 = arith.constant 1000000 : i32
      %mul3A_1419 = arith.muli %and3A_1414, %mul3A_1418 : i32
      %add3A_1420 = vector.broadcast %mul3A_1419 : i32 to vector<16xi32>
      %add3A_1421 = arith.addi %get3A_1417, %add3A_1420 : vector<16xi32>
      %not3A_1422 = arith.constant 127 : i32
      %not3A_1423 = arith.constant -1 : i32
      %not3A_1424 = arith.xori %not3A_1422, %not3A_1423 : i32
      %and3A_1425 = vector.broadcast %not3A_1424 : i32 to vector<16xi32>
      %and3A_1426 = arith.andi %add3A_1421, %and3A_1425 : vector<16xi32>
      %and3A_1427 = arith.constant 31 : i32
      %and3A_1428 = vector.broadcast %and3A_1427 : i32 to vector<16xi32>
      %and3A_1429 = arith.andi %add3A_1421, %and3A_1428 : vector<16xi32>
      %shift_left3A_1430 = arith.constant 2 : i32
      %shift_left3A_1431 = vector.broadcast %shift_left3A_1430 : i32 to vector<16xi32>
      %shift_left3A_1432 = arith.shli %and3A_1429, %shift_left3A_1431 : vector<16xi32>
      %or3A_1433 = arith.ori %and3A_1426, %shift_left3A_1432 : vector<16xi32>
      %shift_right_logical3A_1434 = arith.constant 5 : i32
      %shift_right_logical3A_1435 = vector.broadcast %shift_right_logical3A_1434 : i32 to vector<16xi32>
      %shift_right_logical3A_1436 = arith.shrui %add3A_1421, %shift_right_logical3A_1435 : vector<16xi32>
      %and3A_1437 = arith.constant 3 : i32
      %and3A_1438 = vector.broadcast %and3A_1437 : i32 to vector<16xi32>
      %and3A_1439 = arith.andi %shift_right_logical3A_1436, %and3A_1438 : vector<16xi32>
      %or3A_1440 = arith.ori %or3A_1433, %and3A_1439 : vector<16xi32>
      %swap3A_1441 = arith.constant 624 : index
      %swap3A_1442 = tpu.vector_load %arg5[%swap3A_1441] {strides = array<i32>} : memref<1280xi32, #tpu.memory_space<vmem>>, vector<16xi32>,
      %swap3A_1443 = vector.shape_cast %swap3A_1442 : vector<16xi32> to vector<16xi32>
      %swap3A_1444 = vector.shape_cast %or3A_1440 : vector<16xi32> to vector<16xi32>
      tpu.vector_store %arg5[%swap3A_1441], %swap3A_1444 {strides = array<i32>} : memref<1280xi32, #tpu.memory_space<vmem>>, vector<16xi32>,
      %shift_right_logical3A_1445 = arith.constant 7 : i32
      %shift_right_logical3A_1446 = arith.shrui %multiple_of3A, %shift_right_logical3A_1445 : i32
      %add3A_1447 = arith.constant 5 : i32
      %add3A_1448 = arith.addi %shift_right_logical3A_1446, %add3A_1447 : i32
      %and3A_1449 = arith.constant 1 : i32
      %and3A_1450 = arith.andi %add3A_1448, %and3A_1449 : i32
      %get3A_1451 = arith.constant 640 : index
      %get3A_1452 = tpu.vector_load %arg5[%get3A_1451] {strides = array<i32>} : memref<1280xi32, #tpu.memory_space<vmem>>, vector<16xi32>,
      %get3A_1453 = vector.shape_cast %get3A_1452 : vector<16xi32> to vector<16xi32>
      %mul3A_1454 = arith.constant 1000000 : i32
      %mul3A_1455 = arith.muli %and3A_1450, %mul3A_1454 : i32
      %add3A_1456 = vector.broadcast %mul3A_1455 : i32 to vector<16xi32>
      %add3A_1457 = arith.addi %get3A_1453, %add3A_1456 : vector<16xi32>
      %not3A_1458 = arith.constant 127 : i32
      %not3A_1459 = arith.constant -1 : i32
      %not3A_1460 = arith.xori %not3A_1458, %not3A_1459 : i32
      %and3A_1461 = vector.broadcast %not3A_1460 : i32 to vector<16xi32>
      %and3A_1462 = arith.andi %add3A_1457, %and3A_1461 : vector<16xi32>
      %and3A_1463 = arith.constant 31 : i32
      %and3A_1464 = vector.broadcast %and3A_1463 : i32 to vector<16xi32>
      %and3A_1465 = arith.andi %add3A_1457, %and3A_1464 : vector<16xi32>
      %shift_left3A_1466 = arith.constant 2 : i32
      %shift_left3A_1467 = vector.broadcast %shift_left3A_1466 : i32 to vector<16xi32>
      %shift_left3A_1468 = arith.shli %and3A_1465, %shift_left3A_1467 : vector<16xi32>
      %or3A_1469 = arith.ori %and3A_1462, %shift_left3A_1468 : vector<16xi32>
      %shift_right_logical3A_1470 = arith.constant 5 : i32
      %shift_right_logical3A_1471 = vector.broadcast %shift_right_logical3A_1470 : i32 to vector<16xi32>
      %shift_right_logical3A_1472 = arith.shrui %add3A_1457, %shift_right_logical3A_1471 : vector<16xi32>
      %and3A_1473 = arith.constant 3 : i32
      %and3A_1474 = vector.broadcast %and3A_1473 : i32 to vector<16xi32>
      %and3A_1475 = arith.andi %shift_right_logical3A_1472, %and3A_1474 : vector<16xi32>
      %or3A_1476 = arith.ori %or3A_1469, %and3A_1475 : vector<16xi32>
      %swap3A_1477 = arith.constant 640 : index
      %swap3A_1478 = tpu.vector_load %arg5[%swap3A_1477] {strides = array<i32>} : memref<1280xi32, #tpu.memory_space<vmem>>, vector<16xi32>,
      %swap3A_1479 = vector.shape_cast %swap3A_1478 : vector<16xi32> to vector<16xi32>
      %swap3A_1480 = vector.shape_cast %or3A_1476 : vector<16xi32> to vector<16xi32>
      tpu.vector_store %arg5[%swap3A_1477], %swap3A_1480 {strides = array<i32>} : memref<1280xi32, #tpu.memory_space<vmem>>, vector<16xi32>,
      %shift_right_logical3A_1481 = arith.constant 7 : i32
      %shift_right_logical3A_1482 = arith.shrui %multiple_of3A, %shift_right_logical3A_1481 : i32
      %add3A_1483 = arith.constant 5 : i32
      %add3A_1484 = arith.addi %shift_right_logical3A_1482, %add3A_1483 : i32
      %and3A_1485 = arith.constant 1 : i32
      %and3A_1486 = arith.andi %add3A_1484, %and3A_1485 : i32
      %get3A_1487 = arith.constant 656 : index
      %get3A_1488 = tpu.vector_load %arg5[%get3A_1487] {strides = array<i32>} : memref<1280xi32, #tpu.memory_space<vmem>>, vector<16xi32>,
      %get3A_1489 = vector.shape_cast %get3A_1488 : vector<16xi32> to vector<16xi32>
      %mul3A_1490 = arith.constant 1000000 : i32
      %mul3A_1491 = arith.muli %and3A_1486, %mul3A_1490 : i32
      %add3A_1492 = vector.broadcast %mul3A_1491 : i32 to vector<16xi32>
      %add3A_1493 = arith.addi %get3A_1489, %add3A_1492 : vector<16xi32>
      %not3A_1494 = arith.constant 127 : i32
      %not3A_1495 = arith.constant -1 : i32
      %not3A_1496 = arith.xori %not3A_1494, %not3A_1495 : i32
      %and3A_1497 = vector.broadcast %not3A_1496 : i32 to vector<16xi32>
      %and3A_1498 = arith.andi %add3A_1493, %and3A_1497 : vector<16xi32>
      %and3A_1499 = arith.constant 31 : i32
      %and3A_1500 = vector.broadcast %and3A_1499 : i32 to vector<16xi32>
      %and3A_1501 = arith.andi %add3A_1493, %and3A_1500 : vector<16xi32>
      %shift_left3A_1502 = arith.constant 2 : i32
      %shift_left3A_1503 = vector.broadcast %shift_left3A_1502 : i32 to vector<16xi32>
      %shift_left3A_1504 = arith.shli %and3A_1501, %shift_left3A_1503 : vector<16xi32>
      %or3A_1505 = arith.ori %and3A_1498, %shift_left3A_1504 : vector<16xi32>
      %shift_right_logical3A_1506 = arith.constant 5 : i32
      %shift_right_logical3A_1507 = vector.broadcast %shift_right_logical3A_1506 : i32 to vector<16xi32>
      %shift_right_logical3A_1508 = arith.shrui %add3A_1493, %shift_right_logical3A_1507 : vector<16xi32>
      %and3A_1509 = arith.constant 3 : i32
      %and3A_1510 = vector.broadcast %and3A_1509 : i32 to vector<16xi32>
      %and3A_1511 = arith.andi %shift_right_logical3A_1508, %and3A_1510 : vector<16xi32>
      %or3A_1512 = arith.ori %or3A_1505, %and3A_1511 : vector<16xi32>
      %swap3A_1513 = arith.constant 656 : index
      %swap3A_1514 = tpu.vector_load %arg5[%swap3A_1513] {strides = array<i32>} : memref<1280xi32, #tpu.memory_space<vmem>>, vector<16xi32>,
      %swap3A_1515 = vector.shape_cast %swap3A_1514 : vector<16xi32> to vector<16xi32>
      %swap3A_1516 = vector.shape_cast %or3A_1512 : vector<16xi32> to vector<16xi32>
      tpu.vector_store %arg5[%swap3A_1513], %swap3A_1516 {strides = array<i32>} : memref<1280xi32, #tpu.memory_space<vmem>>, vector<16xi32>,
      %shift_right_logical3A_1517 = arith.constant 7 : i32
      %shift_right_logical3A_1518 = arith.shrui %multiple_of3A, %shift_right_logical3A_1517 : i32
      %add3A_1519 = arith.constant 5 : i32
      %add3A_1520 = arith.addi %shift_right_logical3A_1518, %add3A_1519 : i32
      %and3A_1521 = arith.constant 1 : i32
      %and3A_1522 = arith.andi %add3A_1520, %and3A_1521 : i32
      %get3A_1523 = arith.constant 672 : index
      %get3A_1524 = tpu.vector_load %arg5[%get3A_1523] {strides = array<i32>} : memref<1280xi32, #tpu.memory_space<vmem>>, vector<16xi32>,
      %get3A_1525 = vector.shape_cast %get3A_1524 : vector<16xi32> to vector<16xi32>
      %mul3A_1526 = arith.constant 1000000 : i32
      %mul3A_1527 = arith.muli %and3A_1522, %mul3A_1526 : i32
      %add3A_1528 = vector.broadcast %mul3A_1527 : i32 to vector<16xi32>
      %add3A_1529 = arith.addi %get3A_1525, %add3A_1528 : vector<16xi32>
      %not3A_1530 = arith.constant 127 : i32
      %not3A_1531 = arith.constant -1 : i32
      %not3A_1532 = arith.xori %not3A_1530, %not3A_1531 : i32
      %and3A_1533 = vector.broadcast %not3A_1532 : i32 to vector<16xi32>
      %and3A_1534 = arith.andi %add3A_1529, %and3A_1533 : vector<16xi32>
      %and3A_1535 = arith.constant 31 : i32
      %and3A_1536 = vector.broadcast %and3A_1535 : i32 to vector<16xi32>
      %and3A_1537 = arith.andi %add3A_1529, %and3A_1536 : vector<16xi32>
      %shift_left3A_1538 = arith.constant 2 : i32
      %shift_left3A_1539 = vector.broadcast %shift_left3A_1538 : i32 to vector<16xi32>
      %shift_left3A_1540 = arith.shli %and3A_1537, %shift_left3A_1539 : vector<16xi32>
      %or3A_1541 = arith.ori %and3A_1534, %shift_left3A_1540 : vector<16xi32>
      %shift_right_logical3A_1542 = arith.constant 5 : i32
      %shift_right_logical3A_1543 = vector.broadcast %shift_right_logical3A_1542 : i32 to vector<16xi32>
      %shift_right_logical3A_1544 = arith.shrui %add3A_1529, %shift_right_logical3A_1543 : vector<16xi32>
      %and3A_1545 = arith.constant 3 : i32
      %and3A_1546 = vector.broadcast %and3A_1545 : i32 to vector<16xi32>
      %and3A_1547 = arith.andi %shift_right_logical3A_1544, %and3A_1546 : vector<16xi32>
      %or3A_1548 = arith.ori %or3A_1541, %and3A_1547 : vector<16xi32>
      %swap3A_1549 = arith.constant 672 : index
      %swap3A_1550 = tpu.vector_load %arg5[%swap3A_1549] {strides = array<i32>} : memref<1280xi32, #tpu.memory_space<vmem>>, vector<16xi32>,
      %swap3A_1551 = vector.shape_cast %swap3A_1550 : vector<16xi32> to vector<16xi32>
      %swap3A_1552 = vector.shape_cast %or3A_1548 : vector<16xi32> to vector<16xi32>
      tpu.vector_store %arg5[%swap3A_1549], %swap3A_1552 {strides = array<i32>} : memref<1280xi32, #tpu.memory_space<vmem>>, vector<16xi32>,
      %shift_right_logical3A_1553 = arith.constant 7 : i32
      %shift_right_logical3A_1554 = arith.shrui %multiple_of3A, %shift_right_logical3A_1553 : i32
      %add3A_1555 = arith.constant 5 : i32
      %add3A_1556 = arith.addi %shift_right_logical3A_1554, %add3A_1555 : i32
      %and3A_1557 = arith.constant 1 : i32
      %and3A_1558 = arith.andi %add3A_1556, %and3A_1557 : i32
      %get3A_1559 = arith.constant 688 : index
      %get3A_1560 = tpu.vector_load %arg5[%get3A_1559] {strides = array<i32>} : memref<1280xi32, #tpu.memory_space<vmem>>, vector<16xi32>,
      %get3A_1561 = vector.shape_cast %get3A_1560 : vector<16xi32> to vector<16xi32>
      %mul3A_1562 = arith.constant 1000000 : i32
      %mul3A_1563 = arith.muli %and3A_1558, %mul3A_1562 : i32
      %add3A_1564 = vector.broadcast %mul3A_1563 : i32 to vector<16xi32>
      %add3A_1565 = arith.addi %get3A_1561, %add3A_1564 : vector<16xi32>
      %not3A_1566 = arith.constant 127 : i32
      %not3A_1567 = arith.constant -1 : i32
      %not3A_1568 = arith.xori %not3A_1566, %not3A_1567 : i32
      %and3A_1569 = vector.broadcast %not3A_1568 : i32 to vector<16xi32>
      %and3A_1570 = arith.andi %add3A_1565, %and3A_1569 : vector<16xi32>
      %and3A_1571 = arith.constant 31 : i32
      %and3A_1572 = vector.broadcast %and3A_1571 : i32 to vector<16xi32>
      %and3A_1573 = arith.andi %add3A_1565, %and3A_1572 : vector<16xi32>
      %shift_left3A_1574 = arith.constant 2 : i32
      %shift_left3A_1575 = vector.broadcast %shift_left3A_1574 : i32 to vector<16xi32>
      %shift_left3A_1576 = arith.shli %and3A_1573, %shift_left3A_1575 : vector<16xi32>
      %or3A_1577 = arith.ori %and3A_1570, %shift_left3A_1576 : vector<16xi32>
      %shift_right_logical3A_1578 = arith.constant 5 : i32
      %shift_right_logical3A_1579 = vector.broadcast %shift_right_logical3A_1578 : i32 to vector<16xi32>
      %shift_right_logical3A_1580 = arith.shrui %add3A_1565, %shift_right_logical3A_1579 : vector<16xi32>
      %and3A_1581 = arith.constant 3 : i32
      %and3A_1582 = vector.broadcast %and3A_1581 : i32 to vector<16xi32>
      %and3A_1583 = arith.andi %shift_right_logical3A_1580, %and3A_1582 : vector<16xi32>
      %or3A_1584 = arith.ori %or3A_1577, %and3A_1583 : vector<16xi32>
      %swap3A_1585 = arith.constant 688 : index
      %swap3A_1586 = tpu.vector_load %arg5[%swap3A_1585] {strides = array<i32>} : memref<1280xi32, #tpu.memory_space<vmem>>, vector<16xi32>,
      %swap3A_1587 = vector.shape_cast %swap3A_1586 : vector<16xi32> to vector<16xi32>
      %swap3A_1588 = vector.shape_cast %or3A_1584 : vector<16xi32> to vector<16xi32>
      tpu.vector_store %arg5[%swap3A_1585], %swap3A_1588 {strides = array<i32>} : memref<1280xi32, #tpu.memory_space<vmem>>, vector<16xi32>,
      %shift_right_logical3A_1589 = arith.constant 7 : i32
      %shift_right_logical3A_1590 = arith.shrui %multiple_of3A, %shift_right_logical3A_1589 : i32
      %add3A_1591 = arith.constant 5 : i32
      %add3A_1592 = arith.addi %shift_right_logical3A_1590, %add3A_1591 : i32
      %and3A_1593 = arith.constant 1 : i32
      %and3A_1594 = arith.andi %add3A_1592, %and3A_1593 : i32
      %get3A_1595 = arith.constant 704 : index
      %get3A_1596 = tpu.vector_load %arg5[%get3A_1595] {strides = array<i32>} : memref<1280xi32, #tpu.memory_space<vmem>>, vector<16xi32>,
      %get3A_1597 = vector.shape_cast %get3A_1596 : vector<16xi32> to vector<16xi32>
      %mul3A_1598 = arith.constant 1000000 : i32
      %mul3A_1599 = arith.muli %and3A_1594, %mul3A_1598 : i32
      %add3A_1600 = vector.broadcast %mul3A_1599 : i32 to vector<16xi32>
      %add3A_1601 = arith.addi %get3A_1597, %add3A_1600 : vector<16xi32>
      %not3A_1602 = arith.constant 127 : i32
      %not3A_1603 = arith.constant -1 : i32
      %not3A_1604 = arith.xori %not3A_1602, %not3A_1603 : i32
      %and3A_1605 = vector.broadcast %not3A_1604 : i32 to vector<16xi32>
      %and3A_1606 = arith.andi %add3A_1601, %and3A_1605 : vector<16xi32>
      %and3A_1607 = arith.constant 31 : i32
      %and3A_1608 = vector.broadcast %and3A_1607 : i32 to vector<16xi32>
      %and3A_1609 = arith.andi %add3A_1601, %and3A_1608 : vector<16xi32>
      %shift_left3A_1610 = arith.constant 2 : i32
      %shift_left3A_1611 = vector.broadcast %shift_left3A_1610 : i32 to vector<16xi32>
      %shift_left3A_1612 = arith.shli %and3A_1609, %shift_left3A_1611 : vector<16xi32>
      %or3A_1613 = arith.ori %and3A_1606, %shift_left3A_1612 : vector<16xi32>
      %shift_right_logical3A_1614 = arith.constant 5 : i32
      %shift_right_logical3A_1615 = vector.broadcast %shift_right_logical3A_1614 : i32 to vector<16xi32>
      %shift_right_logical3A_1616 = arith.shrui %add3A_1601, %shift_right_logical3A_1615 : vector<16xi32>
      %and3A_1617 = arith.constant 3 : i32
      %and3A_1618 = vector.broadcast %and3A_1617 : i32 to vector<16xi32>
      %and3A_1619 = arith.andi %shift_right_logical3A_1616, %and3A_1618 : vector<16xi32>
      %or3A_1620 = arith.ori %or3A_1613, %and3A_1619 : vector<16xi32>
      %swap3A_1621 = arith.constant 704 : index
      %swap3A_1622 = tpu.vector_load %arg5[%swap3A_1621] {strides = array<i32>} : memref<1280xi32, #tpu.memory_space<vmem>>, vector<16xi32>,
      %swap3A_1623 = vector.shape_cast %swap3A_1622 : vector<16xi32> to vector<16xi32>
      %swap3A_1624 = vector.shape_cast %or3A_1620 : vector<16xi32> to vector<16xi32>
      tpu.vector_store %arg5[%swap3A_1621], %swap3A_1624 {strides = array<i32>} : memref<1280xi32, #tpu.memory_space<vmem>>, vector<16xi32>,
      %shift_right_logical3A_1625 = arith.constant 7 : i32
      %shift_right_logical3A_1626 = arith.shrui %multiple_of3A, %shift_right_logical3A_1625 : i32
      %add3A_1627 = arith.constant 5 : i32
      %add3A_1628 = arith.addi %shift_right_logical3A_1626, %add3A_1627 : i32
      %and3A_1629 = arith.constant 1 : i32
      %and3A_1630 = arith.andi %add3A_1628, %and3A_1629 : i32
      %get3A_1631 = arith.constant 720 : index
      %get3A_1632 = tpu.vector_load %arg5[%get3A_1631] {strides = array<i32>} : memref<1280xi32, #tpu.memory_space<vmem>>, vector<16xi32>,
      %get3A_1633 = vector.shape_cast %get3A_1632 : vector<16xi32> to vector<16xi32>
      %mul3A_1634 = arith.constant 1000000 : i32
      %mul3A_1635 = arith.muli %and3A_1630, %mul3A_1634 : i32
      %add3A_1636 = vector.broadcast %mul3A_1635 : i32 to vector<16xi32>
      %add3A_1637 = arith.addi %get3A_1633, %add3A_1636 : vector<16xi32>
      %not3A_1638 = arith.constant 127 : i32
      %not3A_1639 = arith.constant -1 : i32
      %not3A_1640 = arith.xori %not3A_1638, %not3A_1639 : i32
      %and3A_1641 = vector.broadcast %not3A_1640 : i32 to vector<16xi32>
      %and3A_1642 = arith.andi %add3A_1637, %and3A_1641 : vector<16xi32>
      %and3A_1643 = arith.constant 31 : i32
      %and3A_1644 = vector.broadcast %and3A_1643 : i32 to vector<16xi32>
      %and3A_1645 = arith.andi %add3A_1637, %and3A_1644 : vector<16xi32>
      %shift_left3A_1646 = arith.constant 2 : i32
      %shift_left3A_1647 = vector.broadcast %shift_left3A_1646 : i32 to vector<16xi32>
      %shift_left3A_1648 = arith.shli %and3A_1645, %shift_left3A_1647 : vector<16xi32>
      %or3A_1649 = arith.ori %and3A_1642, %shift_left3A_1648 : vector<16xi32>
      %shift_right_logical3A_1650 = arith.constant 5 : i32
      %shift_right_logical3A_1651 = vector.broadcast %shift_right_logical3A_1650 : i32 to vector<16xi32>
      %shift_right_logical3A_1652 = arith.shrui %add3A_1637, %shift_right_logical3A_1651 : vector<16xi32>
      %and3A_1653 = arith.constant 3 : i32
      %and3A_1654 = vector.broadcast %and3A_1653 : i32 to vector<16xi32>
      %and3A_1655 = arith.andi %shift_right_logical3A_1652, %and3A_1654 : vector<16xi32>
      %or3A_1656 = arith.ori %or3A_1649, %and3A_1655 : vector<16xi32>
      %swap3A_1657 = arith.constant 720 : index
      %swap3A_1658 = tpu.vector_load %arg5[%swap3A_1657] {strides = array<i32>} : memref<1280xi32, #tpu.memory_space<vmem>>, vector<16xi32>,
      %swap3A_1659 = vector.shape_cast %swap3A_1658 : vector<16xi32> to vector<16xi32>
      %swap3A_1660 = vector.shape_cast %or3A_1656 : vector<16xi32> to vector<16xi32>
      tpu.vector_store %arg5[%swap3A_1657], %swap3A_1660 {strides = array<i32>} : memref<1280xi32, #tpu.memory_space<vmem>>, vector<16xi32>,
      %shift_right_logical3A_1661 = arith.constant 7 : i32
      %shift_right_logical3A_1662 = arith.shrui %multiple_of3A, %shift_right_logical3A_1661 : i32
      %add3A_1663 = arith.constant 5 : i32
      %add3A_1664 = arith.addi %shift_right_logical3A_1662, %add3A_1663 : i32
      %and3A_1665 = arith.constant 1 : i32
      %and3A_1666 = arith.andi %add3A_1664, %and3A_1665 : i32
      %get3A_1667 = arith.constant 736 : index
      %get3A_1668 = tpu.vector_load %arg5[%get3A_1667] {strides = array<i32>} : memref<1280xi32, #tpu.memory_space<vmem>>, vector<16xi32>,
      %get3A_1669 = vector.shape_cast %get3A_1668 : vector<16xi32> to vector<16xi32>
      %mul3A_1670 = arith.constant 1000000 : i32
      %mul3A_1671 = arith.muli %and3A_1666, %mul3A_1670 : i32
      %add3A_1672 = vector.broadcast %mul3A_1671 : i32 to vector<16xi32>
      %add3A_1673 = arith.addi %get3A_1669, %add3A_1672 : vector<16xi32>
      %not3A_1674 = arith.constant 127 : i32
      %not3A_1675 = arith.constant -1 : i32
      %not3A_1676 = arith.xori %not3A_1674, %not3A_1675 : i32
      %and3A_1677 = vector.broadcast %not3A_1676 : i32 to vector<16xi32>
      %and3A_1678 = arith.andi %add3A_1673, %and3A_1677 : vector<16xi32>
      %and3A_1679 = arith.constant 31 : i32
      %and3A_1680 = vector.broadcast %and3A_1679 : i32 to vector<16xi32>
      %and3A_1681 = arith.andi %add3A_1673, %and3A_1680 : vector<16xi32>
      %shift_left3A_1682 = arith.constant 2 : i32
      %shift_left3A_1683 = vector.broadcast %shift_left3A_1682 : i32 to vector<16xi32>
      %shift_left3A_1684 = arith.shli %and3A_1681, %shift_left3A_1683 : vector<16xi32>
      %or3A_1685 = arith.ori %and3A_1678, %shift_left3A_1684 : vector<16xi32>
      %shift_right_logical3A_1686 = arith.constant 5 : i32
      %shift_right_logical3A_1687 = vector.broadcast %shift_right_logical3A_1686 : i32 to vector<16xi32>
      %shift_right_logical3A_1688 = arith.shrui %add3A_1673, %shift_right_logical3A_1687 : vector<16xi32>
      %and3A_1689 = arith.constant 3 : i32
      %and3A_1690 = vector.broadcast %and3A_1689 : i32 to vector<16xi32>
      %and3A_1691 = arith.andi %shift_right_logical3A_1688, %and3A_1690 : vector<16xi32>
      %or3A_1692 = arith.ori %or3A_1685, %and3A_1691 : vector<16xi32>
      %swap3A_1693 = arith.constant 736 : index
      %swap3A_1694 = tpu.vector_load %arg5[%swap3A_1693] {strides = array<i32>} : memref<1280xi32, #tpu.memory_space<vmem>>, vector<16xi32>,
      %swap3A_1695 = vector.shape_cast %swap3A_1694 : vector<16xi32> to vector<16xi32>
      %swap3A_1696 = vector.shape_cast %or3A_1692 : vector<16xi32> to vector<16xi32>
      tpu.vector_store %arg5[%swap3A_1693], %swap3A_1696 {strides = array<i32>} : memref<1280xi32, #tpu.memory_space<vmem>>, vector<16xi32>,
      %shift_right_logical3A_1697 = arith.constant 7 : i32
      %shift_right_logical3A_1698 = arith.shrui %multiple_of3A, %shift_right_logical3A_1697 : i32
      %add3A_1699 = arith.constant 5 : i32
      %add3A_1700 = arith.addi %shift_right_logical3A_1698, %add3A_1699 : i32
      %and3A_1701 = arith.constant 1 : i32
      %and3A_1702 = arith.andi %add3A_1700, %and3A_1701 : i32
      %get3A_1703 = arith.constant 752 : index
      %get3A_1704 = tpu.vector_load %arg5[%get3A_1703] {strides = array<i32>} : memref<1280xi32, #tpu.memory_space<vmem>>, vector<16xi32>,
      %get3A_1705 = vector.shape_cast %get3A_1704 : vector<16xi32> to vector<16xi32>
      %mul3A_1706 = arith.constant 1000000 : i32
      %mul3A_1707 = arith.muli %and3A_1702, %mul3A_1706 : i32
      %add3A_1708 = vector.broadcast %mul3A_1707 : i32 to vector<16xi32>
      %add3A_1709 = arith.addi %get3A_1705, %add3A_1708 : vector<16xi32>
      %not3A_1710 = arith.constant 127 : i32
      %not3A_1711 = arith.constant -1 : i32
      %not3A_1712 = arith.xori %not3A_1710, %not3A_1711 : i32
      %and3A_1713 = vector.broadcast %not3A_1712 : i32 to vector<16xi32>
      %and3A_1714 = arith.andi %add3A_1709, %and3A_1713 : vector<16xi32>
      %and3A_1715 = arith.constant 31 : i32
      %and3A_1716 = vector.broadcast %and3A_1715 : i32 to vector<16xi32>
      %and3A_1717 = arith.andi %add3A_1709, %and3A_1716 : vector<16xi32>
      %shift_left3A_1718 = arith.constant 2 : i32
      %shift_left3A_1719 = vector.broadcast %shift_left3A_1718 : i32 to vector<16xi32>
      %shift_left3A_1720 = arith.shli %and3A_1717, %shift_left3A_1719 : vector<16xi32>
      %or3A_1721 = arith.ori %and3A_1714, %shift_left3A_1720 : vector<16xi32>
      %shift_right_logical3A_1722 = arith.constant 5 : i32
      %shift_right_logical3A_1723 = vector.broadcast %shift_right_logical3A_1722 : i32 to vector<16xi32>
      %shift_right_logical3A_1724 = arith.shrui %add3A_1709, %shift_right_logical3A_1723 : vector<16xi32>
      %and3A_1725 = arith.constant 3 : i32
      %and3A_1726 = vector.broadcast %and3A_1725 : i32 to vector<16xi32>
      %and3A_1727 = arith.andi %shift_right_logical3A_1724, %and3A_1726 : vector<16xi32>
      %or3A_1728 = arith.ori %or3A_1721, %and3A_1727 : vector<16xi32>
      %swap3A_1729 = arith.constant 752 : index
      %swap3A_1730 = tpu.vector_load %arg5[%swap3A_1729] {strides = array<i32>} : memref<1280xi32, #tpu.memory_space<vmem>>, vector<16xi32>,
      %swap3A_1731 = vector.shape_cast %swap3A_1730 : vector<16xi32> to vector<16xi32>
      %swap3A_1732 = vector.shape_cast %or3A_1728 : vector<16xi32> to vector<16xi32>
      tpu.vector_store %arg5[%swap3A_1729], %swap3A_1732 {strides = array<i32>} : memref<1280xi32, #tpu.memory_space<vmem>>, vector<16xi32>,
      %shift_right_logical3A_1733 = arith.constant 7 : i32
      %shift_right_logical3A_1734 = arith.shrui %multiple_of3A, %shift_right_logical3A_1733 : i32
      %add3A_1735 = arith.constant 6 : i32
      %add3A_1736 = arith.addi %shift_right_logical3A_1734, %add3A_1735 : i32
      %and3A_1737 = arith.constant 1 : i32
      %and3A_1738 = arith.andi %add3A_1736, %and3A_1737 : i32
      %get3A_1739 = arith.constant 768 : index
      %get3A_1740 = tpu.vector_load %arg5[%get3A_1739] {strides = array<i32>} : memref<1280xi32, #tpu.memory_space<vmem>>, vector<16xi32>,
      %get3A_1741 = vector.shape_cast %get3A_1740 : vector<16xi32> to vector<16xi32>
      %mul3A_1742 = arith.constant 1000000 : i32
      %mul3A_1743 = arith.muli %and3A_1738, %mul3A_1742 : i32
      %add3A_1744 = vector.broadcast %mul3A_1743 : i32 to vector<16xi32>
      %add3A_1745 = arith.addi %get3A_1741, %add3A_1744 : vector<16xi32>
      %not3A_1746 = arith.constant 127 : i32
      %not3A_1747 = arith.constant -1 : i32
      %not3A_1748 = arith.xori %not3A_1746, %not3A_1747 : i32
      %and3A_1749 = vector.broadcast %not3A_1748 : i32 to vector<16xi32>
      %and3A_1750 = arith.andi %add3A_1745, %and3A_1749 : vector<16xi32>
      %and3A_1751 = arith.constant 31 : i32
      %and3A_1752 = vector.broadcast %and3A_1751 : i32 to vector<16xi32>
      %and3A_1753 = arith.andi %add3A_1745, %and3A_1752 : vector<16xi32>
      %shift_left3A_1754 = arith.constant 2 : i32
      %shift_left3A_1755 = vector.broadcast %shift_left3A_1754 : i32 to vector<16xi32>
      %shift_left3A_1756 = arith.shli %and3A_1753, %shift_left3A_1755 : vector<16xi32>
      %or3A_1757 = arith.ori %and3A_1750, %shift_left3A_1756 : vector<16xi32>
      %shift_right_logical3A_1758 = arith.constant 5 : i32
      %shift_right_logical3A_1759 = vector.broadcast %shift_right_logical3A_1758 : i32 to vector<16xi32>
      %shift_right_logical3A_1760 = arith.shrui %add3A_1745, %shift_right_logical3A_1759 : vector<16xi32>
      %and3A_1761 = arith.constant 3 : i32
      %and3A_1762 = vector.broadcast %and3A_1761 : i32 to vector<16xi32>
      %and3A_1763 = arith.andi %shift_right_logical3A_1760, %and3A_1762 : vector<16xi32>
      %or3A_1764 = arith.ori %or3A_1757, %and3A_1763 : vector<16xi32>
      %swap3A_1765 = arith.constant 768 : index
      %swap3A_1766 = tpu.vector_load %arg5[%swap3A_1765] {strides = array<i32>} : memref<1280xi32, #tpu.memory_space<vmem>>, vector<16xi32>,
      %swap3A_1767 = vector.shape_cast %swap3A_1766 : vector<16xi32> to vector<16xi32>
      %swap3A_1768 = vector.shape_cast %or3A_1764 : vector<16xi32> to vector<16xi32>
      tpu.vector_store %arg5[%swap3A_1765], %swap3A_1768 {strides = array<i32>} : memref<1280xi32, #tpu.memory_space<vmem>>, vector<16xi32>,
      %shift_right_logical3A_1769 = arith.constant 7 : i32
      %shift_right_logical3A_1770 = arith.shrui %multiple_of3A, %shift_right_logical3A_1769 : i32
      %add3A_1771 = arith.constant 6 : i32
      %add3A_1772 = arith.addi %shift_right_logical3A_1770, %add3A_1771 : i32
      %and3A_1773 = arith.constant 1 : i32
      %and3A_1774 = arith.andi %add3A_1772, %and3A_1773 : i32
      %get3A_1775 = arith.constant 784 : index
      %get3A_1776 = tpu.vector_load %arg5[%get3A_1775] {strides = array<i32>} : memref<1280xi32, #tpu.memory_space<vmem>>, vector<16xi32>,
      %get3A_1777 = vector.shape_cast %get3A_1776 : vector<16xi32> to vector<16xi32>
      %mul3A_1778 = arith.constant 1000000 : i32
      %mul3A_1779 = arith.muli %and3A_1774, %mul3A_1778 : i32
      %add3A_1780 = vector.broadcast %mul3A_1779 : i32 to vector<16xi32>
      %add3A_1781 = arith.addi %get3A_1777, %add3A_1780 : vector<16xi32>
      %not3A_1782 = arith.constant 127 : i32
      %not3A_1783 = arith.constant -1 : i32
      %not3A_1784 = arith.xori %not3A_1782, %not3A_1783 : i32
      %and3A_1785 = vector.broadcast %not3A_1784 : i32 to vector<16xi32>
      %and3A_1786 = arith.andi %add3A_1781, %and3A_1785 : vector<16xi32>
      %and3A_1787 = arith.constant 31 : i32
      %and3A_1788 = vector.broadcast %and3A_1787 : i32 to vector<16xi32>
      %and3A_1789 = arith.andi %add3A_1781, %and3A_1788 : vector<16xi32>
      %shift_left3A_1790 = arith.constant 2 : i32
      %shift_left3A_1791 = vector.broadcast %shift_left3A_1790 : i32 to vector<16xi32>
      %shift_left3A_1792 = arith.shli %and3A_1789, %shift_left3A_1791 : vector<16xi32>
      %or3A_1793 = arith.ori %and3A_1786, %shift_left3A_1792 : vector<16xi32>
      %shift_right_logical3A_1794 = arith.constant 5 : i32
      %shift_right_logical3A_1795 = vector.broadcast %shift_right_logical3A_1794 : i32 to vector<16xi32>
      %shift_right_logical3A_1796 = arith.shrui %add3A_1781, %shift_right_logical3A_1795 : vector<16xi32>
      %and3A_1797 = arith.constant 3 : i32
      %and3A_1798 = vector.broadcast %and3A_1797 : i32 to vector<16xi32>
      %and3A_1799 = arith.andi %shift_right_logical3A_1796, %and3A_1798 : vector<16xi32>
      %or3A_1800 = arith.ori %or3A_1793, %and3A_1799 : vector<16xi32>
      %swap3A_1801 = arith.constant 784 : index
      %swap3A_1802 = tpu.vector_load %arg5[%swap3A_1801] {strides = array<i32>} : memref<1280xi32, #tpu.memory_space<vmem>>, vector<16xi32>,
      %swap3A_1803 = vector.shape_cast %swap3A_1802 : vector<16xi32> to vector<16xi32>
      %swap3A_1804 = vector.shape_cast %or3A_1800 : vector<16xi32> to vector<16xi32>
      tpu.vector_store %arg5[%swap3A_1801], %swap3A_1804 {strides = array<i32>} : memref<1280xi32, #tpu.memory_space<vmem>>, vector<16xi32>,
      %shift_right_logical3A_1805 = arith.constant 7 : i32
      %shift_right_logical3A_1806 = arith.shrui %multiple_of3A, %shift_right_logical3A_1805 : i32
      %add3A_1807 = arith.constant 6 : i32
      %add3A_1808 = arith.addi %shift_right_logical3A_1806, %add3A_1807 : i32
      %and3A_1809 = arith.constant 1 : i32
      %and3A_1810 = arith.andi %add3A_1808, %and3A_1809 : i32
      %get3A_1811 = arith.constant 800 : index
      %get3A_1812 = tpu.vector_load %arg5[%get3A_1811] {strides = array<i32>} : memref<1280xi32, #tpu.memory_space<vmem>>, vector<16xi32>,
      %get3A_1813 = vector.shape_cast %get3A_1812 : vector<16xi32> to vector<16xi32>
      %mul3A_1814 = arith.constant 1000000 : i32
      %mul3A_1815 = arith.muli %and3A_1810, %mul3A_1814 : i32
      %add3A_1816 = vector.broadcast %mul3A_1815 : i32 to vector<16xi32>
      %add3A_1817 = arith.addi %get3A_1813, %add3A_1816 : vector<16xi32>
      %not3A_1818 = arith.constant 127 : i32
      %not3A_1819 = arith.constant -1 : i32
      %not3A_1820 = arith.xori %not3A_1818, %not3A_1819 : i32
      %and3A_1821 = vector.broadcast %not3A_1820 : i32 to vector<16xi32>
      %and3A_1822 = arith.andi %add3A_1817, %and3A_1821 : vector<16xi32>
      %and3A_1823 = arith.constant 31 : i32
      %and3A_1824 = vector.broadcast %and3A_1823 : i32 to vector<16xi32>
      %and3A_1825 = arith.andi %add3A_1817, %and3A_1824 : vector<16xi32>
      %shift_left3A_1826 = arith.constant 2 : i32
      %shift_left3A_1827 = vector.broadcast %shift_left3A_1826 : i32 to vector<16xi32>
      %shift_left3A_1828 = arith.shli %and3A_1825, %shift_left3A_1827 : vector<16xi32>
      %or3A_1829 = arith.ori %and3A_1822, %shift_left3A_1828 : vector<16xi32>
      %shift_right_logical3A_1830 = arith.constant 5 : i32
      %shift_right_logical3A_1831 = vector.broadcast %shift_right_logical3A_1830 : i32 to vector<16xi32>
      %shift_right_logical3A_1832 = arith.shrui %add3A_1817, %shift_right_logical3A_1831 : vector<16xi32>
      %and3A_1833 = arith.constant 3 : i32
      %and3A_1834 = vector.broadcast %and3A_1833 : i32 to vector<16xi32>
      %and3A_1835 = arith.andi %shift_right_logical3A_1832, %and3A_1834 : vector<16xi32>
      %or3A_1836 = arith.ori %or3A_1829, %and3A_1835 : vector<16xi32>
      %swap3A_1837 = arith.constant 800 : index
      %swap3A_1838 = tpu.vector_load %arg5[%swap3A_1837] {strides = array<i32>} : memref<1280xi32, #tpu.memory_space<vmem>>, vector<16xi32>,
      %swap3A_1839 = vector.shape_cast %swap3A_1838 : vector<16xi32> to vector<16xi32>
      %swap3A_1840 = vector.shape_cast %or3A_1836 : vector<16xi32> to vector<16xi32>
      tpu.vector_store %arg5[%swap3A_1837], %swap3A_1840 {strides = array<i32>} : memref<1280xi32, #tpu.memory_space<vmem>>, vector<16xi32>,
      %shift_right_logical3A_1841 = arith.constant 7 : i32
      %shift_right_logical3A_1842 = arith.shrui %multiple_of3A, %shift_right_logical3A_1841 : i32
      %add3A_1843 = arith.constant 6 : i32
      %add3A_1844 = arith.addi %shift_right_logical3A_1842, %add3A_1843 : i32
      %and3A_1845 = arith.constant 1 : i32
      %and3A_1846 = arith.andi %add3A_1844, %and3A_1845 : i32
      %get3A_1847 = arith.constant 816 : index
      %get3A_1848 = tpu.vector_load %arg5[%get3A_1847] {strides = array<i32>} : memref<1280xi32, #tpu.memory_space<vmem>>, vector<16xi32>,
      %get3A_1849 = vector.shape_cast %get3A_1848 : vector<16xi32> to vector<16xi32>
      %mul3A_1850 = arith.constant 1000000 : i32
      %mul3A_1851 = arith.muli %and3A_1846, %mul3A_1850 : i32
      %add3A_1852 = vector.broadcast %mul3A_1851 : i32 to vector<16xi32>
      %add3A_1853 = arith.addi %get3A_1849, %add3A_1852 : vector<16xi32>
      %not3A_1854 = arith.constant 127 : i32
      %not3A_1855 = arith.constant -1 : i32
      %not3A_1856 = arith.xori %not3A_1854, %not3A_1855 : i32
      %and3A_1857 = vector.broadcast %not3A_1856 : i32 to vector<16xi32>
      %and3A_1858 = arith.andi %add3A_1853, %and3A_1857 : vector<16xi32>
      %and3A_1859 = arith.constant 31 : i32
      %and3A_1860 = vector.broadcast %and3A_1859 : i32 to vector<16xi32>
      %and3A_1861 = arith.andi %add3A_1853, %and3A_1860 : vector<16xi32>
      %shift_left3A_1862 = arith.constant 2 : i32
      %shift_left3A_1863 = vector.broadcast %shift_left3A_1862 : i32 to vector<16xi32>
      %shift_left3A_1864 = arith.shli %and3A_1861, %shift_left3A_1863 : vector<16xi32>
      %or3A_1865 = arith.ori %and3A_1858, %shift_left3A_1864 : vector<16xi32>
      %shift_right_logical3A_1866 = arith.constant 5 : i32
      %shift_right_logical3A_1867 = vector.broadcast %shift_right_logical3A_1866 : i32 to vector<16xi32>
      %shift_right_logical3A_1868 = arith.shrui %add3A_1853, %shift_right_logical3A_1867 : vector<16xi32>
      %and3A_1869 = arith.constant 3 : i32
      %and3A_1870 = vector.broadcast %and3A_1869 : i32 to vector<16xi32>
      %and3A_1871 = arith.andi %shift_right_logical3A_1868, %and3A_1870 : vector<16xi32>
      %or3A_1872 = arith.ori %or3A_1865, %and3A_1871 : vector<16xi32>
      %swap3A_1873 = arith.constant 816 : index
      %swap3A_1874 = tpu.vector_load %arg5[%swap3A_1873] {strides = array<i32>} : memref<1280xi32, #tpu.memory_space<vmem>>, vector<16xi32>,
      %swap3A_1875 = vector.shape_cast %swap3A_1874 : vector<16xi32> to vector<16xi32>
      %swap3A_1876 = vector.shape_cast %or3A_1872 : vector<16xi32> to vector<16xi32>
      tpu.vector_store %arg5[%swap3A_1873], %swap3A_1876 {strides = array<i32>} : memref<1280xi32, #tpu.memory_space<vmem>>, vector<16xi32>,
      %shift_right_logical3A_1877 = arith.constant 7 : i32
      %shift_right_logical3A_1878 = arith.shrui %multiple_of3A, %shift_right_logical3A_1877 : i32
      %add3A_1879 = arith.constant 6 : i32
      %add3A_1880 = arith.addi %shift_right_logical3A_1878, %add3A_1879 : i32
      %and3A_1881 = arith.constant 1 : i32
      %and3A_1882 = arith.andi %add3A_1880, %and3A_1881 : i32
      %get3A_1883 = arith.constant 832 : index
      %get3A_1884 = tpu.vector_load %arg5[%get3A_1883] {strides = array<i32>} : memref<1280xi32, #tpu.memory_space<vmem>>, vector<16xi32>,
      %get3A_1885 = vector.shape_cast %get3A_1884 : vector<16xi32> to vector<16xi32>
      %mul3A_1886 = arith.constant 1000000 : i32
      %mul3A_1887 = arith.muli %and3A_1882, %mul3A_1886 : i32
      %add3A_1888 = vector.broadcast %mul3A_1887 : i32 to vector<16xi32>
      %add3A_1889 = arith.addi %get3A_1885, %add3A_1888 : vector<16xi32>
      %not3A_1890 = arith.constant 127 : i32
      %not3A_1891 = arith.constant -1 : i32
      %not3A_1892 = arith.xori %not3A_1890, %not3A_1891 : i32
      %and3A_1893 = vector.broadcast %not3A_1892 : i32 to vector<16xi32>
      %and3A_1894 = arith.andi %add3A_1889, %and3A_1893 : vector<16xi32>
      %and3A_1895 = arith.constant 31 : i32
      %and3A_1896 = vector.broadcast %and3A_1895 : i32 to vector<16xi32>
      %and3A_1897 = arith.andi %add3A_1889, %and3A_1896 : vector<16xi32>
      %shift_left3A_1898 = arith.constant 2 : i32
      %shift_left3A_1899 = vector.broadcast %shift_left3A_1898 : i32 to vector<16xi32>
      %shift_left3A_1900 = arith.shli %and3A_1897, %shift_left3A_1899 : vector<16xi32>
      %or3A_1901 = arith.ori %and3A_1894, %shift_left3A_1900 : vector<16xi32>
      %shift_right_logical3A_1902 = arith.constant 5 : i32
      %shift_right_logical3A_1903 = vector.broadcast %shift_right_logical3A_1902 : i32 to vector<16xi32>
      %shift_right_logical3A_1904 = arith.shrui %add3A_1889, %shift_right_logical3A_1903 : vector<16xi32>
      %and3A_1905 = arith.constant 3 : i32
      %and3A_1906 = vector.broadcast %and3A_1905 : i32 to vector<16xi32>
      %and3A_1907 = arith.andi %shift_right_logical3A_1904, %and3A_1906 : vector<16xi32>
      %or3A_1908 = arith.ori %or3A_1901, %and3A_1907 : vector<16xi32>
      %swap3A_1909 = arith.constant 832 : index
      %swap3A_1910 = tpu.vector_load %arg5[%swap3A_1909] {strides = array<i32>} : memref<1280xi32, #tpu.memory_space<vmem>>, vector<16xi32>,
      %swap3A_1911 = vector.shape_cast %swap3A_1910 : vector<16xi32> to vector<16xi32>
      %swap3A_1912 = vector.shape_cast %or3A_1908 : vector<16xi32> to vector<16xi32>
      tpu.vector_store %arg5[%swap3A_1909], %swap3A_1912 {strides = array<i32>} : memref<1280xi32, #tpu.memory_space<vmem>>, vector<16xi32>,
      %shift_right_logical3A_1913 = arith.constant 7 : i32
      %shift_right_logical3A_1914 = arith.shrui %multiple_of3A, %shift_right_logical3A_1913 : i32
      %add3A_1915 = arith.constant 6 : i32
      %add3A_1916 = arith.addi %shift_right_logical3A_1914, %add3A_1915 : i32
      %and3A_1917 = arith.constant 1 : i32
      %and3A_1918 = arith.andi %add3A_1916, %and3A_1917 : i32
      %get3A_1919 = arith.constant 848 : index
      %get3A_1920 = tpu.vector_load %arg5[%get3A_1919] {strides = array<i32>} : memref<1280xi32, #tpu.memory_space<vmem>>, vector<16xi32>,
      %get3A_1921 = vector.shape_cast %get3A_1920 : vector<16xi32> to vector<16xi32>
      %mul3A_1922 = arith.constant 1000000 : i32
      %mul3A_1923 = arith.muli %and3A_1918, %mul3A_1922 : i32
      %add3A_1924 = vector.broadcast %mul3A_1923 : i32 to vector<16xi32>
      %add3A_1925 = arith.addi %get3A_1921, %add3A_1924 : vector<16xi32>
      %not3A_1926 = arith.constant 127 : i32
      %not3A_1927 = arith.constant -1 : i32
      %not3A_1928 = arith.xori %not3A_1926, %not3A_1927 : i32
      %and3A_1929 = vector.broadcast %not3A_1928 : i32 to vector<16xi32>
      %and3A_1930 = arith.andi %add3A_1925, %and3A_1929 : vector<16xi32>
      %and3A_1931 = arith.constant 31 : i32
      %and3A_1932 = vector.broadcast %and3A_1931 : i32 to vector<16xi32>
      %and3A_1933 = arith.andi %add3A_1925, %and3A_1932 : vector<16xi32>
      %shift_left3A_1934 = arith.constant 2 : i32
      %shift_left3A_1935 = vector.broadcast %shift_left3A_1934 : i32 to vector<16xi32>
      %shift_left3A_1936 = arith.shli %and3A_1933, %shift_left3A_1935 : vector<16xi32>
      %or3A_1937 = arith.ori %and3A_1930, %shift_left3A_1936 : vector<16xi32>
      %shift_right_logical3A_1938 = arith.constant 5 : i32
      %shift_right_logical3A_1939 = vector.broadcast %shift_right_logical3A_1938 : i32 to vector<16xi32>
      %shift_right_logical3A_1940 = arith.shrui %add3A_1925, %shift_right_logical3A_1939 : vector<16xi32>
      %and3A_1941 = arith.constant 3 : i32
      %and3A_1942 = vector.broadcast %and3A_1941 : i32 to vector<16xi32>
      %and3A_1943 = arith.andi %shift_right_logical3A_1940, %and3A_1942 : vector<16xi32>
      %or3A_1944 = arith.ori %or3A_1937, %and3A_1943 : vector<16xi32>
      %swap3A_1945 = arith.constant 848 : index
      %swap3A_1946 = tpu.vector_load %arg5[%swap3A_1945] {strides = array<i32>} : memref<1280xi32, #tpu.memory_space<vmem>>, vector<16xi32>,
      %swap3A_1947 = vector.shape_cast %swap3A_1946 : vector<16xi32> to vector<16xi32>
      %swap3A_1948 = vector.shape_cast %or3A_1944 : vector<16xi32> to vector<16xi32>
      tpu.vector_store %arg5[%swap3A_1945], %swap3A_1948 {strides = array<i32>} : memref<1280xi32, #tpu.memory_space<vmem>>, vector<16xi32>,
      %shift_right_logical3A_1949 = arith.constant 7 : i32
      %shift_right_logical3A_1950 = arith.shrui %multiple_of3A, %shift_right_logical3A_1949 : i32
      %add3A_1951 = arith.constant 6 : i32
      %add3A_1952 = arith.addi %shift_right_logical3A_1950, %add3A_1951 : i32
      %and3A_1953 = arith.constant 1 : i32
      %and3A_1954 = arith.andi %add3A_1952, %and3A_1953 : i32
      %get3A_1955 = arith.constant 864 : index
      %get3A_1956 = tpu.vector_load %arg5[%get3A_1955] {strides = array<i32>} : memref<1280xi32, #tpu.memory_space<vmem>>, vector<16xi32>,
      %get3A_1957 = vector.shape_cast %get3A_1956 : vector<16xi32> to vector<16xi32>
      %mul3A_1958 = arith.constant 1000000 : i32
      %mul3A_1959 = arith.muli %and3A_1954, %mul3A_1958 : i32
      %add3A_1960 = vector.broadcast %mul3A_1959 : i32 to vector<16xi32>
      %add3A_1961 = arith.addi %get3A_1957, %add3A_1960 : vector<16xi32>
      %not3A_1962 = arith.constant 127 : i32
      %not3A_1963 = arith.constant -1 : i32
      %not3A_1964 = arith.xori %not3A_1962, %not3A_1963 : i32
      %and3A_1965 = vector.broadcast %not3A_1964 : i32 to vector<16xi32>
      %and3A_1966 = arith.andi %add3A_1961, %and3A_1965 : vector<16xi32>
      %and3A_1967 = arith.constant 31 : i32
      %and3A_1968 = vector.broadcast %and3A_1967 : i32 to vector<16xi32>
      %and3A_1969 = arith.andi %add3A_1961, %and3A_1968 : vector<16xi32>
      %shift_left3A_1970 = arith.constant 2 : i32
      %shift_left3A_1971 = vector.broadcast %shift_left3A_1970 : i32 to vector<16xi32>
      %shift_left3A_1972 = arith.shli %and3A_1969, %shift_left3A_1971 : vector<16xi32>
      %or3A_1973 = arith.ori %and3A_1966, %shift_left3A_1972 : vector<16xi32>
      %shift_right_logical3A_1974 = arith.constant 5 : i32
      %shift_right_logical3A_1975 = vector.broadcast %shift_right_logical3A_1974 : i32 to vector<16xi32>
      %shift_right_logical3A_1976 = arith.shrui %add3A_1961, %shift_right_logical3A_1975 : vector<16xi32>
      %and3A_1977 = arith.constant 3 : i32
      %and3A_1978 = vector.broadcast %and3A_1977 : i32 to vector<16xi32>
      %and3A_1979 = arith.andi %shift_right_logical3A_1976, %and3A_1978 : vector<16xi32>
      %or3A_1980 = arith.ori %or3A_1973, %and3A_1979 : vector<16xi32>
      %swap3A_1981 = arith.constant 864 : index
      %swap3A_1982 = tpu.vector_load %arg5[%swap3A_1981] {strides = array<i32>} : memref<1280xi32, #tpu.memory_space<vmem>>, vector<16xi32>,
      %swap3A_1983 = vector.shape_cast %swap3A_1982 : vector<16xi32> to vector<16xi32>
      %swap3A_1984 = vector.shape_cast %or3A_1980 : vector<16xi32> to vector<16xi32>
      tpu.vector_store %arg5[%swap3A_1981], %swap3A_1984 {strides = array<i32>} : memref<1280xi32, #tpu.memory_space<vmem>>, vector<16xi32>,
      %shift_right_logical3A_1985 = arith.constant 7 : i32
      %shift_right_logical3A_1986 = arith.shrui %multiple_of3A, %shift_right_logical3A_1985 : i32
      %add3A_1987 = arith.constant 6 : i32
      %add3A_1988 = arith.addi %shift_right_logical3A_1986, %add3A_1987 : i32
      %and3A_1989 = arith.constant 1 : i32
      %and3A_1990 = arith.andi %add3A_1988, %and3A_1989 : i32
      %get3A_1991 = arith.constant 880 : index
      %get3A_1992 = tpu.vector_load %arg5[%get3A_1991] {strides = array<i32>} : memref<1280xi32, #tpu.memory_space<vmem>>, vector<16xi32>,
      %get3A_1993 = vector.shape_cast %get3A_1992 : vector<16xi32> to vector<16xi32>
      %mul3A_1994 = arith.constant 1000000 : i32
      %mul3A_1995 = arith.muli %and3A_1990, %mul3A_1994 : i32
      %add3A_1996 = vector.broadcast %mul3A_1995 : i32 to vector<16xi32>
      %add3A_1997 = arith.addi %get3A_1993, %add3A_1996 : vector<16xi32>
      %not3A_1998 = arith.constant 127 : i32
      %not3A_1999 = arith.constant -1 : i32
      %not3A_2000 = arith.xori %not3A_1998, %not3A_1999 : i32
      %and3A_2001 = vector.broadcast %not3A_2000 : i32 to vector<16xi32>
      %and3A_2002 = arith.andi %add3A_1997, %and3A_2001 : vector<16xi32>
      %and3A_2003 = arith.constant 31 : i32
      %and3A_2004 = vector.broadcast %and3A_2003 : i32 to vector<16xi32>
      %and3A_2005 = arith.andi %add3A_1997, %and3A_2004 : vector<16xi32>
      %shift_left3A_2006 = arith.constant 2 : i32
      %shift_left3A_2007 = vector.broadcast %shift_left3A_2006 : i32 to vector<16xi32>
      %shift_left3A_2008 = arith.shli %and3A_2005, %shift_left3A_2007 : vector<16xi32>
      %or3A_2009 = arith.ori %and3A_2002, %shift_left3A_2008 : vector<16xi32>
      %shift_right_logical3A_2010 = arith.constant 5 : i32
      %shift_right_logical3A_2011 = vector.broadcast %shift_right_logical3A_2010 : i32 to vector<16xi32>
      %shift_right_logical3A_2012 = arith.shrui %add3A_1997, %shift_right_logical3A_2011 : vector<16xi32>
      %and3A_2013 = arith.constant 3 : i32
      %and3A_2014 = vector.broadcast %and3A_2013 : i32 to vector<16xi32>
      %and3A_2015 = arith.andi %shift_right_logical3A_2012, %and3A_2014 : vector<16xi32>
      %or3A_2016 = arith.ori %or3A_2009, %and3A_2015 : vector<16xi32>
      %swap3A_2017 = arith.constant 880 : index
      %swap3A_2018 = tpu.vector_load %arg5[%swap3A_2017] {strides = array<i32>} : memref<1280xi32, #tpu.memory_space<vmem>>, vector<16xi32>,
      %swap3A_2019 = vector.shape_cast %swap3A_2018 : vector<16xi32> to vector<16xi32>
      %swap3A_2020 = vector.shape_cast %or3A_2016 : vector<16xi32> to vector<16xi32>
      tpu.vector_store %arg5[%swap3A_2017], %swap3A_2020 {strides = array<i32>} : memref<1280xi32, #tpu.memory_space<vmem>>, vector<16xi32>,
      %shift_right_logical3A_2021 = arith.constant 7 : i32
      %shift_right_logical3A_2022 = arith.shrui %multiple_of3A, %shift_right_logical3A_2021 : i32
      %add3A_2023 = arith.constant 7 : i32
      %add3A_2024 = arith.addi %shift_right_logical3A_2022, %add3A_2023 : i32
      %and3A_2025 = arith.constant 1 : i32
      %and3A_2026 = arith.andi %add3A_2024, %and3A_2025 : i32
      %get3A_2027 = arith.constant 896 : index
      %get3A_2028 = tpu.vector_load %arg5[%get3A_2027] {strides = array<i32>} : memref<1280xi32, #tpu.memory_space<vmem>>, vector<16xi32>,
      %get3A_2029 = vector.shape_cast %get3A_2028 : vector<16xi32> to vector<16xi32>
      %mul3A_2030 = arith.constant 1000000 : i32
      %mul3A_2031 = arith.muli %and3A_2026, %mul3A_2030 : i32
      %add3A_2032 = vector.broadcast %mul3A_2031 : i32 to vector<16xi32>
      %add3A_2033 = arith.addi %get3A_2029, %add3A_2032 : vector<16xi32>
      %not3A_2034 = arith.constant 127 : i32
      %not3A_2035 = arith.constant -1 : i32
      %not3A_2036 = arith.xori %not3A_2034, %not3A_2035 : i32
      %and3A_2037 = vector.broadcast %not3A_2036 : i32 to vector<16xi32>
      %and3A_2038 = arith.andi %add3A_2033, %and3A_2037 : vector<16xi32>
      %and3A_2039 = arith.constant 31 : i32
      %and3A_2040 = vector.broadcast %and3A_2039 : i32 to vector<16xi32>
      %and3A_2041 = arith.andi %add3A_2033, %and3A_2040 : vector<16xi32>
      %shift_left3A_2042 = arith.constant 2 : i32
      %shift_left3A_2043 = vector.broadcast %shift_left3A_2042 : i32 to vector<16xi32>
      %shift_left3A_2044 = arith.shli %and3A_2041, %shift_left3A_2043 : vector<16xi32>
      %or3A_2045 = arith.ori %and3A_2038, %shift_left3A_2044 : vector<16xi32>
      %shift_right_logical3A_2046 = arith.constant 5 : i32
      %shift_right_logical3A_2047 = vector.broadcast %shift_right_logical3A_2046 : i32 to vector<16xi32>
      %shift_right_logical3A_2048 = arith.shrui %add3A_2033, %shift_right_logical3A_2047 : vector<16xi32>
      %and3A_2049 = arith.constant 3 : i32
      %and3A_2050 = vector.broadcast %and3A_2049 : i32 to vector<16xi32>
      %and3A_2051 = arith.andi %shift_right_logical3A_2048, %and3A_2050 : vector<16xi32>
      %or3A_2052 = arith.ori %or3A_2045, %and3A_2051 : vector<16xi32>
      %swap3A_2053 = arith.constant 896 : index
      %swap3A_2054 = tpu.vector_load %arg5[%swap3A_2053] {strides = array<i32>} : memref<1280xi32, #tpu.memory_space<vmem>>, vector<16xi32>,
      %swap3A_2055 = vector.shape_cast %swap3A_2054 : vector<16xi32> to vector<16xi32>
      %swap3A_2056 = vector.shape_cast %or3A_2052 : vector<16xi32> to vector<16xi32>
      tpu.vector_store %arg5[%swap3A_2053], %swap3A_2056 {strides = array<i32>} : memref<1280xi32, #tpu.memory_space<vmem>>, vector<16xi32>,
      %shift_right_logical3A_2057 = arith.constant 7 : i32
      %shift_right_logical3A_2058 = arith.shrui %multiple_of3A, %shift_right_logical3A_2057 : i32
      %add3A_2059 = arith.constant 7 : i32
      %add3A_2060 = arith.addi %shift_right_logical3A_2058, %add3A_2059 : i32
      %and3A_2061 = arith.constant 1 : i32
      %and3A_2062 = arith.andi %add3A_2060, %and3A_2061 : i32
      %get3A_2063 = arith.constant 912 : index
      %get3A_2064 = tpu.vector_load %arg5[%get3A_2063] {strides = array<i32>} : memref<1280xi32, #tpu.memory_space<vmem>>, vector<16xi32>,
      %get3A_2065 = vector.shape_cast %get3A_2064 : vector<16xi32> to vector<16xi32>
      %mul3A_2066 = arith.constant 1000000 : i32
      %mul3A_2067 = arith.muli %and3A_2062, %mul3A_2066 : i32
      %add3A_2068 = vector.broadcast %mul3A_2067 : i32 to vector<16xi32>
      %add3A_2069 = arith.addi %get3A_2065, %add3A_2068 : vector<16xi32>
      %not3A_2070 = arith.constant 127 : i32
      %not3A_2071 = arith.constant -1 : i32
      %not3A_2072 = arith.xori %not3A_2070, %not3A_2071 : i32
      %and3A_2073 = vector.broadcast %not3A_2072 : i32 to vector<16xi32>
      %and3A_2074 = arith.andi %add3A_2069, %and3A_2073 : vector<16xi32>
      %and3A_2075 = arith.constant 31 : i32
      %and3A_2076 = vector.broadcast %and3A_2075 : i32 to vector<16xi32>
      %and3A_2077 = arith.andi %add3A_2069, %and3A_2076 : vector<16xi32>
      %shift_left3A_2078 = arith.constant 2 : i32
      %shift_left3A_2079 = vector.broadcast %shift_left3A_2078 : i32 to vector<16xi32>
      %shift_left3A_2080 = arith.shli %and3A_2077, %shift_left3A_2079 : vector<16xi32>
      %or3A_2081 = arith.ori %and3A_2074, %shift_left3A_2080 : vector<16xi32>
      %shift_right_logical3A_2082 = arith.constant 5 : i32
      %shift_right_logical3A_2083 = vector.broadcast %shift_right_logical3A_2082 : i32 to vector<16xi32>
      %shift_right_logical3A_2084 = arith.shrui %add3A_2069, %shift_right_logical3A_2083 : vector<16xi32>
      %and3A_2085 = arith.constant 3 : i32
      %and3A_2086 = vector.broadcast %and3A_2085 : i32 to vector<16xi32>
      %and3A_2087 = arith.andi %shift_right_logical3A_2084, %and3A_2086 : vector<16xi32>
      %or3A_2088 = arith.ori %or3A_2081, %and3A_2087 : vector<16xi32>
      %swap3A_2089 = arith.constant 912 : index
      %swap3A_2090 = tpu.vector_load %arg5[%swap3A_2089] {strides = array<i32>} : memref<1280xi32, #tpu.memory_space<vmem>>, vector<16xi32>,
      %swap3A_2091 = vector.shape_cast %swap3A_2090 : vector<16xi32> to vector<16xi32>
      %swap3A_2092 = vector.shape_cast %or3A_2088 : vector<16xi32> to vector<16xi32>
      tpu.vector_store %arg5[%swap3A_2089], %swap3A_2092 {strides = array<i32>} : memref<1280xi32, #tpu.memory_space<vmem>>, vector<16xi32>,
      %shift_right_logical3A_2093 = arith.constant 7 : i32
      %shift_right_logical3A_2094 = arith.shrui %multiple_of3A, %shift_right_logical3A_2093 : i32
      %add3A_2095 = arith.constant 7 : i32
      %add3A_2096 = arith.addi %shift_right_logical3A_2094, %add3A_2095 : i32
      %and3A_2097 = arith.constant 1 : i32
      %and3A_2098 = arith.andi %add3A_2096, %and3A_2097 : i32
      %get3A_2099 = arith.constant 928 : index
      %get3A_2100 = tpu.vector_load %arg5[%get3A_2099] {strides = array<i32>} : memref<1280xi32, #tpu.memory_space<vmem>>, vector<16xi32>,
      %get3A_2101 = vector.shape_cast %get3A_2100 : vector<16xi32> to vector<16xi32>
      %mul3A_2102 = arith.constant 1000000 : i32
      %mul3A_2103 = arith.muli %and3A_2098, %mul3A_2102 : i32
      %add3A_2104 = vector.broadcast %mul3A_2103 : i32 to vector<16xi32>
      %add3A_2105 = arith.addi %get3A_2101, %add3A_2104 : vector<16xi32>
      %not3A_2106 = arith.constant 127 : i32
      %not3A_2107 = arith.constant -1 : i32
      %not3A_2108 = arith.xori %not3A_2106, %not3A_2107 : i32
      %and3A_2109 = vector.broadcast %not3A_2108 : i32 to vector<16xi32>
      %and3A_2110 = arith.andi %add3A_2105, %and3A_2109 : vector<16xi32>
      %and3A_2111 = arith.constant 31 : i32
      %and3A_2112 = vector.broadcast %and3A_2111 : i32 to vector<16xi32>
      %and3A_2113 = arith.andi %add3A_2105, %and3A_2112 : vector<16xi32>
      %shift_left3A_2114 = arith.constant 2 : i32
      %shift_left3A_2115 = vector.broadcast %shift_left3A_2114 : i32 to vector<16xi32>
      %shift_left3A_2116 = arith.shli %and3A_2113, %shift_left3A_2115 : vector<16xi32>
      %or3A_2117 = arith.ori %and3A_2110, %shift_left3A_2116 : vector<16xi32>
      %shift_right_logical3A_2118 = arith.constant 5 : i32
      %shift_right_logical3A_2119 = vector.broadcast %shift_right_logical3A_2118 : i32 to vector<16xi32>
      %shift_right_logical3A_2120 = arith.shrui %add3A_2105, %shift_right_logical3A_2119 : vector<16xi32>
      %and3A_2121 = arith.constant 3 : i32
      %and3A_2122 = vector.broadcast %and3A_2121 : i32 to vector<16xi32>
      %and3A_2123 = arith.andi %shift_right_logical3A_2120, %and3A_2122 : vector<16xi32>
      %or3A_2124 = arith.ori %or3A_2117, %and3A_2123 : vector<16xi32>
      %swap3A_2125 = arith.constant 928 : index
      %swap3A_2126 = tpu.vector_load %arg5[%swap3A_2125] {strides = array<i32>} : memref<1280xi32, #tpu.memory_space<vmem>>, vector<16xi32>,
      %swap3A_2127 = vector.shape_cast %swap3A_2126 : vector<16xi32> to vector<16xi32>
      %swap3A_2128 = vector.shape_cast %or3A_2124 : vector<16xi32> to vector<16xi32>
      tpu.vector_store %arg5[%swap3A_2125], %swap3A_2128 {strides = array<i32>} : memref<1280xi32, #tpu.memory_space<vmem>>, vector<16xi32>,
      %shift_right_logical3A_2129 = arith.constant 7 : i32
      %shift_right_logical3A_2130 = arith.shrui %multiple_of3A, %shift_right_logical3A_2129 : i32
      %add3A_2131 = arith.constant 7 : i32
      %add3A_2132 = arith.addi %shift_right_logical3A_2130, %add3A_2131 : i32
      %and3A_2133 = arith.constant 1 : i32
      %and3A_2134 = arith.andi %add3A_2132, %and3A_2133 : i32
      %get3A_2135 = arith.constant 944 : index
      %get3A_2136 = tpu.vector_load %arg5[%get3A_2135] {strides = array<i32>} : memref<1280xi32, #tpu.memory_space<vmem>>, vector<16xi32>,
      %get3A_2137 = vector.shape_cast %get3A_2136 : vector<16xi32> to vector<16xi32>
      %mul3A_2138 = arith.constant 1000000 : i32
      %mul3A_2139 = arith.muli %and3A_2134, %mul3A_2138 : i32
      %add3A_2140 = vector.broadcast %mul3A_2139 : i32 to vector<16xi32>
      %add3A_2141 = arith.addi %get3A_2137, %add3A_2140 : vector<16xi32>
      %not3A_2142 = arith.constant 127 : i32
      %not3A_2143 = arith.constant -1 : i32
      %not3A_2144 = arith.xori %not3A_2142, %not3A_2143 : i32
      %and3A_2145 = vector.broadcast %not3A_2144 : i32 to vector<16xi32>
      %and3A_2146 = arith.andi %add3A_2141, %and3A_2145 : vector<16xi32>
      %and3A_2147 = arith.constant 31 : i32
      %and3A_2148 = vector.broadcast %and3A_2147 : i32 to vector<16xi32>
      %and3A_2149 = arith.andi %add3A_2141, %and3A_2148 : vector<16xi32>
      %shift_left3A_2150 = arith.constant 2 : i32
      %shift_left3A_2151 = vector.broadcast %shift_left3A_2150 : i32 to vector<16xi32>
      %shift_left3A_2152 = arith.shli %and3A_2149, %shift_left3A_2151 : vector<16xi32>
      %or3A_2153 = arith.ori %and3A_2146, %shift_left3A_2152 : vector<16xi32>
      %shift_right_logical3A_2154 = arith.constant 5 : i32
      %shift_right_logical3A_2155 = vector.broadcast %shift_right_logical3A_2154 : i32 to vector<16xi32>
      %shift_right_logical3A_2156 = arith.shrui %add3A_2141, %shift_right_logical3A_2155 : vector<16xi32>
      %and3A_2157 = arith.constant 3 : i32
      %and3A_2158 = vector.broadcast %and3A_2157 : i32 to vector<16xi32>
      %and3A_2159 = arith.andi %shift_right_logical3A_2156, %and3A_2158 : vector<16xi32>
      %or3A_2160 = arith.ori %or3A_2153, %and3A_2159 : vector<16xi32>
      %swap3A_2161 = arith.constant 944 : index
      %swap3A_2162 = tpu.vector_load %arg5[%swap3A_2161] {strides = array<i32>} : memref<1280xi32, #tpu.memory_space<vmem>>, vector<16xi32>,
      %swap3A_2163 = vector.shape_cast %swap3A_2162 : vector<16xi32> to vector<16xi32>
      %swap3A_2164 = vector.shape_cast %or3A_2160 : vector<16xi32> to vector<16xi32>
      tpu.vector_store %arg5[%swap3A_2161], %swap3A_2164 {strides = array<i32>} : memref<1280xi32, #tpu.memory_space<vmem>>, vector<16xi32>,
      %shift_right_logical3A_2165 = arith.constant 7 : i32
      %shift_right_logical3A_2166 = arith.shrui %multiple_of3A, %shift_right_logical3A_2165 : i32
      %add3A_2167 = arith.constant 7 : i32
      %add3A_2168 = arith.addi %shift_right_logical3A_2166, %add3A_2167 : i32
      %and3A_2169 = arith.constant 1 : i32
      %and3A_2170 = arith.andi %add3A_2168, %and3A_2169 : i32
      %get3A_2171 = arith.constant 960 : index
      %get3A_2172 = tpu.vector_load %arg5[%get3A_2171] {strides = array<i32>} : memref<1280xi32, #tpu.memory_space<vmem>>, vector<16xi32>,
      %get3A_2173 = vector.shape_cast %get3A_2172 : vector<16xi32> to vector<16xi32>
      %mul3A_2174 = arith.constant 1000000 : i32
      %mul3A_2175 = arith.muli %and3A_2170, %mul3A_2174 : i32
      %add3A_2176 = vector.broadcast %mul3A_2175 : i32 to vector<16xi32>
      %add3A_2177 = arith.addi %get3A_2173, %add3A_2176 : vector<16xi32>
      %not3A_2178 = arith.constant 127 : i32
      %not3A_2179 = arith.constant -1 : i32
      %not3A_2180 = arith.xori %not3A_2178, %not3A_2179 : i32
      %and3A_2181 = vector.broadcast %not3A_2180 : i32 to vector<16xi32>
      %and3A_2182 = arith.andi %add3A_2177, %and3A_2181 : vector<16xi32>
      %and3A_2183 = arith.constant 31 : i32
      %and3A_2184 = vector.broadcast %and3A_2183 : i32 to vector<16xi32>
      %and3A_2185 = arith.andi %add3A_2177, %and3A_2184 : vector<16xi32>
      %shift_left3A_2186 = arith.constant 2 : i32
      %shift_left3A_2187 = vector.broadcast %shift_left3A_2186 : i32 to vector<16xi32>
      %shift_left3A_2188 = arith.shli %and3A_2185, %shift_left3A_2187 : vector<16xi32>
      %or3A_2189 = arith.ori %and3A_2182, %shift_left3A_2188 : vector<16xi32>
      %shift_right_logical3A_2190 = arith.constant 5 : i32
      %shift_right_logical3A_2191 = vector.broadcast %shift_right_logical3A_2190 : i32 to vector<16xi32>
      %shift_right_logical3A_2192 = arith.shrui %add3A_2177, %shift_right_logical3A_2191 : vector<16xi32>
      %and3A_2193 = arith.constant 3 : i32
      %and3A_2194 = vector.broadcast %and3A_2193 : i32 to vector<16xi32>
      %and3A_2195 = arith.andi %shift_right_logical3A_2192, %and3A_2194 : vector<16xi32>
      %or3A_2196 = arith.ori %or3A_2189, %and3A_2195 : vector<16xi32>
      %swap3A_2197 = arith.constant 960 : index
      %swap3A_2198 = tpu.vector_load %arg5[%swap3A_2197] {strides = array<i32>} : memref<1280xi32, #tpu.memory_space<vmem>>, vector<16xi32>,
      %swap3A_2199 = vector.shape_cast %swap3A_2198 : vector<16xi32> to vector<16xi32>
      %swap3A_2200 = vector.shape_cast %or3A_2196 : vector<16xi32> to vector<16xi32>
      tpu.vector_store %arg5[%swap3A_2197], %swap3A_2200 {strides = array<i32>} : memref<1280xi32, #tpu.memory_space<vmem>>, vector<16xi32>,
      %shift_right_logical3A_2201 = arith.constant 7 : i32
      %shift_right_logical3A_2202 = arith.shrui %multiple_of3A, %shift_right_logical3A_2201 : i32
      %add3A_2203 = arith.constant 7 : i32
      %add3A_2204 = arith.addi %shift_right_logical3A_2202, %add3A_2203 : i32
      %and3A_2205 = arith.constant 1 : i32
      %and3A_2206 = arith.andi %add3A_2204, %and3A_2205 : i32
      %get3A_2207 = arith.constant 976 : index
      %get3A_2208 = tpu.vector_load %arg5[%get3A_2207] {strides = array<i32>} : memref<1280xi32, #tpu.memory_space<vmem>>, vector<16xi32>,
      %get3A_2209 = vector.shape_cast %get3A_2208 : vector<16xi32> to vector<16xi32>
      %mul3A_2210 = arith.constant 1000000 : i32
      %mul3A_2211 = arith.muli %and3A_2206, %mul3A_2210 : i32
      %add3A_2212 = vector.broadcast %mul3A_2211 : i32 to vector<16xi32>
      %add3A_2213 = arith.addi %get3A_2209, %add3A_2212 : vector<16xi32>
      %not3A_2214 = arith.constant 127 : i32
      %not3A_2215 = arith.constant -1 : i32
      %not3A_2216 = arith.xori %not3A_2214, %not3A_2215 : i32
      %and3A_2217 = vector.broadcast %not3A_2216 : i32 to vector<16xi32>
      %and3A_2218 = arith.andi %add3A_2213, %and3A_2217 : vector<16xi32>
      %and3A_2219 = arith.constant 31 : i32
      %and3A_2220 = vector.broadcast %and3A_2219 : i32 to vector<16xi32>
      %and3A_2221 = arith.andi %add3A_2213, %and3A_2220 : vector<16xi32>
      %shift_left3A_2222 = arith.constant 2 : i32
      %shift_left3A_2223 = vector.broadcast %shift_left3A_2222 : i32 to vector<16xi32>
      %shift_left3A_2224 = arith.shli %and3A_2221, %shift_left3A_2223 : vector<16xi32>
      %or3A_2225 = arith.ori %and3A_2218, %shift_left3A_2224 : vector<16xi32>
      %shift_right_logical3A_2226 = arith.constant 5 : i32
      %shift_right_logical3A_2227 = vector.broadcast %shift_right_logical3A_2226 : i32 to vector<16xi32>
      %shift_right_logical3A_2228 = arith.shrui %add3A_2213, %shift_right_logical3A_2227 : vector<16xi32>
      %and3A_2229 = arith.constant 3 : i32
      %and3A_2230 = vector.broadcast %and3A_2229 : i32 to vector<16xi32>
      %and3A_2231 = arith.andi %shift_right_logical3A_2228, %and3A_2230 : vector<16xi32>
      %or3A_2232 = arith.ori %or3A_2225, %and3A_2231 : vector<16xi32>
      %swap3A_2233 = arith.constant 976 : index
      %swap3A_2234 = tpu.vector_load %arg5[%swap3A_2233] {strides = array<i32>} : memref<1280xi32, #tpu.memory_space<vmem>>, vector<16xi32>,
      %swap3A_2235 = vector.shape_cast %swap3A_2234 : vector<16xi32> to vector<16xi32>
      %swap3A_2236 = vector.shape_cast %or3A_2232 : vector<16xi32> to vector<16xi32>
      tpu.vector_store %arg5[%swap3A_2233], %swap3A_2236 {strides = array<i32>} : memref<1280xi32, #tpu.memory_space<vmem>>, vector<16xi32>,
      %shift_right_logical3A_2237 = arith.constant 7 : i32
      %shift_right_logical3A_2238 = arith.shrui %multiple_of3A, %shift_right_logical3A_2237 : i32
      %add3A_2239 = arith.constant 7 : i32
      %add3A_2240 = arith.addi %shift_right_logical3A_2238, %add3A_2239 : i32
      %and3A_2241 = arith.constant 1 : i32
      %and3A_2242 = arith.andi %add3A_2240, %and3A_2241 : i32
      %get3A_2243 = arith.constant 992 : index
      %get3A_2244 = tpu.vector_load %arg5[%get3A_2243] {strides = array<i32>} : memref<1280xi32, #tpu.memory_space<vmem>>, vector<16xi32>,
      %get3A_2245 = vector.shape_cast %get3A_2244 : vector<16xi32> to vector<16xi32>
      %mul3A_2246 = arith.constant 1000000 : i32
      %mul3A_2247 = arith.muli %and3A_2242, %mul3A_2246 : i32
      %add3A_2248 = vector.broadcast %mul3A_2247 : i32 to vector<16xi32>
      %add3A_2249 = arith.addi %get3A_2245, %add3A_2248 : vector<16xi32>
      %not3A_2250 = arith.constant 127 : i32
      %not3A_2251 = arith.constant -1 : i32
      %not3A_2252 = arith.xori %not3A_2250, %not3A_2251 : i32
      %and3A_2253 = vector.broadcast %not3A_2252 : i32 to vector<16xi32>
      %and3A_2254 = arith.andi %add3A_2249, %and3A_2253 : vector<16xi32>
      %and3A_2255 = arith.constant 31 : i32
      %and3A_2256 = vector.broadcast %and3A_2255 : i32 to vector<16xi32>
      %and3A_2257 = arith.andi %add3A_2249, %and3A_2256 : vector<16xi32>
      %shift_left3A_2258 = arith.constant 2 : i32
      %shift_left3A_2259 = vector.broadcast %shift_left3A_2258 : i32 to vector<16xi32>
      %shift_left3A_2260 = arith.shli %and3A_2257, %shift_left3A_2259 : vector<16xi32>
      %or3A_2261 = arith.ori %and3A_2254, %shift_left3A_2260 : vector<16xi32>
      %shift_right_logical3A_2262 = arith.constant 5 : i32
      %shift_right_logical3A_2263 = vector.broadcast %shift_right_logical3A_2262 : i32 to vector<16xi32>
      %shift_right_logical3A_2264 = arith.shrui %add3A_2249, %shift_right_logical3A_2263 : vector<16xi32>
      %and3A_2265 = arith.constant 3 : i32
      %and3A_2266 = vector.broadcast %and3A_2265 : i32 to vector<16xi32>
      %and3A_2267 = arith.andi %shift_right_logical3A_2264, %and3A_2266 : vector<16xi32>
      %or3A_2268 = arith.ori %or3A_2261, %and3A_2267 : vector<16xi32>
      %swap3A_2269 = arith.constant 992 : index
      %swap3A_2270 = tpu.vector_load %arg5[%swap3A_2269] {strides = array<i32>} : memref<1280xi32, #tpu.memory_space<vmem>>, vector<16xi32>,
      %swap3A_2271 = vector.shape_cast %swap3A_2270 : vector<16xi32> to vector<16xi32>
      %swap3A_2272 = vector.shape_cast %or3A_2268 : vector<16xi32> to vector<16xi32>
      tpu.vector_store %arg5[%swap3A_2269], %swap3A_2272 {strides = array<i32>} : memref<1280xi32, #tpu.memory_space<vmem>>, vector<16xi32>,
      %shift_right_logical3A_2273 = arith.constant 7 : i32
      %shift_right_logical3A_2274 = arith.shrui %multiple_of3A, %shift_right_logical3A_2273 : i32
      %add3A_2275 = arith.constant 7 : i32
      %add3A_2276 = arith.addi %shift_right_logical3A_2274, %add3A_2275 : i32
      %and3A_2277 = arith.constant 1 : i32
      %and3A_2278 = arith.andi %add3A_2276, %and3A_2277 : i32
      %get3A_2279 = arith.constant 1008 : index
      %get3A_2280 = tpu.vector_load %arg5[%get3A_2279] {strides = array<i32>} : memref<1280xi32, #tpu.memory_space<vmem>>, vector<16xi32>,
      %get3A_2281 = vector.shape_cast %get3A_2280 : vector<16xi32> to vector<16xi32>
      %mul3A_2282 = arith.constant 1000000 : i32
      %mul3A_2283 = arith.muli %and3A_2278, %mul3A_2282 : i32
      %add3A_2284 = vector.broadcast %mul3A_2283 : i32 to vector<16xi32>
      %add3A_2285 = arith.addi %get3A_2281, %add3A_2284 : vector<16xi32>
      %not3A_2286 = arith.constant 127 : i32
      %not3A_2287 = arith.constant -1 : i32
      %not3A_2288 = arith.xori %not3A_2286, %not3A_2287 : i32
      %and3A_2289 = vector.broadcast %not3A_2288 : i32 to vector<16xi32>
      %and3A_2290 = arith.andi %add3A_2285, %and3A_2289 : vector<16xi32>
      %and3A_2291 = arith.constant 31 : i32
      %and3A_2292 = vector.broadcast %and3A_2291 : i32 to vector<16xi32>
      %and3A_2293 = arith.andi %add3A_2285, %and3A_2292 : vector<16xi32>
      %shift_left3A_2294 = arith.constant 2 : i32
      %shift_left3A_2295 = vector.broadcast %shift_left3A_2294 : i32 to vector<16xi32>
      %shift_left3A_2296 = arith.shli %and3A_2293, %shift_left3A_2295 : vector<16xi32>
      %or3A_2297 = arith.ori %and3A_2290, %shift_left3A_2296 : vector<16xi32>
      %shift_right_logical3A_2298 = arith.constant 5 : i32
      %shift_right_logical3A_2299 = vector.broadcast %shift_right_logical3A_2298 : i32 to vector<16xi32>
      %shift_right_logical3A_2300 = arith.shrui %add3A_2285, %shift_right_logical3A_2299 : vector<16xi32>
      %and3A_2301 = arith.constant 3 : i32
      %and3A_2302 = vector.broadcast %and3A_2301 : i32 to vector<16xi32>
      %and3A_2303 = arith.andi %shift_right_logical3A_2300, %and3A_2302 : vector<16xi32>
      %or3A_2304 = arith.ori %or3A_2297, %and3A_2303 : vector<16xi32>
      %swap3A_2305 = arith.constant 1008 : index
      %swap3A_2306 = tpu.vector_load %arg5[%swap3A_2305] {strides = array<i32>} : memref<1280xi32, #tpu.memory_space<vmem>>, vector<16xi32>,
      %swap3A_2307 = vector.shape_cast %swap3A_2306 : vector<16xi32> to vector<16xi32>
      %swap3A_2308 = vector.shape_cast %or3A_2304 : vector<16xi32> to vector<16xi32>
      tpu.vector_store %arg5[%swap3A_2305], %swap3A_2308 {strides = array<i32>} : memref<1280xi32, #tpu.memory_space<vmem>>, vector<16xi32>,
      %shift_right_logical3A_2309 = arith.constant 7 : i32
      %shift_right_logical3A_2310 = arith.shrui %multiple_of3A, %shift_right_logical3A_2309 : i32
      %add3A_2311 = arith.constant 8 : i32
      %add3A_2312 = arith.addi %shift_right_logical3A_2310, %add3A_2311 : i32
      %and3A_2313 = arith.constant 1 : i32
      %and3A_2314 = arith.andi %add3A_2312, %and3A_2313 : i32
      %get3A_2315 = arith.constant 1024 : index
      %get3A_2316 = tpu.vector_load %arg5[%get3A_2315] {strides = array<i32>} : memref<1280xi32, #tpu.memory_space<vmem>>, vector<16xi32>,
      %get3A_2317 = vector.shape_cast %get3A_2316 : vector<16xi32> to vector<16xi32>
      %mul3A_2318 = arith.constant 1000000 : i32
      %mul3A_2319 = arith.muli %and3A_2314, %mul3A_2318 : i32
      %add3A_2320 = vector.broadcast %mul3A_2319 : i32 to vector<16xi32>
      %add3A_2321 = arith.addi %get3A_2317, %add3A_2320 : vector<16xi32>
      %not3A_2322 = arith.constant 127 : i32
      %not3A_2323 = arith.constant -1 : i32
      %not3A_2324 = arith.xori %not3A_2322, %not3A_2323 : i32
      %and3A_2325 = vector.broadcast %not3A_2324 : i32 to vector<16xi32>
      %and3A_2326 = arith.andi %add3A_2321, %and3A_2325 : vector<16xi32>
      %and3A_2327 = arith.constant 31 : i32
      %and3A_2328 = vector.broadcast %and3A_2327 : i32 to vector<16xi32>
      %and3A_2329 = arith.andi %add3A_2321, %and3A_2328 : vector<16xi32>
      %shift_left3A_2330 = arith.constant 2 : i32
      %shift_left3A_2331 = vector.broadcast %shift_left3A_2330 : i32 to vector<16xi32>
      %shift_left3A_2332 = arith.shli %and3A_2329, %shift_left3A_2331 : vector<16xi32>
      %or3A_2333 = arith.ori %and3A_2326, %shift_left3A_2332 : vector<16xi32>
      %shift_right_logical3A_2334 = arith.constant 5 : i32
      %shift_right_logical3A_2335 = vector.broadcast %shift_right_logical3A_2334 : i32 to vector<16xi32>
      %shift_right_logical3A_2336 = arith.shrui %add3A_2321, %shift_right_logical3A_2335 : vector<16xi32>
      %and3A_2337 = arith.constant 3 : i32
      %and3A_2338 = vector.broadcast %and3A_2337 : i32 to vector<16xi32>
      %and3A_2339 = arith.andi %shift_right_logical3A_2336, %and3A_2338 : vector<16xi32>
      %or3A_2340 = arith.ori %or3A_2333, %and3A_2339 : vector<16xi32>
      %swap3A_2341 = arith.constant 1024 : index
      %swap3A_2342 = tpu.vector_load %arg5[%swap3A_2341] {strides = array<i32>} : memref<1280xi32, #tpu.memory_space<vmem>>, vector<16xi32>,
      %swap3A_2343 = vector.shape_cast %swap3A_2342 : vector<16xi32> to vector<16xi32>
      %swap3A_2344 = vector.shape_cast %or3A_2340 : vector<16xi32> to vector<16xi32>
      tpu.vector_store %arg5[%swap3A_2341], %swap3A_2344 {strides = array<i32>} : memref<1280xi32, #tpu.memory_space<vmem>>, vector<16xi32>,
      %shift_right_logical3A_2345 = arith.constant 7 : i32
      %shift_right_logical3A_2346 = arith.shrui %multiple_of3A, %shift_right_logical3A_2345 : i32
      %add3A_2347 = arith.constant 8 : i32
      %add3A_2348 = arith.addi %shift_right_logical3A_2346, %add3A_2347 : i32
      %and3A_2349 = arith.constant 1 : i32
      %and3A_2350 = arith.andi %add3A_2348, %and3A_2349 : i32
      %get3A_2351 = arith.constant 1040 : index
      %get3A_2352 = tpu.vector_load %arg5[%get3A_2351] {strides = array<i32>} : memref<1280xi32, #tpu.memory_space<vmem>>, vector<16xi32>,
      %get3A_2353 = vector.shape_cast %get3A_2352 : vector<16xi32> to vector<16xi32>
      %mul3A_2354 = arith.constant 1000000 : i32
      %mul3A_2355 = arith.muli %and3A_2350, %mul3A_2354 : i32
      %add3A_2356 = vector.broadcast %mul3A_2355 : i32 to vector<16xi32>
      %add3A_2357 = arith.addi %get3A_2353, %add3A_2356 : vector<16xi32>
      %not3A_2358 = arith.constant 127 : i32
      %not3A_2359 = arith.constant -1 : i32
      %not3A_2360 = arith.xori %not3A_2358, %not3A_2359 : i32
      %and3A_2361 = vector.broadcast %not3A_2360 : i32 to vector<16xi32>
      %and3A_2362 = arith.andi %add3A_2357, %and3A_2361 : vector<16xi32>
      %and3A_2363 = arith.constant 31 : i32
      %and3A_2364 = vector.broadcast %and3A_2363 : i32 to vector<16xi32>
      %and3A_2365 = arith.andi %add3A_2357, %and3A_2364 : vector<16xi32>
      %shift_left3A_2366 = arith.constant 2 : i32
      %shift_left3A_2367 = vector.broadcast %shift_left3A_2366 : i32 to vector<16xi32>
      %shift_left3A_2368 = arith.shli %and3A_2365, %shift_left3A_2367 : vector<16xi32>
      %or3A_2369 = arith.ori %and3A_2362, %shift_left3A_2368 : vector<16xi32>
      %shift_right_logical3A_2370 = arith.constant 5 : i32
      %shift_right_logical3A_2371 = vector.broadcast %shift_right_logical3A_2370 : i32 to vector<16xi32>
      %shift_right_logical3A_2372 = arith.shrui %add3A_2357, %shift_right_logical3A_2371 : vector<16xi32>
      %and3A_2373 = arith.constant 3 : i32
      %and3A_2374 = vector.broadcast %and3A_2373 : i32 to vector<16xi32>
      %and3A_2375 = arith.andi %shift_right_logical3A_2372, %and3A_2374 : vector<16xi32>
      %or3A_2376 = arith.ori %or3A_2369, %and3A_2375 : vector<16xi32>
      %swap3A_2377 = arith.constant 1040 : index
      %swap3A_2378 = tpu.vector_load %arg5[%swap3A_2377] {strides = array<i32>} : memref<1280xi32, #tpu.memory_space<vmem>>, vector<16xi32>,
      %swap3A_2379 = vector.shape_cast %swap3A_2378 : vector<16xi32> to vector<16xi32>
      %swap3A_2380 = vector.shape_cast %or3A_2376 : vector<16xi32> to vector<16xi32>
      tpu.vector_store %arg5[%swap3A_2377], %swap3A_2380 {strides = array<i32>} : memref<1280xi32, #tpu.memory_space<vmem>>, vector<16xi32>,
      %shift_right_logical3A_2381 = arith.constant 7 : i32
      %shift_right_logical3A_2382 = arith.shrui %multiple_of3A, %shift_right_logical3A_2381 : i32
      %add3A_2383 = arith.constant 8 : i32
      %add3A_2384 = arith.addi %shift_right_logical3A_2382, %add3A_2383 : i32
      %and3A_2385 = arith.constant 1 : i32
      %and3A_2386 = arith.andi %add3A_2384, %and3A_2385 : i32
      %get3A_2387 = arith.constant 1056 : index
      %get3A_2388 = tpu.vector_load %arg5[%get3A_2387] {strides = array<i32>} : memref<1280xi32, #tpu.memory_space<vmem>>, vector<16xi32>,
      %get3A_2389 = vector.shape_cast %get3A_2388 : vector<16xi32> to vector<16xi32>
      %mul3A_2390 = arith.constant 1000000 : i32
      %mul3A_2391 = arith.muli %and3A_2386, %mul3A_2390 : i32
      %add3A_2392 = vector.broadcast %mul3A_2391 : i32 to vector<16xi32>
      %add3A_2393 = arith.addi %get3A_2389, %add3A_2392 : vector<16xi32>
      %not3A_2394 = arith.constant 127 : i32
      %not3A_2395 = arith.constant -1 : i32
      %not3A_2396 = arith.xori %not3A_2394, %not3A_2395 : i32
      %and3A_2397 = vector.broadcast %not3A_2396 : i32 to vector<16xi32>
      %and3A_2398 = arith.andi %add3A_2393, %and3A_2397 : vector<16xi32>
      %and3A_2399 = arith.constant 31 : i32
      %and3A_2400 = vector.broadcast %and3A_2399 : i32 to vector<16xi32>
      %and3A_2401 = arith.andi %add3A_2393, %and3A_2400 : vector<16xi32>
      %shift_left3A_2402 = arith.constant 2 : i32
      %shift_left3A_2403 = vector.broadcast %shift_left3A_2402 : i32 to vector<16xi32>
      %shift_left3A_2404 = arith.shli %and3A_2401, %shift_left3A_2403 : vector<16xi32>
      %or3A_2405 = arith.ori %and3A_2398, %shift_left3A_2404 : vector<16xi32>
      %shift_right_logical3A_2406 = arith.constant 5 : i32
      %shift_right_logical3A_2407 = vector.broadcast %shift_right_logical3A_2406 : i32 to vector<16xi32>
      %shift_right_logical3A_2408 = arith.shrui %add3A_2393, %shift_right_logical3A_2407 : vector<16xi32>
      %and3A_2409 = arith.constant 3 : i32
      %and3A_2410 = vector.broadcast %and3A_2409 : i32 to vector<16xi32>
      %and3A_2411 = arith.andi %shift_right_logical3A_2408, %and3A_2410 : vector<16xi32>
      %or3A_2412 = arith.ori %or3A_2405, %and3A_2411 : vector<16xi32>
      %swap3A_2413 = arith.constant 1056 : index
      %swap3A_2414 = tpu.vector_load %arg5[%swap3A_2413] {strides = array<i32>} : memref<1280xi32, #tpu.memory_space<vmem>>, vector<16xi32>,
      %swap3A_2415 = vector.shape_cast %swap3A_2414 : vector<16xi32> to vector<16xi32>
      %swap3A_2416 = vector.shape_cast %or3A_2412 : vector<16xi32> to vector<16xi32>
      tpu.vector_store %arg5[%swap3A_2413], %swap3A_2416 {strides = array<i32>} : memref<1280xi32, #tpu.memory_space<vmem>>, vector<16xi32>,
      %shift_right_logical3A_2417 = arith.constant 7 : i32
      %shift_right_logical3A_2418 = arith.shrui %multiple_of3A, %shift_right_logical3A_2417 : i32
      %add3A_2419 = arith.constant 8 : i32
      %add3A_2420 = arith.addi %shift_right_logical3A_2418, %add3A_2419 : i32
      %and3A_2421 = arith.constant 1 : i32
      %and3A_2422 = arith.andi %add3A_2420, %and3A_2421 : i32
      %get3A_2423 = arith.constant 1072 : index
      %get3A_2424 = tpu.vector_load %arg5[%get3A_2423] {strides = array<i32>} : memref<1280xi32, #tpu.memory_space<vmem>>, vector<16xi32>,
      %get3A_2425 = vector.shape_cast %get3A_2424 : vector<16xi32> to vector<16xi32>
      %mul3A_2426 = arith.constant 1000000 : i32
      %mul3A_2427 = arith.muli %and3A_2422, %mul3A_2426 : i32
      %add3A_2428 = vector.broadcast %mul3A_2427 : i32 to vector<16xi32>
      %add3A_2429 = arith.addi %get3A_2425, %add3A_2428 : vector<16xi32>
      %not3A_2430 = arith.constant 127 : i32
      %not3A_2431 = arith.constant -1 : i32
      %not3A_2432 = arith.xori %not3A_2430, %not3A_2431 : i32
      %and3A_2433 = vector.broadcast %not3A_2432 : i32 to vector<16xi32>
      %and3A_2434 = arith.andi %add3A_2429, %and3A_2433 : vector<16xi32>
      %and3A_2435 = arith.constant 31 : i32
      %and3A_2436 = vector.broadcast %and3A_2435 : i32 to vector<16xi32>
      %and3A_2437 = arith.andi %add3A_2429, %and3A_2436 : vector<16xi32>
      %shift_left3A_2438 = arith.constant 2 : i32
      %shift_left3A_2439 = vector.broadcast %shift_left3A_2438 : i32 to vector<16xi32>
      %shift_left3A_2440 = arith.shli %and3A_2437, %shift_left3A_2439 : vector<16xi32>
      %or3A_2441 = arith.ori %and3A_2434, %shift_left3A_2440 : vector<16xi32>
      %shift_right_logical3A_2442 = arith.constant 5 : i32
      %shift_right_logical3A_2443 = vector.broadcast %shift_right_logical3A_2442 : i32 to vector<16xi32>
      %shift_right_logical3A_2444 = arith.shrui %add3A_2429, %shift_right_logical3A_2443 : vector<16xi32>
      %and3A_2445 = arith.constant 3 : i32
      %and3A_2446 = vector.broadcast %and3A_2445 : i32 to vector<16xi32>
      %and3A_2447 = arith.andi %shift_right_logical3A_2444, %and3A_2446 : vector<16xi32>
      %or3A_2448 = arith.ori %or3A_2441, %and3A_2447 : vector<16xi32>
      %swap3A_2449 = arith.constant 1072 : index
      %swap3A_2450 = tpu.vector_load %arg5[%swap3A_2449] {strides = array<i32>} : memref<1280xi32, #tpu.memory_space<vmem>>, vector<16xi32>,
      %swap3A_2451 = vector.shape_cast %swap3A_2450 : vector<16xi32> to vector<16xi32>
      %swap3A_2452 = vector.shape_cast %or3A_2448 : vector<16xi32> to vector<16xi32>
      tpu.vector_store %arg5[%swap3A_2449], %swap3A_2452 {strides = array<i32>} : memref<1280xi32, #tpu.memory_space<vmem>>, vector<16xi32>,
      %shift_right_logical3A_2453 = arith.constant 7 : i32
      %shift_right_logical3A_2454 = arith.shrui %multiple_of3A, %shift_right_logical3A_2453 : i32
      %add3A_2455 = arith.constant 8 : i32
      %add3A_2456 = arith.addi %shift_right_logical3A_2454, %add3A_2455 : i32
      %and3A_2457 = arith.constant 1 : i32
      %and3A_2458 = arith.andi %add3A_2456, %and3A_2457 : i32
      %get3A_2459 = arith.constant 1088 : index
      %get3A_2460 = tpu.vector_load %arg5[%get3A_2459] {strides = array<i32>} : memref<1280xi32, #tpu.memory_space<vmem>>, vector<16xi32>,
      %get3A_2461 = vector.shape_cast %get3A_2460 : vector<16xi32> to vector<16xi32>
      %mul3A_2462 = arith.constant 1000000 : i32
      %mul3A_2463 = arith.muli %and3A_2458, %mul3A_2462 : i32
      %add3A_2464 = vector.broadcast %mul3A_2463 : i32 to vector<16xi32>
      %add3A_2465 = arith.addi %get3A_2461, %add3A_2464 : vector<16xi32>
      %not3A_2466 = arith.constant 127 : i32
      %not3A_2467 = arith.constant -1 : i32
      %not3A_2468 = arith.xori %not3A_2466, %not3A_2467 : i32
      %and3A_2469 = vector.broadcast %not3A_2468 : i32 to vector<16xi32>
      %and3A_2470 = arith.andi %add3A_2465, %and3A_2469 : vector<16xi32>
      %and3A_2471 = arith.constant 31 : i32
      %and3A_2472 = vector.broadcast %and3A_2471 : i32 to vector<16xi32>
      %and3A_2473 = arith.andi %add3A_2465, %and3A_2472 : vector<16xi32>
      %shift_left3A_2474 = arith.constant 2 : i32
      %shift_left3A_2475 = vector.broadcast %shift_left3A_2474 : i32 to vector<16xi32>
      %shift_left3A_2476 = arith.shli %and3A_2473, %shift_left3A_2475 : vector<16xi32>
      %or3A_2477 = arith.ori %and3A_2470, %shift_left3A_2476 : vector<16xi32>
      %shift_right_logical3A_2478 = arith.constant 5 : i32
      %shift_right_logical3A_2479 = vector.broadcast %shift_right_logical3A_2478 : i32 to vector<16xi32>
      %shift_right_logical3A_2480 = arith.shrui %add3A_2465, %shift_right_logical3A_2479 : vector<16xi32>
      %and3A_2481 = arith.constant 3 : i32
      %and3A_2482 = vector.broadcast %and3A_2481 : i32 to vector<16xi32>
      %and3A_2483 = arith.andi %shift_right_logical3A_2480, %and3A_2482 : vector<16xi32>
      %or3A_2484 = arith.ori %or3A_2477, %and3A_2483 : vector<16xi32>
      %swap3A_2485 = arith.constant 1088 : index
      %swap3A_2486 = tpu.vector_load %arg5[%swap3A_2485] {strides = array<i32>} : memref<1280xi32, #tpu.memory_space<vmem>>, vector<16xi32>,
      %swap3A_2487 = vector.shape_cast %swap3A_2486 : vector<16xi32> to vector<16xi32>
      %swap3A_2488 = vector.shape_cast %or3A_2484 : vector<16xi32> to vector<16xi32>
      tpu.vector_store %arg5[%swap3A_2485], %swap3A_2488 {strides = array<i32>} : memref<1280xi32, #tpu.memory_space<vmem>>, vector<16xi32>,
      %shift_right_logical3A_2489 = arith.constant 7 : i32
      %shift_right_logical3A_2490 = arith.shrui %multiple_of3A, %shift_right_logical3A_2489 : i32
      %add3A_2491 = arith.constant 8 : i32
      %add3A_2492 = arith.addi %shift_right_logical3A_2490, %add3A_2491 : i32
      %and3A_2493 = arith.constant 1 : i32
      %and3A_2494 = arith.andi %add3A_2492, %and3A_2493 : i32
      %get3A_2495 = arith.constant 1104 : index
      %get3A_2496 = tpu.vector_load %arg5[%get3A_2495] {strides = array<i32>} : memref<1280xi32, #tpu.memory_space<vmem>>, vector<16xi32>,
      %get3A_2497 = vector.shape_cast %get3A_2496 : vector<16xi32> to vector<16xi32>
      %mul3A_2498 = arith.constant 1000000 : i32
      %mul3A_2499 = arith.muli %and3A_2494, %mul3A_2498 : i32
      %add3A_2500 = vector.broadcast %mul3A_2499 : i32 to vector<16xi32>
      %add3A_2501 = arith.addi %get3A_2497, %add3A_2500 : vector<16xi32>
      %not3A_2502 = arith.constant 127 : i32
      %not3A_2503 = arith.constant -1 : i32
      %not3A_2504 = arith.xori %not3A_2502, %not3A_2503 : i32
      %and3A_2505 = vector.broadcast %not3A_2504 : i32 to vector<16xi32>
      %and3A_2506 = arith.andi %add3A_2501, %and3A_2505 : vector<16xi32>
      %and3A_2507 = arith.constant 31 : i32
      %and3A_2508 = vector.broadcast %and3A_2507 : i32 to vector<16xi32>
      %and3A_2509 = arith.andi %add3A_2501, %and3A_2508 : vector<16xi32>
      %shift_left3A_2510 = arith.constant 2 : i32
      %shift_left3A_2511 = vector.broadcast %shift_left3A_2510 : i32 to vector<16xi32>
      %shift_left3A_2512 = arith.shli %and3A_2509, %shift_left3A_2511 : vector<16xi32>
      %or3A_2513 = arith.ori %and3A_2506, %shift_left3A_2512 : vector<16xi32>
      %shift_right_logical3A_2514 = arith.constant 5 : i32
      %shift_right_logical3A_2515 = vector.broadcast %shift_right_logical3A_2514 : i32 to vector<16xi32>
      %shift_right_logical3A_2516 = arith.shrui %add3A_2501, %shift_right_logical3A_2515 : vector<16xi32>
      %and3A_2517 = arith.constant 3 : i32
      %and3A_2518 = vector.broadcast %and3A_2517 : i32 to vector<16xi32>
      %and3A_2519 = arith.andi %shift_right_logical3A_2516, %and3A_2518 : vector<16xi32>
      %or3A_2520 = arith.ori %or3A_2513, %and3A_2519 : vector<16xi32>
      %swap3A_2521 = arith.constant 1104 : index
      %swap3A_2522 = tpu.vector_load %arg5[%swap3A_2521] {strides = array<i32>} : memref<1280xi32, #tpu.memory_space<vmem>>, vector<16xi32>,
      %swap3A_2523 = vector.shape_cast %swap3A_2522 : vector<16xi32> to vector<16xi32>
      %swap3A_2524 = vector.shape_cast %or3A_2520 : vector<16xi32> to vector<16xi32>
      tpu.vector_store %arg5[%swap3A_2521], %swap3A_2524 {strides = array<i32>} : memref<1280xi32, #tpu.memory_space<vmem>>, vector<16xi32>,
      %shift_right_logical3A_2525 = arith.constant 7 : i32
      %shift_right_logical3A_2526 = arith.shrui %multiple_of3A, %shift_right_logical3A_2525 : i32
      %add3A_2527 = arith.constant 8 : i32
      %add3A_2528 = arith.addi %shift_right_logical3A_2526, %add3A_2527 : i32
      %and3A_2529 = arith.constant 1 : i32
      %and3A_2530 = arith.andi %add3A_2528, %and3A_2529 : i32
      %get3A_2531 = arith.constant 1120 : index
      %get3A_2532 = tpu.vector_load %arg5[%get3A_2531] {strides = array<i32>} : memref<1280xi32, #tpu.memory_space<vmem>>, vector<16xi32>,
      %get3A_2533 = vector.shape_cast %get3A_2532 : vector<16xi32> to vector<16xi32>
      %mul3A_2534 = arith.constant 1000000 : i32
      %mul3A_2535 = arith.muli %and3A_2530, %mul3A_2534 : i32
      %add3A_2536 = vector.broadcast %mul3A_2535 : i32 to vector<16xi32>
      %add3A_2537 = arith.addi %get3A_2533, %add3A_2536 : vector<16xi32>
      %not3A_2538 = arith.constant 127 : i32
      %not3A_2539 = arith.constant -1 : i32
      %not3A_2540 = arith.xori %not3A_2538, %not3A_2539 : i32
      %and3A_2541 = vector.broadcast %not3A_2540 : i32 to vector<16xi32>
      %and3A_2542 = arith.andi %add3A_2537, %and3A_2541 : vector<16xi32>
      %and3A_2543 = arith.constant 31 : i32
      %and3A_2544 = vector.broadcast %and3A_2543 : i32 to vector<16xi32>
      %and3A_2545 = arith.andi %add3A_2537, %and3A_2544 : vector<16xi32>
      %shift_left3A_2546 = arith.constant 2 : i32
      %shift_left3A_2547 = vector.broadcast %shift_left3A_2546 : i32 to vector<16xi32>
      %shift_left3A_2548 = arith.shli %and3A_2545, %shift_left3A_2547 : vector<16xi32>
      %or3A_2549 = arith.ori %and3A_2542, %shift_left3A_2548 : vector<16xi32>
      %shift_right_logical3A_2550 = arith.constant 5 : i32
      %shift_right_logical3A_2551 = vector.broadcast %shift_right_logical3A_2550 : i32 to vector<16xi32>
      %shift_right_logical3A_2552 = arith.shrui %add3A_2537, %shift_right_logical3A_2551 : vector<16xi32>
      %and3A_2553 = arith.constant 3 : i32
      %and3A_2554 = vector.broadcast %and3A_2553 : i32 to vector<16xi32>
      %and3A_2555 = arith.andi %shift_right_logical3A_2552, %and3A_2554 : vector<16xi32>
      %or3A_2556 = arith.ori %or3A_2549, %and3A_2555 : vector<16xi32>
      %swap3A_2557 = arith.constant 1120 : index
      %swap3A_2558 = tpu.vector_load %arg5[%swap3A_2557] {strides = array<i32>} : memref<1280xi32, #tpu.memory_space<vmem>>, vector<16xi32>,
      %swap3A_2559 = vector.shape_cast %swap3A_2558 : vector<16xi32> to vector<16xi32>
      %swap3A_2560 = vector.shape_cast %or3A_2556 : vector<16xi32> to vector<16xi32>
      tpu.vector_store %arg5[%swap3A_2557], %swap3A_2560 {strides = array<i32>} : memref<1280xi32, #tpu.memory_space<vmem>>, vector<16xi32>,
      %shift_right_logical3A_2561 = arith.constant 7 : i32
      %shift_right_logical3A_2562 = arith.shrui %multiple_of3A, %shift_right_logical3A_2561 : i32
      %add3A_2563 = arith.constant 8 : i32
      %add3A_2564 = arith.addi %shift_right_logical3A_2562, %add3A_2563 : i32
      %and3A_2565 = arith.constant 1 : i32
      %and3A_2566 = arith.andi %add3A_2564, %and3A_2565 : i32
      %get3A_2567 = arith.constant 1136 : index
      %get3A_2568 = tpu.vector_load %arg5[%get3A_2567] {strides = array<i32>} : memref<1280xi32, #tpu.memory_space<vmem>>, vector<16xi32>,
      %get3A_2569 = vector.shape_cast %get3A_2568 : vector<16xi32> to vector<16xi32>
      %mul3A_2570 = arith.constant 1000000 : i32
      %mul3A_2571 = arith.muli %and3A_2566, %mul3A_2570 : i32
      %add3A_2572 = vector.broadcast %mul3A_2571 : i32 to vector<16xi32>
      %add3A_2573 = arith.addi %get3A_2569, %add3A_2572 : vector<16xi32>
      %not3A_2574 = arith.constant 127 : i32
      %not3A_2575 = arith.constant -1 : i32
      %not3A_2576 = arith.xori %not3A_2574, %not3A_2575 : i32
      %and3A_2577 = vector.broadcast %not3A_2576 : i32 to vector<16xi32>
      %and3A_2578 = arith.andi %add3A_2573, %and3A_2577 : vector<16xi32>
      %and3A_2579 = arith.constant 31 : i32
      %and3A_2580 = vector.broadcast %and3A_2579 : i32 to vector<16xi32>
      %and3A_2581 = arith.andi %add3A_2573, %and3A_2580 : vector<16xi32>
      %shift_left3A_2582 = arith.constant 2 : i32
      %shift_left3A_2583 = vector.broadcast %shift_left3A_2582 : i32 to vector<16xi32>
      %shift_left3A_2584 = arith.shli %and3A_2581, %shift_left3A_2583 : vector<16xi32>
      %or3A_2585 = arith.ori %and3A_2578, %shift_left3A_2584 : vector<16xi32>
      %shift_right_logical3A_2586 = arith.constant 5 : i32
      %shift_right_logical3A_2587 = vector.broadcast %shift_right_logical3A_2586 : i32 to vector<16xi32>
      %shift_right_logical3A_2588 = arith.shrui %add3A_2573, %shift_right_logical3A_2587 : vector<16xi32>
      %and3A_2589 = arith.constant 3 : i32
      %and3A_2590 = vector.broadcast %and3A_2589 : i32 to vector<16xi32>
      %and3A_2591 = arith.andi %shift_right_logical3A_2588, %and3A_2590 : vector<16xi32>
      %or3A_2592 = arith.ori %or3A_2585, %and3A_2591 : vector<16xi32>
      %swap3A_2593 = arith.constant 1136 : index
      %swap3A_2594 = tpu.vector_load %arg5[%swap3A_2593] {strides = array<i32>} : memref<1280xi32, #tpu.memory_space<vmem>>, vector<16xi32>,
      %swap3A_2595 = vector.shape_cast %swap3A_2594 : vector<16xi32> to vector<16xi32>
      %swap3A_2596 = vector.shape_cast %or3A_2592 : vector<16xi32> to vector<16xi32>
      tpu.vector_store %arg5[%swap3A_2593], %swap3A_2596 {strides = array<i32>} : memref<1280xi32, #tpu.memory_space<vmem>>, vector<16xi32>,
      %shift_right_logical3A_2597 = arith.constant 7 : i32
      %shift_right_logical3A_2598 = arith.shrui %multiple_of3A, %shift_right_logical3A_2597 : i32
      %add3A_2599 = arith.constant 9 : i32
      %add3A_2600 = arith.addi %shift_right_logical3A_2598, %add3A_2599 : i32
      %and3A_2601 = arith.constant 1 : i32
      %and3A_2602 = arith.andi %add3A_2600, %and3A_2601 : i32
      %get3A_2603 = arith.constant 1152 : index
      %get3A_2604 = tpu.vector_load %arg5[%get3A_2603] {strides = array<i32>} : memref<1280xi32, #tpu.memory_space<vmem>>, vector<16xi32>,
      %get3A_2605 = vector.shape_cast %get3A_2604 : vector<16xi32> to vector<16xi32>
      %mul3A_2606 = arith.constant 1000000 : i32
      %mul3A_2607 = arith.muli %and3A_2602, %mul3A_2606 : i32
      %add3A_2608 = vector.broadcast %mul3A_2607 : i32 to vector<16xi32>
      %add3A_2609 = arith.addi %get3A_2605, %add3A_2608 : vector<16xi32>
      %not3A_2610 = arith.constant 127 : i32
      %not3A_2611 = arith.constant -1 : i32
      %not3A_2612 = arith.xori %not3A_2610, %not3A_2611 : i32
      %and3A_2613 = vector.broadcast %not3A_2612 : i32 to vector<16xi32>
      %and3A_2614 = arith.andi %add3A_2609, %and3A_2613 : vector<16xi32>
      %and3A_2615 = arith.constant 31 : i32
      %and3A_2616 = vector.broadcast %and3A_2615 : i32 to vector<16xi32>
      %and3A_2617 = arith.andi %add3A_2609, %and3A_2616 : vector<16xi32>
      %shift_left3A_2618 = arith.constant 2 : i32
      %shift_left3A_2619 = vector.broadcast %shift_left3A_2618 : i32 to vector<16xi32>
      %shift_left3A_2620 = arith.shli %and3A_2617, %shift_left3A_2619 : vector<16xi32>
      %or3A_2621 = arith.ori %and3A_2614, %shift_left3A_2620 : vector<16xi32>
      %shift_right_logical3A_2622 = arith.constant 5 : i32
      %shift_right_logical3A_2623 = vector.broadcast %shift_right_logical3A_2622 : i32 to vector<16xi32>
      %shift_right_logical3A_2624 = arith.shrui %add3A_2609, %shift_right_logical3A_2623 : vector<16xi32>
      %and3A_2625 = arith.constant 3 : i32
      %and3A_2626 = vector.broadcast %and3A_2625 : i32 to vector<16xi32>
      %and3A_2627 = arith.andi %shift_right_logical3A_2624, %and3A_2626 : vector<16xi32>
      %or3A_2628 = arith.ori %or3A_2621, %and3A_2627 : vector<16xi32>
      %swap3A_2629 = arith.constant 1152 : index
      %swap3A_2630 = tpu.vector_load %arg5[%swap3A_2629] {strides = array<i32>} : memref<1280xi32, #tpu.memory_space<vmem>>, vector<16xi32>,
      %swap3A_2631 = vector.shape_cast %swap3A_2630 : vector<16xi32> to vector<16xi32>
      %swap3A_2632 = vector.shape_cast %or3A_2628 : vector<16xi32> to vector<16xi32>
      tpu.vector_store %arg5[%swap3A_2629], %swap3A_2632 {strides = array<i32>} : memref<1280xi32, #tpu.memory_space<vmem>>, vector<16xi32>,
      %shift_right_logical3A_2633 = arith.constant 7 : i32
      %shift_right_logical3A_2634 = arith.shrui %multiple_of3A, %shift_right_logical3A_2633 : i32
      %add3A_2635 = arith.constant 9 : i32
      %add3A_2636 = arith.addi %shift_right_logical3A_2634, %add3A_2635 : i32
      %and3A_2637 = arith.constant 1 : i32
      %and3A_2638 = arith.andi %add3A_2636, %and3A_2637 : i32
      %get3A_2639 = arith.constant 1168 : index
      %get3A_2640 = tpu.vector_load %arg5[%get3A_2639] {strides = array<i32>} : memref<1280xi32, #tpu.memory_space<vmem>>, vector<16xi32>,
      %get3A_2641 = vector.shape_cast %get3A_2640 : vector<16xi32> to vector<16xi32>
      %mul3A_2642 = arith.constant 1000000 : i32
      %mul3A_2643 = arith.muli %and3A_2638, %mul3A_2642 : i32
      %add3A_2644 = vector.broadcast %mul3A_2643 : i32 to vector<16xi32>
      %add3A_2645 = arith.addi %get3A_2641, %add3A_2644 : vector<16xi32>
      %not3A_2646 = arith.constant 127 : i32
      %not3A_2647 = arith.constant -1 : i32
      %not3A_2648 = arith.xori %not3A_2646, %not3A_2647 : i32
      %and3A_2649 = vector.broadcast %not3A_2648 : i32 to vector<16xi32>
      %and3A_2650 = arith.andi %add3A_2645, %and3A_2649 : vector<16xi32>
      %and3A_2651 = arith.constant 31 : i32
      %and3A_2652 = vector.broadcast %and3A_2651 : i32 to vector<16xi32>
      %and3A_2653 = arith.andi %add3A_2645, %and3A_2652 : vector<16xi32>
      %shift_left3A_2654 = arith.constant 2 : i32
      %shift_left3A_2655 = vector.broadcast %shift_left3A_2654 : i32 to vector<16xi32>
      %shift_left3A_2656 = arith.shli %and3A_2653, %shift_left3A_2655 : vector<16xi32>
      %or3A_2657 = arith.ori %and3A_2650, %shift_left3A_2656 : vector<16xi32>
      %shift_right_logical3A_2658 = arith.constant 5 : i32
      %shift_right_logical3A_2659 = vector.broadcast %shift_right_logical3A_2658 : i32 to vector<16xi32>
      %shift_right_logical3A_2660 = arith.shrui %add3A_2645, %shift_right_logical3A_2659 : vector<16xi32>
      %and3A_2661 = arith.constant 3 : i32
      %and3A_2662 = vector.broadcast %and3A_2661 : i32 to vector<16xi32>
      %and3A_2663 = arith.andi %shift_right_logical3A_2660, %and3A_2662 : vector<16xi32>
      %or3A_2664 = arith.ori %or3A_2657, %and3A_2663 : vector<16xi32>
      %swap3A_2665 = arith.constant 1168 : index
      %swap3A_2666 = tpu.vector_load %arg5[%swap3A_2665] {strides = array<i32>} : memref<1280xi32, #tpu.memory_space<vmem>>, vector<16xi32>,
      %swap3A_2667 = vector.shape_cast %swap3A_2666 : vector<16xi32> to vector<16xi32>
      %swap3A_2668 = vector.shape_cast %or3A_2664 : vector<16xi32> to vector<16xi32>
      tpu.vector_store %arg5[%swap3A_2665], %swap3A_2668 {strides = array<i32>} : memref<1280xi32, #tpu.memory_space<vmem>>, vector<16xi32>,
      %shift_right_logical3A_2669 = arith.constant 7 : i32
      %shift_right_logical3A_2670 = arith.shrui %multiple_of3A, %shift_right_logical3A_2669 : i32
      %add3A_2671 = arith.constant 9 : i32
      %add3A_2672 = arith.addi %shift_right_logical3A_2670, %add3A_2671 : i32
      %and3A_2673 = arith.constant 1 : i32
      %and3A_2674 = arith.andi %add3A_2672, %and3A_2673 : i32
      %get3A_2675 = arith.constant 1184 : index
      %get3A_2676 = tpu.vector_load %arg5[%get3A_2675] {strides = array<i32>} : memref<1280xi32, #tpu.memory_space<vmem>>, vector<16xi32>,
      %get3A_2677 = vector.shape_cast %get3A_2676 : vector<16xi32> to vector<16xi32>
      %mul3A_2678 = arith.constant 1000000 : i32
      %mul3A_2679 = arith.muli %and3A_2674, %mul3A_2678 : i32
      %add3A_2680 = vector.broadcast %mul3A_2679 : i32 to vector<16xi32>
      %add3A_2681 = arith.addi %get3A_2677, %add3A_2680 : vector<16xi32>
      %not3A_2682 = arith.constant 127 : i32
      %not3A_2683 = arith.constant -1 : i32
      %not3A_2684 = arith.xori %not3A_2682, %not3A_2683 : i32
      %and3A_2685 = vector.broadcast %not3A_2684 : i32 to vector<16xi32>
      %and3A_2686 = arith.andi %add3A_2681, %and3A_2685 : vector<16xi32>
      %and3A_2687 = arith.constant 31 : i32
      %and3A_2688 = vector.broadcast %and3A_2687 : i32 to vector<16xi32>
      %and3A_2689 = arith.andi %add3A_2681, %and3A_2688 : vector<16xi32>
      %shift_left3A_2690 = arith.constant 2 : i32
      %shift_left3A_2691 = vector.broadcast %shift_left3A_2690 : i32 to vector<16xi32>
      %shift_left3A_2692 = arith.shli %and3A_2689, %shift_left3A_2691 : vector<16xi32>
      %or3A_2693 = arith.ori %and3A_2686, %shift_left3A_2692 : vector<16xi32>
      %shift_right_logical3A_2694 = arith.constant 5 : i32
      %shift_right_logical3A_2695 = vector.broadcast %shift_right_logical3A_2694 : i32 to vector<16xi32>
      %shift_right_logical3A_2696 = arith.shrui %add3A_2681, %shift_right_logical3A_2695 : vector<16xi32>
      %and3A_2697 = arith.constant 3 : i32
      %and3A_2698 = vector.broadcast %and3A_2697 : i32 to vector<16xi32>
      %and3A_2699 = arith.andi %shift_right_logical3A_2696, %and3A_2698 : vector<16xi32>
      %or3A_2700 = arith.ori %or3A_2693, %and3A_2699 : vector<16xi32>
      %swap3A_2701 = arith.constant 1184 : index
      %swap3A_2702 = tpu.vector_load %arg5[%swap3A_2701] {strides = array<i32>} : memref<1280xi32, #tpu.memory_space<vmem>>, vector<16xi32>,
      %swap3A_2703 = vector.shape_cast %swap3A_2702 : vector<16xi32> to vector<16xi32>
      %swap3A_2704 = vector.shape_cast %or3A_2700 : vector<16xi32> to vector<16xi32>
      tpu.vector_store %arg5[%swap3A_2701], %swap3A_2704 {strides = array<i32>} : memref<1280xi32, #tpu.memory_space<vmem>>, vector<16xi32>,
      %shift_right_logical3A_2705 = arith.constant 7 : i32
      %shift_right_logical3A_2706 = arith.shrui %multiple_of3A, %shift_right_logical3A_2705 : i32
      %add3A_2707 = arith.constant 9 : i32
      %add3A_2708 = arith.addi %shift_right_logical3A_2706, %add3A_2707 : i32
      %and3A_2709 = arith.constant 1 : i32
      %and3A_2710 = arith.andi %add3A_2708, %and3A_2709 : i32
      %get3A_2711 = arith.constant 1200 : index
      %get3A_2712 = tpu.vector_load %arg5[%get3A_2711] {strides = array<i32>} : memref<1280xi32, #tpu.memory_space<vmem>>, vector<16xi32>,
      %get3A_2713 = vector.shape_cast %get3A_2712 : vector<16xi32> to vector<16xi32>
      %mul3A_2714 = arith.constant 1000000 : i32
      %mul3A_2715 = arith.muli %and3A_2710, %mul3A_2714 : i32
      %add3A_2716 = vector.broadcast %mul3A_2715 : i32 to vector<16xi32>
      %add3A_2717 = arith.addi %get3A_2713, %add3A_2716 : vector<16xi32>
      %not3A_2718 = arith.constant 127 : i32
      %not3A_2719 = arith.constant -1 : i32
      %not3A_2720 = arith.xori %not3A_2718, %not3A_2719 : i32
      %and3A_2721 = vector.broadcast %not3A_2720 : i32 to vector<16xi32>
      %and3A_2722 = arith.andi %add3A_2717, %and3A_2721 : vector<16xi32>
      %and3A_2723 = arith.constant 31 : i32
      %and3A_2724 = vector.broadcast %and3A_2723 : i32 to vector<16xi32>
      %and3A_2725 = arith.andi %add3A_2717, %and3A_2724 : vector<16xi32>
      %shift_left3A_2726 = arith.constant 2 : i32
      %shift_left3A_2727 = vector.broadcast %shift_left3A_2726 : i32 to vector<16xi32>
      %shift_left3A_2728 = arith.shli %and3A_2725, %shift_left3A_2727 : vector<16xi32>
      %or3A_2729 = arith.ori %and3A_2722, %shift_left3A_2728 : vector<16xi32>
      %shift_right_logical3A_2730 = arith.constant 5 : i32
      %shift_right_logical3A_2731 = vector.broadcast %shift_right_logical3A_2730 : i32 to vector<16xi32>
      %shift_right_logical3A_2732 = arith.shrui %add3A_2717, %shift_right_logical3A_2731 : vector<16xi32>
      %and3A_2733 = arith.constant 3 : i32
      %and3A_2734 = vector.broadcast %and3A_2733 : i32 to vector<16xi32>
      %and3A_2735 = arith.andi %shift_right_logical3A_2732, %and3A_2734 : vector<16xi32>
      %or3A_2736 = arith.ori %or3A_2729, %and3A_2735 : vector<16xi32>
      %swap3A_2737 = arith.constant 1200 : index
      %swap3A_2738 = tpu.vector_load %arg5[%swap3A_2737] {strides = array<i32>} : memref<1280xi32, #tpu.memory_space<vmem>>, vector<16xi32>,
      %swap3A_2739 = vector.shape_cast %swap3A_2738 : vector<16xi32> to vector<16xi32>
      %swap3A_2740 = vector.shape_cast %or3A_2736 : vector<16xi32> to vector<16xi32>
      tpu.vector_store %arg5[%swap3A_2737], %swap3A_2740 {strides = array<i32>} : memref<1280xi32, #tpu.memory_space<vmem>>, vector<16xi32>,
      %shift_right_logical3A_2741 = arith.constant 7 : i32
      %shift_right_logical3A_2742 = arith.shrui %multiple_of3A, %shift_right_logical3A_2741 : i32
      %add3A_2743 = arith.constant 9 : i32
      %add3A_2744 = arith.addi %shift_right_logical3A_2742, %add3A_2743 : i32
      %and3A_2745 = arith.constant 1 : i32
      %and3A_2746 = arith.andi %add3A_2744, %and3A_2745 : i32
      %get3A_2747 = arith.constant 1216 : index
      %get3A_2748 = tpu.vector_load %arg5[%get3A_2747] {strides = array<i32>} : memref<1280xi32, #tpu.memory_space<vmem>>, vector<16xi32>,
      %get3A_2749 = vector.shape_cast %get3A_2748 : vector<16xi32> to vector<16xi32>
      %mul3A_2750 = arith.constant 1000000 : i32
      %mul3A_2751 = arith.muli %and3A_2746, %mul3A_2750 : i32
      %add3A_2752 = vector.broadcast %mul3A_2751 : i32 to vector<16xi32>
      %add3A_2753 = arith.addi %get3A_2749, %add3A_2752 : vector<16xi32>
      %not3A_2754 = arith.constant 127 : i32
      %not3A_2755 = arith.constant -1 : i32
      %not3A_2756 = arith.xori %not3A_2754, %not3A_2755 : i32
      %and3A_2757 = vector.broadcast %not3A_2756 : i32 to vector<16xi32>
      %and3A_2758 = arith.andi %add3A_2753, %and3A_2757 : vector<16xi32>
      %and3A_2759 = arith.constant 31 : i32
      %and3A_2760 = vector.broadcast %and3A_2759 : i32 to vector<16xi32>
      %and3A_2761 = arith.andi %add3A_2753, %and3A_2760 : vector<16xi32>
      %shift_left3A_2762 = arith.constant 2 : i32
      %shift_left3A_2763 = vector.broadcast %shift_left3A_2762 : i32 to vector<16xi32>
      %shift_left3A_2764 = arith.shli %and3A_2761, %shift_left3A_2763 : vector<16xi32>
      %or3A_2765 = arith.ori %and3A_2758, %shift_left3A_2764 : vector<16xi32>
      %shift_right_logical3A_2766 = arith.constant 5 : i32
      %shift_right_logical3A_2767 = vector.broadcast %shift_right_logical3A_2766 : i32 to vector<16xi32>
      %shift_right_logical3A_2768 = arith.shrui %add3A_2753, %shift_right_logical3A_2767 : vector<16xi32>
      %and3A_2769 = arith.constant 3 : i32
      %and3A_2770 = vector.broadcast %and3A_2769 : i32 to vector<16xi32>
      %and3A_2771 = arith.andi %shift_right_logical3A_2768, %and3A_2770 : vector<16xi32>
      %or3A_2772 = arith.ori %or3A_2765, %and3A_2771 : vector<16xi32>
      %swap3A_2773 = arith.constant 1216 : index
      %swap3A_2774 = tpu.vector_load %arg5[%swap3A_2773] {strides = array<i32>} : memref<1280xi32, #tpu.memory_space<vmem>>, vector<16xi32>,
      %swap3A_2775 = vector.shape_cast %swap3A_2774 : vector<16xi32> to vector<16xi32>
      %swap3A_2776 = vector.shape_cast %or3A_2772 : vector<16xi32> to vector<16xi32>
      tpu.vector_store %arg5[%swap3A_2773], %swap3A_2776 {strides = array<i32>} : memref<1280xi32, #tpu.memory_space<vmem>>, vector<16xi32>,
      %shift_right_logical3A_2777 = arith.constant 7 : i32
      %shift_right_logical3A_2778 = arith.shrui %multiple_of3A, %shift_right_logical3A_2777 : i32
      %add3A_2779 = arith.constant 9 : i32
      %add3A_2780 = arith.addi %shift_right_logical3A_2778, %add3A_2779 : i32
      %and3A_2781 = arith.constant 1 : i32
      %and3A_2782 = arith.andi %add3A_2780, %and3A_2781 : i32
      %get3A_2783 = arith.constant 1232 : index
      %get3A_2784 = tpu.vector_load %arg5[%get3A_2783] {strides = array<i32>} : memref<1280xi32, #tpu.memory_space<vmem>>, vector<16xi32>,
      %get3A_2785 = vector.shape_cast %get3A_2784 : vector<16xi32> to vector<16xi32>
      %mul3A_2786 = arith.constant 1000000 : i32
      %mul3A_2787 = arith.muli %and3A_2782, %mul3A_2786 : i32
      %add3A_2788 = vector.broadcast %mul3A_2787 : i32 to vector<16xi32>
      %add3A_2789 = arith.addi %get3A_2785, %add3A_2788 : vector<16xi32>
      %not3A_2790 = arith.constant 127 : i32
      %not3A_2791 = arith.constant -1 : i32
      %not3A_2792 = arith.xori %not3A_2790, %not3A_2791 : i32
      %and3A_2793 = vector.broadcast %not3A_2792 : i32 to vector<16xi32>
      %and3A_2794 = arith.andi %add3A_2789, %and3A_2793 : vector<16xi32>
      %and3A_2795 = arith.constant 31 : i32
      %and3A_2796 = vector.broadcast %and3A_2795 : i32 to vector<16xi32>
      %and3A_2797 = arith.andi %add3A_2789, %and3A_2796 : vector<16xi32>
      %shift_left3A_2798 = arith.constant 2 : i32
      %shift_left3A_2799 = vector.broadcast %shift_left3A_2798 : i32 to vector<16xi32>
      %shift_left3A_2800 = arith.shli %and3A_2797, %shift_left3A_2799 : vector<16xi32>
      %or3A_2801 = arith.ori %and3A_2794, %shift_left3A_2800 : vector<16xi32>
      %shift_right_logical3A_2802 = arith.constant 5 : i32
      %shift_right_logical3A_2803 = vector.broadcast %shift_right_logical3A_2802 : i32 to vector<16xi32>
      %shift_right_logical3A_2804 = arith.shrui %add3A_2789, %shift_right_logical3A_2803 : vector<16xi32>
      %and3A_2805 = arith.constant 3 : i32
      %and3A_2806 = vector.broadcast %and3A_2805 : i32 to vector<16xi32>
      %and3A_2807 = arith.andi %shift_right_logical3A_2804, %and3A_2806 : vector<16xi32>
      %or3A_2808 = arith.ori %or3A_2801, %and3A_2807 : vector<16xi32>
      %swap3A_2809 = arith.constant 1232 : index
      %swap3A_2810 = tpu.vector_load %arg5[%swap3A_2809] {strides = array<i32>} : memref<1280xi32, #tpu.memory_space<vmem>>, vector<16xi32>,
      %swap3A_2811 = vector.shape_cast %swap3A_2810 : vector<16xi32> to vector<16xi32>
      %swap3A_2812 = vector.shape_cast %or3A_2808 : vector<16xi32> to vector<16xi32>
      tpu.vector_store %arg5[%swap3A_2809], %swap3A_2812 {strides = array<i32>} : memref<1280xi32, #tpu.memory_space<vmem>>, vector<16xi32>,
      %shift_right_logical3A_2813 = arith.constant 7 : i32
      %shift_right_logical3A_2814 = arith.shrui %multiple_of3A, %shift_right_logical3A_2813 : i32
      %add3A_2815 = arith.constant 9 : i32
      %add3A_2816 = arith.addi %shift_right_logical3A_2814, %add3A_2815 : i32
      %and3A_2817 = arith.constant 1 : i32
      %and3A_2818 = arith.andi %add3A_2816, %and3A_2817 : i32
      %get3A_2819 = arith.constant 1248 : index
      %get3A_2820 = tpu.vector_load %arg5[%get3A_2819] {strides = array<i32>} : memref<1280xi32, #tpu.memory_space<vmem>>, vector<16xi32>,
      %get3A_2821 = vector.shape_cast %get3A_2820 : vector<16xi32> to vector<16xi32>
      %mul3A_2822 = arith.constant 1000000 : i32
      %mul3A_2823 = arith.muli %and3A_2818, %mul3A_2822 : i32
      %add3A_2824 = vector.broadcast %mul3A_2823 : i32 to vector<16xi32>
      %add3A_2825 = arith.addi %get3A_2821, %add3A_2824 : vector<16xi32>
      %not3A_2826 = arith.constant 127 : i32
      %not3A_2827 = arith.constant -1 : i32
      %not3A_2828 = arith.xori %not3A_2826, %not3A_2827 : i32
      %and3A_2829 = vector.broadcast %not3A_2828 : i32 to vector<16xi32>
      %and3A_2830 = arith.andi %add3A_2825, %and3A_2829 : vector<16xi32>
      %and3A_2831 = arith.constant 31 : i32
      %and3A_2832 = vector.broadcast %and3A_2831 : i32 to vector<16xi32>
      %and3A_2833 = arith.andi %add3A_2825, %and3A_2832 : vector<16xi32>
      %shift_left3A_2834 = arith.constant 2 : i32
      %shift_left3A_2835 = vector.broadcast %shift_left3A_2834 : i32 to vector<16xi32>
      %shift_left3A_2836 = arith.shli %and3A_2833, %shift_left3A_2835 : vector<16xi32>
      %or3A_2837 = arith.ori %and3A_2830, %shift_left3A_2836 : vector<16xi32>
      %shift_right_logical3A_2838 = arith.constant 5 : i32
      %shift_right_logical3A_2839 = vector.broadcast %shift_right_logical3A_2838 : i32 to vector<16xi32>
      %shift_right_logical3A_2840 = arith.shrui %add3A_2825, %shift_right_logical3A_2839 : vector<16xi32>
      %and3A_2841 = arith.constant 3 : i32
      %and3A_2842 = vector.broadcast %and3A_2841 : i32 to vector<16xi32>
      %and3A_2843 = arith.andi %shift_right_logical3A_2840, %and3A_2842 : vector<16xi32>
      %or3A_2844 = arith.ori %or3A_2837, %and3A_2843 : vector<16xi32>
      %swap3A_2845 = arith.constant 1248 : index
      %swap3A_2846 = tpu.vector_load %arg5[%swap3A_2845] {strides = array<i32>} : memref<1280xi32, #tpu.memory_space<vmem>>, vector<16xi32>,
      %swap3A_2847 = vector.shape_cast %swap3A_2846 : vector<16xi32> to vector<16xi32>
      %swap3A_2848 = vector.shape_cast %or3A_2844 : vector<16xi32> to vector<16xi32>
      tpu.vector_store %arg5[%swap3A_2845], %swap3A_2848 {strides = array<i32>} : memref<1280xi32, #tpu.memory_space<vmem>>, vector<16xi32>,
      %shift_right_logical3A_2849 = arith.constant 7 : i32
      %shift_right_logical3A_2850 = arith.shrui %multiple_of3A, %shift_right_logical3A_2849 : i32
      %add3A_2851 = arith.constant 9 : i32
      %add3A_2852 = arith.addi %shift_right_logical3A_2850, %add3A_2851 : i32
      %and3A_2853 = arith.constant 1 : i32
      %and3A_2854 = arith.andi %add3A_2852, %and3A_2853 : i32
      %get3A_2855 = arith.constant 1264 : index
      %get3A_2856 = tpu.vector_load %arg5[%get3A_2855] {strides = array<i32>} : memref<1280xi32, #tpu.memory_space<vmem>>, vector<16xi32>,
      %get3A_2857 = vector.shape_cast %get3A_2856 : vector<16xi32> to vector<16xi32>
      %mul3A_2858 = arith.constant 1000000 : i32
      %mul3A_2859 = arith.muli %and3A_2854, %mul3A_2858 : i32
      %add3A_2860 = vector.broadcast %mul3A_2859 : i32 to vector<16xi32>
      %add3A_2861 = arith.addi %get3A_2857, %add3A_2860 : vector<16xi32>
      %not3A_2862 = arith.constant 127 : i32
      %not3A_2863 = arith.constant -1 : i32
      %not3A_2864 = arith.xori %not3A_2862, %not3A_2863 : i32
      %and3A_2865 = vector.broadcast %not3A_2864 : i32 to vector<16xi32>
      %and3A_2866 = arith.andi %add3A_2861, %and3A_2865 : vector<16xi32>
      %and3A_2867 = arith.constant 31 : i32
      %and3A_2868 = vector.broadcast %and3A_2867 : i32 to vector<16xi32>
      %and3A_2869 = arith.andi %add3A_2861, %and3A_2868 : vector<16xi32>
      %shift_left3A_2870 = arith.constant 2 : i32
      %shift_left3A_2871 = vector.broadcast %shift_left3A_2870 : i32 to vector<16xi32>
      %shift_left3A_2872 = arith.shli %and3A_2869, %shift_left3A_2871 : vector<16xi32>
      %or3A_2873 = arith.ori %and3A_2866, %shift_left3A_2872 : vector<16xi32>
      %shift_right_logical3A_2874 = arith.constant 5 : i32
      %shift_right_logical3A_2875 = vector.broadcast %shift_right_logical3A_2874 : i32 to vector<16xi32>
      %shift_right_logical3A_2876 = arith.shrui %add3A_2861, %shift_right_logical3A_2875 : vector<16xi32>
      %and3A_2877 = arith.constant 3 : i32
      %and3A_2878 = vector.broadcast %and3A_2877 : i32 to vector<16xi32>
      %and3A_2879 = arith.andi %shift_right_logical3A_2876, %and3A_2878 : vector<16xi32>
      %or3A_2880 = arith.ori %or3A_2873, %and3A_2879 : vector<16xi32>
      %swap3A_2881 = arith.constant 1264 : index
      %swap3A_2882 = tpu.vector_load %arg5[%swap3A_2881] {strides = array<i32>} : memref<1280xi32, #tpu.memory_space<vmem>>, vector<16xi32>,
      %swap3A_2883 = vector.shape_cast %swap3A_2882 : vector<16xi32> to vector<16xi32>
      %swap3A_2884 = vector.shape_cast %or3A_2880 : vector<16xi32> to vector<16xi32>
      tpu.vector_store %arg5[%swap3A_2881], %swap3A_2884 {strides = array<i32>} : memref<1280xi32, #tpu.memory_space<vmem>>, vector<16xi32>,
      %dma_start3A = arith.constant 0 : i32
      %dma_start3A_2885 = arith.constant 0 : i32
      %dma_start3A_2886 = tpu.memref_slice %arg6[%dma_start3A, %dma_start3A_2885] : memref<1280x32xf32, #tpu.memory_space<vmem>> -> memref<128x32xf32, #tpu.memory_space<vmem>>
      %dma_start3A_2887 = arith.constant 0 : i32
      %dma_start3A_2888 = tpu.memref_slice %arg5[%dma_start3A_2887] : memref<1280xi32, #tpu.memory_space<vmem>> -> memref<128xi32, #tpu.memory_space<vmem>>
      %dma_start3A_2889 = arith.constant 0 : i32
      %dma_start3A_2890 = arith.constant 0 : i32
      %dma_start3A_2891 = tpu.memref_slice %arg2[%dma_start3A_2889, %dma_start3A_2890] : memref<2000000x32xf32, #tpu.memory_space<hbm>> -> memref<2000000x32xf32, #tpu.memory_space<hbm>>
      tpu.enqueue_indirect_dma source(%dma_start3A_2891 : memref<2000000x32xf32, #tpu.memory_space<hbm>>) target(%dma_start3A_2886 : memref<128x32xf32, #tpu.memory_space<vmem>>) offsets(%dma_start3A_2888 : memref<128xi32, #tpu.memory_space<vmem>>) semaphore(%arg7 : memref<!tpu.dma_semaphore, #tpu.memory_space<semaphore_mem>>)
      %dma_start3A_2892 = arith.constant 128 : i32
      %dma_start3A_2893 = arith.constant 0 : i32
      %dma_start3A_2894 = tpu.memref_slice %arg6[%dma_start3A_2892, %dma_start3A_2893] : memref<1280x32xf32, #tpu.memory_space<vmem>> -> memref<128x32xf32, #tpu.memory_space<vmem>>
      %dma_start3A_2895 = arith.constant 128 : i32
      %dma_start3A_2896 = tpu.memref_slice %arg5[%dma_start3A_2895] : memref<1280xi32, #tpu.memory_space<vmem>> -> memref<128xi32, #tpu.memory_space<vmem>>
      %dma_start3A_2897 = arith.constant 0 : i32
      %dma_start3A_2898 = arith.constant 0 : i32
      %dma_start3A_2899 = tpu.memref_slice %arg2[%dma_start3A_2897, %dma_start3A_2898] : memref<2000000x32xf32, #tpu.memory_space<hbm>> -> memref<2000000x32xf32, #tpu.memory_space<hbm>>
      tpu.enqueue_indirect_dma source(%dma_start3A_2899 : memref<2000000x32xf32, #tpu.memory_space<hbm>>) target(%dma_start3A_2894 : memref<128x32xf32, #tpu.memory_space<vmem>>) offsets(%dma_start3A_2896 : memref<128xi32, #tpu.memory_space<vmem>>) semaphore(%arg7 : memref<!tpu.dma_semaphore, #tpu.memory_space<semaphore_mem>>)
      %dma_start3A_2900 = arith.constant 256 : i32
      %dma_start3A_2901 = arith.constant 0 : i32
      %dma_start3A_2902 = tpu.memref_slice %arg6[%dma_start3A_2900, %dma_start3A_2901] : memref<1280x32xf32, #tpu.memory_space<vmem>> -> memref<128x32xf32, #tpu.memory_space<vmem>>
      %dma_start3A_2903 = arith.constant 256 : i32
      %dma_start3A_2904 = tpu.memref_slice %arg5[%dma_start3A_2903] : memref<1280xi32, #tpu.memory_space<vmem>> -> memref<128xi32, #tpu.memory_space<vmem>>
      %dma_start3A_2905 = arith.constant 0 : i32
      %dma_start3A_2906 = arith.constant 0 : i32
      %dma_start3A_2907 = tpu.memref_slice %arg2[%dma_start3A_2905, %dma_start3A_2906] : memref<2000000x32xf32, #tpu.memory_space<hbm>> -> memref<2000000x32xf32, #tpu.memory_space<hbm>>
      tpu.enqueue_indirect_dma source(%dma_start3A_2907 : memref<2000000x32xf32, #tpu.memory_space<hbm>>) target(%dma_start3A_2902 : memref<128x32xf32, #tpu.memory_space<vmem>>) offsets(%dma_start3A_2904 : memref<128xi32, #tpu.memory_space<vmem>>) semaphore(%arg7 : memref<!tpu.dma_semaphore, #tpu.memory_space<semaphore_mem>>)
      %dma_start3A_2908 = arith.constant 384 : i32
      %dma_start3A_2909 = arith.constant 0 : i32
      %dma_start3A_2910 = tpu.memref_slice %arg6[%dma_start3A_2908, %dma_start3A_2909] : memref<1280x32xf32, #tpu.memory_space<vmem>> -> memref<128x32xf32, #tpu.memory_space<vmem>>
      %dma_start3A_2911 = arith.constant 384 : i32
      %dma_start3A_2912 = tpu.memref_slice %arg5[%dma_start3A_2911] : memref<1280xi32, #tpu.memory_space<vmem>> -> memref<128xi32, #tpu.memory_space<vmem>>
      %dma_start3A_2913 = arith.constant 0 : i32
      %dma_start3A_2914 = arith.constant 0 : i32
      %dma_start3A_2915 = tpu.memref_slice %arg2[%dma_start3A_2913, %dma_start3A_2914] : memref<2000000x32xf32, #tpu.memory_space<hbm>> -> memref<2000000x32xf32, #tpu.memory_space<hbm>>
      tpu.enqueue_indirect_dma source(%dma_start3A_2915 : memref<2000000x32xf32, #tpu.memory_space<hbm>>) target(%dma_start3A_2910 : memref<128x32xf32, #tpu.memory_space<vmem>>) offsets(%dma_start3A_2912 : memref<128xi32, #tpu.memory_space<vmem>>) semaphore(%arg7 : memref<!tpu.dma_semaphore, #tpu.memory_space<semaphore_mem>>)
      %dma_start3A_2916 = arith.constant 512 : i32
      %dma_start3A_2917 = arith.constant 0 : i32
      %dma_start3A_2918 = tpu.memref_slice %arg6[%dma_start3A_2916, %dma_start3A_2917] : memref<1280x32xf32, #tpu.memory_space<vmem>> -> memref<128x32xf32, #tpu.memory_space<vmem>>
      %dma_start3A_2919 = arith.constant 512 : i32
      %dma_start3A_2920 = tpu.memref_slice %arg5[%dma_start3A_2919] : memref<1280xi32, #tpu.memory_space<vmem>> -> memref<128xi32, #tpu.memory_space<vmem>>
      %dma_start3A_2921 = arith.constant 0 : i32
      %dma_start3A_2922 = arith.constant 0 : i32
      %dma_start3A_2923 = tpu.memref_slice %arg2[%dma_start3A_2921, %dma_start3A_2922] : memref<2000000x32xf32, #tpu.memory_space<hbm>> -> memref<2000000x32xf32, #tpu.memory_space<hbm>>
      tpu.enqueue_indirect_dma source(%dma_start3A_2923 : memref<2000000x32xf32, #tpu.memory_space<hbm>>) target(%dma_start3A_2918 : memref<128x32xf32, #tpu.memory_space<vmem>>) offsets(%dma_start3A_2920 : memref<128xi32, #tpu.memory_space<vmem>>) semaphore(%arg7 : memref<!tpu.dma_semaphore, #tpu.memory_space<semaphore_mem>>)
      %dma_start3A_2924 = arith.constant 640 : i32
      %dma_start3A_2925 = arith.constant 0 : i32
      %dma_start3A_2926 = tpu.memref_slice %arg6[%dma_start3A_2924, %dma_start3A_2925] : memref<1280x32xf32, #tpu.memory_space<vmem>> -> memref<128x32xf32, #tpu.memory_space<vmem>>
      %dma_start3A_2927 = arith.constant 640 : i32
      %dma_start3A_2928 = tpu.memref_slice %arg5[%dma_start3A_2927] : memref<1280xi32, #tpu.memory_space<vmem>> -> memref<128xi32, #tpu.memory_space<vmem>>
      %dma_start3A_2929 = arith.constant 0 : i32
      %dma_start3A_2930 = arith.constant 0 : i32
      %dma_start3A_2931 = tpu.memref_slice %arg2[%dma_start3A_2929, %dma_start3A_2930] : memref<2000000x32xf32, #tpu.memory_space<hbm>> -> memref<2000000x32xf32, #tpu.memory_space<hbm>>
      tpu.enqueue_indirect_dma source(%dma_start3A_2931 : memref<2000000x32xf32, #tpu.memory_space<hbm>>) target(%dma_start3A_2926 : memref<128x32xf32, #tpu.memory_space<vmem>>) offsets(%dma_start3A_2928 : memref<128xi32, #tpu.memory_space<vmem>>) semaphore(%arg7 : memref<!tpu.dma_semaphore, #tpu.memory_space<semaphore_mem>>)
      %dma_start3A_2932 = arith.constant 768 : i32
      %dma_start3A_2933 = arith.constant 0 : i32
      %dma_start3A_2934 = tpu.memref_slice %arg6[%dma_start3A_2932, %dma_start3A_2933] : memref<1280x32xf32, #tpu.memory_space<vmem>> -> memref<128x32xf32, #tpu.memory_space<vmem>>
      %dma_start3A_2935 = arith.constant 768 : i32
      %dma_start3A_2936 = tpu.memref_slice %arg5[%dma_start3A_2935] : memref<1280xi32, #tpu.memory_space<vmem>> -> memref<128xi32, #tpu.memory_space<vmem>>
      %dma_start3A_2937 = arith.constant 0 : i32
      %dma_start3A_2938 = arith.constant 0 : i32
      %dma_start3A_2939 = tpu.memref_slice %arg2[%dma_start3A_2937, %dma_start3A_2938] : memref<2000000x32xf32, #tpu.memory_space<hbm>> -> memref<2000000x32xf32, #tpu.memory_space<hbm>>
      tpu.enqueue_indirect_dma source(%dma_start3A_2939 : memref<2000000x32xf32, #tpu.memory_space<hbm>>) target(%dma_start3A_2934 : memref<128x32xf32, #tpu.memory_space<vmem>>) offsets(%dma_start3A_2936 : memref<128xi32, #tpu.memory_space<vmem>>) semaphore(%arg7 : memref<!tpu.dma_semaphore, #tpu.memory_space<semaphore_mem>>)
      %dma_start3A_2940 = arith.constant 896 : i32
      %dma_start3A_2941 = arith.constant 0 : i32
      %dma_start3A_2942 = tpu.memref_slice %arg6[%dma_start3A_2940, %dma_start3A_2941] : memref<1280x32xf32, #tpu.memory_space<vmem>> -> memref<128x32xf32, #tpu.memory_space<vmem>>
      %dma_start3A_2943 = arith.constant 896 : i32
      %dma_start3A_2944 = tpu.memref_slice %arg5[%dma_start3A_2943] : memref<1280xi32, #tpu.memory_space<vmem>> -> memref<128xi32, #tpu.memory_space<vmem>>
      %dma_start3A_2945 = arith.constant 0 : i32
      %dma_start3A_2946 = arith.constant 0 : i32
      %dma_start3A_2947 = tpu.memref_slice %arg2[%dma_start3A_2945, %dma_start3A_2946] : memref<2000000x32xf32, #tpu.memory_space<hbm>> -> memref<2000000x32xf32, #tpu.memory_space<hbm>>
      tpu.enqueue_indirect_dma source(%dma_start3A_2947 : memref<2000000x32xf32, #tpu.memory_space<hbm>>) target(%dma_start3A_2942 : memref<128x32xf32, #tpu.memory_space<vmem>>) offsets(%dma_start3A_2944 : memref<128xi32, #tpu.memory_space<vmem>>) semaphore(%arg7 : memref<!tpu.dma_semaphore, #tpu.memory_space<semaphore_mem>>)
      %dma_start3A_2948 = arith.constant 1024 : i32
      %dma_start3A_2949 = arith.constant 0 : i32
      %dma_start3A_2950 = tpu.memref_slice %arg6[%dma_start3A_2948, %dma_start3A_2949] : memref<1280x32xf32, #tpu.memory_space<vmem>> -> memref<128x32xf32, #tpu.memory_space<vmem>>
      %dma_start3A_2951 = arith.constant 1024 : i32
      %dma_start3A_2952 = tpu.memref_slice %arg5[%dma_start3A_2951] : memref<1280xi32, #tpu.memory_space<vmem>> -> memref<128xi32, #tpu.memory_space<vmem>>
      %dma_start3A_2953 = arith.constant 0 : i32
      %dma_start3A_2954 = arith.constant 0 : i32
      %dma_start3A_2955 = tpu.memref_slice %arg2[%dma_start3A_2953, %dma_start3A_2954] : memref<2000000x32xf32, #tpu.memory_space<hbm>> -> memref<2000000x32xf32, #tpu.memory_space<hbm>>
      tpu.enqueue_indirect_dma source(%dma_start3A_2955 : memref<2000000x32xf32, #tpu.memory_space<hbm>>) target(%dma_start3A_2950 : memref<128x32xf32, #tpu.memory_space<vmem>>) offsets(%dma_start3A_2952 : memref<128xi32, #tpu.memory_space<vmem>>) semaphore(%arg7 : memref<!tpu.dma_semaphore, #tpu.memory_space<semaphore_mem>>)
      %dma_start3A_2956 = arith.constant 1152 : i32
      %dma_start3A_2957 = arith.constant 0 : i32
      %dma_start3A_2958 = tpu.memref_slice %arg6[%dma_start3A_2956, %dma_start3A_2957] : memref<1280x32xf32, #tpu.memory_space<vmem>> -> memref<128x32xf32, #tpu.memory_space<vmem>>
      %dma_start3A_2959 = arith.constant 1152 : i32
      %dma_start3A_2960 = tpu.memref_slice %arg5[%dma_start3A_2959] : memref<1280xi32, #tpu.memory_space<vmem>> -> memref<128xi32, #tpu.memory_space<vmem>>
      %dma_start3A_2961 = arith.constant 0 : i32
      %dma_start3A_2962 = arith.constant 0 : i32
      %dma_start3A_2963 = tpu.memref_slice %arg2[%dma_start3A_2961, %dma_start3A_2962] : memref<2000000x32xf32, #tpu.memory_space<hbm>> -> memref<2000000x32xf32, #tpu.memory_space<hbm>>
      tpu.enqueue_indirect_dma source(%dma_start3A_2963 : memref<2000000x32xf32, #tpu.memory_space<hbm>>) target(%dma_start3A_2958 : memref<128x32xf32, #tpu.memory_space<vmem>>) offsets(%dma_start3A_2960 : memref<128xi32, #tpu.memory_space<vmem>>) semaphore(%arg7 : memref<!tpu.dma_semaphore, #tpu.memory_space<semaphore_mem>>)
      %dma_wait3A = arith.constant 0 : i32
      %dma_wait3A_2964 = arith.constant 0 : i32
      %dma_wait3A_2965 = tpu.memref_slice %arg6[%dma_wait3A, %dma_wait3A_2964] : memref<1280x32xf32, #tpu.memory_space<vmem>> -> memref<128x32xf32, #tpu.memory_space<vmem>>
      %dma_wait3A_2966 = arith.constant 0 : i32
      %dma_wait3A_2967 = tpu.memref_slice %arg5[%dma_wait3A_2966] : memref<1280xi32, #tpu.memory_space<vmem>> -> memref<128xi32, #tpu.memory_space<vmem>>
      %dma_wait3A_2968 = arith.constant 0 : i32
      %dma_wait3A_2969 = arith.constant 0 : i32
      %dma_wait3A_2970 = tpu.memref_slice %arg2[%dma_wait3A_2968, %dma_wait3A_2969] : memref<2000000x32xf32, #tpu.memory_space<hbm>> -> memref<2000000x32xf32, #tpu.memory_space<hbm>>
      tpu.wait_indirect_dma semaphore(%arg7 : memref<!tpu.dma_semaphore, #tpu.memory_space<semaphore_mem>>) src(%dma_wait3A_2970 : memref<2000000x32xf32, #tpu.memory_space<hbm>>) dst(%dma_wait3A_2965 : memref<128x32xf32, #tpu.memory_space<vmem>>)
      %dma_wait3A_2971 = arith.constant 128 : i32
      %dma_wait3A_2972 = arith.constant 0 : i32
      %dma_wait3A_2973 = tpu.memref_slice %arg6[%dma_wait3A_2971, %dma_wait3A_2972] : memref<1280x32xf32, #tpu.memory_space<vmem>> -> memref<128x32xf32, #tpu.memory_space<vmem>>
      %dma_wait3A_2974 = arith.constant 128 : i32
      %dma_wait3A_2975 = tpu.memref_slice %arg5[%dma_wait3A_2974] : memref<1280xi32, #tpu.memory_space<vmem>> -> memref<128xi32, #tpu.memory_space<vmem>>
      %dma_wait3A_2976 = arith.constant 0 : i32
      %dma_wait3A_2977 = arith.constant 0 : i32
      %dma_wait3A_2978 = tpu.memref_slice %arg2[%dma_wait3A_2976, %dma_wait3A_2977] : memref<2000000x32xf32, #tpu.memory_space<hbm>> -> memref<2000000x32xf32, #tpu.memory_space<hbm>>
      tpu.wait_indirect_dma semaphore(%arg7 : memref<!tpu.dma_semaphore, #tpu.memory_space<semaphore_mem>>) src(%dma_wait3A_2978 : memref<2000000x32xf32, #tpu.memory_space<hbm>>) dst(%dma_wait3A_2973 : memref<128x32xf32, #tpu.memory_space<vmem>>)
      %dma_wait3A_2979 = arith.constant 256 : i32
      %dma_wait3A_2980 = arith.constant 0 : i32
      %dma_wait3A_2981 = tpu.memref_slice %arg6[%dma_wait3A_2979, %dma_wait3A_2980] : memref<1280x32xf32, #tpu.memory_space<vmem>> -> memref<128x32xf32, #tpu.memory_space<vmem>>
      %dma_wait3A_2982 = arith.constant 256 : i32
      %dma_wait3A_2983 = tpu.memref_slice %arg5[%dma_wait3A_2982] : memref<1280xi32, #tpu.memory_space<vmem>> -> memref<128xi32, #tpu.memory_space<vmem>>
      %dma_wait3A_2984 = arith.constant 0 : i32
      %dma_wait3A_2985 = arith.constant 0 : i32
      %dma_wait3A_2986 = tpu.memref_slice %arg2[%dma_wait3A_2984, %dma_wait3A_2985] : memref<2000000x32xf32, #tpu.memory_space<hbm>> -> memref<2000000x32xf32, #tpu.memory_space<hbm>>
      tpu.wait_indirect_dma semaphore(%arg7 : memref<!tpu.dma_semaphore, #tpu.memory_space<semaphore_mem>>) src(%dma_wait3A_2986 : memref<2000000x32xf32, #tpu.memory_space<hbm>>) dst(%dma_wait3A_2981 : memref<128x32xf32, #tpu.memory_space<vmem>>)
      %dma_wait3A_2987 = arith.constant 384 : i32
      %dma_wait3A_2988 = arith.constant 0 : i32
      %dma_wait3A_2989 = tpu.memref_slice %arg6[%dma_wait3A_2987, %dma_wait3A_2988] : memref<1280x32xf32, #tpu.memory_space<vmem>> -> memref<128x32xf32, #tpu.memory_space<vmem>>
      %dma_wait3A_2990 = arith.constant 384 : i32
      %dma_wait3A_2991 = tpu.memref_slice %arg5[%dma_wait3A_2990] : memref<1280xi32, #tpu.memory_space<vmem>> -> memref<128xi32, #tpu.memory_space<vmem>>
      %dma_wait3A_2992 = arith.constant 0 : i32
      %dma_wait3A_2993 = arith.constant 0 : i32
      %dma_wait3A_2994 = tpu.memref_slice %arg2[%dma_wait3A_2992, %dma_wait3A_2993] : memref<2000000x32xf32, #tpu.memory_space<hbm>> -> memref<2000000x32xf32, #tpu.memory_space<hbm>>
      tpu.wait_indirect_dma semaphore(%arg7 : memref<!tpu.dma_semaphore, #tpu.memory_space<semaphore_mem>>) src(%dma_wait3A_2994 : memref<2000000x32xf32, #tpu.memory_space<hbm>>) dst(%dma_wait3A_2989 : memref<128x32xf32, #tpu.memory_space<vmem>>)
      %dma_wait3A_2995 = arith.constant 512 : i32
      %dma_wait3A_2996 = arith.constant 0 : i32
      %dma_wait3A_2997 = tpu.memref_slice %arg6[%dma_wait3A_2995, %dma_wait3A_2996] : memref<1280x32xf32, #tpu.memory_space<vmem>> -> memref<128x32xf32, #tpu.memory_space<vmem>>
      %dma_wait3A_2998 = arith.constant 512 : i32
      %dma_wait3A_2999 = tpu.memref_slice %arg5[%dma_wait3A_2998] : memref<1280xi32, #tpu.memory_space<vmem>> -> memref<128xi32, #tpu.memory_space<vmem>>
      %dma_wait3A_3000 = arith.constant 0 : i32
      %dma_wait3A_3001 = arith.constant 0 : i32
      %dma_wait3A_3002 = tpu.memref_slice %arg2[%dma_wait3A_3000, %dma_wait3A_3001] : memref<2000000x32xf32, #tpu.memory_space<hbm>> -> memref<2000000x32xf32, #tpu.memory_space<hbm>>
      tpu.wait_indirect_dma semaphore(%arg7 : memref<!tpu.dma_semaphore, #tpu.memory_space<semaphore_mem>>) src(%dma_wait3A_3002 : memref<2000000x32xf32, #tpu.memory_space<hbm>>) dst(%dma_wait3A_2997 : memref<128x32xf32, #tpu.memory_space<vmem>>)
      %dma_wait3A_3003 = arith.constant 640 : i32
      %dma_wait3A_3004 = arith.constant 0 : i32
      %dma_wait3A_3005 = tpu.memref_slice %arg6[%dma_wait3A_3003, %dma_wait3A_3004] : memref<1280x32xf32, #tpu.memory_space<vmem>> -> memref<128x32xf32, #tpu.memory_space<vmem>>
      %dma_wait3A_3006 = arith.constant 640 : i32
      %dma_wait3A_3007 = tpu.memref_slice %arg5[%dma_wait3A_3006] : memref<1280xi32, #tpu.memory_space<vmem>> -> memref<128xi32, #tpu.memory_space<vmem>>
      %dma_wait3A_3008 = arith.constant 0 : i32
      %dma_wait3A_3009 = arith.constant 0 : i32
      %dma_wait3A_3010 = tpu.memref_slice %arg2[%dma_wait3A_3008, %dma_wait3A_3009] : memref<2000000x32xf32, #tpu.memory_space<hbm>> -> memref<2000000x32xf32, #tpu.memory_space<hbm>>
      tpu.wait_indirect_dma semaphore(%arg7 : memref<!tpu.dma_semaphore, #tpu.memory_space<semaphore_mem>>) src(%dma_wait3A_3010 : memref<2000000x32xf32, #tpu.memory_space<hbm>>) dst(%dma_wait3A_3005 : memref<128x32xf32, #tpu.memory_space<vmem>>)
      %dma_wait3A_3011 = arith.constant 768 : i32
      %dma_wait3A_3012 = arith.constant 0 : i32
      %dma_wait3A_3013 = tpu.memref_slice %arg6[%dma_wait3A_3011, %dma_wait3A_3012] : memref<1280x32xf32, #tpu.memory_space<vmem>> -> memref<128x32xf32, #tpu.memory_space<vmem>>
      %dma_wait3A_3014 = arith.constant 768 : i32
      %dma_wait3A_3015 = tpu.memref_slice %arg5[%dma_wait3A_3014] : memref<1280xi32, #tpu.memory_space<vmem>> -> memref<128xi32, #tpu.memory_space<vmem>>
      %dma_wait3A_3016 = arith.constant 0 : i32
      %dma_wait3A_3017 = arith.constant 0 : i32
      %dma_wait3A_3018 = tpu.memref_slice %arg2[%dma_wait3A_3016, %dma_wait3A_3017] : memref<2000000x32xf32, #tpu.memory_space<hbm>> -> memref<2000000x32xf32, #tpu.memory_space<hbm>>
      tpu.wait_indirect_dma semaphore(%arg7 : memref<!tpu.dma_semaphore, #tpu.memory_space<semaphore_mem>>) src(%dma_wait3A_3018 : memref<2000000x32xf32, #tpu.memory_space<hbm>>) dst(%dma_wait3A_3013 : memref<128x32xf32, #tpu.memory_space<vmem>>)
      %dma_wait3A_3019 = arith.constant 896 : i32
      %dma_wait3A_3020 = arith.constant 0 : i32
      %dma_wait3A_3021 = tpu.memref_slice %arg6[%dma_wait3A_3019, %dma_wait3A_3020] : memref<1280x32xf32, #tpu.memory_space<vmem>> -> memref<128x32xf32, #tpu.memory_space<vmem>>
      %dma_wait3A_3022 = arith.constant 896 : i32
      %dma_wait3A_3023 = tpu.memref_slice %arg5[%dma_wait3A_3022] : memref<1280xi32, #tpu.memory_space<vmem>> -> memref<128xi32, #tpu.memory_space<vmem>>
      %dma_wait3A_3024 = arith.constant 0 : i32
      %dma_wait3A_3025 = arith.constant 0 : i32
      %dma_wait3A_3026 = tpu.memref_slice %arg2[%dma_wait3A_3024, %dma_wait3A_3025] : memref<2000000x32xf32, #tpu.memory_space<hbm>> -> memref<2000000x32xf32, #tpu.memory_space<hbm>>
      tpu.wait_indirect_dma semaphore(%arg7 : memref<!tpu.dma_semaphore, #tpu.memory_space<semaphore_mem>>) src(%dma_wait3A_3026 : memref<2000000x32xf32, #tpu.memory_space<hbm>>) dst(%dma_wait3A_3021 : memref<128x32xf32, #tpu.memory_space<vmem>>)
      %dma_wait3A_3027 = arith.constant 1024 : i32
      %dma_wait3A_3028 = arith.constant 0 : i32
      %dma_wait3A_3029 = tpu.memref_slice %arg6[%dma_wait3A_3027, %dma_wait3A_3028] : memref<1280x32xf32, #tpu.memory_space<vmem>> -> memref<128x32xf32, #tpu.memory_space<vmem>>
      %dma_wait3A_3030 = arith.constant 1024 : i32
      %dma_wait3A_3031 = tpu.memref_slice %arg5[%dma_wait3A_3030] : memref<1280xi32, #tpu.memory_space<vmem>> -> memref<128xi32, #tpu.memory_space<vmem>>
      %dma_wait3A_3032 = arith.constant 0 : i32
      %dma_wait3A_3033 = arith.constant 0 : i32
      %dma_wait3A_3034 = tpu.memref_slice %arg2[%dma_wait3A_3032, %dma_wait3A_3033] : memref<2000000x32xf32, #tpu.memory_space<hbm>> -> memref<2000000x32xf32, #tpu.memory_space<hbm>>
      tpu.wait_indirect_dma semaphore(%arg7 : memref<!tpu.dma_semaphore, #tpu.memory_space<semaphore_mem>>) src(%dma_wait3A_3034 : memref<2000000x32xf32, #tpu.memory_space<hbm>>) dst(%dma_wait3A_3029 : memref<128x32xf32, #tpu.memory_space<vmem>>)
      %dma_wait3A_3035 = arith.constant 1152 : i32
      %dma_wait3A_3036 = arith.constant 0 : i32
      %dma_wait3A_3037 = tpu.memref_slice %arg6[%dma_wait3A_3035, %dma_wait3A_3036] : memref<1280x32xf32, #tpu.memory_space<vmem>> -> memref<128x32xf32, #tpu.memory_space<vmem>>
      %dma_wait3A_3038 = arith.constant 1152 : i32
      %dma_wait3A_3039 = tpu.memref_slice %arg5[%dma_wait3A_3038] : memref<1280xi32, #tpu.memory_space<vmem>> -> memref<128xi32, #tpu.memory_space<vmem>>
      %dma_wait3A_3040 = arith.constant 0 : i32
      %dma_wait3A_3041 = arith.constant 0 : i32
      %dma_wait3A_3042 = tpu.memref_slice %arg2[%dma_wait3A_3040, %dma_wait3A_3041] : memref<2000000x32xf32, #tpu.memory_space<hbm>> -> memref<2000000x32xf32, #tpu.memory_space<hbm>>
      tpu.wait_indirect_dma semaphore(%arg7 : memref<!tpu.dma_semaphore, #tpu.memory_space<semaphore_mem>>) src(%dma_wait3A_3042 : memref<2000000x32xf32, #tpu.memory_space<hbm>>) dst(%dma_wait3A_3037 : memref<128x32xf32, #tpu.memory_space<vmem>>)
      "tpu.region"() ({
        %run_scoped3A = tpu.sem_alloc : memref<!tpu.dma_semaphore, #tpu.memory_space<semaphore_mem>>
        %dma_start3A_3043 = arith.constant 0 : i32
        %dma_start3A_3044 = tpu.memref_slice %arg4[%multiple_of3A, %dma_start3A_3043] : memref<409600x32xf32, #tpu.memory_space<hbm>> -> memref<1280x32xf32, #tpu.memory_space<hbm>>
        %dma_start3A_3045 = arith.constant 0 : i32
        %dma_start3A_3046 = tpu.memref_slice %arg4[%multiple_of3A, %dma_start3A_3045] : memref<409600x32xf32, #tpu.memory_space<hbm>> -> memref<1280x32xf32, #tpu.memory_space<hbm>>
        tpu.enqueue_dma source(%arg6 : memref<1280x32xf32, #tpu.memory_space<vmem>>) target(%dma_start3A_3046 : memref<1280x32xf32, #tpu.memory_space<hbm>>) target_semaphore(%run_scoped3A : memref<!tpu.dma_semaphore, #tpu.memory_space<semaphore_mem>>)
        %dma_wait3A_3047 = arith.constant 0 : i32
        %dma_wait3A_3048 = tpu.memref_slice %arg4[%multiple_of3A, %dma_wait3A_3047] : memref<409600x32xf32, #tpu.memory_space<hbm>> -> memref<1280x32xf32, #tpu.memory_space<hbm>>
        %dma_wait3A_3049 = arith.constant 0 : i32
        %dma_wait3A_3050 = tpu.memref_slice %arg4[%multiple_of3A, %dma_wait3A_3049] : memref<409600x32xf32, #tpu.memory_space<hbm>> -> memref<1280x32xf32, #tpu.memory_space<hbm>>
        tpu.wait_dma2 semaphore(%run_scoped3A : memref<!tpu.dma_semaphore, #tpu.memory_space<semaphore_mem>>) src(%arg6 : memref<1280x32xf32, #tpu.memory_space<vmem>>) dst(%dma_wait3A_3050 : memref<1280x32xf32, #tpu.memory_space<hbm>>)
        tpu.yield
      }) : () -> ()
    }
    %scan3A_7 = arith.constant 10 : i32
    return
  }
}

module attributes {stable_mosaic.version = 14 : i64} {
  func.func @tr_kernel(%arg0: i32, %arg1: memref<32x16000xf32, #tpu.memory_space<vmem>>, %arg2: memref<32x32xf32, #tpu.memory_space<vmem>>, %arg3: memref<4000x128xf32, #tpu.memory_space<vmem>>) attributes {dimension_semantics = [#tpu.dimension_semantics<parallel>], iteration_bounds = array<i64: 125>, scalar_prefetch = 0 : i64, scratch_operands = 0 : i64, tpu.core_type = #tpu.core_type<tc>, window_params = [{transform_indices = @transform_0, window_bounds = array<i64: 32, 16000>}, {pipeline_mode = #tpu.pipeline_mode<synchronous>, transform_indices = @transform_1, window_bounds = array<i64: 32, 32>}, {transform_indices = @transform_2, window_bounds = array<i64: 4000, 128>}]} {
    %get3A = arith.constant 0 : index
    %get3A_0 = arith.constant 0 : index
    %get3A_1 = vector.load %arg1[%get3A, %get3A_0] : memref<32x16000xf32, #tpu.memory_space<vmem>>, vector<32x16000xf32>
    %get3A_2 = arith.constant 0 : index
    %get3A_3 = arith.constant 0 : index
    %get3A_4 = vector.load %arg2[%get3A_2, %get3A_3] : memref<32x32xf32, #tpu.memory_space<vmem>>, vector<32x32xf32>
    %dot_general3A = arith.constant dense<0.000000e+00> : vector<16000x32xf32>
    %dot_general3A_5 = tpu.matmul %get3A_1, %get3A_4, %dot_general3A {dimension_numbers = #tpu.dot_dimension_numbers<[0], [0], [1], [1], [0, 1, 1, 1], [], []>, transpose_lhs_hint = false} : vector<32x16000xf32>, vector<32x32xf32>, vector<16000x32xf32> -> vector<16000x32xf32>
    %slice3A = vector.extract_strided_slice %dot_general3A_5 {offsets = [0, 0], sizes = [32, 32], strides = [1, 1]} : vector<16000x32xf32> to vector<32x32xf32>
    %slice3A_6 = vector.extract_strided_slice %dot_general3A_5 {offsets = [32, 0], sizes = [32, 32], strides = [1, 1]} : vector<16000x32xf32> to vector<32x32xf32>
    %slice3A_7 = vector.extract_strided_slice %dot_general3A_5 {offsets = [64, 0], sizes = [32, 32], strides = [1, 1]} : vector<16000x32xf32> to vector<32x32xf32>
    %slice3A_8 = vector.extract_strided_slice %dot_general3A_5 {offsets = [96, 0], sizes = [32, 32], strides = [1, 1]} : vector<16000x32xf32> to vector<32x32xf32>
    %concatenate3A = tpu.concatenate %slice3A, %slice3A_6, %slice3A_7, %slice3A_8 in 1 : vector<32x32xf32>, vector<32x32xf32>, vector<32x32xf32>, vector<32x32xf32> -> vector<32x128xf32>
    %swap3A = arith.constant 0 : index
    %swap3A_9 = arith.constant 0 : index
    %swap3A_10 = vector.load %arg3[%swap3A, %swap3A_9] : memref<4000x128xf32, #tpu.memory_space<vmem>>, vector<32x128xf32>
    tpu.vector_store %arg3[%swap3A, %swap3A_9], %concatenate3A {strides = array<i32>} : memref<4000x128xf32, #tpu.memory_space<vmem>>, vector<32x128xf32>,
    %slice3A_11 = vector.extract_strided_slice %dot_general3A_5 {offsets = [128, 0], sizes = [32, 32], strides = [1, 1]} : vector<16000x32xf32> to vector<32x32xf32>
    %slice3A_12 = vector.extract_strided_slice %dot_general3A_5 {offsets = [160, 0], sizes = [32, 32], strides = [1, 1]} : vector<16000x32xf32> to vector<32x32xf32>
    %slice3A_13 = vector.extract_strided_slice %dot_general3A_5 {offsets = [192, 0], sizes = [32, 32], strides = [1, 1]} : vector<16000x32xf32> to vector<32x32xf32>
    %slice3A_14 = vector.extract_strided_slice %dot_general3A_5 {offsets = [224, 0], sizes = [32, 32], strides = [1, 1]} : vector<16000x32xf32> to vector<32x32xf32>
    %concatenate3A_15 = tpu.concatenate %slice3A_11, %slice3A_12, %slice3A_13, %slice3A_14 in 1 : vector<32x32xf32>, vector<32x32xf32>, vector<32x32xf32>, vector<32x32xf32> -> vector<32x128xf32>
    %swap3A_16 = arith.constant 32 : index
    %swap3A_17 = arith.constant 0 : index
    %swap3A_18 = vector.load %arg3[%swap3A_16, %swap3A_17] : memref<4000x128xf32, #tpu.memory_space<vmem>>, vector<32x128xf32>
    tpu.vector_store %arg3[%swap3A_16, %swap3A_17], %concatenate3A_15 {strides = array<i32>} : memref<4000x128xf32, #tpu.memory_space<vmem>>, vector<32x128xf32>,
    %slice3A_19 = vector.extract_strided_slice %dot_general3A_5 {offsets = [256, 0], sizes = [32, 32], strides = [1, 1]} : vector<16000x32xf32> to vector<32x32xf32>
    %slice3A_20 = vector.extract_strided_slice %dot_general3A_5 {offsets = [288, 0], sizes = [32, 32], strides = [1, 1]} : vector<16000x32xf32> to vector<32x32xf32>
    %slice3A_21 = vector.extract_strided_slice %dot_general3A_5 {offsets = [320, 0], sizes = [32, 32], strides = [1, 1]} : vector<16000x32xf32> to vector<32x32xf32>
    %slice3A_22 = vector.extract_strided_slice %dot_general3A_5 {offsets = [352, 0], sizes = [32, 32], strides = [1, 1]} : vector<16000x32xf32> to vector<32x32xf32>
    %concatenate3A_23 = tpu.concatenate %slice3A_19, %slice3A_20, %slice3A_21, %slice3A_22 in 1 : vector<32x32xf32>, vector<32x32xf32>, vector<32x32xf32>, vector<32x32xf32> -> vector<32x128xf32>
    %swap3A_24 = arith.constant 64 : index
    %swap3A_25 = arith.constant 0 : index
    %swap3A_26 = vector.load %arg3[%swap3A_24, %swap3A_25] : memref<4000x128xf32, #tpu.memory_space<vmem>>, vector<32x128xf32>
    tpu.vector_store %arg3[%swap3A_24, %swap3A_25], %concatenate3A_23 {strides = array<i32>} : memref<4000x128xf32, #tpu.memory_space<vmem>>, vector<32x128xf32>,
    %slice3A_27 = vector.extract_strided_slice %dot_general3A_5 {offsets = [384, 0], sizes = [32, 32], strides = [1, 1]} : vector<16000x32xf32> to vector<32x32xf32>
    %slice3A_28 = vector.extract_strided_slice %dot_general3A_5 {offsets = [416, 0], sizes = [32, 32], strides = [1, 1]} : vector<16000x32xf32> to vector<32x32xf32>
    %slice3A_29 = vector.extract_strided_slice %dot_general3A_5 {offsets = [448, 0], sizes = [32, 32], strides = [1, 1]} : vector<16000x32xf32> to vector<32x32xf32>
    %slice3A_30 = vector.extract_strided_slice %dot_general3A_5 {offsets = [480, 0], sizes = [32, 32], strides = [1, 1]} : vector<16000x32xf32> to vector<32x32xf32>
    %concatenate3A_31 = tpu.concatenate %slice3A_27, %slice3A_28, %slice3A_29, %slice3A_30 in 1 : vector<32x32xf32>, vector<32x32xf32>, vector<32x32xf32>, vector<32x32xf32> -> vector<32x128xf32>
    %swap3A_32 = arith.constant 96 : index
    %swap3A_33 = arith.constant 0 : index
    %swap3A_34 = vector.load %arg3[%swap3A_32, %swap3A_33] : memref<4000x128xf32, #tpu.memory_space<vmem>>, vector<32x128xf32>
    tpu.vector_store %arg3[%swap3A_32, %swap3A_33], %concatenate3A_31 {strides = array<i32>} : memref<4000x128xf32, #tpu.memory_space<vmem>>, vector<32x128xf32>,
    %slice3A_35 = vector.extract_strided_slice %dot_general3A_5 {offsets = [512, 0], sizes = [32, 32], strides = [1, 1]} : vector<16000x32xf32> to vector<32x32xf32>
    %slice3A_36 = vector.extract_strided_slice %dot_general3A_5 {offsets = [544, 0], sizes = [32, 32], strides = [1, 1]} : vector<16000x32xf32> to vector<32x32xf32>
    %slice3A_37 = vector.extract_strided_slice %dot_general3A_5 {offsets = [576, 0], sizes = [32, 32], strides = [1, 1]} : vector<16000x32xf32> to vector<32x32xf32>
    %slice3A_38 = vector.extract_strided_slice %dot_general3A_5 {offsets = [608, 0], sizes = [32, 32], strides = [1, 1]} : vector<16000x32xf32> to vector<32x32xf32>
    %concatenate3A_39 = tpu.concatenate %slice3A_35, %slice3A_36, %slice3A_37, %slice3A_38 in 1 : vector<32x32xf32>, vector<32x32xf32>, vector<32x32xf32>, vector<32x32xf32> -> vector<32x128xf32>
    %swap3A_40 = arith.constant 128 : index
    %swap3A_41 = arith.constant 0 : index
    %swap3A_42 = vector.load %arg3[%swap3A_40, %swap3A_41] : memref<4000x128xf32, #tpu.memory_space<vmem>>, vector<32x128xf32>
    tpu.vector_store %arg3[%swap3A_40, %swap3A_41], %concatenate3A_39 {strides = array<i32>} : memref<4000x128xf32, #tpu.memory_space<vmem>>, vector<32x128xf32>,
    %slice3A_43 = vector.extract_strided_slice %dot_general3A_5 {offsets = [640, 0], sizes = [32, 32], strides = [1, 1]} : vector<16000x32xf32> to vector<32x32xf32>
    %slice3A_44 = vector.extract_strided_slice %dot_general3A_5 {offsets = [672, 0], sizes = [32, 32], strides = [1, 1]} : vector<16000x32xf32> to vector<32x32xf32>
    %slice3A_45 = vector.extract_strided_slice %dot_general3A_5 {offsets = [704, 0], sizes = [32, 32], strides = [1, 1]} : vector<16000x32xf32> to vector<32x32xf32>
    %slice3A_46 = vector.extract_strided_slice %dot_general3A_5 {offsets = [736, 0], sizes = [32, 32], strides = [1, 1]} : vector<16000x32xf32> to vector<32x32xf32>
    %concatenate3A_47 = tpu.concatenate %slice3A_43, %slice3A_44, %slice3A_45, %slice3A_46 in 1 : vector<32x32xf32>, vector<32x32xf32>, vector<32x32xf32>, vector<32x32xf32> -> vector<32x128xf32>
    %swap3A_48 = arith.constant 160 : index
    %swap3A_49 = arith.constant 0 : index
    %swap3A_50 = vector.load %arg3[%swap3A_48, %swap3A_49] : memref<4000x128xf32, #tpu.memory_space<vmem>>, vector<32x128xf32>
    tpu.vector_store %arg3[%swap3A_48, %swap3A_49], %concatenate3A_47 {strides = array<i32>} : memref<4000x128xf32, #tpu.memory_space<vmem>>, vector<32x128xf32>,
    %slice3A_51 = vector.extract_strided_slice %dot_general3A_5 {offsets = [768, 0], sizes = [32, 32], strides = [1, 1]} : vector<16000x32xf32> to vector<32x32xf32>
    %slice3A_52 = vector.extract_strided_slice %dot_general3A_5 {offsets = [800, 0], sizes = [32, 32], strides = [1, 1]} : vector<16000x32xf32> to vector<32x32xf32>
    %slice3A_53 = vector.extract_strided_slice %dot_general3A_5 {offsets = [832, 0], sizes = [32, 32], strides = [1, 1]} : vector<16000x32xf32> to vector<32x32xf32>
    %slice3A_54 = vector.extract_strided_slice %dot_general3A_5 {offsets = [864, 0], sizes = [32, 32], strides = [1, 1]} : vector<16000x32xf32> to vector<32x32xf32>
    %concatenate3A_55 = tpu.concatenate %slice3A_51, %slice3A_52, %slice3A_53, %slice3A_54 in 1 : vector<32x32xf32>, vector<32x32xf32>, vector<32x32xf32>, vector<32x32xf32> -> vector<32x128xf32>
    %swap3A_56 = arith.constant 192 : index
    %swap3A_57 = arith.constant 0 : index
    %swap3A_58 = vector.load %arg3[%swap3A_56, %swap3A_57] : memref<4000x128xf32, #tpu.memory_space<vmem>>, vector<32x128xf32>
    tpu.vector_store %arg3[%swap3A_56, %swap3A_57], %concatenate3A_55 {strides = array<i32>} : memref<4000x128xf32, #tpu.memory_space<vmem>>, vector<32x128xf32>,
    %slice3A_59 = vector.extract_strided_slice %dot_general3A_5 {offsets = [896, 0], sizes = [32, 32], strides = [1, 1]} : vector<16000x32xf32> to vector<32x32xf32>
    %slice3A_60 = vector.extract_strided_slice %dot_general3A_5 {offsets = [928, 0], sizes = [32, 32], strides = [1, 1]} : vector<16000x32xf32> to vector<32x32xf32>
    %slice3A_61 = vector.extract_strided_slice %dot_general3A_5 {offsets = [960, 0], sizes = [32, 32], strides = [1, 1]} : vector<16000x32xf32> to vector<32x32xf32>
    %slice3A_62 = vector.extract_strided_slice %dot_general3A_5 {offsets = [992, 0], sizes = [32, 32], strides = [1, 1]} : vector<16000x32xf32> to vector<32x32xf32>
    %concatenate3A_63 = tpu.concatenate %slice3A_59, %slice3A_60, %slice3A_61, %slice3A_62 in 1 : vector<32x32xf32>, vector<32x32xf32>, vector<32x32xf32>, vector<32x32xf32> -> vector<32x128xf32>
    %swap3A_64 = arith.constant 224 : index
    %swap3A_65 = arith.constant 0 : index
    %swap3A_66 = vector.load %arg3[%swap3A_64, %swap3A_65] : memref<4000x128xf32, #tpu.memory_space<vmem>>, vector<32x128xf32>
    tpu.vector_store %arg3[%swap3A_64, %swap3A_65], %concatenate3A_63 {strides = array<i32>} : memref<4000x128xf32, #tpu.memory_space<vmem>>, vector<32x128xf32>,
    %slice3A_67 = vector.extract_strided_slice %dot_general3A_5 {offsets = [1024, 0], sizes = [32, 32], strides = [1, 1]} : vector<16000x32xf32> to vector<32x32xf32>
    %slice3A_68 = vector.extract_strided_slice %dot_general3A_5 {offsets = [1056, 0], sizes = [32, 32], strides = [1, 1]} : vector<16000x32xf32> to vector<32x32xf32>
    %slice3A_69 = vector.extract_strided_slice %dot_general3A_5 {offsets = [1088, 0], sizes = [32, 32], strides = [1, 1]} : vector<16000x32xf32> to vector<32x32xf32>
    %slice3A_70 = vector.extract_strided_slice %dot_general3A_5 {offsets = [1120, 0], sizes = [32, 32], strides = [1, 1]} : vector<16000x32xf32> to vector<32x32xf32>
    %concatenate3A_71 = tpu.concatenate %slice3A_67, %slice3A_68, %slice3A_69, %slice3A_70 in 1 : vector<32x32xf32>, vector<32x32xf32>, vector<32x32xf32>, vector<32x32xf32> -> vector<32x128xf32>
    %swap3A_72 = arith.constant 256 : index
    %swap3A_73 = arith.constant 0 : index
    %swap3A_74 = vector.load %arg3[%swap3A_72, %swap3A_73] : memref<4000x128xf32, #tpu.memory_space<vmem>>, vector<32x128xf32>
    tpu.vector_store %arg3[%swap3A_72, %swap3A_73], %concatenate3A_71 {strides = array<i32>} : memref<4000x128xf32, #tpu.memory_space<vmem>>, vector<32x128xf32>,
    %slice3A_75 = vector.extract_strided_slice %dot_general3A_5 {offsets = [1152, 0], sizes = [32, 32], strides = [1, 1]} : vector<16000x32xf32> to vector<32x32xf32>
    %slice3A_76 = vector.extract_strided_slice %dot_general3A_5 {offsets = [1184, 0], sizes = [32, 32], strides = [1, 1]} : vector<16000x32xf32> to vector<32x32xf32>
    %slice3A_77 = vector.extract_strided_slice %dot_general3A_5 {offsets = [1216, 0], sizes = [32, 32], strides = [1, 1]} : vector<16000x32xf32> to vector<32x32xf32>
    %slice3A_78 = vector.extract_strided_slice %dot_general3A_5 {offsets = [1248, 0], sizes = [32, 32], strides = [1, 1]} : vector<16000x32xf32> to vector<32x32xf32>
    %concatenate3A_79 = tpu.concatenate %slice3A_75, %slice3A_76, %slice3A_77, %slice3A_78 in 1 : vector<32x32xf32>, vector<32x32xf32>, vector<32x32xf32>, vector<32x32xf32> -> vector<32x128xf32>
    %swap3A_80 = arith.constant 288 : index
    %swap3A_81 = arith.constant 0 : index
    %swap3A_82 = vector.load %arg3[%swap3A_80, %swap3A_81] : memref<4000x128xf32, #tpu.memory_space<vmem>>, vector<32x128xf32>
    tpu.vector_store %arg3[%swap3A_80, %swap3A_81], %concatenate3A_79 {strides = array<i32>} : memref<4000x128xf32, #tpu.memory_space<vmem>>, vector<32x128xf32>,
    %slice3A_83 = vector.extract_strided_slice %dot_general3A_5 {offsets = [1280, 0], sizes = [32, 32], strides = [1, 1]} : vector<16000x32xf32> to vector<32x32xf32>
    %slice3A_84 = vector.extract_strided_slice %dot_general3A_5 {offsets = [1312, 0], sizes = [32, 32], strides = [1, 1]} : vector<16000x32xf32> to vector<32x32xf32>
    %slice3A_85 = vector.extract_strided_slice %dot_general3A_5 {offsets = [1344, 0], sizes = [32, 32], strides = [1, 1]} : vector<16000x32xf32> to vector<32x32xf32>
    %slice3A_86 = vector.extract_strided_slice %dot_general3A_5 {offsets = [1376, 0], sizes = [32, 32], strides = [1, 1]} : vector<16000x32xf32> to vector<32x32xf32>
    %concatenate3A_87 = tpu.concatenate %slice3A_83, %slice3A_84, %slice3A_85, %slice3A_86 in 1 : vector<32x32xf32>, vector<32x32xf32>, vector<32x32xf32>, vector<32x32xf32> -> vector<32x128xf32>
    %swap3A_88 = arith.constant 320 : index
    %swap3A_89 = arith.constant 0 : index
    %swap3A_90 = vector.load %arg3[%swap3A_88, %swap3A_89] : memref<4000x128xf32, #tpu.memory_space<vmem>>, vector<32x128xf32>
    tpu.vector_store %arg3[%swap3A_88, %swap3A_89], %concatenate3A_87 {strides = array<i32>} : memref<4000x128xf32, #tpu.memory_space<vmem>>, vector<32x128xf32>,
    %slice3A_91 = vector.extract_strided_slice %dot_general3A_5 {offsets = [1408, 0], sizes = [32, 32], strides = [1, 1]} : vector<16000x32xf32> to vector<32x32xf32>
    %slice3A_92 = vector.extract_strided_slice %dot_general3A_5 {offsets = [1440, 0], sizes = [32, 32], strides = [1, 1]} : vector<16000x32xf32> to vector<32x32xf32>
    %slice3A_93 = vector.extract_strided_slice %dot_general3A_5 {offsets = [1472, 0], sizes = [32, 32], strides = [1, 1]} : vector<16000x32xf32> to vector<32x32xf32>
    %slice3A_94 = vector.extract_strided_slice %dot_general3A_5 {offsets = [1504, 0], sizes = [32, 32], strides = [1, 1]} : vector<16000x32xf32> to vector<32x32xf32>
    %concatenate3A_95 = tpu.concatenate %slice3A_91, %slice3A_92, %slice3A_93, %slice3A_94 in 1 : vector<32x32xf32>, vector<32x32xf32>, vector<32x32xf32>, vector<32x32xf32> -> vector<32x128xf32>
    %swap3A_96 = arith.constant 352 : index
    %swap3A_97 = arith.constant 0 : index
    %swap3A_98 = vector.load %arg3[%swap3A_96, %swap3A_97] : memref<4000x128xf32, #tpu.memory_space<vmem>>, vector<32x128xf32>
    tpu.vector_store %arg3[%swap3A_96, %swap3A_97], %concatenate3A_95 {strides = array<i32>} : memref<4000x128xf32, #tpu.memory_space<vmem>>, vector<32x128xf32>,
    %slice3A_99 = vector.extract_strided_slice %dot_general3A_5 {offsets = [1536, 0], sizes = [32, 32], strides = [1, 1]} : vector<16000x32xf32> to vector<32x32xf32>
    %slice3A_100 = vector.extract_strided_slice %dot_general3A_5 {offsets = [1568, 0], sizes = [32, 32], strides = [1, 1]} : vector<16000x32xf32> to vector<32x32xf32>
    %slice3A_101 = vector.extract_strided_slice %dot_general3A_5 {offsets = [1600, 0], sizes = [32, 32], strides = [1, 1]} : vector<16000x32xf32> to vector<32x32xf32>
    %slice3A_102 = vector.extract_strided_slice %dot_general3A_5 {offsets = [1632, 0], sizes = [32, 32], strides = [1, 1]} : vector<16000x32xf32> to vector<32x32xf32>
    %concatenate3A_103 = tpu.concatenate %slice3A_99, %slice3A_100, %slice3A_101, %slice3A_102 in 1 : vector<32x32xf32>, vector<32x32xf32>, vector<32x32xf32>, vector<32x32xf32> -> vector<32x128xf32>
    %swap3A_104 = arith.constant 384 : index
    %swap3A_105 = arith.constant 0 : index
    %swap3A_106 = vector.load %arg3[%swap3A_104, %swap3A_105] : memref<4000x128xf32, #tpu.memory_space<vmem>>, vector<32x128xf32>
    tpu.vector_store %arg3[%swap3A_104, %swap3A_105], %concatenate3A_103 {strides = array<i32>} : memref<4000x128xf32, #tpu.memory_space<vmem>>, vector<32x128xf32>,
    %slice3A_107 = vector.extract_strided_slice %dot_general3A_5 {offsets = [1664, 0], sizes = [32, 32], strides = [1, 1]} : vector<16000x32xf32> to vector<32x32xf32>
    %slice3A_108 = vector.extract_strided_slice %dot_general3A_5 {offsets = [1696, 0], sizes = [32, 32], strides = [1, 1]} : vector<16000x32xf32> to vector<32x32xf32>
    %slice3A_109 = vector.extract_strided_slice %dot_general3A_5 {offsets = [1728, 0], sizes = [32, 32], strides = [1, 1]} : vector<16000x32xf32> to vector<32x32xf32>
    %slice3A_110 = vector.extract_strided_slice %dot_general3A_5 {offsets = [1760, 0], sizes = [32, 32], strides = [1, 1]} : vector<16000x32xf32> to vector<32x32xf32>
    %concatenate3A_111 = tpu.concatenate %slice3A_107, %slice3A_108, %slice3A_109, %slice3A_110 in 1 : vector<32x32xf32>, vector<32x32xf32>, vector<32x32xf32>, vector<32x32xf32> -> vector<32x128xf32>
    %swap3A_112 = arith.constant 416 : index
    %swap3A_113 = arith.constant 0 : index
    %swap3A_114 = vector.load %arg3[%swap3A_112, %swap3A_113] : memref<4000x128xf32, #tpu.memory_space<vmem>>, vector<32x128xf32>
    tpu.vector_store %arg3[%swap3A_112, %swap3A_113], %concatenate3A_111 {strides = array<i32>} : memref<4000x128xf32, #tpu.memory_space<vmem>>, vector<32x128xf32>,
    %slice3A_115 = vector.extract_strided_slice %dot_general3A_5 {offsets = [1792, 0], sizes = [32, 32], strides = [1, 1]} : vector<16000x32xf32> to vector<32x32xf32>
    %slice3A_116 = vector.extract_strided_slice %dot_general3A_5 {offsets = [1824, 0], sizes = [32, 32], strides = [1, 1]} : vector<16000x32xf32> to vector<32x32xf32>
    %slice3A_117 = vector.extract_strided_slice %dot_general3A_5 {offsets = [1856, 0], sizes = [32, 32], strides = [1, 1]} : vector<16000x32xf32> to vector<32x32xf32>
    %slice3A_118 = vector.extract_strided_slice %dot_general3A_5 {offsets = [1888, 0], sizes = [32, 32], strides = [1, 1]} : vector<16000x32xf32> to vector<32x32xf32>
    %concatenate3A_119 = tpu.concatenate %slice3A_115, %slice3A_116, %slice3A_117, %slice3A_118 in 1 : vector<32x32xf32>, vector<32x32xf32>, vector<32x32xf32>, vector<32x32xf32> -> vector<32x128xf32>
    %swap3A_120 = arith.constant 448 : index
    %swap3A_121 = arith.constant 0 : index
    %swap3A_122 = vector.load %arg3[%swap3A_120, %swap3A_121] : memref<4000x128xf32, #tpu.memory_space<vmem>>, vector<32x128xf32>
    tpu.vector_store %arg3[%swap3A_120, %swap3A_121], %concatenate3A_119 {strides = array<i32>} : memref<4000x128xf32, #tpu.memory_space<vmem>>, vector<32x128xf32>,
    %slice3A_123 = vector.extract_strided_slice %dot_general3A_5 {offsets = [1920, 0], sizes = [32, 32], strides = [1, 1]} : vector<16000x32xf32> to vector<32x32xf32>
    %slice3A_124 = vector.extract_strided_slice %dot_general3A_5 {offsets = [1952, 0], sizes = [32, 32], strides = [1, 1]} : vector<16000x32xf32> to vector<32x32xf32>
    %slice3A_125 = vector.extract_strided_slice %dot_general3A_5 {offsets = [1984, 0], sizes = [32, 32], strides = [1, 1]} : vector<16000x32xf32> to vector<32x32xf32>
    %slice3A_126 = vector.extract_strided_slice %dot_general3A_5 {offsets = [2016, 0], sizes = [32, 32], strides = [1, 1]} : vector<16000x32xf32> to vector<32x32xf32>
    %concatenate3A_127 = tpu.concatenate %slice3A_123, %slice3A_124, %slice3A_125, %slice3A_126 in 1 : vector<32x32xf32>, vector<32x32xf32>, vector<32x32xf32>, vector<32x32xf32> -> vector<32x128xf32>
    %swap3A_128 = arith.constant 480 : index
    %swap3A_129 = arith.constant 0 : index
    %swap3A_130 = vector.load %arg3[%swap3A_128, %swap3A_129] : memref<4000x128xf32, #tpu.memory_space<vmem>>, vector<32x128xf32>
    tpu.vector_store %arg3[%swap3A_128, %swap3A_129], %concatenate3A_127 {strides = array<i32>} : memref<4000x128xf32, #tpu.memory_space<vmem>>, vector<32x128xf32>,
    %slice3A_131 = vector.extract_strided_slice %dot_general3A_5 {offsets = [2048, 0], sizes = [32, 32], strides = [1, 1]} : vector<16000x32xf32> to vector<32x32xf32>
    %slice3A_132 = vector.extract_strided_slice %dot_general3A_5 {offsets = [2080, 0], sizes = [32, 32], strides = [1, 1]} : vector<16000x32xf32> to vector<32x32xf32>
    %slice3A_133 = vector.extract_strided_slice %dot_general3A_5 {offsets = [2112, 0], sizes = [32, 32], strides = [1, 1]} : vector<16000x32xf32> to vector<32x32xf32>
    %slice3A_134 = vector.extract_strided_slice %dot_general3A_5 {offsets = [2144, 0], sizes = [32, 32], strides = [1, 1]} : vector<16000x32xf32> to vector<32x32xf32>
    %concatenate3A_135 = tpu.concatenate %slice3A_131, %slice3A_132, %slice3A_133, %slice3A_134 in 1 : vector<32x32xf32>, vector<32x32xf32>, vector<32x32xf32>, vector<32x32xf32> -> vector<32x128xf32>
    %swap3A_136 = arith.constant 512 : index
    %swap3A_137 = arith.constant 0 : index
    %swap3A_138 = vector.load %arg3[%swap3A_136, %swap3A_137] : memref<4000x128xf32, #tpu.memory_space<vmem>>, vector<32x128xf32>
    tpu.vector_store %arg3[%swap3A_136, %swap3A_137], %concatenate3A_135 {strides = array<i32>} : memref<4000x128xf32, #tpu.memory_space<vmem>>, vector<32x128xf32>,
    %slice3A_139 = vector.extract_strided_slice %dot_general3A_5 {offsets = [2176, 0], sizes = [32, 32], strides = [1, 1]} : vector<16000x32xf32> to vector<32x32xf32>
    %slice3A_140 = vector.extract_strided_slice %dot_general3A_5 {offsets = [2208, 0], sizes = [32, 32], strides = [1, 1]} : vector<16000x32xf32> to vector<32x32xf32>
    %slice3A_141 = vector.extract_strided_slice %dot_general3A_5 {offsets = [2240, 0], sizes = [32, 32], strides = [1, 1]} : vector<16000x32xf32> to vector<32x32xf32>
    %slice3A_142 = vector.extract_strided_slice %dot_general3A_5 {offsets = [2272, 0], sizes = [32, 32], strides = [1, 1]} : vector<16000x32xf32> to vector<32x32xf32>
    %concatenate3A_143 = tpu.concatenate %slice3A_139, %slice3A_140, %slice3A_141, %slice3A_142 in 1 : vector<32x32xf32>, vector<32x32xf32>, vector<32x32xf32>, vector<32x32xf32> -> vector<32x128xf32>
    %swap3A_144 = arith.constant 544 : index
    %swap3A_145 = arith.constant 0 : index
    %swap3A_146 = vector.load %arg3[%swap3A_144, %swap3A_145] : memref<4000x128xf32, #tpu.memory_space<vmem>>, vector<32x128xf32>
    tpu.vector_store %arg3[%swap3A_144, %swap3A_145], %concatenate3A_143 {strides = array<i32>} : memref<4000x128xf32, #tpu.memory_space<vmem>>, vector<32x128xf32>,
    %slice3A_147 = vector.extract_strided_slice %dot_general3A_5 {offsets = [2304, 0], sizes = [32, 32], strides = [1, 1]} : vector<16000x32xf32> to vector<32x32xf32>
    %slice3A_148 = vector.extract_strided_slice %dot_general3A_5 {offsets = [2336, 0], sizes = [32, 32], strides = [1, 1]} : vector<16000x32xf32> to vector<32x32xf32>
    %slice3A_149 = vector.extract_strided_slice %dot_general3A_5 {offsets = [2368, 0], sizes = [32, 32], strides = [1, 1]} : vector<16000x32xf32> to vector<32x32xf32>
    %slice3A_150 = vector.extract_strided_slice %dot_general3A_5 {offsets = [2400, 0], sizes = [32, 32], strides = [1, 1]} : vector<16000x32xf32> to vector<32x32xf32>
    %concatenate3A_151 = tpu.concatenate %slice3A_147, %slice3A_148, %slice3A_149, %slice3A_150 in 1 : vector<32x32xf32>, vector<32x32xf32>, vector<32x32xf32>, vector<32x32xf32> -> vector<32x128xf32>
    %swap3A_152 = arith.constant 576 : index
    %swap3A_153 = arith.constant 0 : index
    %swap3A_154 = vector.load %arg3[%swap3A_152, %swap3A_153] : memref<4000x128xf32, #tpu.memory_space<vmem>>, vector<32x128xf32>
    tpu.vector_store %arg3[%swap3A_152, %swap3A_153], %concatenate3A_151 {strides = array<i32>} : memref<4000x128xf32, #tpu.memory_space<vmem>>, vector<32x128xf32>,
    %slice3A_155 = vector.extract_strided_slice %dot_general3A_5 {offsets = [2432, 0], sizes = [32, 32], strides = [1, 1]} : vector<16000x32xf32> to vector<32x32xf32>
    %slice3A_156 = vector.extract_strided_slice %dot_general3A_5 {offsets = [2464, 0], sizes = [32, 32], strides = [1, 1]} : vector<16000x32xf32> to vector<32x32xf32>
    %slice3A_157 = vector.extract_strided_slice %dot_general3A_5 {offsets = [2496, 0], sizes = [32, 32], strides = [1, 1]} : vector<16000x32xf32> to vector<32x32xf32>
    %slice3A_158 = vector.extract_strided_slice %dot_general3A_5 {offsets = [2528, 0], sizes = [32, 32], strides = [1, 1]} : vector<16000x32xf32> to vector<32x32xf32>
    %concatenate3A_159 = tpu.concatenate %slice3A_155, %slice3A_156, %slice3A_157, %slice3A_158 in 1 : vector<32x32xf32>, vector<32x32xf32>, vector<32x32xf32>, vector<32x32xf32> -> vector<32x128xf32>
    %swap3A_160 = arith.constant 608 : index
    %swap3A_161 = arith.constant 0 : index
    %swap3A_162 = vector.load %arg3[%swap3A_160, %swap3A_161] : memref<4000x128xf32, #tpu.memory_space<vmem>>, vector<32x128xf32>
    tpu.vector_store %arg3[%swap3A_160, %swap3A_161], %concatenate3A_159 {strides = array<i32>} : memref<4000x128xf32, #tpu.memory_space<vmem>>, vector<32x128xf32>,
    %slice3A_163 = vector.extract_strided_slice %dot_general3A_5 {offsets = [2560, 0], sizes = [32, 32], strides = [1, 1]} : vector<16000x32xf32> to vector<32x32xf32>
    %slice3A_164 = vector.extract_strided_slice %dot_general3A_5 {offsets = [2592, 0], sizes = [32, 32], strides = [1, 1]} : vector<16000x32xf32> to vector<32x32xf32>
    %slice3A_165 = vector.extract_strided_slice %dot_general3A_5 {offsets = [2624, 0], sizes = [32, 32], strides = [1, 1]} : vector<16000x32xf32> to vector<32x32xf32>
    %slice3A_166 = vector.extract_strided_slice %dot_general3A_5 {offsets = [2656, 0], sizes = [32, 32], strides = [1, 1]} : vector<16000x32xf32> to vector<32x32xf32>
    %concatenate3A_167 = tpu.concatenate %slice3A_163, %slice3A_164, %slice3A_165, %slice3A_166 in 1 : vector<32x32xf32>, vector<32x32xf32>, vector<32x32xf32>, vector<32x32xf32> -> vector<32x128xf32>
    %swap3A_168 = arith.constant 640 : index
    %swap3A_169 = arith.constant 0 : index
    %swap3A_170 = vector.load %arg3[%swap3A_168, %swap3A_169] : memref<4000x128xf32, #tpu.memory_space<vmem>>, vector<32x128xf32>
    tpu.vector_store %arg3[%swap3A_168, %swap3A_169], %concatenate3A_167 {strides = array<i32>} : memref<4000x128xf32, #tpu.memory_space<vmem>>, vector<32x128xf32>,
    %slice3A_171 = vector.extract_strided_slice %dot_general3A_5 {offsets = [2688, 0], sizes = [32, 32], strides = [1, 1]} : vector<16000x32xf32> to vector<32x32xf32>
    %slice3A_172 = vector.extract_strided_slice %dot_general3A_5 {offsets = [2720, 0], sizes = [32, 32], strides = [1, 1]} : vector<16000x32xf32> to vector<32x32xf32>
    %slice3A_173 = vector.extract_strided_slice %dot_general3A_5 {offsets = [2752, 0], sizes = [32, 32], strides = [1, 1]} : vector<16000x32xf32> to vector<32x32xf32>
    %slice3A_174 = vector.extract_strided_slice %dot_general3A_5 {offsets = [2784, 0], sizes = [32, 32], strides = [1, 1]} : vector<16000x32xf32> to vector<32x32xf32>
    %concatenate3A_175 = tpu.concatenate %slice3A_171, %slice3A_172, %slice3A_173, %slice3A_174 in 1 : vector<32x32xf32>, vector<32x32xf32>, vector<32x32xf32>, vector<32x32xf32> -> vector<32x128xf32>
    %swap3A_176 = arith.constant 672 : index
    %swap3A_177 = arith.constant 0 : index
    %swap3A_178 = vector.load %arg3[%swap3A_176, %swap3A_177] : memref<4000x128xf32, #tpu.memory_space<vmem>>, vector<32x128xf32>
    tpu.vector_store %arg3[%swap3A_176, %swap3A_177], %concatenate3A_175 {strides = array<i32>} : memref<4000x128xf32, #tpu.memory_space<vmem>>, vector<32x128xf32>,
    %slice3A_179 = vector.extract_strided_slice %dot_general3A_5 {offsets = [2816, 0], sizes = [32, 32], strides = [1, 1]} : vector<16000x32xf32> to vector<32x32xf32>
    %slice3A_180 = vector.extract_strided_slice %dot_general3A_5 {offsets = [2848, 0], sizes = [32, 32], strides = [1, 1]} : vector<16000x32xf32> to vector<32x32xf32>
    %slice3A_181 = vector.extract_strided_slice %dot_general3A_5 {offsets = [2880, 0], sizes = [32, 32], strides = [1, 1]} : vector<16000x32xf32> to vector<32x32xf32>
    %slice3A_182 = vector.extract_strided_slice %dot_general3A_5 {offsets = [2912, 0], sizes = [32, 32], strides = [1, 1]} : vector<16000x32xf32> to vector<32x32xf32>
    %concatenate3A_183 = tpu.concatenate %slice3A_179, %slice3A_180, %slice3A_181, %slice3A_182 in 1 : vector<32x32xf32>, vector<32x32xf32>, vector<32x32xf32>, vector<32x32xf32> -> vector<32x128xf32>
    %swap3A_184 = arith.constant 704 : index
    %swap3A_185 = arith.constant 0 : index
    %swap3A_186 = vector.load %arg3[%swap3A_184, %swap3A_185] : memref<4000x128xf32, #tpu.memory_space<vmem>>, vector<32x128xf32>
    tpu.vector_store %arg3[%swap3A_184, %swap3A_185], %concatenate3A_183 {strides = array<i32>} : memref<4000x128xf32, #tpu.memory_space<vmem>>, vector<32x128xf32>,
    %slice3A_187 = vector.extract_strided_slice %dot_general3A_5 {offsets = [2944, 0], sizes = [32, 32], strides = [1, 1]} : vector<16000x32xf32> to vector<32x32xf32>
    %slice3A_188 = vector.extract_strided_slice %dot_general3A_5 {offsets = [2976, 0], sizes = [32, 32], strides = [1, 1]} : vector<16000x32xf32> to vector<32x32xf32>
    %slice3A_189 = vector.extract_strided_slice %dot_general3A_5 {offsets = [3008, 0], sizes = [32, 32], strides = [1, 1]} : vector<16000x32xf32> to vector<32x32xf32>
    %slice3A_190 = vector.extract_strided_slice %dot_general3A_5 {offsets = [3040, 0], sizes = [32, 32], strides = [1, 1]} : vector<16000x32xf32> to vector<32x32xf32>
    %concatenate3A_191 = tpu.concatenate %slice3A_187, %slice3A_188, %slice3A_189, %slice3A_190 in 1 : vector<32x32xf32>, vector<32x32xf32>, vector<32x32xf32>, vector<32x32xf32> -> vector<32x128xf32>
    %swap3A_192 = arith.constant 736 : index
    %swap3A_193 = arith.constant 0 : index
    %swap3A_194 = vector.load %arg3[%swap3A_192, %swap3A_193] : memref<4000x128xf32, #tpu.memory_space<vmem>>, vector<32x128xf32>
    tpu.vector_store %arg3[%swap3A_192, %swap3A_193], %concatenate3A_191 {strides = array<i32>} : memref<4000x128xf32, #tpu.memory_space<vmem>>, vector<32x128xf32>,
    %slice3A_195 = vector.extract_strided_slice %dot_general3A_5 {offsets = [3072, 0], sizes = [32, 32], strides = [1, 1]} : vector<16000x32xf32> to vector<32x32xf32>
    %slice3A_196 = vector.extract_strided_slice %dot_general3A_5 {offsets = [3104, 0], sizes = [32, 32], strides = [1, 1]} : vector<16000x32xf32> to vector<32x32xf32>
    %slice3A_197 = vector.extract_strided_slice %dot_general3A_5 {offsets = [3136, 0], sizes = [32, 32], strides = [1, 1]} : vector<16000x32xf32> to vector<32x32xf32>
    %slice3A_198 = vector.extract_strided_slice %dot_general3A_5 {offsets = [3168, 0], sizes = [32, 32], strides = [1, 1]} : vector<16000x32xf32> to vector<32x32xf32>
    %concatenate3A_199 = tpu.concatenate %slice3A_195, %slice3A_196, %slice3A_197, %slice3A_198 in 1 : vector<32x32xf32>, vector<32x32xf32>, vector<32x32xf32>, vector<32x32xf32> -> vector<32x128xf32>
    %swap3A_200 = arith.constant 768 : index
    %swap3A_201 = arith.constant 0 : index
    %swap3A_202 = vector.load %arg3[%swap3A_200, %swap3A_201] : memref<4000x128xf32, #tpu.memory_space<vmem>>, vector<32x128xf32>
    tpu.vector_store %arg3[%swap3A_200, %swap3A_201], %concatenate3A_199 {strides = array<i32>} : memref<4000x128xf32, #tpu.memory_space<vmem>>, vector<32x128xf32>,
    %slice3A_203 = vector.extract_strided_slice %dot_general3A_5 {offsets = [3200, 0], sizes = [32, 32], strides = [1, 1]} : vector<16000x32xf32> to vector<32x32xf32>
    %slice3A_204 = vector.extract_strided_slice %dot_general3A_5 {offsets = [3232, 0], sizes = [32, 32], strides = [1, 1]} : vector<16000x32xf32> to vector<32x32xf32>
    %slice3A_205 = vector.extract_strided_slice %dot_general3A_5 {offsets = [3264, 0], sizes = [32, 32], strides = [1, 1]} : vector<16000x32xf32> to vector<32x32xf32>
    %slice3A_206 = vector.extract_strided_slice %dot_general3A_5 {offsets = [3296, 0], sizes = [32, 32], strides = [1, 1]} : vector<16000x32xf32> to vector<32x32xf32>
    %concatenate3A_207 = tpu.concatenate %slice3A_203, %slice3A_204, %slice3A_205, %slice3A_206 in 1 : vector<32x32xf32>, vector<32x32xf32>, vector<32x32xf32>, vector<32x32xf32> -> vector<32x128xf32>
    %swap3A_208 = arith.constant 800 : index
    %swap3A_209 = arith.constant 0 : index
    %swap3A_210 = vector.load %arg3[%swap3A_208, %swap3A_209] : memref<4000x128xf32, #tpu.memory_space<vmem>>, vector<32x128xf32>
    tpu.vector_store %arg3[%swap3A_208, %swap3A_209], %concatenate3A_207 {strides = array<i32>} : memref<4000x128xf32, #tpu.memory_space<vmem>>, vector<32x128xf32>,
    %slice3A_211 = vector.extract_strided_slice %dot_general3A_5 {offsets = [3328, 0], sizes = [32, 32], strides = [1, 1]} : vector<16000x32xf32> to vector<32x32xf32>
    %slice3A_212 = vector.extract_strided_slice %dot_general3A_5 {offsets = [3360, 0], sizes = [32, 32], strides = [1, 1]} : vector<16000x32xf32> to vector<32x32xf32>
    %slice3A_213 = vector.extract_strided_slice %dot_general3A_5 {offsets = [3392, 0], sizes = [32, 32], strides = [1, 1]} : vector<16000x32xf32> to vector<32x32xf32>
    %slice3A_214 = vector.extract_strided_slice %dot_general3A_5 {offsets = [3424, 0], sizes = [32, 32], strides = [1, 1]} : vector<16000x32xf32> to vector<32x32xf32>
    %concatenate3A_215 = tpu.concatenate %slice3A_211, %slice3A_212, %slice3A_213, %slice3A_214 in 1 : vector<32x32xf32>, vector<32x32xf32>, vector<32x32xf32>, vector<32x32xf32> -> vector<32x128xf32>
    %swap3A_216 = arith.constant 832 : index
    %swap3A_217 = arith.constant 0 : index
    %swap3A_218 = vector.load %arg3[%swap3A_216, %swap3A_217] : memref<4000x128xf32, #tpu.memory_space<vmem>>, vector<32x128xf32>
    tpu.vector_store %arg3[%swap3A_216, %swap3A_217], %concatenate3A_215 {strides = array<i32>} : memref<4000x128xf32, #tpu.memory_space<vmem>>, vector<32x128xf32>,
    %slice3A_219 = vector.extract_strided_slice %dot_general3A_5 {offsets = [3456, 0], sizes = [32, 32], strides = [1, 1]} : vector<16000x32xf32> to vector<32x32xf32>
    %slice3A_220 = vector.extract_strided_slice %dot_general3A_5 {offsets = [3488, 0], sizes = [32, 32], strides = [1, 1]} : vector<16000x32xf32> to vector<32x32xf32>
    %slice3A_221 = vector.extract_strided_slice %dot_general3A_5 {offsets = [3520, 0], sizes = [32, 32], strides = [1, 1]} : vector<16000x32xf32> to vector<32x32xf32>
    %slice3A_222 = vector.extract_strided_slice %dot_general3A_5 {offsets = [3552, 0], sizes = [32, 32], strides = [1, 1]} : vector<16000x32xf32> to vector<32x32xf32>
    %concatenate3A_223 = tpu.concatenate %slice3A_219, %slice3A_220, %slice3A_221, %slice3A_222 in 1 : vector<32x32xf32>, vector<32x32xf32>, vector<32x32xf32>, vector<32x32xf32> -> vector<32x128xf32>
    %swap3A_224 = arith.constant 864 : index
    %swap3A_225 = arith.constant 0 : index
    %swap3A_226 = vector.load %arg3[%swap3A_224, %swap3A_225] : memref<4000x128xf32, #tpu.memory_space<vmem>>, vector<32x128xf32>
    tpu.vector_store %arg3[%swap3A_224, %swap3A_225], %concatenate3A_223 {strides = array<i32>} : memref<4000x128xf32, #tpu.memory_space<vmem>>, vector<32x128xf32>,
    %slice3A_227 = vector.extract_strided_slice %dot_general3A_5 {offsets = [3584, 0], sizes = [32, 32], strides = [1, 1]} : vector<16000x32xf32> to vector<32x32xf32>
    %slice3A_228 = vector.extract_strided_slice %dot_general3A_5 {offsets = [3616, 0], sizes = [32, 32], strides = [1, 1]} : vector<16000x32xf32> to vector<32x32xf32>
    %slice3A_229 = vector.extract_strided_slice %dot_general3A_5 {offsets = [3648, 0], sizes = [32, 32], strides = [1, 1]} : vector<16000x32xf32> to vector<32x32xf32>
    %slice3A_230 = vector.extract_strided_slice %dot_general3A_5 {offsets = [3680, 0], sizes = [32, 32], strides = [1, 1]} : vector<16000x32xf32> to vector<32x32xf32>
    %concatenate3A_231 = tpu.concatenate %slice3A_227, %slice3A_228, %slice3A_229, %slice3A_230 in 1 : vector<32x32xf32>, vector<32x32xf32>, vector<32x32xf32>, vector<32x32xf32> -> vector<32x128xf32>
    %swap3A_232 = arith.constant 896 : index
    %swap3A_233 = arith.constant 0 : index
    %swap3A_234 = vector.load %arg3[%swap3A_232, %swap3A_233] : memref<4000x128xf32, #tpu.memory_space<vmem>>, vector<32x128xf32>
    tpu.vector_store %arg3[%swap3A_232, %swap3A_233], %concatenate3A_231 {strides = array<i32>} : memref<4000x128xf32, #tpu.memory_space<vmem>>, vector<32x128xf32>,
    %slice3A_235 = vector.extract_strided_slice %dot_general3A_5 {offsets = [3712, 0], sizes = [32, 32], strides = [1, 1]} : vector<16000x32xf32> to vector<32x32xf32>
    %slice3A_236 = vector.extract_strided_slice %dot_general3A_5 {offsets = [3744, 0], sizes = [32, 32], strides = [1, 1]} : vector<16000x32xf32> to vector<32x32xf32>
    %slice3A_237 = vector.extract_strided_slice %dot_general3A_5 {offsets = [3776, 0], sizes = [32, 32], strides = [1, 1]} : vector<16000x32xf32> to vector<32x32xf32>
    %slice3A_238 = vector.extract_strided_slice %dot_general3A_5 {offsets = [3808, 0], sizes = [32, 32], strides = [1, 1]} : vector<16000x32xf32> to vector<32x32xf32>
    %concatenate3A_239 = tpu.concatenate %slice3A_235, %slice3A_236, %slice3A_237, %slice3A_238 in 1 : vector<32x32xf32>, vector<32x32xf32>, vector<32x32xf32>, vector<32x32xf32> -> vector<32x128xf32>
    %swap3A_240 = arith.constant 928 : index
    %swap3A_241 = arith.constant 0 : index
    %swap3A_242 = vector.load %arg3[%swap3A_240, %swap3A_241] : memref<4000x128xf32, #tpu.memory_space<vmem>>, vector<32x128xf32>
    tpu.vector_store %arg3[%swap3A_240, %swap3A_241], %concatenate3A_239 {strides = array<i32>} : memref<4000x128xf32, #tpu.memory_space<vmem>>, vector<32x128xf32>,
    %slice3A_243 = vector.extract_strided_slice %dot_general3A_5 {offsets = [3840, 0], sizes = [32, 32], strides = [1, 1]} : vector<16000x32xf32> to vector<32x32xf32>
    %slice3A_244 = vector.extract_strided_slice %dot_general3A_5 {offsets = [3872, 0], sizes = [32, 32], strides = [1, 1]} : vector<16000x32xf32> to vector<32x32xf32>
    %slice3A_245 = vector.extract_strided_slice %dot_general3A_5 {offsets = [3904, 0], sizes = [32, 32], strides = [1, 1]} : vector<16000x32xf32> to vector<32x32xf32>
    %slice3A_246 = vector.extract_strided_slice %dot_general3A_5 {offsets = [3936, 0], sizes = [32, 32], strides = [1, 1]} : vector<16000x32xf32> to vector<32x32xf32>
    %concatenate3A_247 = tpu.concatenate %slice3A_243, %slice3A_244, %slice3A_245, %slice3A_246 in 1 : vector<32x32xf32>, vector<32x32xf32>, vector<32x32xf32>, vector<32x32xf32> -> vector<32x128xf32>
    %swap3A_248 = arith.constant 960 : index
    %swap3A_249 = arith.constant 0 : index
    %swap3A_250 = vector.load %arg3[%swap3A_248, %swap3A_249] : memref<4000x128xf32, #tpu.memory_space<vmem>>, vector<32x128xf32>
    tpu.vector_store %arg3[%swap3A_248, %swap3A_249], %concatenate3A_247 {strides = array<i32>} : memref<4000x128xf32, #tpu.memory_space<vmem>>, vector<32x128xf32>,
    %slice3A_251 = vector.extract_strided_slice %dot_general3A_5 {offsets = [3968, 0], sizes = [32, 32], strides = [1, 1]} : vector<16000x32xf32> to vector<32x32xf32>
    %slice3A_252 = vector.extract_strided_slice %dot_general3A_5 {offsets = [4000, 0], sizes = [32, 32], strides = [1, 1]} : vector<16000x32xf32> to vector<32x32xf32>
    %slice3A_253 = vector.extract_strided_slice %dot_general3A_5 {offsets = [4032, 0], sizes = [32, 32], strides = [1, 1]} : vector<16000x32xf32> to vector<32x32xf32>
    %slice3A_254 = vector.extract_strided_slice %dot_general3A_5 {offsets = [4064, 0], sizes = [32, 32], strides = [1, 1]} : vector<16000x32xf32> to vector<32x32xf32>
    %concatenate3A_255 = tpu.concatenate %slice3A_251, %slice3A_252, %slice3A_253, %slice3A_254 in 1 : vector<32x32xf32>, vector<32x32xf32>, vector<32x32xf32>, vector<32x32xf32> -> vector<32x128xf32>
    %swap3A_256 = arith.constant 992 : index
    %swap3A_257 = arith.constant 0 : index
    %swap3A_258 = vector.load %arg3[%swap3A_256, %swap3A_257] : memref<4000x128xf32, #tpu.memory_space<vmem>>, vector<32x128xf32>
    tpu.vector_store %arg3[%swap3A_256, %swap3A_257], %concatenate3A_255 {strides = array<i32>} : memref<4000x128xf32, #tpu.memory_space<vmem>>, vector<32x128xf32>,
    %slice3A_259 = vector.extract_strided_slice %dot_general3A_5 {offsets = [4096, 0], sizes = [32, 32], strides = [1, 1]} : vector<16000x32xf32> to vector<32x32xf32>
    %slice3A_260 = vector.extract_strided_slice %dot_general3A_5 {offsets = [4128, 0], sizes = [32, 32], strides = [1, 1]} : vector<16000x32xf32> to vector<32x32xf32>
    %slice3A_261 = vector.extract_strided_slice %dot_general3A_5 {offsets = [4160, 0], sizes = [32, 32], strides = [1, 1]} : vector<16000x32xf32> to vector<32x32xf32>
    %slice3A_262 = vector.extract_strided_slice %dot_general3A_5 {offsets = [4192, 0], sizes = [32, 32], strides = [1, 1]} : vector<16000x32xf32> to vector<32x32xf32>
    %concatenate3A_263 = tpu.concatenate %slice3A_259, %slice3A_260, %slice3A_261, %slice3A_262 in 1 : vector<32x32xf32>, vector<32x32xf32>, vector<32x32xf32>, vector<32x32xf32> -> vector<32x128xf32>
    %swap3A_264 = arith.constant 1024 : index
    %swap3A_265 = arith.constant 0 : index
    %swap3A_266 = vector.load %arg3[%swap3A_264, %swap3A_265] : memref<4000x128xf32, #tpu.memory_space<vmem>>, vector<32x128xf32>
    tpu.vector_store %arg3[%swap3A_264, %swap3A_265], %concatenate3A_263 {strides = array<i32>} : memref<4000x128xf32, #tpu.memory_space<vmem>>, vector<32x128xf32>,
    %slice3A_267 = vector.extract_strided_slice %dot_general3A_5 {offsets = [4224, 0], sizes = [32, 32], strides = [1, 1]} : vector<16000x32xf32> to vector<32x32xf32>
    %slice3A_268 = vector.extract_strided_slice %dot_general3A_5 {offsets = [4256, 0], sizes = [32, 32], strides = [1, 1]} : vector<16000x32xf32> to vector<32x32xf32>
    %slice3A_269 = vector.extract_strided_slice %dot_general3A_5 {offsets = [4288, 0], sizes = [32, 32], strides = [1, 1]} : vector<16000x32xf32> to vector<32x32xf32>
    %slice3A_270 = vector.extract_strided_slice %dot_general3A_5 {offsets = [4320, 0], sizes = [32, 32], strides = [1, 1]} : vector<16000x32xf32> to vector<32x32xf32>
    %concatenate3A_271 = tpu.concatenate %slice3A_267, %slice3A_268, %slice3A_269, %slice3A_270 in 1 : vector<32x32xf32>, vector<32x32xf32>, vector<32x32xf32>, vector<32x32xf32> -> vector<32x128xf32>
    %swap3A_272 = arith.constant 1056 : index
    %swap3A_273 = arith.constant 0 : index
    %swap3A_274 = vector.load %arg3[%swap3A_272, %swap3A_273] : memref<4000x128xf32, #tpu.memory_space<vmem>>, vector<32x128xf32>
    tpu.vector_store %arg3[%swap3A_272, %swap3A_273], %concatenate3A_271 {strides = array<i32>} : memref<4000x128xf32, #tpu.memory_space<vmem>>, vector<32x128xf32>,
    %slice3A_275 = vector.extract_strided_slice %dot_general3A_5 {offsets = [4352, 0], sizes = [32, 32], strides = [1, 1]} : vector<16000x32xf32> to vector<32x32xf32>
    %slice3A_276 = vector.extract_strided_slice %dot_general3A_5 {offsets = [4384, 0], sizes = [32, 32], strides = [1, 1]} : vector<16000x32xf32> to vector<32x32xf32>
    %slice3A_277 = vector.extract_strided_slice %dot_general3A_5 {offsets = [4416, 0], sizes = [32, 32], strides = [1, 1]} : vector<16000x32xf32> to vector<32x32xf32>
    %slice3A_278 = vector.extract_strided_slice %dot_general3A_5 {offsets = [4448, 0], sizes = [32, 32], strides = [1, 1]} : vector<16000x32xf32> to vector<32x32xf32>
    %concatenate3A_279 = tpu.concatenate %slice3A_275, %slice3A_276, %slice3A_277, %slice3A_278 in 1 : vector<32x32xf32>, vector<32x32xf32>, vector<32x32xf32>, vector<32x32xf32> -> vector<32x128xf32>
    %swap3A_280 = arith.constant 1088 : index
    %swap3A_281 = arith.constant 0 : index
    %swap3A_282 = vector.load %arg3[%swap3A_280, %swap3A_281] : memref<4000x128xf32, #tpu.memory_space<vmem>>, vector<32x128xf32>
    tpu.vector_store %arg3[%swap3A_280, %swap3A_281], %concatenate3A_279 {strides = array<i32>} : memref<4000x128xf32, #tpu.memory_space<vmem>>, vector<32x128xf32>,
    %slice3A_283 = vector.extract_strided_slice %dot_general3A_5 {offsets = [4480, 0], sizes = [32, 32], strides = [1, 1]} : vector<16000x32xf32> to vector<32x32xf32>
    %slice3A_284 = vector.extract_strided_slice %dot_general3A_5 {offsets = [4512, 0], sizes = [32, 32], strides = [1, 1]} : vector<16000x32xf32> to vector<32x32xf32>
    %slice3A_285 = vector.extract_strided_slice %dot_general3A_5 {offsets = [4544, 0], sizes = [32, 32], strides = [1, 1]} : vector<16000x32xf32> to vector<32x32xf32>
    %slice3A_286 = vector.extract_strided_slice %dot_general3A_5 {offsets = [4576, 0], sizes = [32, 32], strides = [1, 1]} : vector<16000x32xf32> to vector<32x32xf32>
    %concatenate3A_287 = tpu.concatenate %slice3A_283, %slice3A_284, %slice3A_285, %slice3A_286 in 1 : vector<32x32xf32>, vector<32x32xf32>, vector<32x32xf32>, vector<32x32xf32> -> vector<32x128xf32>
    %swap3A_288 = arith.constant 1120 : index
    %swap3A_289 = arith.constant 0 : index
    %swap3A_290 = vector.load %arg3[%swap3A_288, %swap3A_289] : memref<4000x128xf32, #tpu.memory_space<vmem>>, vector<32x128xf32>
    tpu.vector_store %arg3[%swap3A_288, %swap3A_289], %concatenate3A_287 {strides = array<i32>} : memref<4000x128xf32, #tpu.memory_space<vmem>>, vector<32x128xf32>,
    %slice3A_291 = vector.extract_strided_slice %dot_general3A_5 {offsets = [4608, 0], sizes = [32, 32], strides = [1, 1]} : vector<16000x32xf32> to vector<32x32xf32>
    %slice3A_292 = vector.extract_strided_slice %dot_general3A_5 {offsets = [4640, 0], sizes = [32, 32], strides = [1, 1]} : vector<16000x32xf32> to vector<32x32xf32>
    %slice3A_293 = vector.extract_strided_slice %dot_general3A_5 {offsets = [4672, 0], sizes = [32, 32], strides = [1, 1]} : vector<16000x32xf32> to vector<32x32xf32>
    %slice3A_294 = vector.extract_strided_slice %dot_general3A_5 {offsets = [4704, 0], sizes = [32, 32], strides = [1, 1]} : vector<16000x32xf32> to vector<32x32xf32>
    %concatenate3A_295 = tpu.concatenate %slice3A_291, %slice3A_292, %slice3A_293, %slice3A_294 in 1 : vector<32x32xf32>, vector<32x32xf32>, vector<32x32xf32>, vector<32x32xf32> -> vector<32x128xf32>
    %swap3A_296 = arith.constant 1152 : index
    %swap3A_297 = arith.constant 0 : index
    %swap3A_298 = vector.load %arg3[%swap3A_296, %swap3A_297] : memref<4000x128xf32, #tpu.memory_space<vmem>>, vector<32x128xf32>
    tpu.vector_store %arg3[%swap3A_296, %swap3A_297], %concatenate3A_295 {strides = array<i32>} : memref<4000x128xf32, #tpu.memory_space<vmem>>, vector<32x128xf32>,
    %slice3A_299 = vector.extract_strided_slice %dot_general3A_5 {offsets = [4736, 0], sizes = [32, 32], strides = [1, 1]} : vector<16000x32xf32> to vector<32x32xf32>
    %slice3A_300 = vector.extract_strided_slice %dot_general3A_5 {offsets = [4768, 0], sizes = [32, 32], strides = [1, 1]} : vector<16000x32xf32> to vector<32x32xf32>
    %slice3A_301 = vector.extract_strided_slice %dot_general3A_5 {offsets = [4800, 0], sizes = [32, 32], strides = [1, 1]} : vector<16000x32xf32> to vector<32x32xf32>
    %slice3A_302 = vector.extract_strided_slice %dot_general3A_5 {offsets = [4832, 0], sizes = [32, 32], strides = [1, 1]} : vector<16000x32xf32> to vector<32x32xf32>
    %concatenate3A_303 = tpu.concatenate %slice3A_299, %slice3A_300, %slice3A_301, %slice3A_302 in 1 : vector<32x32xf32>, vector<32x32xf32>, vector<32x32xf32>, vector<32x32xf32> -> vector<32x128xf32>
    %swap3A_304 = arith.constant 1184 : index
    %swap3A_305 = arith.constant 0 : index
    %swap3A_306 = vector.load %arg3[%swap3A_304, %swap3A_305] : memref<4000x128xf32, #tpu.memory_space<vmem>>, vector<32x128xf32>
    tpu.vector_store %arg3[%swap3A_304, %swap3A_305], %concatenate3A_303 {strides = array<i32>} : memref<4000x128xf32, #tpu.memory_space<vmem>>, vector<32x128xf32>,
    %slice3A_307 = vector.extract_strided_slice %dot_general3A_5 {offsets = [4864, 0], sizes = [32, 32], strides = [1, 1]} : vector<16000x32xf32> to vector<32x32xf32>
    %slice3A_308 = vector.extract_strided_slice %dot_general3A_5 {offsets = [4896, 0], sizes = [32, 32], strides = [1, 1]} : vector<16000x32xf32> to vector<32x32xf32>
    %slice3A_309 = vector.extract_strided_slice %dot_general3A_5 {offsets = [4928, 0], sizes = [32, 32], strides = [1, 1]} : vector<16000x32xf32> to vector<32x32xf32>
    %slice3A_310 = vector.extract_strided_slice %dot_general3A_5 {offsets = [4960, 0], sizes = [32, 32], strides = [1, 1]} : vector<16000x32xf32> to vector<32x32xf32>
    %concatenate3A_311 = tpu.concatenate %slice3A_307, %slice3A_308, %slice3A_309, %slice3A_310 in 1 : vector<32x32xf32>, vector<32x32xf32>, vector<32x32xf32>, vector<32x32xf32> -> vector<32x128xf32>
    %swap3A_312 = arith.constant 1216 : index
    %swap3A_313 = arith.constant 0 : index
    %swap3A_314 = vector.load %arg3[%swap3A_312, %swap3A_313] : memref<4000x128xf32, #tpu.memory_space<vmem>>, vector<32x128xf32>
    tpu.vector_store %arg3[%swap3A_312, %swap3A_313], %concatenate3A_311 {strides = array<i32>} : memref<4000x128xf32, #tpu.memory_space<vmem>>, vector<32x128xf32>,
    %slice3A_315 = vector.extract_strided_slice %dot_general3A_5 {offsets = [4992, 0], sizes = [32, 32], strides = [1, 1]} : vector<16000x32xf32> to vector<32x32xf32>
    %slice3A_316 = vector.extract_strided_slice %dot_general3A_5 {offsets = [5024, 0], sizes = [32, 32], strides = [1, 1]} : vector<16000x32xf32> to vector<32x32xf32>
    %slice3A_317 = vector.extract_strided_slice %dot_general3A_5 {offsets = [5056, 0], sizes = [32, 32], strides = [1, 1]} : vector<16000x32xf32> to vector<32x32xf32>
    %slice3A_318 = vector.extract_strided_slice %dot_general3A_5 {offsets = [5088, 0], sizes = [32, 32], strides = [1, 1]} : vector<16000x32xf32> to vector<32x32xf32>
    %concatenate3A_319 = tpu.concatenate %slice3A_315, %slice3A_316, %slice3A_317, %slice3A_318 in 1 : vector<32x32xf32>, vector<32x32xf32>, vector<32x32xf32>, vector<32x32xf32> -> vector<32x128xf32>
    %swap3A_320 = arith.constant 1248 : index
    %swap3A_321 = arith.constant 0 : index
    %swap3A_322 = vector.load %arg3[%swap3A_320, %swap3A_321] : memref<4000x128xf32, #tpu.memory_space<vmem>>, vector<32x128xf32>
    tpu.vector_store %arg3[%swap3A_320, %swap3A_321], %concatenate3A_319 {strides = array<i32>} : memref<4000x128xf32, #tpu.memory_space<vmem>>, vector<32x128xf32>,
    %slice3A_323 = vector.extract_strided_slice %dot_general3A_5 {offsets = [5120, 0], sizes = [32, 32], strides = [1, 1]} : vector<16000x32xf32> to vector<32x32xf32>
    %slice3A_324 = vector.extract_strided_slice %dot_general3A_5 {offsets = [5152, 0], sizes = [32, 32], strides = [1, 1]} : vector<16000x32xf32> to vector<32x32xf32>
    %slice3A_325 = vector.extract_strided_slice %dot_general3A_5 {offsets = [5184, 0], sizes = [32, 32], strides = [1, 1]} : vector<16000x32xf32> to vector<32x32xf32>
    %slice3A_326 = vector.extract_strided_slice %dot_general3A_5 {offsets = [5216, 0], sizes = [32, 32], strides = [1, 1]} : vector<16000x32xf32> to vector<32x32xf32>
    %concatenate3A_327 = tpu.concatenate %slice3A_323, %slice3A_324, %slice3A_325, %slice3A_326 in 1 : vector<32x32xf32>, vector<32x32xf32>, vector<32x32xf32>, vector<32x32xf32> -> vector<32x128xf32>
    %swap3A_328 = arith.constant 1280 : index
    %swap3A_329 = arith.constant 0 : index
    %swap3A_330 = vector.load %arg3[%swap3A_328, %swap3A_329] : memref<4000x128xf32, #tpu.memory_space<vmem>>, vector<32x128xf32>
    tpu.vector_store %arg3[%swap3A_328, %swap3A_329], %concatenate3A_327 {strides = array<i32>} : memref<4000x128xf32, #tpu.memory_space<vmem>>, vector<32x128xf32>,
    %slice3A_331 = vector.extract_strided_slice %dot_general3A_5 {offsets = [5248, 0], sizes = [32, 32], strides = [1, 1]} : vector<16000x32xf32> to vector<32x32xf32>
    %slice3A_332 = vector.extract_strided_slice %dot_general3A_5 {offsets = [5280, 0], sizes = [32, 32], strides = [1, 1]} : vector<16000x32xf32> to vector<32x32xf32>
    %slice3A_333 = vector.extract_strided_slice %dot_general3A_5 {offsets = [5312, 0], sizes = [32, 32], strides = [1, 1]} : vector<16000x32xf32> to vector<32x32xf32>
    %slice3A_334 = vector.extract_strided_slice %dot_general3A_5 {offsets = [5344, 0], sizes = [32, 32], strides = [1, 1]} : vector<16000x32xf32> to vector<32x32xf32>
    %concatenate3A_335 = tpu.concatenate %slice3A_331, %slice3A_332, %slice3A_333, %slice3A_334 in 1 : vector<32x32xf32>, vector<32x32xf32>, vector<32x32xf32>, vector<32x32xf32> -> vector<32x128xf32>
    %swap3A_336 = arith.constant 1312 : index
    %swap3A_337 = arith.constant 0 : index
    %swap3A_338 = vector.load %arg3[%swap3A_336, %swap3A_337] : memref<4000x128xf32, #tpu.memory_space<vmem>>, vector<32x128xf32>
    tpu.vector_store %arg3[%swap3A_336, %swap3A_337], %concatenate3A_335 {strides = array<i32>} : memref<4000x128xf32, #tpu.memory_space<vmem>>, vector<32x128xf32>,
    %slice3A_339 = vector.extract_strided_slice %dot_general3A_5 {offsets = [5376, 0], sizes = [32, 32], strides = [1, 1]} : vector<16000x32xf32> to vector<32x32xf32>
    %slice3A_340 = vector.extract_strided_slice %dot_general3A_5 {offsets = [5408, 0], sizes = [32, 32], strides = [1, 1]} : vector<16000x32xf32> to vector<32x32xf32>
    %slice3A_341 = vector.extract_strided_slice %dot_general3A_5 {offsets = [5440, 0], sizes = [32, 32], strides = [1, 1]} : vector<16000x32xf32> to vector<32x32xf32>
    %slice3A_342 = vector.extract_strided_slice %dot_general3A_5 {offsets = [5472, 0], sizes = [32, 32], strides = [1, 1]} : vector<16000x32xf32> to vector<32x32xf32>
    %concatenate3A_343 = tpu.concatenate %slice3A_339, %slice3A_340, %slice3A_341, %slice3A_342 in 1 : vector<32x32xf32>, vector<32x32xf32>, vector<32x32xf32>, vector<32x32xf32> -> vector<32x128xf32>
    %swap3A_344 = arith.constant 1344 : index
    %swap3A_345 = arith.constant 0 : index
    %swap3A_346 = vector.load %arg3[%swap3A_344, %swap3A_345] : memref<4000x128xf32, #tpu.memory_space<vmem>>, vector<32x128xf32>
    tpu.vector_store %arg3[%swap3A_344, %swap3A_345], %concatenate3A_343 {strides = array<i32>} : memref<4000x128xf32, #tpu.memory_space<vmem>>, vector<32x128xf32>,
    %slice3A_347 = vector.extract_strided_slice %dot_general3A_5 {offsets = [5504, 0], sizes = [32, 32], strides = [1, 1]} : vector<16000x32xf32> to vector<32x32xf32>
    %slice3A_348 = vector.extract_strided_slice %dot_general3A_5 {offsets = [5536, 0], sizes = [32, 32], strides = [1, 1]} : vector<16000x32xf32> to vector<32x32xf32>
    %slice3A_349 = vector.extract_strided_slice %dot_general3A_5 {offsets = [5568, 0], sizes = [32, 32], strides = [1, 1]} : vector<16000x32xf32> to vector<32x32xf32>
    %slice3A_350 = vector.extract_strided_slice %dot_general3A_5 {offsets = [5600, 0], sizes = [32, 32], strides = [1, 1]} : vector<16000x32xf32> to vector<32x32xf32>
    %concatenate3A_351 = tpu.concatenate %slice3A_347, %slice3A_348, %slice3A_349, %slice3A_350 in 1 : vector<32x32xf32>, vector<32x32xf32>, vector<32x32xf32>, vector<32x32xf32> -> vector<32x128xf32>
    %swap3A_352 = arith.constant 1376 : index
    %swap3A_353 = arith.constant 0 : index
    %swap3A_354 = vector.load %arg3[%swap3A_352, %swap3A_353] : memref<4000x128xf32, #tpu.memory_space<vmem>>, vector<32x128xf32>
    tpu.vector_store %arg3[%swap3A_352, %swap3A_353], %concatenate3A_351 {strides = array<i32>} : memref<4000x128xf32, #tpu.memory_space<vmem>>, vector<32x128xf32>,
    %slice3A_355 = vector.extract_strided_slice %dot_general3A_5 {offsets = [5632, 0], sizes = [32, 32], strides = [1, 1]} : vector<16000x32xf32> to vector<32x32xf32>
    %slice3A_356 = vector.extract_strided_slice %dot_general3A_5 {offsets = [5664, 0], sizes = [32, 32], strides = [1, 1]} : vector<16000x32xf32> to vector<32x32xf32>
    %slice3A_357 = vector.extract_strided_slice %dot_general3A_5 {offsets = [5696, 0], sizes = [32, 32], strides = [1, 1]} : vector<16000x32xf32> to vector<32x32xf32>
    %slice3A_358 = vector.extract_strided_slice %dot_general3A_5 {offsets = [5728, 0], sizes = [32, 32], strides = [1, 1]} : vector<16000x32xf32> to vector<32x32xf32>
    %concatenate3A_359 = tpu.concatenate %slice3A_355, %slice3A_356, %slice3A_357, %slice3A_358 in 1 : vector<32x32xf32>, vector<32x32xf32>, vector<32x32xf32>, vector<32x32xf32> -> vector<32x128xf32>
    %swap3A_360 = arith.constant 1408 : index
    %swap3A_361 = arith.constant 0 : index
    %swap3A_362 = vector.load %arg3[%swap3A_360, %swap3A_361] : memref<4000x128xf32, #tpu.memory_space<vmem>>, vector<32x128xf32>
    tpu.vector_store %arg3[%swap3A_360, %swap3A_361], %concatenate3A_359 {strides = array<i32>} : memref<4000x128xf32, #tpu.memory_space<vmem>>, vector<32x128xf32>,
    %slice3A_363 = vector.extract_strided_slice %dot_general3A_5 {offsets = [5760, 0], sizes = [32, 32], strides = [1, 1]} : vector<16000x32xf32> to vector<32x32xf32>
    %slice3A_364 = vector.extract_strided_slice %dot_general3A_5 {offsets = [5792, 0], sizes = [32, 32], strides = [1, 1]} : vector<16000x32xf32> to vector<32x32xf32>
    %slice3A_365 = vector.extract_strided_slice %dot_general3A_5 {offsets = [5824, 0], sizes = [32, 32], strides = [1, 1]} : vector<16000x32xf32> to vector<32x32xf32>
    %slice3A_366 = vector.extract_strided_slice %dot_general3A_5 {offsets = [5856, 0], sizes = [32, 32], strides = [1, 1]} : vector<16000x32xf32> to vector<32x32xf32>
    %concatenate3A_367 = tpu.concatenate %slice3A_363, %slice3A_364, %slice3A_365, %slice3A_366 in 1 : vector<32x32xf32>, vector<32x32xf32>, vector<32x32xf32>, vector<32x32xf32> -> vector<32x128xf32>
    %swap3A_368 = arith.constant 1440 : index
    %swap3A_369 = arith.constant 0 : index
    %swap3A_370 = vector.load %arg3[%swap3A_368, %swap3A_369] : memref<4000x128xf32, #tpu.memory_space<vmem>>, vector<32x128xf32>
    tpu.vector_store %arg3[%swap3A_368, %swap3A_369], %concatenate3A_367 {strides = array<i32>} : memref<4000x128xf32, #tpu.memory_space<vmem>>, vector<32x128xf32>,
    %slice3A_371 = vector.extract_strided_slice %dot_general3A_5 {offsets = [5888, 0], sizes = [32, 32], strides = [1, 1]} : vector<16000x32xf32> to vector<32x32xf32>
    %slice3A_372 = vector.extract_strided_slice %dot_general3A_5 {offsets = [5920, 0], sizes = [32, 32], strides = [1, 1]} : vector<16000x32xf32> to vector<32x32xf32>
    %slice3A_373 = vector.extract_strided_slice %dot_general3A_5 {offsets = [5952, 0], sizes = [32, 32], strides = [1, 1]} : vector<16000x32xf32> to vector<32x32xf32>
    %slice3A_374 = vector.extract_strided_slice %dot_general3A_5 {offsets = [5984, 0], sizes = [32, 32], strides = [1, 1]} : vector<16000x32xf32> to vector<32x32xf32>
    %concatenate3A_375 = tpu.concatenate %slice3A_371, %slice3A_372, %slice3A_373, %slice3A_374 in 1 : vector<32x32xf32>, vector<32x32xf32>, vector<32x32xf32>, vector<32x32xf32> -> vector<32x128xf32>
    %swap3A_376 = arith.constant 1472 : index
    %swap3A_377 = arith.constant 0 : index
    %swap3A_378 = vector.load %arg3[%swap3A_376, %swap3A_377] : memref<4000x128xf32, #tpu.memory_space<vmem>>, vector<32x128xf32>
    tpu.vector_store %arg3[%swap3A_376, %swap3A_377], %concatenate3A_375 {strides = array<i32>} : memref<4000x128xf32, #tpu.memory_space<vmem>>, vector<32x128xf32>,
    %slice3A_379 = vector.extract_strided_slice %dot_general3A_5 {offsets = [6016, 0], sizes = [32, 32], strides = [1, 1]} : vector<16000x32xf32> to vector<32x32xf32>
    %slice3A_380 = vector.extract_strided_slice %dot_general3A_5 {offsets = [6048, 0], sizes = [32, 32], strides = [1, 1]} : vector<16000x32xf32> to vector<32x32xf32>
    %slice3A_381 = vector.extract_strided_slice %dot_general3A_5 {offsets = [6080, 0], sizes = [32, 32], strides = [1, 1]} : vector<16000x32xf32> to vector<32x32xf32>
    %slice3A_382 = vector.extract_strided_slice %dot_general3A_5 {offsets = [6112, 0], sizes = [32, 32], strides = [1, 1]} : vector<16000x32xf32> to vector<32x32xf32>
    %concatenate3A_383 = tpu.concatenate %slice3A_379, %slice3A_380, %slice3A_381, %slice3A_382 in 1 : vector<32x32xf32>, vector<32x32xf32>, vector<32x32xf32>, vector<32x32xf32> -> vector<32x128xf32>
    %swap3A_384 = arith.constant 1504 : index
    %swap3A_385 = arith.constant 0 : index
    %swap3A_386 = vector.load %arg3[%swap3A_384, %swap3A_385] : memref<4000x128xf32, #tpu.memory_space<vmem>>, vector<32x128xf32>
    tpu.vector_store %arg3[%swap3A_384, %swap3A_385], %concatenate3A_383 {strides = array<i32>} : memref<4000x128xf32, #tpu.memory_space<vmem>>, vector<32x128xf32>,
    %slice3A_387 = vector.extract_strided_slice %dot_general3A_5 {offsets = [6144, 0], sizes = [32, 32], strides = [1, 1]} : vector<16000x32xf32> to vector<32x32xf32>
    %slice3A_388 = vector.extract_strided_slice %dot_general3A_5 {offsets = [6176, 0], sizes = [32, 32], strides = [1, 1]} : vector<16000x32xf32> to vector<32x32xf32>
    %slice3A_389 = vector.extract_strided_slice %dot_general3A_5 {offsets = [6208, 0], sizes = [32, 32], strides = [1, 1]} : vector<16000x32xf32> to vector<32x32xf32>
    %slice3A_390 = vector.extract_strided_slice %dot_general3A_5 {offsets = [6240, 0], sizes = [32, 32], strides = [1, 1]} : vector<16000x32xf32> to vector<32x32xf32>
    %concatenate3A_391 = tpu.concatenate %slice3A_387, %slice3A_388, %slice3A_389, %slice3A_390 in 1 : vector<32x32xf32>, vector<32x32xf32>, vector<32x32xf32>, vector<32x32xf32> -> vector<32x128xf32>
    %swap3A_392 = arith.constant 1536 : index
    %swap3A_393 = arith.constant 0 : index
    %swap3A_394 = vector.load %arg3[%swap3A_392, %swap3A_393] : memref<4000x128xf32, #tpu.memory_space<vmem>>, vector<32x128xf32>
    tpu.vector_store %arg3[%swap3A_392, %swap3A_393], %concatenate3A_391 {strides = array<i32>} : memref<4000x128xf32, #tpu.memory_space<vmem>>, vector<32x128xf32>,
    %slice3A_395 = vector.extract_strided_slice %dot_general3A_5 {offsets = [6272, 0], sizes = [32, 32], strides = [1, 1]} : vector<16000x32xf32> to vector<32x32xf32>
    %slice3A_396 = vector.extract_strided_slice %dot_general3A_5 {offsets = [6304, 0], sizes = [32, 32], strides = [1, 1]} : vector<16000x32xf32> to vector<32x32xf32>
    %slice3A_397 = vector.extract_strided_slice %dot_general3A_5 {offsets = [6336, 0], sizes = [32, 32], strides = [1, 1]} : vector<16000x32xf32> to vector<32x32xf32>
    %slice3A_398 = vector.extract_strided_slice %dot_general3A_5 {offsets = [6368, 0], sizes = [32, 32], strides = [1, 1]} : vector<16000x32xf32> to vector<32x32xf32>
    %concatenate3A_399 = tpu.concatenate %slice3A_395, %slice3A_396, %slice3A_397, %slice3A_398 in 1 : vector<32x32xf32>, vector<32x32xf32>, vector<32x32xf32>, vector<32x32xf32> -> vector<32x128xf32>
    %swap3A_400 = arith.constant 1568 : index
    %swap3A_401 = arith.constant 0 : index
    %swap3A_402 = vector.load %arg3[%swap3A_400, %swap3A_401] : memref<4000x128xf32, #tpu.memory_space<vmem>>, vector<32x128xf32>
    tpu.vector_store %arg3[%swap3A_400, %swap3A_401], %concatenate3A_399 {strides = array<i32>} : memref<4000x128xf32, #tpu.memory_space<vmem>>, vector<32x128xf32>,
    %slice3A_403 = vector.extract_strided_slice %dot_general3A_5 {offsets = [6400, 0], sizes = [32, 32], strides = [1, 1]} : vector<16000x32xf32> to vector<32x32xf32>
    %slice3A_404 = vector.extract_strided_slice %dot_general3A_5 {offsets = [6432, 0], sizes = [32, 32], strides = [1, 1]} : vector<16000x32xf32> to vector<32x32xf32>
    %slice3A_405 = vector.extract_strided_slice %dot_general3A_5 {offsets = [6464, 0], sizes = [32, 32], strides = [1, 1]} : vector<16000x32xf32> to vector<32x32xf32>
    %slice3A_406 = vector.extract_strided_slice %dot_general3A_5 {offsets = [6496, 0], sizes = [32, 32], strides = [1, 1]} : vector<16000x32xf32> to vector<32x32xf32>
    %concatenate3A_407 = tpu.concatenate %slice3A_403, %slice3A_404, %slice3A_405, %slice3A_406 in 1 : vector<32x32xf32>, vector<32x32xf32>, vector<32x32xf32>, vector<32x32xf32> -> vector<32x128xf32>
    %swap3A_408 = arith.constant 1600 : index
    %swap3A_409 = arith.constant 0 : index
    %swap3A_410 = vector.load %arg3[%swap3A_408, %swap3A_409] : memref<4000x128xf32, #tpu.memory_space<vmem>>, vector<32x128xf32>
    tpu.vector_store %arg3[%swap3A_408, %swap3A_409], %concatenate3A_407 {strides = array<i32>} : memref<4000x128xf32, #tpu.memory_space<vmem>>, vector<32x128xf32>,
    %slice3A_411 = vector.extract_strided_slice %dot_general3A_5 {offsets = [6528, 0], sizes = [32, 32], strides = [1, 1]} : vector<16000x32xf32> to vector<32x32xf32>
    %slice3A_412 = vector.extract_strided_slice %dot_general3A_5 {offsets = [6560, 0], sizes = [32, 32], strides = [1, 1]} : vector<16000x32xf32> to vector<32x32xf32>
    %slice3A_413 = vector.extract_strided_slice %dot_general3A_5 {offsets = [6592, 0], sizes = [32, 32], strides = [1, 1]} : vector<16000x32xf32> to vector<32x32xf32>
    %slice3A_414 = vector.extract_strided_slice %dot_general3A_5 {offsets = [6624, 0], sizes = [32, 32], strides = [1, 1]} : vector<16000x32xf32> to vector<32x32xf32>
    %concatenate3A_415 = tpu.concatenate %slice3A_411, %slice3A_412, %slice3A_413, %slice3A_414 in 1 : vector<32x32xf32>, vector<32x32xf32>, vector<32x32xf32>, vector<32x32xf32> -> vector<32x128xf32>
    %swap3A_416 = arith.constant 1632 : index
    %swap3A_417 = arith.constant 0 : index
    %swap3A_418 = vector.load %arg3[%swap3A_416, %swap3A_417] : memref<4000x128xf32, #tpu.memory_space<vmem>>, vector<32x128xf32>
    tpu.vector_store %arg3[%swap3A_416, %swap3A_417], %concatenate3A_415 {strides = array<i32>} : memref<4000x128xf32, #tpu.memory_space<vmem>>, vector<32x128xf32>,
    %slice3A_419 = vector.extract_strided_slice %dot_general3A_5 {offsets = [6656, 0], sizes = [32, 32], strides = [1, 1]} : vector<16000x32xf32> to vector<32x32xf32>
    %slice3A_420 = vector.extract_strided_slice %dot_general3A_5 {offsets = [6688, 0], sizes = [32, 32], strides = [1, 1]} : vector<16000x32xf32> to vector<32x32xf32>
    %slice3A_421 = vector.extract_strided_slice %dot_general3A_5 {offsets = [6720, 0], sizes = [32, 32], strides = [1, 1]} : vector<16000x32xf32> to vector<32x32xf32>
    %slice3A_422 = vector.extract_strided_slice %dot_general3A_5 {offsets = [6752, 0], sizes = [32, 32], strides = [1, 1]} : vector<16000x32xf32> to vector<32x32xf32>
    %concatenate3A_423 = tpu.concatenate %slice3A_419, %slice3A_420, %slice3A_421, %slice3A_422 in 1 : vector<32x32xf32>, vector<32x32xf32>, vector<32x32xf32>, vector<32x32xf32> -> vector<32x128xf32>
    %swap3A_424 = arith.constant 1664 : index
    %swap3A_425 = arith.constant 0 : index
    %swap3A_426 = vector.load %arg3[%swap3A_424, %swap3A_425] : memref<4000x128xf32, #tpu.memory_space<vmem>>, vector<32x128xf32>
    tpu.vector_store %arg3[%swap3A_424, %swap3A_425], %concatenate3A_423 {strides = array<i32>} : memref<4000x128xf32, #tpu.memory_space<vmem>>, vector<32x128xf32>,
    %slice3A_427 = vector.extract_strided_slice %dot_general3A_5 {offsets = [6784, 0], sizes = [32, 32], strides = [1, 1]} : vector<16000x32xf32> to vector<32x32xf32>
    %slice3A_428 = vector.extract_strided_slice %dot_general3A_5 {offsets = [6816, 0], sizes = [32, 32], strides = [1, 1]} : vector<16000x32xf32> to vector<32x32xf32>
    %slice3A_429 = vector.extract_strided_slice %dot_general3A_5 {offsets = [6848, 0], sizes = [32, 32], strides = [1, 1]} : vector<16000x32xf32> to vector<32x32xf32>
    %slice3A_430 = vector.extract_strided_slice %dot_general3A_5 {offsets = [6880, 0], sizes = [32, 32], strides = [1, 1]} : vector<16000x32xf32> to vector<32x32xf32>
    %concatenate3A_431 = tpu.concatenate %slice3A_427, %slice3A_428, %slice3A_429, %slice3A_430 in 1 : vector<32x32xf32>, vector<32x32xf32>, vector<32x32xf32>, vector<32x32xf32> -> vector<32x128xf32>
    %swap3A_432 = arith.constant 1696 : index
    %swap3A_433 = arith.constant 0 : index
    %swap3A_434 = vector.load %arg3[%swap3A_432, %swap3A_433] : memref<4000x128xf32, #tpu.memory_space<vmem>>, vector<32x128xf32>
    tpu.vector_store %arg3[%swap3A_432, %swap3A_433], %concatenate3A_431 {strides = array<i32>} : memref<4000x128xf32, #tpu.memory_space<vmem>>, vector<32x128xf32>,
    %slice3A_435 = vector.extract_strided_slice %dot_general3A_5 {offsets = [6912, 0], sizes = [32, 32], strides = [1, 1]} : vector<16000x32xf32> to vector<32x32xf32>
    %slice3A_436 = vector.extract_strided_slice %dot_general3A_5 {offsets = [6944, 0], sizes = [32, 32], strides = [1, 1]} : vector<16000x32xf32> to vector<32x32xf32>
    %slice3A_437 = vector.extract_strided_slice %dot_general3A_5 {offsets = [6976, 0], sizes = [32, 32], strides = [1, 1]} : vector<16000x32xf32> to vector<32x32xf32>
    %slice3A_438 = vector.extract_strided_slice %dot_general3A_5 {offsets = [7008, 0], sizes = [32, 32], strides = [1, 1]} : vector<16000x32xf32> to vector<32x32xf32>
    %concatenate3A_439 = tpu.concatenate %slice3A_435, %slice3A_436, %slice3A_437, %slice3A_438 in 1 : vector<32x32xf32>, vector<32x32xf32>, vector<32x32xf32>, vector<32x32xf32> -> vector<32x128xf32>
    %swap3A_440 = arith.constant 1728 : index
    %swap3A_441 = arith.constant 0 : index
    %swap3A_442 = vector.load %arg3[%swap3A_440, %swap3A_441] : memref<4000x128xf32, #tpu.memory_space<vmem>>, vector<32x128xf32>
    tpu.vector_store %arg3[%swap3A_440, %swap3A_441], %concatenate3A_439 {strides = array<i32>} : memref<4000x128xf32, #tpu.memory_space<vmem>>, vector<32x128xf32>,
    %slice3A_443 = vector.extract_strided_slice %dot_general3A_5 {offsets = [7040, 0], sizes = [32, 32], strides = [1, 1]} : vector<16000x32xf32> to vector<32x32xf32>
    %slice3A_444 = vector.extract_strided_slice %dot_general3A_5 {offsets = [7072, 0], sizes = [32, 32], strides = [1, 1]} : vector<16000x32xf32> to vector<32x32xf32>
    %slice3A_445 = vector.extract_strided_slice %dot_general3A_5 {offsets = [7104, 0], sizes = [32, 32], strides = [1, 1]} : vector<16000x32xf32> to vector<32x32xf32>
    %slice3A_446 = vector.extract_strided_slice %dot_general3A_5 {offsets = [7136, 0], sizes = [32, 32], strides = [1, 1]} : vector<16000x32xf32> to vector<32x32xf32>
    %concatenate3A_447 = tpu.concatenate %slice3A_443, %slice3A_444, %slice3A_445, %slice3A_446 in 1 : vector<32x32xf32>, vector<32x32xf32>, vector<32x32xf32>, vector<32x32xf32> -> vector<32x128xf32>
    %swap3A_448 = arith.constant 1760 : index
    %swap3A_449 = arith.constant 0 : index
    %swap3A_450 = vector.load %arg3[%swap3A_448, %swap3A_449] : memref<4000x128xf32, #tpu.memory_space<vmem>>, vector<32x128xf32>
    tpu.vector_store %arg3[%swap3A_448, %swap3A_449], %concatenate3A_447 {strides = array<i32>} : memref<4000x128xf32, #tpu.memory_space<vmem>>, vector<32x128xf32>,
    %slice3A_451 = vector.extract_strided_slice %dot_general3A_5 {offsets = [7168, 0], sizes = [32, 32], strides = [1, 1]} : vector<16000x32xf32> to vector<32x32xf32>
    %slice3A_452 = vector.extract_strided_slice %dot_general3A_5 {offsets = [7200, 0], sizes = [32, 32], strides = [1, 1]} : vector<16000x32xf32> to vector<32x32xf32>
    %slice3A_453 = vector.extract_strided_slice %dot_general3A_5 {offsets = [7232, 0], sizes = [32, 32], strides = [1, 1]} : vector<16000x32xf32> to vector<32x32xf32>
    %slice3A_454 = vector.extract_strided_slice %dot_general3A_5 {offsets = [7264, 0], sizes = [32, 32], strides = [1, 1]} : vector<16000x32xf32> to vector<32x32xf32>
    %concatenate3A_455 = tpu.concatenate %slice3A_451, %slice3A_452, %slice3A_453, %slice3A_454 in 1 : vector<32x32xf32>, vector<32x32xf32>, vector<32x32xf32>, vector<32x32xf32> -> vector<32x128xf32>
    %swap3A_456 = arith.constant 1792 : index
    %swap3A_457 = arith.constant 0 : index
    %swap3A_458 = vector.load %arg3[%swap3A_456, %swap3A_457] : memref<4000x128xf32, #tpu.memory_space<vmem>>, vector<32x128xf32>
    tpu.vector_store %arg3[%swap3A_456, %swap3A_457], %concatenate3A_455 {strides = array<i32>} : memref<4000x128xf32, #tpu.memory_space<vmem>>, vector<32x128xf32>,
    %slice3A_459 = vector.extract_strided_slice %dot_general3A_5 {offsets = [7296, 0], sizes = [32, 32], strides = [1, 1]} : vector<16000x32xf32> to vector<32x32xf32>
    %slice3A_460 = vector.extract_strided_slice %dot_general3A_5 {offsets = [7328, 0], sizes = [32, 32], strides = [1, 1]} : vector<16000x32xf32> to vector<32x32xf32>
    %slice3A_461 = vector.extract_strided_slice %dot_general3A_5 {offsets = [7360, 0], sizes = [32, 32], strides = [1, 1]} : vector<16000x32xf32> to vector<32x32xf32>
    %slice3A_462 = vector.extract_strided_slice %dot_general3A_5 {offsets = [7392, 0], sizes = [32, 32], strides = [1, 1]} : vector<16000x32xf32> to vector<32x32xf32>
    %concatenate3A_463 = tpu.concatenate %slice3A_459, %slice3A_460, %slice3A_461, %slice3A_462 in 1 : vector<32x32xf32>, vector<32x32xf32>, vector<32x32xf32>, vector<32x32xf32> -> vector<32x128xf32>
    %swap3A_464 = arith.constant 1824 : index
    %swap3A_465 = arith.constant 0 : index
    %swap3A_466 = vector.load %arg3[%swap3A_464, %swap3A_465] : memref<4000x128xf32, #tpu.memory_space<vmem>>, vector<32x128xf32>
    tpu.vector_store %arg3[%swap3A_464, %swap3A_465], %concatenate3A_463 {strides = array<i32>} : memref<4000x128xf32, #tpu.memory_space<vmem>>, vector<32x128xf32>,
    %slice3A_467 = vector.extract_strided_slice %dot_general3A_5 {offsets = [7424, 0], sizes = [32, 32], strides = [1, 1]} : vector<16000x32xf32> to vector<32x32xf32>
    %slice3A_468 = vector.extract_strided_slice %dot_general3A_5 {offsets = [7456, 0], sizes = [32, 32], strides = [1, 1]} : vector<16000x32xf32> to vector<32x32xf32>
    %slice3A_469 = vector.extract_strided_slice %dot_general3A_5 {offsets = [7488, 0], sizes = [32, 32], strides = [1, 1]} : vector<16000x32xf32> to vector<32x32xf32>
    %slice3A_470 = vector.extract_strided_slice %dot_general3A_5 {offsets = [7520, 0], sizes = [32, 32], strides = [1, 1]} : vector<16000x32xf32> to vector<32x32xf32>
    %concatenate3A_471 = tpu.concatenate %slice3A_467, %slice3A_468, %slice3A_469, %slice3A_470 in 1 : vector<32x32xf32>, vector<32x32xf32>, vector<32x32xf32>, vector<32x32xf32> -> vector<32x128xf32>
    %swap3A_472 = arith.constant 1856 : index
    %swap3A_473 = arith.constant 0 : index
    %swap3A_474 = vector.load %arg3[%swap3A_472, %swap3A_473] : memref<4000x128xf32, #tpu.memory_space<vmem>>, vector<32x128xf32>
    tpu.vector_store %arg3[%swap3A_472, %swap3A_473], %concatenate3A_471 {strides = array<i32>} : memref<4000x128xf32, #tpu.memory_space<vmem>>, vector<32x128xf32>,
    %slice3A_475 = vector.extract_strided_slice %dot_general3A_5 {offsets = [7552, 0], sizes = [32, 32], strides = [1, 1]} : vector<16000x32xf32> to vector<32x32xf32>
    %slice3A_476 = vector.extract_strided_slice %dot_general3A_5 {offsets = [7584, 0], sizes = [32, 32], strides = [1, 1]} : vector<16000x32xf32> to vector<32x32xf32>
    %slice3A_477 = vector.extract_strided_slice %dot_general3A_5 {offsets = [7616, 0], sizes = [32, 32], strides = [1, 1]} : vector<16000x32xf32> to vector<32x32xf32>
    %slice3A_478 = vector.extract_strided_slice %dot_general3A_5 {offsets = [7648, 0], sizes = [32, 32], strides = [1, 1]} : vector<16000x32xf32> to vector<32x32xf32>
    %concatenate3A_479 = tpu.concatenate %slice3A_475, %slice3A_476, %slice3A_477, %slice3A_478 in 1 : vector<32x32xf32>, vector<32x32xf32>, vector<32x32xf32>, vector<32x32xf32> -> vector<32x128xf32>
    %swap3A_480 = arith.constant 1888 : index
    %swap3A_481 = arith.constant 0 : index
    %swap3A_482 = vector.load %arg3[%swap3A_480, %swap3A_481] : memref<4000x128xf32, #tpu.memory_space<vmem>>, vector<32x128xf32>
    tpu.vector_store %arg3[%swap3A_480, %swap3A_481], %concatenate3A_479 {strides = array<i32>} : memref<4000x128xf32, #tpu.memory_space<vmem>>, vector<32x128xf32>,
    %slice3A_483 = vector.extract_strided_slice %dot_general3A_5 {offsets = [7680, 0], sizes = [32, 32], strides = [1, 1]} : vector<16000x32xf32> to vector<32x32xf32>
    %slice3A_484 = vector.extract_strided_slice %dot_general3A_5 {offsets = [7712, 0], sizes = [32, 32], strides = [1, 1]} : vector<16000x32xf32> to vector<32x32xf32>
    %slice3A_485 = vector.extract_strided_slice %dot_general3A_5 {offsets = [7744, 0], sizes = [32, 32], strides = [1, 1]} : vector<16000x32xf32> to vector<32x32xf32>
    %slice3A_486 = vector.extract_strided_slice %dot_general3A_5 {offsets = [7776, 0], sizes = [32, 32], strides = [1, 1]} : vector<16000x32xf32> to vector<32x32xf32>
    %concatenate3A_487 = tpu.concatenate %slice3A_483, %slice3A_484, %slice3A_485, %slice3A_486 in 1 : vector<32x32xf32>, vector<32x32xf32>, vector<32x32xf32>, vector<32x32xf32> -> vector<32x128xf32>
    %swap3A_488 = arith.constant 1920 : index
    %swap3A_489 = arith.constant 0 : index
    %swap3A_490 = vector.load %arg3[%swap3A_488, %swap3A_489] : memref<4000x128xf32, #tpu.memory_space<vmem>>, vector<32x128xf32>
    tpu.vector_store %arg3[%swap3A_488, %swap3A_489], %concatenate3A_487 {strides = array<i32>} : memref<4000x128xf32, #tpu.memory_space<vmem>>, vector<32x128xf32>,
    %slice3A_491 = vector.extract_strided_slice %dot_general3A_5 {offsets = [7808, 0], sizes = [32, 32], strides = [1, 1]} : vector<16000x32xf32> to vector<32x32xf32>
    %slice3A_492 = vector.extract_strided_slice %dot_general3A_5 {offsets = [7840, 0], sizes = [32, 32], strides = [1, 1]} : vector<16000x32xf32> to vector<32x32xf32>
    %slice3A_493 = vector.extract_strided_slice %dot_general3A_5 {offsets = [7872, 0], sizes = [32, 32], strides = [1, 1]} : vector<16000x32xf32> to vector<32x32xf32>
    %slice3A_494 = vector.extract_strided_slice %dot_general3A_5 {offsets = [7904, 0], sizes = [32, 32], strides = [1, 1]} : vector<16000x32xf32> to vector<32x32xf32>
    %concatenate3A_495 = tpu.concatenate %slice3A_491, %slice3A_492, %slice3A_493, %slice3A_494 in 1 : vector<32x32xf32>, vector<32x32xf32>, vector<32x32xf32>, vector<32x32xf32> -> vector<32x128xf32>
    %swap3A_496 = arith.constant 1952 : index
    %swap3A_497 = arith.constant 0 : index
    %swap3A_498 = vector.load %arg3[%swap3A_496, %swap3A_497] : memref<4000x128xf32, #tpu.memory_space<vmem>>, vector<32x128xf32>
    tpu.vector_store %arg3[%swap3A_496, %swap3A_497], %concatenate3A_495 {strides = array<i32>} : memref<4000x128xf32, #tpu.memory_space<vmem>>, vector<32x128xf32>,
    %slice3A_499 = vector.extract_strided_slice %dot_general3A_5 {offsets = [7936, 0], sizes = [32, 32], strides = [1, 1]} : vector<16000x32xf32> to vector<32x32xf32>
    %slice3A_500 = vector.extract_strided_slice %dot_general3A_5 {offsets = [7968, 0], sizes = [32, 32], strides = [1, 1]} : vector<16000x32xf32> to vector<32x32xf32>
    %slice3A_501 = vector.extract_strided_slice %dot_general3A_5 {offsets = [8000, 0], sizes = [32, 32], strides = [1, 1]} : vector<16000x32xf32> to vector<32x32xf32>
    %slice3A_502 = vector.extract_strided_slice %dot_general3A_5 {offsets = [8032, 0], sizes = [32, 32], strides = [1, 1]} : vector<16000x32xf32> to vector<32x32xf32>
    %concatenate3A_503 = tpu.concatenate %slice3A_499, %slice3A_500, %slice3A_501, %slice3A_502 in 1 : vector<32x32xf32>, vector<32x32xf32>, vector<32x32xf32>, vector<32x32xf32> -> vector<32x128xf32>
    %swap3A_504 = arith.constant 1984 : index
    %swap3A_505 = arith.constant 0 : index
    %swap3A_506 = vector.load %arg3[%swap3A_504, %swap3A_505] : memref<4000x128xf32, #tpu.memory_space<vmem>>, vector<32x128xf32>
    tpu.vector_store %arg3[%swap3A_504, %swap3A_505], %concatenate3A_503 {strides = array<i32>} : memref<4000x128xf32, #tpu.memory_space<vmem>>, vector<32x128xf32>,
    %slice3A_507 = vector.extract_strided_slice %dot_general3A_5 {offsets = [8064, 0], sizes = [32, 32], strides = [1, 1]} : vector<16000x32xf32> to vector<32x32xf32>
    %slice3A_508 = vector.extract_strided_slice %dot_general3A_5 {offsets = [8096, 0], sizes = [32, 32], strides = [1, 1]} : vector<16000x32xf32> to vector<32x32xf32>
    %slice3A_509 = vector.extract_strided_slice %dot_general3A_5 {offsets = [8128, 0], sizes = [32, 32], strides = [1, 1]} : vector<16000x32xf32> to vector<32x32xf32>
    %slice3A_510 = vector.extract_strided_slice %dot_general3A_5 {offsets = [8160, 0], sizes = [32, 32], strides = [1, 1]} : vector<16000x32xf32> to vector<32x32xf32>
    %concatenate3A_511 = tpu.concatenate %slice3A_507, %slice3A_508, %slice3A_509, %slice3A_510 in 1 : vector<32x32xf32>, vector<32x32xf32>, vector<32x32xf32>, vector<32x32xf32> -> vector<32x128xf32>
    %swap3A_512 = arith.constant 2016 : index
    %swap3A_513 = arith.constant 0 : index
    %swap3A_514 = vector.load %arg3[%swap3A_512, %swap3A_513] : memref<4000x128xf32, #tpu.memory_space<vmem>>, vector<32x128xf32>
    tpu.vector_store %arg3[%swap3A_512, %swap3A_513], %concatenate3A_511 {strides = array<i32>} : memref<4000x128xf32, #tpu.memory_space<vmem>>, vector<32x128xf32>,
    %slice3A_515 = vector.extract_strided_slice %dot_general3A_5 {offsets = [8192, 0], sizes = [32, 32], strides = [1, 1]} : vector<16000x32xf32> to vector<32x32xf32>
    %slice3A_516 = vector.extract_strided_slice %dot_general3A_5 {offsets = [8224, 0], sizes = [32, 32], strides = [1, 1]} : vector<16000x32xf32> to vector<32x32xf32>
    %slice3A_517 = vector.extract_strided_slice %dot_general3A_5 {offsets = [8256, 0], sizes = [32, 32], strides = [1, 1]} : vector<16000x32xf32> to vector<32x32xf32>
    %slice3A_518 = vector.extract_strided_slice %dot_general3A_5 {offsets = [8288, 0], sizes = [32, 32], strides = [1, 1]} : vector<16000x32xf32> to vector<32x32xf32>
    %concatenate3A_519 = tpu.concatenate %slice3A_515, %slice3A_516, %slice3A_517, %slice3A_518 in 1 : vector<32x32xf32>, vector<32x32xf32>, vector<32x32xf32>, vector<32x32xf32> -> vector<32x128xf32>
    %swap3A_520 = arith.constant 2048 : index
    %swap3A_521 = arith.constant 0 : index
    %swap3A_522 = vector.load %arg3[%swap3A_520, %swap3A_521] : memref<4000x128xf32, #tpu.memory_space<vmem>>, vector<32x128xf32>
    tpu.vector_store %arg3[%swap3A_520, %swap3A_521], %concatenate3A_519 {strides = array<i32>} : memref<4000x128xf32, #tpu.memory_space<vmem>>, vector<32x128xf32>,
    %slice3A_523 = vector.extract_strided_slice %dot_general3A_5 {offsets = [8320, 0], sizes = [32, 32], strides = [1, 1]} : vector<16000x32xf32> to vector<32x32xf32>
    %slice3A_524 = vector.extract_strided_slice %dot_general3A_5 {offsets = [8352, 0], sizes = [32, 32], strides = [1, 1]} : vector<16000x32xf32> to vector<32x32xf32>
    %slice3A_525 = vector.extract_strided_slice %dot_general3A_5 {offsets = [8384, 0], sizes = [32, 32], strides = [1, 1]} : vector<16000x32xf32> to vector<32x32xf32>
    %slice3A_526 = vector.extract_strided_slice %dot_general3A_5 {offsets = [8416, 0], sizes = [32, 32], strides = [1, 1]} : vector<16000x32xf32> to vector<32x32xf32>
    %concatenate3A_527 = tpu.concatenate %slice3A_523, %slice3A_524, %slice3A_525, %slice3A_526 in 1 : vector<32x32xf32>, vector<32x32xf32>, vector<32x32xf32>, vector<32x32xf32> -> vector<32x128xf32>
    %swap3A_528 = arith.constant 2080 : index
    %swap3A_529 = arith.constant 0 : index
    %swap3A_530 = vector.load %arg3[%swap3A_528, %swap3A_529] : memref<4000x128xf32, #tpu.memory_space<vmem>>, vector<32x128xf32>
    tpu.vector_store %arg3[%swap3A_528, %swap3A_529], %concatenate3A_527 {strides = array<i32>} : memref<4000x128xf32, #tpu.memory_space<vmem>>, vector<32x128xf32>,
    %slice3A_531 = vector.extract_strided_slice %dot_general3A_5 {offsets = [8448, 0], sizes = [32, 32], strides = [1, 1]} : vector<16000x32xf32> to vector<32x32xf32>
    %slice3A_532 = vector.extract_strided_slice %dot_general3A_5 {offsets = [8480, 0], sizes = [32, 32], strides = [1, 1]} : vector<16000x32xf32> to vector<32x32xf32>
    %slice3A_533 = vector.extract_strided_slice %dot_general3A_5 {offsets = [8512, 0], sizes = [32, 32], strides = [1, 1]} : vector<16000x32xf32> to vector<32x32xf32>
    %slice3A_534 = vector.extract_strided_slice %dot_general3A_5 {offsets = [8544, 0], sizes = [32, 32], strides = [1, 1]} : vector<16000x32xf32> to vector<32x32xf32>
    %concatenate3A_535 = tpu.concatenate %slice3A_531, %slice3A_532, %slice3A_533, %slice3A_534 in 1 : vector<32x32xf32>, vector<32x32xf32>, vector<32x32xf32>, vector<32x32xf32> -> vector<32x128xf32>
    %swap3A_536 = arith.constant 2112 : index
    %swap3A_537 = arith.constant 0 : index
    %swap3A_538 = vector.load %arg3[%swap3A_536, %swap3A_537] : memref<4000x128xf32, #tpu.memory_space<vmem>>, vector<32x128xf32>
    tpu.vector_store %arg3[%swap3A_536, %swap3A_537], %concatenate3A_535 {strides = array<i32>} : memref<4000x128xf32, #tpu.memory_space<vmem>>, vector<32x128xf32>,
    %slice3A_539 = vector.extract_strided_slice %dot_general3A_5 {offsets = [8576, 0], sizes = [32, 32], strides = [1, 1]} : vector<16000x32xf32> to vector<32x32xf32>
    %slice3A_540 = vector.extract_strided_slice %dot_general3A_5 {offsets = [8608, 0], sizes = [32, 32], strides = [1, 1]} : vector<16000x32xf32> to vector<32x32xf32>
    %slice3A_541 = vector.extract_strided_slice %dot_general3A_5 {offsets = [8640, 0], sizes = [32, 32], strides = [1, 1]} : vector<16000x32xf32> to vector<32x32xf32>
    %slice3A_542 = vector.extract_strided_slice %dot_general3A_5 {offsets = [8672, 0], sizes = [32, 32], strides = [1, 1]} : vector<16000x32xf32> to vector<32x32xf32>
    %concatenate3A_543 = tpu.concatenate %slice3A_539, %slice3A_540, %slice3A_541, %slice3A_542 in 1 : vector<32x32xf32>, vector<32x32xf32>, vector<32x32xf32>, vector<32x32xf32> -> vector<32x128xf32>
    %swap3A_544 = arith.constant 2144 : index
    %swap3A_545 = arith.constant 0 : index
    %swap3A_546 = vector.load %arg3[%swap3A_544, %swap3A_545] : memref<4000x128xf32, #tpu.memory_space<vmem>>, vector<32x128xf32>
    tpu.vector_store %arg3[%swap3A_544, %swap3A_545], %concatenate3A_543 {strides = array<i32>} : memref<4000x128xf32, #tpu.memory_space<vmem>>, vector<32x128xf32>,
    %slice3A_547 = vector.extract_strided_slice %dot_general3A_5 {offsets = [8704, 0], sizes = [32, 32], strides = [1, 1]} : vector<16000x32xf32> to vector<32x32xf32>
    %slice3A_548 = vector.extract_strided_slice %dot_general3A_5 {offsets = [8736, 0], sizes = [32, 32], strides = [1, 1]} : vector<16000x32xf32> to vector<32x32xf32>
    %slice3A_549 = vector.extract_strided_slice %dot_general3A_5 {offsets = [8768, 0], sizes = [32, 32], strides = [1, 1]} : vector<16000x32xf32> to vector<32x32xf32>
    %slice3A_550 = vector.extract_strided_slice %dot_general3A_5 {offsets = [8800, 0], sizes = [32, 32], strides = [1, 1]} : vector<16000x32xf32> to vector<32x32xf32>
    %concatenate3A_551 = tpu.concatenate %slice3A_547, %slice3A_548, %slice3A_549, %slice3A_550 in 1 : vector<32x32xf32>, vector<32x32xf32>, vector<32x32xf32>, vector<32x32xf32> -> vector<32x128xf32>
    %swap3A_552 = arith.constant 2176 : index
    %swap3A_553 = arith.constant 0 : index
    %swap3A_554 = vector.load %arg3[%swap3A_552, %swap3A_553] : memref<4000x128xf32, #tpu.memory_space<vmem>>, vector<32x128xf32>
    tpu.vector_store %arg3[%swap3A_552, %swap3A_553], %concatenate3A_551 {strides = array<i32>} : memref<4000x128xf32, #tpu.memory_space<vmem>>, vector<32x128xf32>,
    %slice3A_555 = vector.extract_strided_slice %dot_general3A_5 {offsets = [8832, 0], sizes = [32, 32], strides = [1, 1]} : vector<16000x32xf32> to vector<32x32xf32>
    %slice3A_556 = vector.extract_strided_slice %dot_general3A_5 {offsets = [8864, 0], sizes = [32, 32], strides = [1, 1]} : vector<16000x32xf32> to vector<32x32xf32>
    %slice3A_557 = vector.extract_strided_slice %dot_general3A_5 {offsets = [8896, 0], sizes = [32, 32], strides = [1, 1]} : vector<16000x32xf32> to vector<32x32xf32>
    %slice3A_558 = vector.extract_strided_slice %dot_general3A_5 {offsets = [8928, 0], sizes = [32, 32], strides = [1, 1]} : vector<16000x32xf32> to vector<32x32xf32>
    %concatenate3A_559 = tpu.concatenate %slice3A_555, %slice3A_556, %slice3A_557, %slice3A_558 in 1 : vector<32x32xf32>, vector<32x32xf32>, vector<32x32xf32>, vector<32x32xf32> -> vector<32x128xf32>
    %swap3A_560 = arith.constant 2208 : index
    %swap3A_561 = arith.constant 0 : index
    %swap3A_562 = vector.load %arg3[%swap3A_560, %swap3A_561] : memref<4000x128xf32, #tpu.memory_space<vmem>>, vector<32x128xf32>
    tpu.vector_store %arg3[%swap3A_560, %swap3A_561], %concatenate3A_559 {strides = array<i32>} : memref<4000x128xf32, #tpu.memory_space<vmem>>, vector<32x128xf32>,
    %slice3A_563 = vector.extract_strided_slice %dot_general3A_5 {offsets = [8960, 0], sizes = [32, 32], strides = [1, 1]} : vector<16000x32xf32> to vector<32x32xf32>
    %slice3A_564 = vector.extract_strided_slice %dot_general3A_5 {offsets = [8992, 0], sizes = [32, 32], strides = [1, 1]} : vector<16000x32xf32> to vector<32x32xf32>
    %slice3A_565 = vector.extract_strided_slice %dot_general3A_5 {offsets = [9024, 0], sizes = [32, 32], strides = [1, 1]} : vector<16000x32xf32> to vector<32x32xf32>
    %slice3A_566 = vector.extract_strided_slice %dot_general3A_5 {offsets = [9056, 0], sizes = [32, 32], strides = [1, 1]} : vector<16000x32xf32> to vector<32x32xf32>
    %concatenate3A_567 = tpu.concatenate %slice3A_563, %slice3A_564, %slice3A_565, %slice3A_566 in 1 : vector<32x32xf32>, vector<32x32xf32>, vector<32x32xf32>, vector<32x32xf32> -> vector<32x128xf32>
    %swap3A_568 = arith.constant 2240 : index
    %swap3A_569 = arith.constant 0 : index
    %swap3A_570 = vector.load %arg3[%swap3A_568, %swap3A_569] : memref<4000x128xf32, #tpu.memory_space<vmem>>, vector<32x128xf32>
    tpu.vector_store %arg3[%swap3A_568, %swap3A_569], %concatenate3A_567 {strides = array<i32>} : memref<4000x128xf32, #tpu.memory_space<vmem>>, vector<32x128xf32>,
    %slice3A_571 = vector.extract_strided_slice %dot_general3A_5 {offsets = [9088, 0], sizes = [32, 32], strides = [1, 1]} : vector<16000x32xf32> to vector<32x32xf32>
    %slice3A_572 = vector.extract_strided_slice %dot_general3A_5 {offsets = [9120, 0], sizes = [32, 32], strides = [1, 1]} : vector<16000x32xf32> to vector<32x32xf32>
    %slice3A_573 = vector.extract_strided_slice %dot_general3A_5 {offsets = [9152, 0], sizes = [32, 32], strides = [1, 1]} : vector<16000x32xf32> to vector<32x32xf32>
    %slice3A_574 = vector.extract_strided_slice %dot_general3A_5 {offsets = [9184, 0], sizes = [32, 32], strides = [1, 1]} : vector<16000x32xf32> to vector<32x32xf32>
    %concatenate3A_575 = tpu.concatenate %slice3A_571, %slice3A_572, %slice3A_573, %slice3A_574 in 1 : vector<32x32xf32>, vector<32x32xf32>, vector<32x32xf32>, vector<32x32xf32> -> vector<32x128xf32>
    %swap3A_576 = arith.constant 2272 : index
    %swap3A_577 = arith.constant 0 : index
    %swap3A_578 = vector.load %arg3[%swap3A_576, %swap3A_577] : memref<4000x128xf32, #tpu.memory_space<vmem>>, vector<32x128xf32>
    tpu.vector_store %arg3[%swap3A_576, %swap3A_577], %concatenate3A_575 {strides = array<i32>} : memref<4000x128xf32, #tpu.memory_space<vmem>>, vector<32x128xf32>,
    %slice3A_579 = vector.extract_strided_slice %dot_general3A_5 {offsets = [9216, 0], sizes = [32, 32], strides = [1, 1]} : vector<16000x32xf32> to vector<32x32xf32>
    %slice3A_580 = vector.extract_strided_slice %dot_general3A_5 {offsets = [9248, 0], sizes = [32, 32], strides = [1, 1]} : vector<16000x32xf32> to vector<32x32xf32>
    %slice3A_581 = vector.extract_strided_slice %dot_general3A_5 {offsets = [9280, 0], sizes = [32, 32], strides = [1, 1]} : vector<16000x32xf32> to vector<32x32xf32>
    %slice3A_582 = vector.extract_strided_slice %dot_general3A_5 {offsets = [9312, 0], sizes = [32, 32], strides = [1, 1]} : vector<16000x32xf32> to vector<32x32xf32>
    %concatenate3A_583 = tpu.concatenate %slice3A_579, %slice3A_580, %slice3A_581, %slice3A_582 in 1 : vector<32x32xf32>, vector<32x32xf32>, vector<32x32xf32>, vector<32x32xf32> -> vector<32x128xf32>
    %swap3A_584 = arith.constant 2304 : index
    %swap3A_585 = arith.constant 0 : index
    %swap3A_586 = vector.load %arg3[%swap3A_584, %swap3A_585] : memref<4000x128xf32, #tpu.memory_space<vmem>>, vector<32x128xf32>
    tpu.vector_store %arg3[%swap3A_584, %swap3A_585], %concatenate3A_583 {strides = array<i32>} : memref<4000x128xf32, #tpu.memory_space<vmem>>, vector<32x128xf32>,
    %slice3A_587 = vector.extract_strided_slice %dot_general3A_5 {offsets = [9344, 0], sizes = [32, 32], strides = [1, 1]} : vector<16000x32xf32> to vector<32x32xf32>
    %slice3A_588 = vector.extract_strided_slice %dot_general3A_5 {offsets = [9376, 0], sizes = [32, 32], strides = [1, 1]} : vector<16000x32xf32> to vector<32x32xf32>
    %slice3A_589 = vector.extract_strided_slice %dot_general3A_5 {offsets = [9408, 0], sizes = [32, 32], strides = [1, 1]} : vector<16000x32xf32> to vector<32x32xf32>
    %slice3A_590 = vector.extract_strided_slice %dot_general3A_5 {offsets = [9440, 0], sizes = [32, 32], strides = [1, 1]} : vector<16000x32xf32> to vector<32x32xf32>
    %concatenate3A_591 = tpu.concatenate %slice3A_587, %slice3A_588, %slice3A_589, %slice3A_590 in 1 : vector<32x32xf32>, vector<32x32xf32>, vector<32x32xf32>, vector<32x32xf32> -> vector<32x128xf32>
    %swap3A_592 = arith.constant 2336 : index
    %swap3A_593 = arith.constant 0 : index
    %swap3A_594 = vector.load %arg3[%swap3A_592, %swap3A_593] : memref<4000x128xf32, #tpu.memory_space<vmem>>, vector<32x128xf32>
    tpu.vector_store %arg3[%swap3A_592, %swap3A_593], %concatenate3A_591 {strides = array<i32>} : memref<4000x128xf32, #tpu.memory_space<vmem>>, vector<32x128xf32>,
    %slice3A_595 = vector.extract_strided_slice %dot_general3A_5 {offsets = [9472, 0], sizes = [32, 32], strides = [1, 1]} : vector<16000x32xf32> to vector<32x32xf32>
    %slice3A_596 = vector.extract_strided_slice %dot_general3A_5 {offsets = [9504, 0], sizes = [32, 32], strides = [1, 1]} : vector<16000x32xf32> to vector<32x32xf32>
    %slice3A_597 = vector.extract_strided_slice %dot_general3A_5 {offsets = [9536, 0], sizes = [32, 32], strides = [1, 1]} : vector<16000x32xf32> to vector<32x32xf32>
    %slice3A_598 = vector.extract_strided_slice %dot_general3A_5 {offsets = [9568, 0], sizes = [32, 32], strides = [1, 1]} : vector<16000x32xf32> to vector<32x32xf32>
    %concatenate3A_599 = tpu.concatenate %slice3A_595, %slice3A_596, %slice3A_597, %slice3A_598 in 1 : vector<32x32xf32>, vector<32x32xf32>, vector<32x32xf32>, vector<32x32xf32> -> vector<32x128xf32>
    %swap3A_600 = arith.constant 2368 : index
    %swap3A_601 = arith.constant 0 : index
    %swap3A_602 = vector.load %arg3[%swap3A_600, %swap3A_601] : memref<4000x128xf32, #tpu.memory_space<vmem>>, vector<32x128xf32>
    tpu.vector_store %arg3[%swap3A_600, %swap3A_601], %concatenate3A_599 {strides = array<i32>} : memref<4000x128xf32, #tpu.memory_space<vmem>>, vector<32x128xf32>,
    %slice3A_603 = vector.extract_strided_slice %dot_general3A_5 {offsets = [9600, 0], sizes = [32, 32], strides = [1, 1]} : vector<16000x32xf32> to vector<32x32xf32>
    %slice3A_604 = vector.extract_strided_slice %dot_general3A_5 {offsets = [9632, 0], sizes = [32, 32], strides = [1, 1]} : vector<16000x32xf32> to vector<32x32xf32>
    %slice3A_605 = vector.extract_strided_slice %dot_general3A_5 {offsets = [9664, 0], sizes = [32, 32], strides = [1, 1]} : vector<16000x32xf32> to vector<32x32xf32>
    %slice3A_606 = vector.extract_strided_slice %dot_general3A_5 {offsets = [9696, 0], sizes = [32, 32], strides = [1, 1]} : vector<16000x32xf32> to vector<32x32xf32>
    %concatenate3A_607 = tpu.concatenate %slice3A_603, %slice3A_604, %slice3A_605, %slice3A_606 in 1 : vector<32x32xf32>, vector<32x32xf32>, vector<32x32xf32>, vector<32x32xf32> -> vector<32x128xf32>
    %swap3A_608 = arith.constant 2400 : index
    %swap3A_609 = arith.constant 0 : index
    %swap3A_610 = vector.load %arg3[%swap3A_608, %swap3A_609] : memref<4000x128xf32, #tpu.memory_space<vmem>>, vector<32x128xf32>
    tpu.vector_store %arg3[%swap3A_608, %swap3A_609], %concatenate3A_607 {strides = array<i32>} : memref<4000x128xf32, #tpu.memory_space<vmem>>, vector<32x128xf32>,
    %slice3A_611 = vector.extract_strided_slice %dot_general3A_5 {offsets = [9728, 0], sizes = [32, 32], strides = [1, 1]} : vector<16000x32xf32> to vector<32x32xf32>
    %slice3A_612 = vector.extract_strided_slice %dot_general3A_5 {offsets = [9760, 0], sizes = [32, 32], strides = [1, 1]} : vector<16000x32xf32> to vector<32x32xf32>
    %slice3A_613 = vector.extract_strided_slice %dot_general3A_5 {offsets = [9792, 0], sizes = [32, 32], strides = [1, 1]} : vector<16000x32xf32> to vector<32x32xf32>
    %slice3A_614 = vector.extract_strided_slice %dot_general3A_5 {offsets = [9824, 0], sizes = [32, 32], strides = [1, 1]} : vector<16000x32xf32> to vector<32x32xf32>
    %concatenate3A_615 = tpu.concatenate %slice3A_611, %slice3A_612, %slice3A_613, %slice3A_614 in 1 : vector<32x32xf32>, vector<32x32xf32>, vector<32x32xf32>, vector<32x32xf32> -> vector<32x128xf32>
    %swap3A_616 = arith.constant 2432 : index
    %swap3A_617 = arith.constant 0 : index
    %swap3A_618 = vector.load %arg3[%swap3A_616, %swap3A_617] : memref<4000x128xf32, #tpu.memory_space<vmem>>, vector<32x128xf32>
    tpu.vector_store %arg3[%swap3A_616, %swap3A_617], %concatenate3A_615 {strides = array<i32>} : memref<4000x128xf32, #tpu.memory_space<vmem>>, vector<32x128xf32>,
    %slice3A_619 = vector.extract_strided_slice %dot_general3A_5 {offsets = [9856, 0], sizes = [32, 32], strides = [1, 1]} : vector<16000x32xf32> to vector<32x32xf32>
    %slice3A_620 = vector.extract_strided_slice %dot_general3A_5 {offsets = [9888, 0], sizes = [32, 32], strides = [1, 1]} : vector<16000x32xf32> to vector<32x32xf32>
    %slice3A_621 = vector.extract_strided_slice %dot_general3A_5 {offsets = [9920, 0], sizes = [32, 32], strides = [1, 1]} : vector<16000x32xf32> to vector<32x32xf32>
    %slice3A_622 = vector.extract_strided_slice %dot_general3A_5 {offsets = [9952, 0], sizes = [32, 32], strides = [1, 1]} : vector<16000x32xf32> to vector<32x32xf32>
    %concatenate3A_623 = tpu.concatenate %slice3A_619, %slice3A_620, %slice3A_621, %slice3A_622 in 1 : vector<32x32xf32>, vector<32x32xf32>, vector<32x32xf32>, vector<32x32xf32> -> vector<32x128xf32>
    %swap3A_624 = arith.constant 2464 : index
    %swap3A_625 = arith.constant 0 : index
    %swap3A_626 = vector.load %arg3[%swap3A_624, %swap3A_625] : memref<4000x128xf32, #tpu.memory_space<vmem>>, vector<32x128xf32>
    tpu.vector_store %arg3[%swap3A_624, %swap3A_625], %concatenate3A_623 {strides = array<i32>} : memref<4000x128xf32, #tpu.memory_space<vmem>>, vector<32x128xf32>,
    %slice3A_627 = vector.extract_strided_slice %dot_general3A_5 {offsets = [9984, 0], sizes = [32, 32], strides = [1, 1]} : vector<16000x32xf32> to vector<32x32xf32>
    %slice3A_628 = vector.extract_strided_slice %dot_general3A_5 {offsets = [10016, 0], sizes = [32, 32], strides = [1, 1]} : vector<16000x32xf32> to vector<32x32xf32>
    %slice3A_629 = vector.extract_strided_slice %dot_general3A_5 {offsets = [10048, 0], sizes = [32, 32], strides = [1, 1]} : vector<16000x32xf32> to vector<32x32xf32>
    %slice3A_630 = vector.extract_strided_slice %dot_general3A_5 {offsets = [10080, 0], sizes = [32, 32], strides = [1, 1]} : vector<16000x32xf32> to vector<32x32xf32>
    %concatenate3A_631 = tpu.concatenate %slice3A_627, %slice3A_628, %slice3A_629, %slice3A_630 in 1 : vector<32x32xf32>, vector<32x32xf32>, vector<32x32xf32>, vector<32x32xf32> -> vector<32x128xf32>
    %swap3A_632 = arith.constant 2496 : index
    %swap3A_633 = arith.constant 0 : index
    %swap3A_634 = vector.load %arg3[%swap3A_632, %swap3A_633] : memref<4000x128xf32, #tpu.memory_space<vmem>>, vector<32x128xf32>
    tpu.vector_store %arg3[%swap3A_632, %swap3A_633], %concatenate3A_631 {strides = array<i32>} : memref<4000x128xf32, #tpu.memory_space<vmem>>, vector<32x128xf32>,
    %slice3A_635 = vector.extract_strided_slice %dot_general3A_5 {offsets = [10112, 0], sizes = [32, 32], strides = [1, 1]} : vector<16000x32xf32> to vector<32x32xf32>
    %slice3A_636 = vector.extract_strided_slice %dot_general3A_5 {offsets = [10144, 0], sizes = [32, 32], strides = [1, 1]} : vector<16000x32xf32> to vector<32x32xf32>
    %slice3A_637 = vector.extract_strided_slice %dot_general3A_5 {offsets = [10176, 0], sizes = [32, 32], strides = [1, 1]} : vector<16000x32xf32> to vector<32x32xf32>
    %slice3A_638 = vector.extract_strided_slice %dot_general3A_5 {offsets = [10208, 0], sizes = [32, 32], strides = [1, 1]} : vector<16000x32xf32> to vector<32x32xf32>
    %concatenate3A_639 = tpu.concatenate %slice3A_635, %slice3A_636, %slice3A_637, %slice3A_638 in 1 : vector<32x32xf32>, vector<32x32xf32>, vector<32x32xf32>, vector<32x32xf32> -> vector<32x128xf32>
    %swap3A_640 = arith.constant 2528 : index
    %swap3A_641 = arith.constant 0 : index
    %swap3A_642 = vector.load %arg3[%swap3A_640, %swap3A_641] : memref<4000x128xf32, #tpu.memory_space<vmem>>, vector<32x128xf32>
    tpu.vector_store %arg3[%swap3A_640, %swap3A_641], %concatenate3A_639 {strides = array<i32>} : memref<4000x128xf32, #tpu.memory_space<vmem>>, vector<32x128xf32>,
    %slice3A_643 = vector.extract_strided_slice %dot_general3A_5 {offsets = [10240, 0], sizes = [32, 32], strides = [1, 1]} : vector<16000x32xf32> to vector<32x32xf32>
    %slice3A_644 = vector.extract_strided_slice %dot_general3A_5 {offsets = [10272, 0], sizes = [32, 32], strides = [1, 1]} : vector<16000x32xf32> to vector<32x32xf32>
    %slice3A_645 = vector.extract_strided_slice %dot_general3A_5 {offsets = [10304, 0], sizes = [32, 32], strides = [1, 1]} : vector<16000x32xf32> to vector<32x32xf32>
    %slice3A_646 = vector.extract_strided_slice %dot_general3A_5 {offsets = [10336, 0], sizes = [32, 32], strides = [1, 1]} : vector<16000x32xf32> to vector<32x32xf32>
    %concatenate3A_647 = tpu.concatenate %slice3A_643, %slice3A_644, %slice3A_645, %slice3A_646 in 1 : vector<32x32xf32>, vector<32x32xf32>, vector<32x32xf32>, vector<32x32xf32> -> vector<32x128xf32>
    %swap3A_648 = arith.constant 2560 : index
    %swap3A_649 = arith.constant 0 : index
    %swap3A_650 = vector.load %arg3[%swap3A_648, %swap3A_649] : memref<4000x128xf32, #tpu.memory_space<vmem>>, vector<32x128xf32>
    tpu.vector_store %arg3[%swap3A_648, %swap3A_649], %concatenate3A_647 {strides = array<i32>} : memref<4000x128xf32, #tpu.memory_space<vmem>>, vector<32x128xf32>,
    %slice3A_651 = vector.extract_strided_slice %dot_general3A_5 {offsets = [10368, 0], sizes = [32, 32], strides = [1, 1]} : vector<16000x32xf32> to vector<32x32xf32>
    %slice3A_652 = vector.extract_strided_slice %dot_general3A_5 {offsets = [10400, 0], sizes = [32, 32], strides = [1, 1]} : vector<16000x32xf32> to vector<32x32xf32>
    %slice3A_653 = vector.extract_strided_slice %dot_general3A_5 {offsets = [10432, 0], sizes = [32, 32], strides = [1, 1]} : vector<16000x32xf32> to vector<32x32xf32>
    %slice3A_654 = vector.extract_strided_slice %dot_general3A_5 {offsets = [10464, 0], sizes = [32, 32], strides = [1, 1]} : vector<16000x32xf32> to vector<32x32xf32>
    %concatenate3A_655 = tpu.concatenate %slice3A_651, %slice3A_652, %slice3A_653, %slice3A_654 in 1 : vector<32x32xf32>, vector<32x32xf32>, vector<32x32xf32>, vector<32x32xf32> -> vector<32x128xf32>
    %swap3A_656 = arith.constant 2592 : index
    %swap3A_657 = arith.constant 0 : index
    %swap3A_658 = vector.load %arg3[%swap3A_656, %swap3A_657] : memref<4000x128xf32, #tpu.memory_space<vmem>>, vector<32x128xf32>
    tpu.vector_store %arg3[%swap3A_656, %swap3A_657], %concatenate3A_655 {strides = array<i32>} : memref<4000x128xf32, #tpu.memory_space<vmem>>, vector<32x128xf32>,
    %slice3A_659 = vector.extract_strided_slice %dot_general3A_5 {offsets = [10496, 0], sizes = [32, 32], strides = [1, 1]} : vector<16000x32xf32> to vector<32x32xf32>
    %slice3A_660 = vector.extract_strided_slice %dot_general3A_5 {offsets = [10528, 0], sizes = [32, 32], strides = [1, 1]} : vector<16000x32xf32> to vector<32x32xf32>
    %slice3A_661 = vector.extract_strided_slice %dot_general3A_5 {offsets = [10560, 0], sizes = [32, 32], strides = [1, 1]} : vector<16000x32xf32> to vector<32x32xf32>
    %slice3A_662 = vector.extract_strided_slice %dot_general3A_5 {offsets = [10592, 0], sizes = [32, 32], strides = [1, 1]} : vector<16000x32xf32> to vector<32x32xf32>
    %concatenate3A_663 = tpu.concatenate %slice3A_659, %slice3A_660, %slice3A_661, %slice3A_662 in 1 : vector<32x32xf32>, vector<32x32xf32>, vector<32x32xf32>, vector<32x32xf32> -> vector<32x128xf32>
    %swap3A_664 = arith.constant 2624 : index
    %swap3A_665 = arith.constant 0 : index
    %swap3A_666 = vector.load %arg3[%swap3A_664, %swap3A_665] : memref<4000x128xf32, #tpu.memory_space<vmem>>, vector<32x128xf32>
    tpu.vector_store %arg3[%swap3A_664, %swap3A_665], %concatenate3A_663 {strides = array<i32>} : memref<4000x128xf32, #tpu.memory_space<vmem>>, vector<32x128xf32>,
    %slice3A_667 = vector.extract_strided_slice %dot_general3A_5 {offsets = [10624, 0], sizes = [32, 32], strides = [1, 1]} : vector<16000x32xf32> to vector<32x32xf32>
    %slice3A_668 = vector.extract_strided_slice %dot_general3A_5 {offsets = [10656, 0], sizes = [32, 32], strides = [1, 1]} : vector<16000x32xf32> to vector<32x32xf32>
    %slice3A_669 = vector.extract_strided_slice %dot_general3A_5 {offsets = [10688, 0], sizes = [32, 32], strides = [1, 1]} : vector<16000x32xf32> to vector<32x32xf32>
    %slice3A_670 = vector.extract_strided_slice %dot_general3A_5 {offsets = [10720, 0], sizes = [32, 32], strides = [1, 1]} : vector<16000x32xf32> to vector<32x32xf32>
    %concatenate3A_671 = tpu.concatenate %slice3A_667, %slice3A_668, %slice3A_669, %slice3A_670 in 1 : vector<32x32xf32>, vector<32x32xf32>, vector<32x32xf32>, vector<32x32xf32> -> vector<32x128xf32>
    %swap3A_672 = arith.constant 2656 : index
    %swap3A_673 = arith.constant 0 : index
    %swap3A_674 = vector.load %arg3[%swap3A_672, %swap3A_673] : memref<4000x128xf32, #tpu.memory_space<vmem>>, vector<32x128xf32>
    tpu.vector_store %arg3[%swap3A_672, %swap3A_673], %concatenate3A_671 {strides = array<i32>} : memref<4000x128xf32, #tpu.memory_space<vmem>>, vector<32x128xf32>,
    %slice3A_675 = vector.extract_strided_slice %dot_general3A_5 {offsets = [10752, 0], sizes = [32, 32], strides = [1, 1]} : vector<16000x32xf32> to vector<32x32xf32>
    %slice3A_676 = vector.extract_strided_slice %dot_general3A_5 {offsets = [10784, 0], sizes = [32, 32], strides = [1, 1]} : vector<16000x32xf32> to vector<32x32xf32>
    %slice3A_677 = vector.extract_strided_slice %dot_general3A_5 {offsets = [10816, 0], sizes = [32, 32], strides = [1, 1]} : vector<16000x32xf32> to vector<32x32xf32>
    %slice3A_678 = vector.extract_strided_slice %dot_general3A_5 {offsets = [10848, 0], sizes = [32, 32], strides = [1, 1]} : vector<16000x32xf32> to vector<32x32xf32>
    %concatenate3A_679 = tpu.concatenate %slice3A_675, %slice3A_676, %slice3A_677, %slice3A_678 in 1 : vector<32x32xf32>, vector<32x32xf32>, vector<32x32xf32>, vector<32x32xf32> -> vector<32x128xf32>
    %swap3A_680 = arith.constant 2688 : index
    %swap3A_681 = arith.constant 0 : index
    %swap3A_682 = vector.load %arg3[%swap3A_680, %swap3A_681] : memref<4000x128xf32, #tpu.memory_space<vmem>>, vector<32x128xf32>
    tpu.vector_store %arg3[%swap3A_680, %swap3A_681], %concatenate3A_679 {strides = array<i32>} : memref<4000x128xf32, #tpu.memory_space<vmem>>, vector<32x128xf32>,
    %slice3A_683 = vector.extract_strided_slice %dot_general3A_5 {offsets = [10880, 0], sizes = [32, 32], strides = [1, 1]} : vector<16000x32xf32> to vector<32x32xf32>
    %slice3A_684 = vector.extract_strided_slice %dot_general3A_5 {offsets = [10912, 0], sizes = [32, 32], strides = [1, 1]} : vector<16000x32xf32> to vector<32x32xf32>
    %slice3A_685 = vector.extract_strided_slice %dot_general3A_5 {offsets = [10944, 0], sizes = [32, 32], strides = [1, 1]} : vector<16000x32xf32> to vector<32x32xf32>
    %slice3A_686 = vector.extract_strided_slice %dot_general3A_5 {offsets = [10976, 0], sizes = [32, 32], strides = [1, 1]} : vector<16000x32xf32> to vector<32x32xf32>
    %concatenate3A_687 = tpu.concatenate %slice3A_683, %slice3A_684, %slice3A_685, %slice3A_686 in 1 : vector<32x32xf32>, vector<32x32xf32>, vector<32x32xf32>, vector<32x32xf32> -> vector<32x128xf32>
    %swap3A_688 = arith.constant 2720 : index
    %swap3A_689 = arith.constant 0 : index
    %swap3A_690 = vector.load %arg3[%swap3A_688, %swap3A_689] : memref<4000x128xf32, #tpu.memory_space<vmem>>, vector<32x128xf32>
    tpu.vector_store %arg3[%swap3A_688, %swap3A_689], %concatenate3A_687 {strides = array<i32>} : memref<4000x128xf32, #tpu.memory_space<vmem>>, vector<32x128xf32>,
    %slice3A_691 = vector.extract_strided_slice %dot_general3A_5 {offsets = [11008, 0], sizes = [32, 32], strides = [1, 1]} : vector<16000x32xf32> to vector<32x32xf32>
    %slice3A_692 = vector.extract_strided_slice %dot_general3A_5 {offsets = [11040, 0], sizes = [32, 32], strides = [1, 1]} : vector<16000x32xf32> to vector<32x32xf32>
    %slice3A_693 = vector.extract_strided_slice %dot_general3A_5 {offsets = [11072, 0], sizes = [32, 32], strides = [1, 1]} : vector<16000x32xf32> to vector<32x32xf32>
    %slice3A_694 = vector.extract_strided_slice %dot_general3A_5 {offsets = [11104, 0], sizes = [32, 32], strides = [1, 1]} : vector<16000x32xf32> to vector<32x32xf32>
    %concatenate3A_695 = tpu.concatenate %slice3A_691, %slice3A_692, %slice3A_693, %slice3A_694 in 1 : vector<32x32xf32>, vector<32x32xf32>, vector<32x32xf32>, vector<32x32xf32> -> vector<32x128xf32>
    %swap3A_696 = arith.constant 2752 : index
    %swap3A_697 = arith.constant 0 : index
    %swap3A_698 = vector.load %arg3[%swap3A_696, %swap3A_697] : memref<4000x128xf32, #tpu.memory_space<vmem>>, vector<32x128xf32>
    tpu.vector_store %arg3[%swap3A_696, %swap3A_697], %concatenate3A_695 {strides = array<i32>} : memref<4000x128xf32, #tpu.memory_space<vmem>>, vector<32x128xf32>,
    %slice3A_699 = vector.extract_strided_slice %dot_general3A_5 {offsets = [11136, 0], sizes = [32, 32], strides = [1, 1]} : vector<16000x32xf32> to vector<32x32xf32>
    %slice3A_700 = vector.extract_strided_slice %dot_general3A_5 {offsets = [11168, 0], sizes = [32, 32], strides = [1, 1]} : vector<16000x32xf32> to vector<32x32xf32>
    %slice3A_701 = vector.extract_strided_slice %dot_general3A_5 {offsets = [11200, 0], sizes = [32, 32], strides = [1, 1]} : vector<16000x32xf32> to vector<32x32xf32>
    %slice3A_702 = vector.extract_strided_slice %dot_general3A_5 {offsets = [11232, 0], sizes = [32, 32], strides = [1, 1]} : vector<16000x32xf32> to vector<32x32xf32>
    %concatenate3A_703 = tpu.concatenate %slice3A_699, %slice3A_700, %slice3A_701, %slice3A_702 in 1 : vector<32x32xf32>, vector<32x32xf32>, vector<32x32xf32>, vector<32x32xf32> -> vector<32x128xf32>
    %swap3A_704 = arith.constant 2784 : index
    %swap3A_705 = arith.constant 0 : index
    %swap3A_706 = vector.load %arg3[%swap3A_704, %swap3A_705] : memref<4000x128xf32, #tpu.memory_space<vmem>>, vector<32x128xf32>
    tpu.vector_store %arg3[%swap3A_704, %swap3A_705], %concatenate3A_703 {strides = array<i32>} : memref<4000x128xf32, #tpu.memory_space<vmem>>, vector<32x128xf32>,
    %slice3A_707 = vector.extract_strided_slice %dot_general3A_5 {offsets = [11264, 0], sizes = [32, 32], strides = [1, 1]} : vector<16000x32xf32> to vector<32x32xf32>
    %slice3A_708 = vector.extract_strided_slice %dot_general3A_5 {offsets = [11296, 0], sizes = [32, 32], strides = [1, 1]} : vector<16000x32xf32> to vector<32x32xf32>
    %slice3A_709 = vector.extract_strided_slice %dot_general3A_5 {offsets = [11328, 0], sizes = [32, 32], strides = [1, 1]} : vector<16000x32xf32> to vector<32x32xf32>
    %slice3A_710 = vector.extract_strided_slice %dot_general3A_5 {offsets = [11360, 0], sizes = [32, 32], strides = [1, 1]} : vector<16000x32xf32> to vector<32x32xf32>
    %concatenate3A_711 = tpu.concatenate %slice3A_707, %slice3A_708, %slice3A_709, %slice3A_710 in 1 : vector<32x32xf32>, vector<32x32xf32>, vector<32x32xf32>, vector<32x32xf32> -> vector<32x128xf32>
    %swap3A_712 = arith.constant 2816 : index
    %swap3A_713 = arith.constant 0 : index
    %swap3A_714 = vector.load %arg3[%swap3A_712, %swap3A_713] : memref<4000x128xf32, #tpu.memory_space<vmem>>, vector<32x128xf32>
    tpu.vector_store %arg3[%swap3A_712, %swap3A_713], %concatenate3A_711 {strides = array<i32>} : memref<4000x128xf32, #tpu.memory_space<vmem>>, vector<32x128xf32>,
    %slice3A_715 = vector.extract_strided_slice %dot_general3A_5 {offsets = [11392, 0], sizes = [32, 32], strides = [1, 1]} : vector<16000x32xf32> to vector<32x32xf32>
    %slice3A_716 = vector.extract_strided_slice %dot_general3A_5 {offsets = [11424, 0], sizes = [32, 32], strides = [1, 1]} : vector<16000x32xf32> to vector<32x32xf32>
    %slice3A_717 = vector.extract_strided_slice %dot_general3A_5 {offsets = [11456, 0], sizes = [32, 32], strides = [1, 1]} : vector<16000x32xf32> to vector<32x32xf32>
    %slice3A_718 = vector.extract_strided_slice %dot_general3A_5 {offsets = [11488, 0], sizes = [32, 32], strides = [1, 1]} : vector<16000x32xf32> to vector<32x32xf32>
    %concatenate3A_719 = tpu.concatenate %slice3A_715, %slice3A_716, %slice3A_717, %slice3A_718 in 1 : vector<32x32xf32>, vector<32x32xf32>, vector<32x32xf32>, vector<32x32xf32> -> vector<32x128xf32>
    %swap3A_720 = arith.constant 2848 : index
    %swap3A_721 = arith.constant 0 : index
    %swap3A_722 = vector.load %arg3[%swap3A_720, %swap3A_721] : memref<4000x128xf32, #tpu.memory_space<vmem>>, vector<32x128xf32>
    tpu.vector_store %arg3[%swap3A_720, %swap3A_721], %concatenate3A_719 {strides = array<i32>} : memref<4000x128xf32, #tpu.memory_space<vmem>>, vector<32x128xf32>,
    %slice3A_723 = vector.extract_strided_slice %dot_general3A_5 {offsets = [11520, 0], sizes = [32, 32], strides = [1, 1]} : vector<16000x32xf32> to vector<32x32xf32>
    %slice3A_724 = vector.extract_strided_slice %dot_general3A_5 {offsets = [11552, 0], sizes = [32, 32], strides = [1, 1]} : vector<16000x32xf32> to vector<32x32xf32>
    %slice3A_725 = vector.extract_strided_slice %dot_general3A_5 {offsets = [11584, 0], sizes = [32, 32], strides = [1, 1]} : vector<16000x32xf32> to vector<32x32xf32>
    %slice3A_726 = vector.extract_strided_slice %dot_general3A_5 {offsets = [11616, 0], sizes = [32, 32], strides = [1, 1]} : vector<16000x32xf32> to vector<32x32xf32>
    %concatenate3A_727 = tpu.concatenate %slice3A_723, %slice3A_724, %slice3A_725, %slice3A_726 in 1 : vector<32x32xf32>, vector<32x32xf32>, vector<32x32xf32>, vector<32x32xf32> -> vector<32x128xf32>
    %swap3A_728 = arith.constant 2880 : index
    %swap3A_729 = arith.constant 0 : index
    %swap3A_730 = vector.load %arg3[%swap3A_728, %swap3A_729] : memref<4000x128xf32, #tpu.memory_space<vmem>>, vector<32x128xf32>
    tpu.vector_store %arg3[%swap3A_728, %swap3A_729], %concatenate3A_727 {strides = array<i32>} : memref<4000x128xf32, #tpu.memory_space<vmem>>, vector<32x128xf32>,
    %slice3A_731 = vector.extract_strided_slice %dot_general3A_5 {offsets = [11648, 0], sizes = [32, 32], strides = [1, 1]} : vector<16000x32xf32> to vector<32x32xf32>
    %slice3A_732 = vector.extract_strided_slice %dot_general3A_5 {offsets = [11680, 0], sizes = [32, 32], strides = [1, 1]} : vector<16000x32xf32> to vector<32x32xf32>
    %slice3A_733 = vector.extract_strided_slice %dot_general3A_5 {offsets = [11712, 0], sizes = [32, 32], strides = [1, 1]} : vector<16000x32xf32> to vector<32x32xf32>
    %slice3A_734 = vector.extract_strided_slice %dot_general3A_5 {offsets = [11744, 0], sizes = [32, 32], strides = [1, 1]} : vector<16000x32xf32> to vector<32x32xf32>
    %concatenate3A_735 = tpu.concatenate %slice3A_731, %slice3A_732, %slice3A_733, %slice3A_734 in 1 : vector<32x32xf32>, vector<32x32xf32>, vector<32x32xf32>, vector<32x32xf32> -> vector<32x128xf32>
    %swap3A_736 = arith.constant 2912 : index
    %swap3A_737 = arith.constant 0 : index
    %swap3A_738 = vector.load %arg3[%swap3A_736, %swap3A_737] : memref<4000x128xf32, #tpu.memory_space<vmem>>, vector<32x128xf32>
    tpu.vector_store %arg3[%swap3A_736, %swap3A_737], %concatenate3A_735 {strides = array<i32>} : memref<4000x128xf32, #tpu.memory_space<vmem>>, vector<32x128xf32>,
    %slice3A_739 = vector.extract_strided_slice %dot_general3A_5 {offsets = [11776, 0], sizes = [32, 32], strides = [1, 1]} : vector<16000x32xf32> to vector<32x32xf32>
    %slice3A_740 = vector.extract_strided_slice %dot_general3A_5 {offsets = [11808, 0], sizes = [32, 32], strides = [1, 1]} : vector<16000x32xf32> to vector<32x32xf32>
    %slice3A_741 = vector.extract_strided_slice %dot_general3A_5 {offsets = [11840, 0], sizes = [32, 32], strides = [1, 1]} : vector<16000x32xf32> to vector<32x32xf32>
    %slice3A_742 = vector.extract_strided_slice %dot_general3A_5 {offsets = [11872, 0], sizes = [32, 32], strides = [1, 1]} : vector<16000x32xf32> to vector<32x32xf32>
    %concatenate3A_743 = tpu.concatenate %slice3A_739, %slice3A_740, %slice3A_741, %slice3A_742 in 1 : vector<32x32xf32>, vector<32x32xf32>, vector<32x32xf32>, vector<32x32xf32> -> vector<32x128xf32>
    %swap3A_744 = arith.constant 2944 : index
    %swap3A_745 = arith.constant 0 : index
    %swap3A_746 = vector.load %arg3[%swap3A_744, %swap3A_745] : memref<4000x128xf32, #tpu.memory_space<vmem>>, vector<32x128xf32>
    tpu.vector_store %arg3[%swap3A_744, %swap3A_745], %concatenate3A_743 {strides = array<i32>} : memref<4000x128xf32, #tpu.memory_space<vmem>>, vector<32x128xf32>,
    %slice3A_747 = vector.extract_strided_slice %dot_general3A_5 {offsets = [11904, 0], sizes = [32, 32], strides = [1, 1]} : vector<16000x32xf32> to vector<32x32xf32>
    %slice3A_748 = vector.extract_strided_slice %dot_general3A_5 {offsets = [11936, 0], sizes = [32, 32], strides = [1, 1]} : vector<16000x32xf32> to vector<32x32xf32>
    %slice3A_749 = vector.extract_strided_slice %dot_general3A_5 {offsets = [11968, 0], sizes = [32, 32], strides = [1, 1]} : vector<16000x32xf32> to vector<32x32xf32>
    %slice3A_750 = vector.extract_strided_slice %dot_general3A_5 {offsets = [12000, 0], sizes = [32, 32], strides = [1, 1]} : vector<16000x32xf32> to vector<32x32xf32>
    %concatenate3A_751 = tpu.concatenate %slice3A_747, %slice3A_748, %slice3A_749, %slice3A_750 in 1 : vector<32x32xf32>, vector<32x32xf32>, vector<32x32xf32>, vector<32x32xf32> -> vector<32x128xf32>
    %swap3A_752 = arith.constant 2976 : index
    %swap3A_753 = arith.constant 0 : index
    %swap3A_754 = vector.load %arg3[%swap3A_752, %swap3A_753] : memref<4000x128xf32, #tpu.memory_space<vmem>>, vector<32x128xf32>
    tpu.vector_store %arg3[%swap3A_752, %swap3A_753], %concatenate3A_751 {strides = array<i32>} : memref<4000x128xf32, #tpu.memory_space<vmem>>, vector<32x128xf32>,
    %slice3A_755 = vector.extract_strided_slice %dot_general3A_5 {offsets = [12032, 0], sizes = [32, 32], strides = [1, 1]} : vector<16000x32xf32> to vector<32x32xf32>
    %slice3A_756 = vector.extract_strided_slice %dot_general3A_5 {offsets = [12064, 0], sizes = [32, 32], strides = [1, 1]} : vector<16000x32xf32> to vector<32x32xf32>
    %slice3A_757 = vector.extract_strided_slice %dot_general3A_5 {offsets = [12096, 0], sizes = [32, 32], strides = [1, 1]} : vector<16000x32xf32> to vector<32x32xf32>
    %slice3A_758 = vector.extract_strided_slice %dot_general3A_5 {offsets = [12128, 0], sizes = [32, 32], strides = [1, 1]} : vector<16000x32xf32> to vector<32x32xf32>
    %concatenate3A_759 = tpu.concatenate %slice3A_755, %slice3A_756, %slice3A_757, %slice3A_758 in 1 : vector<32x32xf32>, vector<32x32xf32>, vector<32x32xf32>, vector<32x32xf32> -> vector<32x128xf32>
    %swap3A_760 = arith.constant 3008 : index
    %swap3A_761 = arith.constant 0 : index
    %swap3A_762 = vector.load %arg3[%swap3A_760, %swap3A_761] : memref<4000x128xf32, #tpu.memory_space<vmem>>, vector<32x128xf32>
    tpu.vector_store %arg3[%swap3A_760, %swap3A_761], %concatenate3A_759 {strides = array<i32>} : memref<4000x128xf32, #tpu.memory_space<vmem>>, vector<32x128xf32>,
    %slice3A_763 = vector.extract_strided_slice %dot_general3A_5 {offsets = [12160, 0], sizes = [32, 32], strides = [1, 1]} : vector<16000x32xf32> to vector<32x32xf32>
    %slice3A_764 = vector.extract_strided_slice %dot_general3A_5 {offsets = [12192, 0], sizes = [32, 32], strides = [1, 1]} : vector<16000x32xf32> to vector<32x32xf32>
    %slice3A_765 = vector.extract_strided_slice %dot_general3A_5 {offsets = [12224, 0], sizes = [32, 32], strides = [1, 1]} : vector<16000x32xf32> to vector<32x32xf32>
    %slice3A_766 = vector.extract_strided_slice %dot_general3A_5 {offsets = [12256, 0], sizes = [32, 32], strides = [1, 1]} : vector<16000x32xf32> to vector<32x32xf32>
    %concatenate3A_767 = tpu.concatenate %slice3A_763, %slice3A_764, %slice3A_765, %slice3A_766 in 1 : vector<32x32xf32>, vector<32x32xf32>, vector<32x32xf32>, vector<32x32xf32> -> vector<32x128xf32>
    %swap3A_768 = arith.constant 3040 : index
    %swap3A_769 = arith.constant 0 : index
    %swap3A_770 = vector.load %arg3[%swap3A_768, %swap3A_769] : memref<4000x128xf32, #tpu.memory_space<vmem>>, vector<32x128xf32>
    tpu.vector_store %arg3[%swap3A_768, %swap3A_769], %concatenate3A_767 {strides = array<i32>} : memref<4000x128xf32, #tpu.memory_space<vmem>>, vector<32x128xf32>,
    %slice3A_771 = vector.extract_strided_slice %dot_general3A_5 {offsets = [12288, 0], sizes = [32, 32], strides = [1, 1]} : vector<16000x32xf32> to vector<32x32xf32>
    %slice3A_772 = vector.extract_strided_slice %dot_general3A_5 {offsets = [12320, 0], sizes = [32, 32], strides = [1, 1]} : vector<16000x32xf32> to vector<32x32xf32>
    %slice3A_773 = vector.extract_strided_slice %dot_general3A_5 {offsets = [12352, 0], sizes = [32, 32], strides = [1, 1]} : vector<16000x32xf32> to vector<32x32xf32>
    %slice3A_774 = vector.extract_strided_slice %dot_general3A_5 {offsets = [12384, 0], sizes = [32, 32], strides = [1, 1]} : vector<16000x32xf32> to vector<32x32xf32>
    %concatenate3A_775 = tpu.concatenate %slice3A_771, %slice3A_772, %slice3A_773, %slice3A_774 in 1 : vector<32x32xf32>, vector<32x32xf32>, vector<32x32xf32>, vector<32x32xf32> -> vector<32x128xf32>
    %swap3A_776 = arith.constant 3072 : index
    %swap3A_777 = arith.constant 0 : index
    %swap3A_778 = vector.load %arg3[%swap3A_776, %swap3A_777] : memref<4000x128xf32, #tpu.memory_space<vmem>>, vector<32x128xf32>
    tpu.vector_store %arg3[%swap3A_776, %swap3A_777], %concatenate3A_775 {strides = array<i32>} : memref<4000x128xf32, #tpu.memory_space<vmem>>, vector<32x128xf32>,
    %slice3A_779 = vector.extract_strided_slice %dot_general3A_5 {offsets = [12416, 0], sizes = [32, 32], strides = [1, 1]} : vector<16000x32xf32> to vector<32x32xf32>
    %slice3A_780 = vector.extract_strided_slice %dot_general3A_5 {offsets = [12448, 0], sizes = [32, 32], strides = [1, 1]} : vector<16000x32xf32> to vector<32x32xf32>
    %slice3A_781 = vector.extract_strided_slice %dot_general3A_5 {offsets = [12480, 0], sizes = [32, 32], strides = [1, 1]} : vector<16000x32xf32> to vector<32x32xf32>
    %slice3A_782 = vector.extract_strided_slice %dot_general3A_5 {offsets = [12512, 0], sizes = [32, 32], strides = [1, 1]} : vector<16000x32xf32> to vector<32x32xf32>
    %concatenate3A_783 = tpu.concatenate %slice3A_779, %slice3A_780, %slice3A_781, %slice3A_782 in 1 : vector<32x32xf32>, vector<32x32xf32>, vector<32x32xf32>, vector<32x32xf32> -> vector<32x128xf32>
    %swap3A_784 = arith.constant 3104 : index
    %swap3A_785 = arith.constant 0 : index
    %swap3A_786 = vector.load %arg3[%swap3A_784, %swap3A_785] : memref<4000x128xf32, #tpu.memory_space<vmem>>, vector<32x128xf32>
    tpu.vector_store %arg3[%swap3A_784, %swap3A_785], %concatenate3A_783 {strides = array<i32>} : memref<4000x128xf32, #tpu.memory_space<vmem>>, vector<32x128xf32>,
    %slice3A_787 = vector.extract_strided_slice %dot_general3A_5 {offsets = [12544, 0], sizes = [32, 32], strides = [1, 1]} : vector<16000x32xf32> to vector<32x32xf32>
    %slice3A_788 = vector.extract_strided_slice %dot_general3A_5 {offsets = [12576, 0], sizes = [32, 32], strides = [1, 1]} : vector<16000x32xf32> to vector<32x32xf32>
    %slice3A_789 = vector.extract_strided_slice %dot_general3A_5 {offsets = [12608, 0], sizes = [32, 32], strides = [1, 1]} : vector<16000x32xf32> to vector<32x32xf32>
    %slice3A_790 = vector.extract_strided_slice %dot_general3A_5 {offsets = [12640, 0], sizes = [32, 32], strides = [1, 1]} : vector<16000x32xf32> to vector<32x32xf32>
    %concatenate3A_791 = tpu.concatenate %slice3A_787, %slice3A_788, %slice3A_789, %slice3A_790 in 1 : vector<32x32xf32>, vector<32x32xf32>, vector<32x32xf32>, vector<32x32xf32> -> vector<32x128xf32>
    %swap3A_792 = arith.constant 3136 : index
    %swap3A_793 = arith.constant 0 : index
    %swap3A_794 = vector.load %arg3[%swap3A_792, %swap3A_793] : memref<4000x128xf32, #tpu.memory_space<vmem>>, vector<32x128xf32>
    tpu.vector_store %arg3[%swap3A_792, %swap3A_793], %concatenate3A_791 {strides = array<i32>} : memref<4000x128xf32, #tpu.memory_space<vmem>>, vector<32x128xf32>,
    %slice3A_795 = vector.extract_strided_slice %dot_general3A_5 {offsets = [12672, 0], sizes = [32, 32], strides = [1, 1]} : vector<16000x32xf32> to vector<32x32xf32>
    %slice3A_796 = vector.extract_strided_slice %dot_general3A_5 {offsets = [12704, 0], sizes = [32, 32], strides = [1, 1]} : vector<16000x32xf32> to vector<32x32xf32>
    %slice3A_797 = vector.extract_strided_slice %dot_general3A_5 {offsets = [12736, 0], sizes = [32, 32], strides = [1, 1]} : vector<16000x32xf32> to vector<32x32xf32>
    %slice3A_798 = vector.extract_strided_slice %dot_general3A_5 {offsets = [12768, 0], sizes = [32, 32], strides = [1, 1]} : vector<16000x32xf32> to vector<32x32xf32>
    %concatenate3A_799 = tpu.concatenate %slice3A_795, %slice3A_796, %slice3A_797, %slice3A_798 in 1 : vector<32x32xf32>, vector<32x32xf32>, vector<32x32xf32>, vector<32x32xf32> -> vector<32x128xf32>
    %swap3A_800 = arith.constant 3168 : index
    %swap3A_801 = arith.constant 0 : index
    %swap3A_802 = vector.load %arg3[%swap3A_800, %swap3A_801] : memref<4000x128xf32, #tpu.memory_space<vmem>>, vector<32x128xf32>
    tpu.vector_store %arg3[%swap3A_800, %swap3A_801], %concatenate3A_799 {strides = array<i32>} : memref<4000x128xf32, #tpu.memory_space<vmem>>, vector<32x128xf32>,
    %slice3A_803 = vector.extract_strided_slice %dot_general3A_5 {offsets = [12800, 0], sizes = [32, 32], strides = [1, 1]} : vector<16000x32xf32> to vector<32x32xf32>
    %slice3A_804 = vector.extract_strided_slice %dot_general3A_5 {offsets = [12832, 0], sizes = [32, 32], strides = [1, 1]} : vector<16000x32xf32> to vector<32x32xf32>
    %slice3A_805 = vector.extract_strided_slice %dot_general3A_5 {offsets = [12864, 0], sizes = [32, 32], strides = [1, 1]} : vector<16000x32xf32> to vector<32x32xf32>
    %slice3A_806 = vector.extract_strided_slice %dot_general3A_5 {offsets = [12896, 0], sizes = [32, 32], strides = [1, 1]} : vector<16000x32xf32> to vector<32x32xf32>
    %concatenate3A_807 = tpu.concatenate %slice3A_803, %slice3A_804, %slice3A_805, %slice3A_806 in 1 : vector<32x32xf32>, vector<32x32xf32>, vector<32x32xf32>, vector<32x32xf32> -> vector<32x128xf32>
    %swap3A_808 = arith.constant 3200 : index
    %swap3A_809 = arith.constant 0 : index
    %swap3A_810 = vector.load %arg3[%swap3A_808, %swap3A_809] : memref<4000x128xf32, #tpu.memory_space<vmem>>, vector<32x128xf32>
    tpu.vector_store %arg3[%swap3A_808, %swap3A_809], %concatenate3A_807 {strides = array<i32>} : memref<4000x128xf32, #tpu.memory_space<vmem>>, vector<32x128xf32>,
    %slice3A_811 = vector.extract_strided_slice %dot_general3A_5 {offsets = [12928, 0], sizes = [32, 32], strides = [1, 1]} : vector<16000x32xf32> to vector<32x32xf32>
    %slice3A_812 = vector.extract_strided_slice %dot_general3A_5 {offsets = [12960, 0], sizes = [32, 32], strides = [1, 1]} : vector<16000x32xf32> to vector<32x32xf32>
    %slice3A_813 = vector.extract_strided_slice %dot_general3A_5 {offsets = [12992, 0], sizes = [32, 32], strides = [1, 1]} : vector<16000x32xf32> to vector<32x32xf32>
    %slice3A_814 = vector.extract_strided_slice %dot_general3A_5 {offsets = [13024, 0], sizes = [32, 32], strides = [1, 1]} : vector<16000x32xf32> to vector<32x32xf32>
    %concatenate3A_815 = tpu.concatenate %slice3A_811, %slice3A_812, %slice3A_813, %slice3A_814 in 1 : vector<32x32xf32>, vector<32x32xf32>, vector<32x32xf32>, vector<32x32xf32> -> vector<32x128xf32>
    %swap3A_816 = arith.constant 3232 : index
    %swap3A_817 = arith.constant 0 : index
    %swap3A_818 = vector.load %arg3[%swap3A_816, %swap3A_817] : memref<4000x128xf32, #tpu.memory_space<vmem>>, vector<32x128xf32>
    tpu.vector_store %arg3[%swap3A_816, %swap3A_817], %concatenate3A_815 {strides = array<i32>} : memref<4000x128xf32, #tpu.memory_space<vmem>>, vector<32x128xf32>,
    %slice3A_819 = vector.extract_strided_slice %dot_general3A_5 {offsets = [13056, 0], sizes = [32, 32], strides = [1, 1]} : vector<16000x32xf32> to vector<32x32xf32>
    %slice3A_820 = vector.extract_strided_slice %dot_general3A_5 {offsets = [13088, 0], sizes = [32, 32], strides = [1, 1]} : vector<16000x32xf32> to vector<32x32xf32>
    %slice3A_821 = vector.extract_strided_slice %dot_general3A_5 {offsets = [13120, 0], sizes = [32, 32], strides = [1, 1]} : vector<16000x32xf32> to vector<32x32xf32>
    %slice3A_822 = vector.extract_strided_slice %dot_general3A_5 {offsets = [13152, 0], sizes = [32, 32], strides = [1, 1]} : vector<16000x32xf32> to vector<32x32xf32>
    %concatenate3A_823 = tpu.concatenate %slice3A_819, %slice3A_820, %slice3A_821, %slice3A_822 in 1 : vector<32x32xf32>, vector<32x32xf32>, vector<32x32xf32>, vector<32x32xf32> -> vector<32x128xf32>
    %swap3A_824 = arith.constant 3264 : index
    %swap3A_825 = arith.constant 0 : index
    %swap3A_826 = vector.load %arg3[%swap3A_824, %swap3A_825] : memref<4000x128xf32, #tpu.memory_space<vmem>>, vector<32x128xf32>
    tpu.vector_store %arg3[%swap3A_824, %swap3A_825], %concatenate3A_823 {strides = array<i32>} : memref<4000x128xf32, #tpu.memory_space<vmem>>, vector<32x128xf32>,
    %slice3A_827 = vector.extract_strided_slice %dot_general3A_5 {offsets = [13184, 0], sizes = [32, 32], strides = [1, 1]} : vector<16000x32xf32> to vector<32x32xf32>
    %slice3A_828 = vector.extract_strided_slice %dot_general3A_5 {offsets = [13216, 0], sizes = [32, 32], strides = [1, 1]} : vector<16000x32xf32> to vector<32x32xf32>
    %slice3A_829 = vector.extract_strided_slice %dot_general3A_5 {offsets = [13248, 0], sizes = [32, 32], strides = [1, 1]} : vector<16000x32xf32> to vector<32x32xf32>
    %slice3A_830 = vector.extract_strided_slice %dot_general3A_5 {offsets = [13280, 0], sizes = [32, 32], strides = [1, 1]} : vector<16000x32xf32> to vector<32x32xf32>
    %concatenate3A_831 = tpu.concatenate %slice3A_827, %slice3A_828, %slice3A_829, %slice3A_830 in 1 : vector<32x32xf32>, vector<32x32xf32>, vector<32x32xf32>, vector<32x32xf32> -> vector<32x128xf32>
    %swap3A_832 = arith.constant 3296 : index
    %swap3A_833 = arith.constant 0 : index
    %swap3A_834 = vector.load %arg3[%swap3A_832, %swap3A_833] : memref<4000x128xf32, #tpu.memory_space<vmem>>, vector<32x128xf32>
    tpu.vector_store %arg3[%swap3A_832, %swap3A_833], %concatenate3A_831 {strides = array<i32>} : memref<4000x128xf32, #tpu.memory_space<vmem>>, vector<32x128xf32>,
    %slice3A_835 = vector.extract_strided_slice %dot_general3A_5 {offsets = [13312, 0], sizes = [32, 32], strides = [1, 1]} : vector<16000x32xf32> to vector<32x32xf32>
    %slice3A_836 = vector.extract_strided_slice %dot_general3A_5 {offsets = [13344, 0], sizes = [32, 32], strides = [1, 1]} : vector<16000x32xf32> to vector<32x32xf32>
    %slice3A_837 = vector.extract_strided_slice %dot_general3A_5 {offsets = [13376, 0], sizes = [32, 32], strides = [1, 1]} : vector<16000x32xf32> to vector<32x32xf32>
    %slice3A_838 = vector.extract_strided_slice %dot_general3A_5 {offsets = [13408, 0], sizes = [32, 32], strides = [1, 1]} : vector<16000x32xf32> to vector<32x32xf32>
    %concatenate3A_839 = tpu.concatenate %slice3A_835, %slice3A_836, %slice3A_837, %slice3A_838 in 1 : vector<32x32xf32>, vector<32x32xf32>, vector<32x32xf32>, vector<32x32xf32> -> vector<32x128xf32>
    %swap3A_840 = arith.constant 3328 : index
    %swap3A_841 = arith.constant 0 : index
    %swap3A_842 = vector.load %arg3[%swap3A_840, %swap3A_841] : memref<4000x128xf32, #tpu.memory_space<vmem>>, vector<32x128xf32>
    tpu.vector_store %arg3[%swap3A_840, %swap3A_841], %concatenate3A_839 {strides = array<i32>} : memref<4000x128xf32, #tpu.memory_space<vmem>>, vector<32x128xf32>,
    %slice3A_843 = vector.extract_strided_slice %dot_general3A_5 {offsets = [13440, 0], sizes = [32, 32], strides = [1, 1]} : vector<16000x32xf32> to vector<32x32xf32>
    %slice3A_844 = vector.extract_strided_slice %dot_general3A_5 {offsets = [13472, 0], sizes = [32, 32], strides = [1, 1]} : vector<16000x32xf32> to vector<32x32xf32>
    %slice3A_845 = vector.extract_strided_slice %dot_general3A_5 {offsets = [13504, 0], sizes = [32, 32], strides = [1, 1]} : vector<16000x32xf32> to vector<32x32xf32>
    %slice3A_846 = vector.extract_strided_slice %dot_general3A_5 {offsets = [13536, 0], sizes = [32, 32], strides = [1, 1]} : vector<16000x32xf32> to vector<32x32xf32>
    %concatenate3A_847 = tpu.concatenate %slice3A_843, %slice3A_844, %slice3A_845, %slice3A_846 in 1 : vector<32x32xf32>, vector<32x32xf32>, vector<32x32xf32>, vector<32x32xf32> -> vector<32x128xf32>
    %swap3A_848 = arith.constant 3360 : index
    %swap3A_849 = arith.constant 0 : index
    %swap3A_850 = vector.load %arg3[%swap3A_848, %swap3A_849] : memref<4000x128xf32, #tpu.memory_space<vmem>>, vector<32x128xf32>
    tpu.vector_store %arg3[%swap3A_848, %swap3A_849], %concatenate3A_847 {strides = array<i32>} : memref<4000x128xf32, #tpu.memory_space<vmem>>, vector<32x128xf32>,
    %slice3A_851 = vector.extract_strided_slice %dot_general3A_5 {offsets = [13568, 0], sizes = [32, 32], strides = [1, 1]} : vector<16000x32xf32> to vector<32x32xf32>
    %slice3A_852 = vector.extract_strided_slice %dot_general3A_5 {offsets = [13600, 0], sizes = [32, 32], strides = [1, 1]} : vector<16000x32xf32> to vector<32x32xf32>
    %slice3A_853 = vector.extract_strided_slice %dot_general3A_5 {offsets = [13632, 0], sizes = [32, 32], strides = [1, 1]} : vector<16000x32xf32> to vector<32x32xf32>
    %slice3A_854 = vector.extract_strided_slice %dot_general3A_5 {offsets = [13664, 0], sizes = [32, 32], strides = [1, 1]} : vector<16000x32xf32> to vector<32x32xf32>
    %concatenate3A_855 = tpu.concatenate %slice3A_851, %slice3A_852, %slice3A_853, %slice3A_854 in 1 : vector<32x32xf32>, vector<32x32xf32>, vector<32x32xf32>, vector<32x32xf32> -> vector<32x128xf32>
    %swap3A_856 = arith.constant 3392 : index
    %swap3A_857 = arith.constant 0 : index
    %swap3A_858 = vector.load %arg3[%swap3A_856, %swap3A_857] : memref<4000x128xf32, #tpu.memory_space<vmem>>, vector<32x128xf32>
    tpu.vector_store %arg3[%swap3A_856, %swap3A_857], %concatenate3A_855 {strides = array<i32>} : memref<4000x128xf32, #tpu.memory_space<vmem>>, vector<32x128xf32>,
    %slice3A_859 = vector.extract_strided_slice %dot_general3A_5 {offsets = [13696, 0], sizes = [32, 32], strides = [1, 1]} : vector<16000x32xf32> to vector<32x32xf32>
    %slice3A_860 = vector.extract_strided_slice %dot_general3A_5 {offsets = [13728, 0], sizes = [32, 32], strides = [1, 1]} : vector<16000x32xf32> to vector<32x32xf32>
    %slice3A_861 = vector.extract_strided_slice %dot_general3A_5 {offsets = [13760, 0], sizes = [32, 32], strides = [1, 1]} : vector<16000x32xf32> to vector<32x32xf32>
    %slice3A_862 = vector.extract_strided_slice %dot_general3A_5 {offsets = [13792, 0], sizes = [32, 32], strides = [1, 1]} : vector<16000x32xf32> to vector<32x32xf32>
    %concatenate3A_863 = tpu.concatenate %slice3A_859, %slice3A_860, %slice3A_861, %slice3A_862 in 1 : vector<32x32xf32>, vector<32x32xf32>, vector<32x32xf32>, vector<32x32xf32> -> vector<32x128xf32>
    %swap3A_864 = arith.constant 3424 : index
    %swap3A_865 = arith.constant 0 : index
    %swap3A_866 = vector.load %arg3[%swap3A_864, %swap3A_865] : memref<4000x128xf32, #tpu.memory_space<vmem>>, vector<32x128xf32>
    tpu.vector_store %arg3[%swap3A_864, %swap3A_865], %concatenate3A_863 {strides = array<i32>} : memref<4000x128xf32, #tpu.memory_space<vmem>>, vector<32x128xf32>,
    %slice3A_867 = vector.extract_strided_slice %dot_general3A_5 {offsets = [13824, 0], sizes = [32, 32], strides = [1, 1]} : vector<16000x32xf32> to vector<32x32xf32>
    %slice3A_868 = vector.extract_strided_slice %dot_general3A_5 {offsets = [13856, 0], sizes = [32, 32], strides = [1, 1]} : vector<16000x32xf32> to vector<32x32xf32>
    %slice3A_869 = vector.extract_strided_slice %dot_general3A_5 {offsets = [13888, 0], sizes = [32, 32], strides = [1, 1]} : vector<16000x32xf32> to vector<32x32xf32>
    %slice3A_870 = vector.extract_strided_slice %dot_general3A_5 {offsets = [13920, 0], sizes = [32, 32], strides = [1, 1]} : vector<16000x32xf32> to vector<32x32xf32>
    %concatenate3A_871 = tpu.concatenate %slice3A_867, %slice3A_868, %slice3A_869, %slice3A_870 in 1 : vector<32x32xf32>, vector<32x32xf32>, vector<32x32xf32>, vector<32x32xf32> -> vector<32x128xf32>
    %swap3A_872 = arith.constant 3456 : index
    %swap3A_873 = arith.constant 0 : index
    %swap3A_874 = vector.load %arg3[%swap3A_872, %swap3A_873] : memref<4000x128xf32, #tpu.memory_space<vmem>>, vector<32x128xf32>
    tpu.vector_store %arg3[%swap3A_872, %swap3A_873], %concatenate3A_871 {strides = array<i32>} : memref<4000x128xf32, #tpu.memory_space<vmem>>, vector<32x128xf32>,
    %slice3A_875 = vector.extract_strided_slice %dot_general3A_5 {offsets = [13952, 0], sizes = [32, 32], strides = [1, 1]} : vector<16000x32xf32> to vector<32x32xf32>
    %slice3A_876 = vector.extract_strided_slice %dot_general3A_5 {offsets = [13984, 0], sizes = [32, 32], strides = [1, 1]} : vector<16000x32xf32> to vector<32x32xf32>
    %slice3A_877 = vector.extract_strided_slice %dot_general3A_5 {offsets = [14016, 0], sizes = [32, 32], strides = [1, 1]} : vector<16000x32xf32> to vector<32x32xf32>
    %slice3A_878 = vector.extract_strided_slice %dot_general3A_5 {offsets = [14048, 0], sizes = [32, 32], strides = [1, 1]} : vector<16000x32xf32> to vector<32x32xf32>
    %concatenate3A_879 = tpu.concatenate %slice3A_875, %slice3A_876, %slice3A_877, %slice3A_878 in 1 : vector<32x32xf32>, vector<32x32xf32>, vector<32x32xf32>, vector<32x32xf32> -> vector<32x128xf32>
    %swap3A_880 = arith.constant 3488 : index
    %swap3A_881 = arith.constant 0 : index
    %swap3A_882 = vector.load %arg3[%swap3A_880, %swap3A_881] : memref<4000x128xf32, #tpu.memory_space<vmem>>, vector<32x128xf32>
    tpu.vector_store %arg3[%swap3A_880, %swap3A_881], %concatenate3A_879 {strides = array<i32>} : memref<4000x128xf32, #tpu.memory_space<vmem>>, vector<32x128xf32>,
    %slice3A_883 = vector.extract_strided_slice %dot_general3A_5 {offsets = [14080, 0], sizes = [32, 32], strides = [1, 1]} : vector<16000x32xf32> to vector<32x32xf32>
    %slice3A_884 = vector.extract_strided_slice %dot_general3A_5 {offsets = [14112, 0], sizes = [32, 32], strides = [1, 1]} : vector<16000x32xf32> to vector<32x32xf32>
    %slice3A_885 = vector.extract_strided_slice %dot_general3A_5 {offsets = [14144, 0], sizes = [32, 32], strides = [1, 1]} : vector<16000x32xf32> to vector<32x32xf32>
    %slice3A_886 = vector.extract_strided_slice %dot_general3A_5 {offsets = [14176, 0], sizes = [32, 32], strides = [1, 1]} : vector<16000x32xf32> to vector<32x32xf32>
    %concatenate3A_887 = tpu.concatenate %slice3A_883, %slice3A_884, %slice3A_885, %slice3A_886 in 1 : vector<32x32xf32>, vector<32x32xf32>, vector<32x32xf32>, vector<32x32xf32> -> vector<32x128xf32>
    %swap3A_888 = arith.constant 3520 : index
    %swap3A_889 = arith.constant 0 : index
    %swap3A_890 = vector.load %arg3[%swap3A_888, %swap3A_889] : memref<4000x128xf32, #tpu.memory_space<vmem>>, vector<32x128xf32>
    tpu.vector_store %arg3[%swap3A_888, %swap3A_889], %concatenate3A_887 {strides = array<i32>} : memref<4000x128xf32, #tpu.memory_space<vmem>>, vector<32x128xf32>,
    %slice3A_891 = vector.extract_strided_slice %dot_general3A_5 {offsets = [14208, 0], sizes = [32, 32], strides = [1, 1]} : vector<16000x32xf32> to vector<32x32xf32>
    %slice3A_892 = vector.extract_strided_slice %dot_general3A_5 {offsets = [14240, 0], sizes = [32, 32], strides = [1, 1]} : vector<16000x32xf32> to vector<32x32xf32>
    %slice3A_893 = vector.extract_strided_slice %dot_general3A_5 {offsets = [14272, 0], sizes = [32, 32], strides = [1, 1]} : vector<16000x32xf32> to vector<32x32xf32>
    %slice3A_894 = vector.extract_strided_slice %dot_general3A_5 {offsets = [14304, 0], sizes = [32, 32], strides = [1, 1]} : vector<16000x32xf32> to vector<32x32xf32>
    %concatenate3A_895 = tpu.concatenate %slice3A_891, %slice3A_892, %slice3A_893, %slice3A_894 in 1 : vector<32x32xf32>, vector<32x32xf32>, vector<32x32xf32>, vector<32x32xf32> -> vector<32x128xf32>
    %swap3A_896 = arith.constant 3552 : index
    %swap3A_897 = arith.constant 0 : index
    %swap3A_898 = vector.load %arg3[%swap3A_896, %swap3A_897] : memref<4000x128xf32, #tpu.memory_space<vmem>>, vector<32x128xf32>
    tpu.vector_store %arg3[%swap3A_896, %swap3A_897], %concatenate3A_895 {strides = array<i32>} : memref<4000x128xf32, #tpu.memory_space<vmem>>, vector<32x128xf32>,
    %slice3A_899 = vector.extract_strided_slice %dot_general3A_5 {offsets = [14336, 0], sizes = [32, 32], strides = [1, 1]} : vector<16000x32xf32> to vector<32x32xf32>
    %slice3A_900 = vector.extract_strided_slice %dot_general3A_5 {offsets = [14368, 0], sizes = [32, 32], strides = [1, 1]} : vector<16000x32xf32> to vector<32x32xf32>
    %slice3A_901 = vector.extract_strided_slice %dot_general3A_5 {offsets = [14400, 0], sizes = [32, 32], strides = [1, 1]} : vector<16000x32xf32> to vector<32x32xf32>
    %slice3A_902 = vector.extract_strided_slice %dot_general3A_5 {offsets = [14432, 0], sizes = [32, 32], strides = [1, 1]} : vector<16000x32xf32> to vector<32x32xf32>
    %concatenate3A_903 = tpu.concatenate %slice3A_899, %slice3A_900, %slice3A_901, %slice3A_902 in 1 : vector<32x32xf32>, vector<32x32xf32>, vector<32x32xf32>, vector<32x32xf32> -> vector<32x128xf32>
    %swap3A_904 = arith.constant 3584 : index
    %swap3A_905 = arith.constant 0 : index
    %swap3A_906 = vector.load %arg3[%swap3A_904, %swap3A_905] : memref<4000x128xf32, #tpu.memory_space<vmem>>, vector<32x128xf32>
    tpu.vector_store %arg3[%swap3A_904, %swap3A_905], %concatenate3A_903 {strides = array<i32>} : memref<4000x128xf32, #tpu.memory_space<vmem>>, vector<32x128xf32>,
    %slice3A_907 = vector.extract_strided_slice %dot_general3A_5 {offsets = [14464, 0], sizes = [32, 32], strides = [1, 1]} : vector<16000x32xf32> to vector<32x32xf32>
    %slice3A_908 = vector.extract_strided_slice %dot_general3A_5 {offsets = [14496, 0], sizes = [32, 32], strides = [1, 1]} : vector<16000x32xf32> to vector<32x32xf32>
    %slice3A_909 = vector.extract_strided_slice %dot_general3A_5 {offsets = [14528, 0], sizes = [32, 32], strides = [1, 1]} : vector<16000x32xf32> to vector<32x32xf32>
    %slice3A_910 = vector.extract_strided_slice %dot_general3A_5 {offsets = [14560, 0], sizes = [32, 32], strides = [1, 1]} : vector<16000x32xf32> to vector<32x32xf32>
    %concatenate3A_911 = tpu.concatenate %slice3A_907, %slice3A_908, %slice3A_909, %slice3A_910 in 1 : vector<32x32xf32>, vector<32x32xf32>, vector<32x32xf32>, vector<32x32xf32> -> vector<32x128xf32>
    %swap3A_912 = arith.constant 3616 : index
    %swap3A_913 = arith.constant 0 : index
    %swap3A_914 = vector.load %arg3[%swap3A_912, %swap3A_913] : memref<4000x128xf32, #tpu.memory_space<vmem>>, vector<32x128xf32>
    tpu.vector_store %arg3[%swap3A_912, %swap3A_913], %concatenate3A_911 {strides = array<i32>} : memref<4000x128xf32, #tpu.memory_space<vmem>>, vector<32x128xf32>,
    %slice3A_915 = vector.extract_strided_slice %dot_general3A_5 {offsets = [14592, 0], sizes = [32, 32], strides = [1, 1]} : vector<16000x32xf32> to vector<32x32xf32>
    %slice3A_916 = vector.extract_strided_slice %dot_general3A_5 {offsets = [14624, 0], sizes = [32, 32], strides = [1, 1]} : vector<16000x32xf32> to vector<32x32xf32>
    %slice3A_917 = vector.extract_strided_slice %dot_general3A_5 {offsets = [14656, 0], sizes = [32, 32], strides = [1, 1]} : vector<16000x32xf32> to vector<32x32xf32>
    %slice3A_918 = vector.extract_strided_slice %dot_general3A_5 {offsets = [14688, 0], sizes = [32, 32], strides = [1, 1]} : vector<16000x32xf32> to vector<32x32xf32>
    %concatenate3A_919 = tpu.concatenate %slice3A_915, %slice3A_916, %slice3A_917, %slice3A_918 in 1 : vector<32x32xf32>, vector<32x32xf32>, vector<32x32xf32>, vector<32x32xf32> -> vector<32x128xf32>
    %swap3A_920 = arith.constant 3648 : index
    %swap3A_921 = arith.constant 0 : index
    %swap3A_922 = vector.load %arg3[%swap3A_920, %swap3A_921] : memref<4000x128xf32, #tpu.memory_space<vmem>>, vector<32x128xf32>
    tpu.vector_store %arg3[%swap3A_920, %swap3A_921], %concatenate3A_919 {strides = array<i32>} : memref<4000x128xf32, #tpu.memory_space<vmem>>, vector<32x128xf32>,
    %slice3A_923 = vector.extract_strided_slice %dot_general3A_5 {offsets = [14720, 0], sizes = [32, 32], strides = [1, 1]} : vector<16000x32xf32> to vector<32x32xf32>
    %slice3A_924 = vector.extract_strided_slice %dot_general3A_5 {offsets = [14752, 0], sizes = [32, 32], strides = [1, 1]} : vector<16000x32xf32> to vector<32x32xf32>
    %slice3A_925 = vector.extract_strided_slice %dot_general3A_5 {offsets = [14784, 0], sizes = [32, 32], strides = [1, 1]} : vector<16000x32xf32> to vector<32x32xf32>
    %slice3A_926 = vector.extract_strided_slice %dot_general3A_5 {offsets = [14816, 0], sizes = [32, 32], strides = [1, 1]} : vector<16000x32xf32> to vector<32x32xf32>
    %concatenate3A_927 = tpu.concatenate %slice3A_923, %slice3A_924, %slice3A_925, %slice3A_926 in 1 : vector<32x32xf32>, vector<32x32xf32>, vector<32x32xf32>, vector<32x32xf32> -> vector<32x128xf32>
    %swap3A_928 = arith.constant 3680 : index
    %swap3A_929 = arith.constant 0 : index
    %swap3A_930 = vector.load %arg3[%swap3A_928, %swap3A_929] : memref<4000x128xf32, #tpu.memory_space<vmem>>, vector<32x128xf32>
    tpu.vector_store %arg3[%swap3A_928, %swap3A_929], %concatenate3A_927 {strides = array<i32>} : memref<4000x128xf32, #tpu.memory_space<vmem>>, vector<32x128xf32>,
    %slice3A_931 = vector.extract_strided_slice %dot_general3A_5 {offsets = [14848, 0], sizes = [32, 32], strides = [1, 1]} : vector<16000x32xf32> to vector<32x32xf32>
    %slice3A_932 = vector.extract_strided_slice %dot_general3A_5 {offsets = [14880, 0], sizes = [32, 32], strides = [1, 1]} : vector<16000x32xf32> to vector<32x32xf32>
    %slice3A_933 = vector.extract_strided_slice %dot_general3A_5 {offsets = [14912, 0], sizes = [32, 32], strides = [1, 1]} : vector<16000x32xf32> to vector<32x32xf32>
    %slice3A_934 = vector.extract_strided_slice %dot_general3A_5 {offsets = [14944, 0], sizes = [32, 32], strides = [1, 1]} : vector<16000x32xf32> to vector<32x32xf32>
    %concatenate3A_935 = tpu.concatenate %slice3A_931, %slice3A_932, %slice3A_933, %slice3A_934 in 1 : vector<32x32xf32>, vector<32x32xf32>, vector<32x32xf32>, vector<32x32xf32> -> vector<32x128xf32>
    %swap3A_936 = arith.constant 3712 : index
    %swap3A_937 = arith.constant 0 : index
    %swap3A_938 = vector.load %arg3[%swap3A_936, %swap3A_937] : memref<4000x128xf32, #tpu.memory_space<vmem>>, vector<32x128xf32>
    tpu.vector_store %arg3[%swap3A_936, %swap3A_937], %concatenate3A_935 {strides = array<i32>} : memref<4000x128xf32, #tpu.memory_space<vmem>>, vector<32x128xf32>,
    %slice3A_939 = vector.extract_strided_slice %dot_general3A_5 {offsets = [14976, 0], sizes = [32, 32], strides = [1, 1]} : vector<16000x32xf32> to vector<32x32xf32>
    %slice3A_940 = vector.extract_strided_slice %dot_general3A_5 {offsets = [15008, 0], sizes = [32, 32], strides = [1, 1]} : vector<16000x32xf32> to vector<32x32xf32>
    %slice3A_941 = vector.extract_strided_slice %dot_general3A_5 {offsets = [15040, 0], sizes = [32, 32], strides = [1, 1]} : vector<16000x32xf32> to vector<32x32xf32>
    %slice3A_942 = vector.extract_strided_slice %dot_general3A_5 {offsets = [15072, 0], sizes = [32, 32], strides = [1, 1]} : vector<16000x32xf32> to vector<32x32xf32>
    %concatenate3A_943 = tpu.concatenate %slice3A_939, %slice3A_940, %slice3A_941, %slice3A_942 in 1 : vector<32x32xf32>, vector<32x32xf32>, vector<32x32xf32>, vector<32x32xf32> -> vector<32x128xf32>
    %swap3A_944 = arith.constant 3744 : index
    %swap3A_945 = arith.constant 0 : index
    %swap3A_946 = vector.load %arg3[%swap3A_944, %swap3A_945] : memref<4000x128xf32, #tpu.memory_space<vmem>>, vector<32x128xf32>
    tpu.vector_store %arg3[%swap3A_944, %swap3A_945], %concatenate3A_943 {strides = array<i32>} : memref<4000x128xf32, #tpu.memory_space<vmem>>, vector<32x128xf32>,
    %slice3A_947 = vector.extract_strided_slice %dot_general3A_5 {offsets = [15104, 0], sizes = [32, 32], strides = [1, 1]} : vector<16000x32xf32> to vector<32x32xf32>
    %slice3A_948 = vector.extract_strided_slice %dot_general3A_5 {offsets = [15136, 0], sizes = [32, 32], strides = [1, 1]} : vector<16000x32xf32> to vector<32x32xf32>
    %slice3A_949 = vector.extract_strided_slice %dot_general3A_5 {offsets = [15168, 0], sizes = [32, 32], strides = [1, 1]} : vector<16000x32xf32> to vector<32x32xf32>
    %slice3A_950 = vector.extract_strided_slice %dot_general3A_5 {offsets = [15200, 0], sizes = [32, 32], strides = [1, 1]} : vector<16000x32xf32> to vector<32x32xf32>
    %concatenate3A_951 = tpu.concatenate %slice3A_947, %slice3A_948, %slice3A_949, %slice3A_950 in 1 : vector<32x32xf32>, vector<32x32xf32>, vector<32x32xf32>, vector<32x32xf32> -> vector<32x128xf32>
    %swap3A_952 = arith.constant 3776 : index
    %swap3A_953 = arith.constant 0 : index
    %swap3A_954 = vector.load %arg3[%swap3A_952, %swap3A_953] : memref<4000x128xf32, #tpu.memory_space<vmem>>, vector<32x128xf32>
    tpu.vector_store %arg3[%swap3A_952, %swap3A_953], %concatenate3A_951 {strides = array<i32>} : memref<4000x128xf32, #tpu.memory_space<vmem>>, vector<32x128xf32>,
    %slice3A_955 = vector.extract_strided_slice %dot_general3A_5 {offsets = [15232, 0], sizes = [32, 32], strides = [1, 1]} : vector<16000x32xf32> to vector<32x32xf32>
    %slice3A_956 = vector.extract_strided_slice %dot_general3A_5 {offsets = [15264, 0], sizes = [32, 32], strides = [1, 1]} : vector<16000x32xf32> to vector<32x32xf32>
    %slice3A_957 = vector.extract_strided_slice %dot_general3A_5 {offsets = [15296, 0], sizes = [32, 32], strides = [1, 1]} : vector<16000x32xf32> to vector<32x32xf32>
    %slice3A_958 = vector.extract_strided_slice %dot_general3A_5 {offsets = [15328, 0], sizes = [32, 32], strides = [1, 1]} : vector<16000x32xf32> to vector<32x32xf32>
    %concatenate3A_959 = tpu.concatenate %slice3A_955, %slice3A_956, %slice3A_957, %slice3A_958 in 1 : vector<32x32xf32>, vector<32x32xf32>, vector<32x32xf32>, vector<32x32xf32> -> vector<32x128xf32>
    %swap3A_960 = arith.constant 3808 : index
    %swap3A_961 = arith.constant 0 : index
    %swap3A_962 = vector.load %arg3[%swap3A_960, %swap3A_961] : memref<4000x128xf32, #tpu.memory_space<vmem>>, vector<32x128xf32>
    tpu.vector_store %arg3[%swap3A_960, %swap3A_961], %concatenate3A_959 {strides = array<i32>} : memref<4000x128xf32, #tpu.memory_space<vmem>>, vector<32x128xf32>,
    %slice3A_963 = vector.extract_strided_slice %dot_general3A_5 {offsets = [15360, 0], sizes = [32, 32], strides = [1, 1]} : vector<16000x32xf32> to vector<32x32xf32>
    %slice3A_964 = vector.extract_strided_slice %dot_general3A_5 {offsets = [15392, 0], sizes = [32, 32], strides = [1, 1]} : vector<16000x32xf32> to vector<32x32xf32>
    %slice3A_965 = vector.extract_strided_slice %dot_general3A_5 {offsets = [15424, 0], sizes = [32, 32], strides = [1, 1]} : vector<16000x32xf32> to vector<32x32xf32>
    %slice3A_966 = vector.extract_strided_slice %dot_general3A_5 {offsets = [15456, 0], sizes = [32, 32], strides = [1, 1]} : vector<16000x32xf32> to vector<32x32xf32>
    %concatenate3A_967 = tpu.concatenate %slice3A_963, %slice3A_964, %slice3A_965, %slice3A_966 in 1 : vector<32x32xf32>, vector<32x32xf32>, vector<32x32xf32>, vector<32x32xf32> -> vector<32x128xf32>
    %swap3A_968 = arith.constant 3840 : index
    %swap3A_969 = arith.constant 0 : index
    %swap3A_970 = vector.load %arg3[%swap3A_968, %swap3A_969] : memref<4000x128xf32, #tpu.memory_space<vmem>>, vector<32x128xf32>
    tpu.vector_store %arg3[%swap3A_968, %swap3A_969], %concatenate3A_967 {strides = array<i32>} : memref<4000x128xf32, #tpu.memory_space<vmem>>, vector<32x128xf32>,
    %slice3A_971 = vector.extract_strided_slice %dot_general3A_5 {offsets = [15488, 0], sizes = [32, 32], strides = [1, 1]} : vector<16000x32xf32> to vector<32x32xf32>
    %slice3A_972 = vector.extract_strided_slice %dot_general3A_5 {offsets = [15520, 0], sizes = [32, 32], strides = [1, 1]} : vector<16000x32xf32> to vector<32x32xf32>
    %slice3A_973 = vector.extract_strided_slice %dot_general3A_5 {offsets = [15552, 0], sizes = [32, 32], strides = [1, 1]} : vector<16000x32xf32> to vector<32x32xf32>
    %slice3A_974 = vector.extract_strided_slice %dot_general3A_5 {offsets = [15584, 0], sizes = [32, 32], strides = [1, 1]} : vector<16000x32xf32> to vector<32x32xf32>
    %concatenate3A_975 = tpu.concatenate %slice3A_971, %slice3A_972, %slice3A_973, %slice3A_974 in 1 : vector<32x32xf32>, vector<32x32xf32>, vector<32x32xf32>, vector<32x32xf32> -> vector<32x128xf32>
    %swap3A_976 = arith.constant 3872 : index
    %swap3A_977 = arith.constant 0 : index
    %swap3A_978 = vector.load %arg3[%swap3A_976, %swap3A_977] : memref<4000x128xf32, #tpu.memory_space<vmem>>, vector<32x128xf32>
    tpu.vector_store %arg3[%swap3A_976, %swap3A_977], %concatenate3A_975 {strides = array<i32>} : memref<4000x128xf32, #tpu.memory_space<vmem>>, vector<32x128xf32>,
    %slice3A_979 = vector.extract_strided_slice %dot_general3A_5 {offsets = [15616, 0], sizes = [32, 32], strides = [1, 1]} : vector<16000x32xf32> to vector<32x32xf32>
    %slice3A_980 = vector.extract_strided_slice %dot_general3A_5 {offsets = [15648, 0], sizes = [32, 32], strides = [1, 1]} : vector<16000x32xf32> to vector<32x32xf32>
    %slice3A_981 = vector.extract_strided_slice %dot_general3A_5 {offsets = [15680, 0], sizes = [32, 32], strides = [1, 1]} : vector<16000x32xf32> to vector<32x32xf32>
    %slice3A_982 = vector.extract_strided_slice %dot_general3A_5 {offsets = [15712, 0], sizes = [32, 32], strides = [1, 1]} : vector<16000x32xf32> to vector<32x32xf32>
    %concatenate3A_983 = tpu.concatenate %slice3A_979, %slice3A_980, %slice3A_981, %slice3A_982 in 1 : vector<32x32xf32>, vector<32x32xf32>, vector<32x32xf32>, vector<32x32xf32> -> vector<32x128xf32>
    %swap3A_984 = arith.constant 3904 : index
    %swap3A_985 = arith.constant 0 : index
    %swap3A_986 = vector.load %arg3[%swap3A_984, %swap3A_985] : memref<4000x128xf32, #tpu.memory_space<vmem>>, vector<32x128xf32>
    tpu.vector_store %arg3[%swap3A_984, %swap3A_985], %concatenate3A_983 {strides = array<i32>} : memref<4000x128xf32, #tpu.memory_space<vmem>>, vector<32x128xf32>,
    %slice3A_987 = vector.extract_strided_slice %dot_general3A_5 {offsets = [15744, 0], sizes = [32, 32], strides = [1, 1]} : vector<16000x32xf32> to vector<32x32xf32>
    %slice3A_988 = vector.extract_strided_slice %dot_general3A_5 {offsets = [15776, 0], sizes = [32, 32], strides = [1, 1]} : vector<16000x32xf32> to vector<32x32xf32>
    %slice3A_989 = vector.extract_strided_slice %dot_general3A_5 {offsets = [15808, 0], sizes = [32, 32], strides = [1, 1]} : vector<16000x32xf32> to vector<32x32xf32>
    %slice3A_990 = vector.extract_strided_slice %dot_general3A_5 {offsets = [15840, 0], sizes = [32, 32], strides = [1, 1]} : vector<16000x32xf32> to vector<32x32xf32>
    %concatenate3A_991 = tpu.concatenate %slice3A_987, %slice3A_988, %slice3A_989, %slice3A_990 in 1 : vector<32x32xf32>, vector<32x32xf32>, vector<32x32xf32>, vector<32x32xf32> -> vector<32x128xf32>
    %swap3A_992 = arith.constant 3936 : index
    %swap3A_993 = arith.constant 0 : index
    %swap3A_994 = vector.load %arg3[%swap3A_992, %swap3A_993] : memref<4000x128xf32, #tpu.memory_space<vmem>>, vector<32x128xf32>
    tpu.vector_store %arg3[%swap3A_992, %swap3A_993], %concatenate3A_991 {strides = array<i32>} : memref<4000x128xf32, #tpu.memory_space<vmem>>, vector<32x128xf32>,
    %slice3A_995 = vector.extract_strided_slice %dot_general3A_5 {offsets = [15872, 0], sizes = [32, 32], strides = [1, 1]} : vector<16000x32xf32> to vector<32x32xf32>
    %slice3A_996 = vector.extract_strided_slice %dot_general3A_5 {offsets = [15904, 0], sizes = [32, 32], strides = [1, 1]} : vector<16000x32xf32> to vector<32x32xf32>
    %slice3A_997 = vector.extract_strided_slice %dot_general3A_5 {offsets = [15936, 0], sizes = [32, 32], strides = [1, 1]} : vector<16000x32xf32> to vector<32x32xf32>
    %slice3A_998 = vector.extract_strided_slice %dot_general3A_5 {offsets = [15968, 0], sizes = [32, 32], strides = [1, 1]} : vector<16000x32xf32> to vector<32x32xf32>
    %concatenate3A_999 = tpu.concatenate %slice3A_995, %slice3A_996, %slice3A_997, %slice3A_998 in 1 : vector<32x32xf32>, vector<32x32xf32>, vector<32x32xf32>, vector<32x32xf32> -> vector<32x128xf32>
    %swap3A_1000 = arith.constant 3968 : index
    %swap3A_1001 = arith.constant 0 : index
    %swap3A_1002 = vector.load %arg3[%swap3A_1000, %swap3A_1001] : memref<4000x128xf32, #tpu.memory_space<vmem>>, vector<32x128xf32>
    tpu.vector_store %arg3[%swap3A_1000, %swap3A_1001], %concatenate3A_999 {strides = array<i32>} : memref<4000x128xf32, #tpu.memory_space<vmem>>, vector<32x128xf32>,
    return
  }
  func.func @transform_0(%arg0: i32) -> (i32, i32) {
    %c0_i32 = arith.constant 0 : i32
    %c0_i32_0 = arith.constant 0 : i32
    return %c0_i32, %arg0 : i32, i32
  }
  func.func @transform_1(%arg0: i32) -> (i32, i32) {
    %c0_i32 = arith.constant 0 : i32
    %c0_i32_0 = arith.constant 0 : i32
    %c0_i32_1 = arith.constant 0 : i32
    return %c0_i32, %c0_i32_0 : i32, i32
  }
  func.func @transform_2(%arg0: i32) -> (i32, i32) {
    %c0_i32 = arith.constant 0 : i32
    %c0_i32_0 = arith.constant 0 : i32
    return %arg0, %c0_i32 : i32, i32
  }
}

module attributes {stable_mosaic.version = 14 : i64} {
  func.func @mm_kernel(%arg0: i32, %arg1: memref<1024x128xf32, #tpu.memory_space<vmem>>, %arg2: memref<128x128xf32, #tpu.memory_space<vmem>>, %arg3: memref<128x128xf32, #tpu.memory_space<vmem>>, %arg4: memref<1x128xf32, #tpu.memory_space<vmem>>, %arg5: memref<512x128xf32, #tpu.memory_space<vmem>>) attributes {dimension_semantics = [#tpu.dimension_semantics<parallel>], iteration_bounds = array<i64: 100>, scalar_prefetch = 0 : i64, scratch_operands = 0 : i64, tpu.core_type = #tpu.core_type<tc>, window_params = [{transform_indices = @transform_0, window_bounds = array<i64: 1024, 128>}, {pipeline_mode = #tpu.pipeline_mode<synchronous>, transform_indices = @transform_1, window_bounds = array<i64: 128, 128>}, {pipeline_mode = #tpu.pipeline_mode<synchronous>, transform_indices = @transform_2, window_bounds = array<i64: 128, 128>}, {pipeline_mode = #tpu.pipeline_mode<synchronous>, transform_indices = @transform_3, window_bounds = array<i64: 1, 128>}, {transform_indices = @transform_4, window_bounds = array<i64: 512, 128>}]} {
    %get3A = arith.constant 0 : index
    %get3A_0 = arith.constant 0 : index
    %get3A_1 = vector.load %arg1[%get3A, %get3A_0] : memref<1024x128xf32, #tpu.memory_space<vmem>>, vector<1024x128xf32>
    %get3A_2 = arith.constant 0 : index
    %get3A_3 = arith.constant 0 : index
    %get3A_4 = vector.load %arg2[%get3A_2, %get3A_3] : memref<128x128xf32, #tpu.memory_space<vmem>>, vector<128x128xf32>
    %dot_general3A = arith.constant dense<0.000000e+00> : vector<1024x128xf32>
    %dot_general3A_5 = tpu.matmul %get3A_1, %get3A_4, %dot_general3A {dimension_numbers = #tpu.dot_dimension_numbers<[1], [0], [0], [1], [0, 0, 1, 1], [], []>, transpose_lhs_hint = false} : vector<1024x128xf32>, vector<128x128xf32>, vector<1024x128xf32> -> vector<1024x128xf32>
    %get3A_6 = arith.constant 0 : index
    %get3A_7 = arith.constant 0 : index
    %get3A_8 = vector.load %arg3[%get3A_6, %get3A_7] : memref<128x128xf32, #tpu.memory_space<vmem>>, vector<128x128xf32>
    %dot_general3A_9 = arith.constant dense<0.000000e+00> : vector<1024x128xf32>
    %dot_general3A_10 = tpu.matmul %get3A_1, %get3A_8, %dot_general3A_9 {dimension_numbers = #tpu.dot_dimension_numbers<[1], [0], [0], [1], [0, 0, 1, 1], [], []>, transpose_lhs_hint = false} : vector<1024x128xf32>, vector<128x128xf32>, vector<1024x128xf32> -> vector<1024x128xf32>
    %slice3A = vector.extract_strided_slice %dot_general3A_5 {offsets = [0, 0], sizes = [32, 128], strides = [1, 1]} : vector<1024x128xf32> to vector<32x128xf32>
    %slice3A_11 = vector.extract_strided_slice %dot_general3A_10 {offsets = [32, 0], sizes = [32, 128], strides = [1, 1]} : vector<1024x128xf32> to vector<32x128xf32>
    %add3A = arith.addf %slice3A, %slice3A_11 : vector<32x128xf32>
    %get3A_12 = arith.constant 0 : index
    %get3A_13 = arith.constant 0 : index
    %get3A_14 = vector.load %arg4[%get3A_12, %get3A_13] : memref<1x128xf32, #tpu.memory_space<vmem>>, vector<1x128xf32>
    %add3A_15 = vector.broadcast %get3A_14 : vector<1x128xf32> to vector<32x128xf32>
    %add3A_16 = arith.addf %add3A, %add3A_15 : vector<32x128xf32>
    %swap3A = arith.constant 0 : index
    %swap3A_17 = arith.constant 0 : index
    %swap3A_18 = vector.load %arg5[%swap3A, %swap3A_17] : memref<512x128xf32, #tpu.memory_space<vmem>>, vector<32x128xf32>
    tpu.vector_store %arg5[%swap3A, %swap3A_17], %add3A_16 {strides = array<i32>} : memref<512x128xf32, #tpu.memory_space<vmem>>, vector<32x128xf32>,
    %slice3A_19 = vector.extract_strided_slice %dot_general3A_5 {offsets = [64, 0], sizes = [32, 128], strides = [1, 1]} : vector<1024x128xf32> to vector<32x128xf32>
    %slice3A_20 = vector.extract_strided_slice %dot_general3A_10 {offsets = [96, 0], sizes = [32, 128], strides = [1, 1]} : vector<1024x128xf32> to vector<32x128xf32>
    %add3A_21 = arith.addf %slice3A_19, %slice3A_20 : vector<32x128xf32>
    %get3A_22 = arith.constant 0 : index
    %get3A_23 = arith.constant 0 : index
    %get3A_24 = vector.load %arg4[%get3A_22, %get3A_23] : memref<1x128xf32, #tpu.memory_space<vmem>>, vector<1x128xf32>
    %add3A_25 = vector.broadcast %get3A_24 : vector<1x128xf32> to vector<32x128xf32>
    %add3A_26 = arith.addf %add3A_21, %add3A_25 : vector<32x128xf32>
    %swap3A_27 = arith.constant 32 : index
    %swap3A_28 = arith.constant 0 : index
    %swap3A_29 = vector.load %arg5[%swap3A_27, %swap3A_28] : memref<512x128xf32, #tpu.memory_space<vmem>>, vector<32x128xf32>
    tpu.vector_store %arg5[%swap3A_27, %swap3A_28], %add3A_26 {strides = array<i32>} : memref<512x128xf32, #tpu.memory_space<vmem>>, vector<32x128xf32>,
    %slice3A_30 = vector.extract_strided_slice %dot_general3A_5 {offsets = [128, 0], sizes = [32, 128], strides = [1, 1]} : vector<1024x128xf32> to vector<32x128xf32>
    %slice3A_31 = vector.extract_strided_slice %dot_general3A_10 {offsets = [160, 0], sizes = [32, 128], strides = [1, 1]} : vector<1024x128xf32> to vector<32x128xf32>
    %add3A_32 = arith.addf %slice3A_30, %slice3A_31 : vector<32x128xf32>
    %get3A_33 = arith.constant 0 : index
    %get3A_34 = arith.constant 0 : index
    %get3A_35 = vector.load %arg4[%get3A_33, %get3A_34] : memref<1x128xf32, #tpu.memory_space<vmem>>, vector<1x128xf32>
    %add3A_36 = vector.broadcast %get3A_35 : vector<1x128xf32> to vector<32x128xf32>
    %add3A_37 = arith.addf %add3A_32, %add3A_36 : vector<32x128xf32>
    %swap3A_38 = arith.constant 64 : index
    %swap3A_39 = arith.constant 0 : index
    %swap3A_40 = vector.load %arg5[%swap3A_38, %swap3A_39] : memref<512x128xf32, #tpu.memory_space<vmem>>, vector<32x128xf32>
    tpu.vector_store %arg5[%swap3A_38, %swap3A_39], %add3A_37 {strides = array<i32>} : memref<512x128xf32, #tpu.memory_space<vmem>>, vector<32x128xf32>,
    %slice3A_41 = vector.extract_strided_slice %dot_general3A_5 {offsets = [192, 0], sizes = [32, 128], strides = [1, 1]} : vector<1024x128xf32> to vector<32x128xf32>
    %slice3A_42 = vector.extract_strided_slice %dot_general3A_10 {offsets = [224, 0], sizes = [32, 128], strides = [1, 1]} : vector<1024x128xf32> to vector<32x128xf32>
    %add3A_43 = arith.addf %slice3A_41, %slice3A_42 : vector<32x128xf32>
    %get3A_44 = arith.constant 0 : index
    %get3A_45 = arith.constant 0 : index
    %get3A_46 = vector.load %arg4[%get3A_44, %get3A_45] : memref<1x128xf32, #tpu.memory_space<vmem>>, vector<1x128xf32>
    %add3A_47 = vector.broadcast %get3A_46 : vector<1x128xf32> to vector<32x128xf32>
    %add3A_48 = arith.addf %add3A_43, %add3A_47 : vector<32x128xf32>
    %swap3A_49 = arith.constant 96 : index
    %swap3A_50 = arith.constant 0 : index
    %swap3A_51 = vector.load %arg5[%swap3A_49, %swap3A_50] : memref<512x128xf32, #tpu.memory_space<vmem>>, vector<32x128xf32>
    tpu.vector_store %arg5[%swap3A_49, %swap3A_50], %add3A_48 {strides = array<i32>} : memref<512x128xf32, #tpu.memory_space<vmem>>, vector<32x128xf32>,
    %slice3A_52 = vector.extract_strided_slice %dot_general3A_5 {offsets = [256, 0], sizes = [32, 128], strides = [1, 1]} : vector<1024x128xf32> to vector<32x128xf32>
    %slice3A_53 = vector.extract_strided_slice %dot_general3A_10 {offsets = [288, 0], sizes = [32, 128], strides = [1, 1]} : vector<1024x128xf32> to vector<32x128xf32>
    %add3A_54 = arith.addf %slice3A_52, %slice3A_53 : vector<32x128xf32>
    %get3A_55 = arith.constant 0 : index
    %get3A_56 = arith.constant 0 : index
    %get3A_57 = vector.load %arg4[%get3A_55, %get3A_56] : memref<1x128xf32, #tpu.memory_space<vmem>>, vector<1x128xf32>
    %add3A_58 = vector.broadcast %get3A_57 : vector<1x128xf32> to vector<32x128xf32>
    %add3A_59 = arith.addf %add3A_54, %add3A_58 : vector<32x128xf32>
    %swap3A_60 = arith.constant 128 : index
    %swap3A_61 = arith.constant 0 : index
    %swap3A_62 = vector.load %arg5[%swap3A_60, %swap3A_61] : memref<512x128xf32, #tpu.memory_space<vmem>>, vector<32x128xf32>
    tpu.vector_store %arg5[%swap3A_60, %swap3A_61], %add3A_59 {strides = array<i32>} : memref<512x128xf32, #tpu.memory_space<vmem>>, vector<32x128xf32>,
    %slice3A_63 = vector.extract_strided_slice %dot_general3A_5 {offsets = [320, 0], sizes = [32, 128], strides = [1, 1]} : vector<1024x128xf32> to vector<32x128xf32>
    %slice3A_64 = vector.extract_strided_slice %dot_general3A_10 {offsets = [352, 0], sizes = [32, 128], strides = [1, 1]} : vector<1024x128xf32> to vector<32x128xf32>
    %add3A_65 = arith.addf %slice3A_63, %slice3A_64 : vector<32x128xf32>
    %get3A_66 = arith.constant 0 : index
    %get3A_67 = arith.constant 0 : index
    %get3A_68 = vector.load %arg4[%get3A_66, %get3A_67] : memref<1x128xf32, #tpu.memory_space<vmem>>, vector<1x128xf32>
    %add3A_69 = vector.broadcast %get3A_68 : vector<1x128xf32> to vector<32x128xf32>
    %add3A_70 = arith.addf %add3A_65, %add3A_69 : vector<32x128xf32>
    %swap3A_71 = arith.constant 160 : index
    %swap3A_72 = arith.constant 0 : index
    %swap3A_73 = vector.load %arg5[%swap3A_71, %swap3A_72] : memref<512x128xf32, #tpu.memory_space<vmem>>, vector<32x128xf32>
    tpu.vector_store %arg5[%swap3A_71, %swap3A_72], %add3A_70 {strides = array<i32>} : memref<512x128xf32, #tpu.memory_space<vmem>>, vector<32x128xf32>,
    %slice3A_74 = vector.extract_strided_slice %dot_general3A_5 {offsets = [384, 0], sizes = [32, 128], strides = [1, 1]} : vector<1024x128xf32> to vector<32x128xf32>
    %slice3A_75 = vector.extract_strided_slice %dot_general3A_10 {offsets = [416, 0], sizes = [32, 128], strides = [1, 1]} : vector<1024x128xf32> to vector<32x128xf32>
    %add3A_76 = arith.addf %slice3A_74, %slice3A_75 : vector<32x128xf32>
    %get3A_77 = arith.constant 0 : index
    %get3A_78 = arith.constant 0 : index
    %get3A_79 = vector.load %arg4[%get3A_77, %get3A_78] : memref<1x128xf32, #tpu.memory_space<vmem>>, vector<1x128xf32>
    %add3A_80 = vector.broadcast %get3A_79 : vector<1x128xf32> to vector<32x128xf32>
    %add3A_81 = arith.addf %add3A_76, %add3A_80 : vector<32x128xf32>
    %swap3A_82 = arith.constant 192 : index
    %swap3A_83 = arith.constant 0 : index
    %swap3A_84 = vector.load %arg5[%swap3A_82, %swap3A_83] : memref<512x128xf32, #tpu.memory_space<vmem>>, vector<32x128xf32>
    tpu.vector_store %arg5[%swap3A_82, %swap3A_83], %add3A_81 {strides = array<i32>} : memref<512x128xf32, #tpu.memory_space<vmem>>, vector<32x128xf32>,
    %slice3A_85 = vector.extract_strided_slice %dot_general3A_5 {offsets = [448, 0], sizes = [32, 128], strides = [1, 1]} : vector<1024x128xf32> to vector<32x128xf32>
    %slice3A_86 = vector.extract_strided_slice %dot_general3A_10 {offsets = [480, 0], sizes = [32, 128], strides = [1, 1]} : vector<1024x128xf32> to vector<32x128xf32>
    %add3A_87 = arith.addf %slice3A_85, %slice3A_86 : vector<32x128xf32>
    %get3A_88 = arith.constant 0 : index
    %get3A_89 = arith.constant 0 : index
    %get3A_90 = vector.load %arg4[%get3A_88, %get3A_89] : memref<1x128xf32, #tpu.memory_space<vmem>>, vector<1x128xf32>
    %add3A_91 = vector.broadcast %get3A_90 : vector<1x128xf32> to vector<32x128xf32>
    %add3A_92 = arith.addf %add3A_87, %add3A_91 : vector<32x128xf32>
    %swap3A_93 = arith.constant 224 : index
    %swap3A_94 = arith.constant 0 : index
    %swap3A_95 = vector.load %arg5[%swap3A_93, %swap3A_94] : memref<512x128xf32, #tpu.memory_space<vmem>>, vector<32x128xf32>
    tpu.vector_store %arg5[%swap3A_93, %swap3A_94], %add3A_92 {strides = array<i32>} : memref<512x128xf32, #tpu.memory_space<vmem>>, vector<32x128xf32>,
    %slice3A_96 = vector.extract_strided_slice %dot_general3A_5 {offsets = [512, 0], sizes = [32, 128], strides = [1, 1]} : vector<1024x128xf32> to vector<32x128xf32>
    %slice3A_97 = vector.extract_strided_slice %dot_general3A_10 {offsets = [544, 0], sizes = [32, 128], strides = [1, 1]} : vector<1024x128xf32> to vector<32x128xf32>
    %add3A_98 = arith.addf %slice3A_96, %slice3A_97 : vector<32x128xf32>
    %get3A_99 = arith.constant 0 : index
    %get3A_100 = arith.constant 0 : index
    %get3A_101 = vector.load %arg4[%get3A_99, %get3A_100] : memref<1x128xf32, #tpu.memory_space<vmem>>, vector<1x128xf32>
    %add3A_102 = vector.broadcast %get3A_101 : vector<1x128xf32> to vector<32x128xf32>
    %add3A_103 = arith.addf %add3A_98, %add3A_102 : vector<32x128xf32>
    %swap3A_104 = arith.constant 256 : index
    %swap3A_105 = arith.constant 0 : index
    %swap3A_106 = vector.load %arg5[%swap3A_104, %swap3A_105] : memref<512x128xf32, #tpu.memory_space<vmem>>, vector<32x128xf32>
    tpu.vector_store %arg5[%swap3A_104, %swap3A_105], %add3A_103 {strides = array<i32>} : memref<512x128xf32, #tpu.memory_space<vmem>>, vector<32x128xf32>,
    %slice3A_107 = vector.extract_strided_slice %dot_general3A_5 {offsets = [576, 0], sizes = [32, 128], strides = [1, 1]} : vector<1024x128xf32> to vector<32x128xf32>
    %slice3A_108 = vector.extract_strided_slice %dot_general3A_10 {offsets = [608, 0], sizes = [32, 128], strides = [1, 1]} : vector<1024x128xf32> to vector<32x128xf32>
    %add3A_109 = arith.addf %slice3A_107, %slice3A_108 : vector<32x128xf32>
    %get3A_110 = arith.constant 0 : index
    %get3A_111 = arith.constant 0 : index
    %get3A_112 = vector.load %arg4[%get3A_110, %get3A_111] : memref<1x128xf32, #tpu.memory_space<vmem>>, vector<1x128xf32>
    %add3A_113 = vector.broadcast %get3A_112 : vector<1x128xf32> to vector<32x128xf32>
    %add3A_114 = arith.addf %add3A_109, %add3A_113 : vector<32x128xf32>
    %swap3A_115 = arith.constant 288 : index
    %swap3A_116 = arith.constant 0 : index
    %swap3A_117 = vector.load %arg5[%swap3A_115, %swap3A_116] : memref<512x128xf32, #tpu.memory_space<vmem>>, vector<32x128xf32>
    tpu.vector_store %arg5[%swap3A_115, %swap3A_116], %add3A_114 {strides = array<i32>} : memref<512x128xf32, #tpu.memory_space<vmem>>, vector<32x128xf32>,
    %slice3A_118 = vector.extract_strided_slice %dot_general3A_5 {offsets = [640, 0], sizes = [32, 128], strides = [1, 1]} : vector<1024x128xf32> to vector<32x128xf32>
    %slice3A_119 = vector.extract_strided_slice %dot_general3A_10 {offsets = [672, 0], sizes = [32, 128], strides = [1, 1]} : vector<1024x128xf32> to vector<32x128xf32>
    %add3A_120 = arith.addf %slice3A_118, %slice3A_119 : vector<32x128xf32>
    %get3A_121 = arith.constant 0 : index
    %get3A_122 = arith.constant 0 : index
    %get3A_123 = vector.load %arg4[%get3A_121, %get3A_122] : memref<1x128xf32, #tpu.memory_space<vmem>>, vector<1x128xf32>
    %add3A_124 = vector.broadcast %get3A_123 : vector<1x128xf32> to vector<32x128xf32>
    %add3A_125 = arith.addf %add3A_120, %add3A_124 : vector<32x128xf32>
    %swap3A_126 = arith.constant 320 : index
    %swap3A_127 = arith.constant 0 : index
    %swap3A_128 = vector.load %arg5[%swap3A_126, %swap3A_127] : memref<512x128xf32, #tpu.memory_space<vmem>>, vector<32x128xf32>
    tpu.vector_store %arg5[%swap3A_126, %swap3A_127], %add3A_125 {strides = array<i32>} : memref<512x128xf32, #tpu.memory_space<vmem>>, vector<32x128xf32>,
    %slice3A_129 = vector.extract_strided_slice %dot_general3A_5 {offsets = [704, 0], sizes = [32, 128], strides = [1, 1]} : vector<1024x128xf32> to vector<32x128xf32>
    %slice3A_130 = vector.extract_strided_slice %dot_general3A_10 {offsets = [736, 0], sizes = [32, 128], strides = [1, 1]} : vector<1024x128xf32> to vector<32x128xf32>
    %add3A_131 = arith.addf %slice3A_129, %slice3A_130 : vector<32x128xf32>
    %get3A_132 = arith.constant 0 : index
    %get3A_133 = arith.constant 0 : index
    %get3A_134 = vector.load %arg4[%get3A_132, %get3A_133] : memref<1x128xf32, #tpu.memory_space<vmem>>, vector<1x128xf32>
    %add3A_135 = vector.broadcast %get3A_134 : vector<1x128xf32> to vector<32x128xf32>
    %add3A_136 = arith.addf %add3A_131, %add3A_135 : vector<32x128xf32>
    %swap3A_137 = arith.constant 352 : index
    %swap3A_138 = arith.constant 0 : index
    %swap3A_139 = vector.load %arg5[%swap3A_137, %swap3A_138] : memref<512x128xf32, #tpu.memory_space<vmem>>, vector<32x128xf32>
    tpu.vector_store %arg5[%swap3A_137, %swap3A_138], %add3A_136 {strides = array<i32>} : memref<512x128xf32, #tpu.memory_space<vmem>>, vector<32x128xf32>,
    %slice3A_140 = vector.extract_strided_slice %dot_general3A_5 {offsets = [768, 0], sizes = [32, 128], strides = [1, 1]} : vector<1024x128xf32> to vector<32x128xf32>
    %slice3A_141 = vector.extract_strided_slice %dot_general3A_10 {offsets = [800, 0], sizes = [32, 128], strides = [1, 1]} : vector<1024x128xf32> to vector<32x128xf32>
    %add3A_142 = arith.addf %slice3A_140, %slice3A_141 : vector<32x128xf32>
    %get3A_143 = arith.constant 0 : index
    %get3A_144 = arith.constant 0 : index
    %get3A_145 = vector.load %arg4[%get3A_143, %get3A_144] : memref<1x128xf32, #tpu.memory_space<vmem>>, vector<1x128xf32>
    %add3A_146 = vector.broadcast %get3A_145 : vector<1x128xf32> to vector<32x128xf32>
    %add3A_147 = arith.addf %add3A_142, %add3A_146 : vector<32x128xf32>
    %swap3A_148 = arith.constant 384 : index
    %swap3A_149 = arith.constant 0 : index
    %swap3A_150 = vector.load %arg5[%swap3A_148, %swap3A_149] : memref<512x128xf32, #tpu.memory_space<vmem>>, vector<32x128xf32>
    tpu.vector_store %arg5[%swap3A_148, %swap3A_149], %add3A_147 {strides = array<i32>} : memref<512x128xf32, #tpu.memory_space<vmem>>, vector<32x128xf32>,
    %slice3A_151 = vector.extract_strided_slice %dot_general3A_5 {offsets = [832, 0], sizes = [32, 128], strides = [1, 1]} : vector<1024x128xf32> to vector<32x128xf32>
    %slice3A_152 = vector.extract_strided_slice %dot_general3A_10 {offsets = [864, 0], sizes = [32, 128], strides = [1, 1]} : vector<1024x128xf32> to vector<32x128xf32>
    %add3A_153 = arith.addf %slice3A_151, %slice3A_152 : vector<32x128xf32>
    %get3A_154 = arith.constant 0 : index
    %get3A_155 = arith.constant 0 : index
    %get3A_156 = vector.load %arg4[%get3A_154, %get3A_155] : memref<1x128xf32, #tpu.memory_space<vmem>>, vector<1x128xf32>
    %add3A_157 = vector.broadcast %get3A_156 : vector<1x128xf32> to vector<32x128xf32>
    %add3A_158 = arith.addf %add3A_153, %add3A_157 : vector<32x128xf32>
    %swap3A_159 = arith.constant 416 : index
    %swap3A_160 = arith.constant 0 : index
    %swap3A_161 = vector.load %arg5[%swap3A_159, %swap3A_160] : memref<512x128xf32, #tpu.memory_space<vmem>>, vector<32x128xf32>
    tpu.vector_store %arg5[%swap3A_159, %swap3A_160], %add3A_158 {strides = array<i32>} : memref<512x128xf32, #tpu.memory_space<vmem>>, vector<32x128xf32>,
    %slice3A_162 = vector.extract_strided_slice %dot_general3A_5 {offsets = [896, 0], sizes = [32, 128], strides = [1, 1]} : vector<1024x128xf32> to vector<32x128xf32>
    %slice3A_163 = vector.extract_strided_slice %dot_general3A_10 {offsets = [928, 0], sizes = [32, 128], strides = [1, 1]} : vector<1024x128xf32> to vector<32x128xf32>
    %add3A_164 = arith.addf %slice3A_162, %slice3A_163 : vector<32x128xf32>
    %get3A_165 = arith.constant 0 : index
    %get3A_166 = arith.constant 0 : index
    %get3A_167 = vector.load %arg4[%get3A_165, %get3A_166] : memref<1x128xf32, #tpu.memory_space<vmem>>, vector<1x128xf32>
    %add3A_168 = vector.broadcast %get3A_167 : vector<1x128xf32> to vector<32x128xf32>
    %add3A_169 = arith.addf %add3A_164, %add3A_168 : vector<32x128xf32>
    %swap3A_170 = arith.constant 448 : index
    %swap3A_171 = arith.constant 0 : index
    %swap3A_172 = vector.load %arg5[%swap3A_170, %swap3A_171] : memref<512x128xf32, #tpu.memory_space<vmem>>, vector<32x128xf32>
    tpu.vector_store %arg5[%swap3A_170, %swap3A_171], %add3A_169 {strides = array<i32>} : memref<512x128xf32, #tpu.memory_space<vmem>>, vector<32x128xf32>,
    %slice3A_173 = vector.extract_strided_slice %dot_general3A_5 {offsets = [960, 0], sizes = [32, 128], strides = [1, 1]} : vector<1024x128xf32> to vector<32x128xf32>
    %slice3A_174 = vector.extract_strided_slice %dot_general3A_10 {offsets = [992, 0], sizes = [32, 128], strides = [1, 1]} : vector<1024x128xf32> to vector<32x128xf32>
    %add3A_175 = arith.addf %slice3A_173, %slice3A_174 : vector<32x128xf32>
    %get3A_176 = arith.constant 0 : index
    %get3A_177 = arith.constant 0 : index
    %get3A_178 = vector.load %arg4[%get3A_176, %get3A_177] : memref<1x128xf32, #tpu.memory_space<vmem>>, vector<1x128xf32>
    %add3A_179 = vector.broadcast %get3A_178 : vector<1x128xf32> to vector<32x128xf32>
    %add3A_180 = arith.addf %add3A_175, %add3A_179 : vector<32x128xf32>
    %swap3A_181 = arith.constant 480 : index
    %swap3A_182 = arith.constant 0 : index
    %swap3A_183 = vector.load %arg5[%swap3A_181, %swap3A_182] : memref<512x128xf32, #tpu.memory_space<vmem>>, vector<32x128xf32>
    tpu.vector_store %arg5[%swap3A_181, %swap3A_182], %add3A_180 {strides = array<i32>} : memref<512x128xf32, #tpu.memory_space<vmem>>, vector<32x128xf32>,
    return
  }
  func.func @transform_0(%arg0: i32) -> (i32, i32) {
    %c0_i32 = arith.constant 0 : i32
    %c0_i32_0 = arith.constant 0 : i32
    return %arg0, %c0_i32 : i32, i32
  }
  func.func @transform_1(%arg0: i32) -> (i32, i32) {
    %c0_i32 = arith.constant 0 : i32
    %c0_i32_0 = arith.constant 0 : i32
    %c0_i32_1 = arith.constant 0 : i32
    return %c0_i32, %c0_i32_0 : i32, i32
  }
  func.func @transform_2(%arg0: i32) -> (i32, i32) {
    %c0_i32 = arith.constant 0 : i32
    %c0_i32_0 = arith.constant 0 : i32
    %c0_i32_1 = arith.constant 0 : i32
    return %c0_i32, %c0_i32_0 : i32, i32
  }
  func.func @transform_3(%arg0: i32) -> (i32, i32) {
    %c0_i32 = arith.constant 0 : i32
    %c0_i32_0 = arith.constant 0 : i32
    %c0_i32_1 = arith.constant 0 : i32
    return %c0_i32, %c0_i32_0 : i32, i32
  }
  func.func @transform_4(%arg0: i32) -> (i32, i32) {
    %c0_i32 = arith.constant 0 : i32
    %c0_i32_0 = arith.constant 0 : i32
    return %arg0, %c0_i32 : i32, i32
  }
}

</mosaic_0001>

<sc_bundles>
// kernel: kernel.5.cloned.1.call-start
scs
__scs_entry_jumppad:
0x0: {  	(pc) =	sbr.rel $0x88, $3  }
0x1: {  	(tag) =	ssettag $0x0;
	lr =	simm.s32 $0x1  }
0x2: {  	[smem:$0x3F9D] =	sst lr;
	_ =	strace $0xD0000000  }
0x3: {  	_ = 	snop  }
0x4: {  	_ = 	snop  }
0x5: {  	_ = 	snop  }
0x6: {  	_ = 	snop  }
0x7: {  	_ = 	snop  }
__scs_overlays_trampoline_lowered:
0x8: {  	[smem:$0x3FAC] =	sst s0  }
0x9: {  	[smem:$0x3FAD] =	sst s1  }
0xa: {  	[smem:$0x3FAE] =	sst s2  }
0xb: {  	[smem:$0x3FAF] =	sst s3  }
0xc: {  	[smem:$0x3FB0] =	sst s4  }
0xd: {  	[smem:$0x3FB1] =	sst s5  }
0xe: {  	[smem:$0x3FB2] =	sst s6  }
0xf: {  	[smem:$0x3FB3] =	sst s7  }
0x10: {  	[smem:$0x3FB4] =	sst s8  }
0x11: {  	[smem:$0x3FB5] =	sst s9;
	s0 =	simm.s32 @!p0 $0x0  }
0x12: {  	s1 =	sld [smem:$0x3F9B];
	s0 =	simm.s32 @p0 $0x1  }
0x13: {  	[smem:$0x3FB6] =	sst s0;
	s0 =	simm.s32 @!p1 $0x0  }
0x14: {  	s2 =	sld [smem:$0x3F9A];
	s0 =	simm.s32 @p1 $0x1  }
0x15: {  	[smem:$0x3FB7] =	sst s0;
	s0 =	simm.s32 @!p2 $0x0  }
0x16: {  	s3 =	sld [smem:$0x3FDB];
	s0 =	simm.s32 @p2 $0x1  }
0x17: {  	s4 =	simm.s32 $0x1BF5;
	[smem:$0x3FB9] =	sst s0  }
0x18: {  	s0 =	sld [smem:$0x3F9C];
	_ =	swait.ge [sflag:s4], $0x0  }
0x19: {  	s7 =	sld [smem:$0x3F9D]  }
0x1a: {  	s8 =	sadd.s32 $0xFFFFE003, lr  }
0x1b: {  	s9 =	sadd.s32 $0xFFFFFEF7, lr;
	s5 =	simm.s32 $0xFFFFFFFF;
	p2 =	slt.u32 s8, $0xFFFFF086  }
0x1c: {  	p1 =	slt.u32 s9, $0xF7A;
	s5 =	simm.s32 @!p2 $0x0  }
0x1d: {  	s5 =	simm.s32 @p1 $0x1;
	p0 =	seq.s32 s7, s2  }
0x1e: {  	s7 =	smul.u32 @!p0 $0xF7A, s2;
	p2 =	seq.s32 @!p0 s5, $0x0  }
0x1f: {  	s9 =	smul.u32 $0xF7A, s1;
	s8 =	simm.s32 @!p0 $0x1BF5;
	p2 =	por !p2, p0  }
0x20: {  	[sflag:s8] =	ssyncset.s32 @!p0 $0xFFFFF086;
	s6 =	sadd.s32 @!p0 s3, s7;
	s7 =	simm.s32 @!p0 $0x108  }
0x21: {  	s3 =	sadd.s32 s3, s9;
	s6 =	sadd.s32 @!p0 $0x88, s6;
	s7 =	simm.s32 @p2 $0x1082  }
0x22: {  	[simem:s7], [sflag:s8] =	dma.local @!p0 [hbm:s6], $0xF7A  }
0x23: {  	s9 =	sor.u32 $0xD0000000, s2;
	s6 =	simm.s32 $0x108;
	_ =	swait.ge @!p0 [sflag:s8], $0x0  }
0x24: {  	s3 =	sadd.s32 $0x88, s3;
	s6 =	simm.s32 @!p1 $0x1082;
	[sflag:s4] =	ssyncset.s32 $0xFFFFF086  }
0x25: {  	[simem:s6], [sflag:s4] =	dma.local [hbm:s3], $0xF7A  }
0x26: {  	[smem:$0x3F9D] =	sst s1;
	(tag) =	ssettag s2;
	_ =	strace s9  }
0x27: {  	s1 =	sld [smem:$0x3FAD]  }
0x28: {  	s2 =	sld [smem:$0x3FAE]  }
0x29: {  	s4 =	sld [smem:$0x3FB0]  }
0x2a: {  	p0 =	seq.s32 s5, $0x0;
	s5 =	sld [smem:$0x3FB1]  }
0x2b: {  	s6 =	sld [smem:$0x3FB2]  }
0x2c: {  	s7 =	sld [smem:$0x3FB3]  }
0x2d: {  	s3 =	simm.s32 $0x108;
	s8 =	sld [smem:$0x3FB4]  }
0x2e: {  	s3 =	simm.s32 @!p0 $0x1082;
	s9 =	sld [smem:$0x3FB5]  }
0x2f: {  	lr =	sadd.s32 s0, s3;
	s0 =	sld [smem:$0x3FAC]  }
0x30: {  	s3 =	sld [smem:$0x3FAF]  }
0x31: {  	[smem:$0x3FB8] =	sst s10  }
0x32: {  	s10 =	sld [smem:$0x3FB6];
	_ =	sdelay $0x3  }
0x33: {  	p0 =	seq.s32 s10, $0x1;
	s10 =	sld [smem:$0x3FB8];
	_ =	sdelay $0x3  }
0x34: {  	[smem:$0x3FB8] =	sst s10  }
0x35: {  	s10 =	sld [smem:$0x3FB7];
	_ =	sdelay $0x3  }
0x36: {  	p1 =	seq.s32 s10, $0x1;
	s10 =	sld [smem:$0x3FB8];
	_ =	sdelay $0x3  }
0x37: {  	[smem:$0x3FB8] =	sst s10  }
0x38: {  	s10 =	sld [smem:$0x3FB9]  }
0x39: {  	_ = 	snop;
	(pc) =	sbr.ind lr, $3  }
0x3a: {  	_ = 	snop  }
0x3b: {  	_ = 	snop  }
0x3c: {  	p2 =	seq.s32 s10, $0x1;
	s10 =	sld [smem:$0x3FB8]  }
0x3d: {  	_ =	shalt  }
0x3e: {  	_ =	shalt  }
0x3f: {  	_ =	shalt  }
0x40: {  	_ =	shalt  }
0x41: {  	_ =	shalt  }
0x42: {  	_ =	shalt  }
0x43: {  	_ =	shalt  }
0x44: {  	_ =	shalt  }
0x45: {  	_ =	shalt  }
0x46: {  	_ =	shalt  }
0x47: {  	_ =	shalt  }
0x48: {  	_ =	shalt  }
0x49: {  	_ =	shalt  }
0x4a: {  	_ =	shalt  }
0x4b: {  	_ =	shalt  }
0x4c: {  	_ =	shalt  }
0x4d: {  	_ =	shalt  }
0x4e: {  	_ =	shalt  }
0x4f: {  	_ =	shalt  }
0x50: {  	_ =	shalt  }
0x51: {  	_ =	shalt  }
0x52: {  	_ =	shalt  }
0x53: {  	_ =	shalt  }
0x54: {  	_ =	shalt  }
0x55: {  	_ =	shalt  }
0x56: {  	_ =	shalt  }
0x57: {  	_ =	shalt  }
0x58: {  	_ =	shalt  }
0x59: {  	_ =	shalt  }
0x5a: {  	_ =	shalt  }
0x5b: {  	_ =	shalt  }
0x5c: {  	_ =	shalt  }
0x5d: {  	_ =	shalt  }
0x5e: {  	_ =	shalt  }
0x5f: {  	_ =	shalt  }
0x60: {  	_ =	shalt  }
0x61: {  	_ =	shalt  }
0x62: {  	_ =	shalt  }
0x63: {  	_ =	shalt  }
0x64: {  	_ =	shalt  }
0x65: {  	_ =	shalt  }
0x66: {  	_ =	shalt  }
0x67: {  	_ =	shalt  }
0x68: {  	_ =	shalt  }
0x69: {  	_ =	shalt  }
0x6a: {  	_ =	shalt  }
0x6b: {  	_ =	shalt  }
0x6c: {  	_ =	shalt  }
0x6d: {  	_ =	shalt  }
0x6e: {  	_ =	shalt  }
0x6f: {  	_ =	shalt  }
0x70: {  	_ =	shalt  }
0x71: {  	_ =	shalt  }
0x72: {  	_ =	shalt  }
0x73: {  	_ =	shalt  }
0x74: {  	_ =	shalt  }
0x75: {  	_ =	shalt  }
0x76: {  	_ =	shalt  }
0x77: {  	_ =	shalt  }
0x78: {  	_ =	shalt  }
0x79: {  	_ =	shalt  }
0x7a: {  	_ =	shalt  }
0x7b: {  	_ =	shalt  }
0x7c: {  	_ =	shalt  }
0x7d: {  	_ =	shalt  }
0x7e: {  	_ =	shalt  }
0x7f: {  	_ =	shalt  }
0x80: {  	_ =	shalt  }
0x81: {  	_ =	shalt  }
0x82: {  	_ =	shalt  }
0x83: {  	_ =	shalt  }
0x84: {  	_ =	shalt  }
0x85: {  	_ =	shalt  }
0x86: {  	_ =	shalt  }
0x87: {  	_ =	shalt  }
.Lfunc_end0:
.L_simem_size_0:
called_computation_lowered:
.L_overlay_start_0:
0x88: {  	s2 =	sld [smem:$0x3FD9]  }
0x89: {  	s3 =	sld [smem:$0x3FFE];
	_ =	sdelay $0x1  }
0x8a: {  	s1 =	srdreg.scid  }
0x8b: {  	s0 =	sand.u32 $0x1, s1  }
0x8c: {  	s17 =	sshll.u32 s0, $0xA;
	s2 =	sadd.s32 s3, s2  }
0x8d: {  	s2 =	sadd.s32 s2, s17  }
0x8e: {  	[smem:$0x3FC4] =	sst s2  }
0x8f: {  	_ = 	snop  }
0x90: {  	s2 =	sld [smem:$0x3FC9];
	(tm) =	ssettm $0x1  }
0x91: {  	s18 =	sld [smem:$0x3FFB];
	_ =	sdelay $0x3  }
0x92: {  	_ =	strace s18  }
0x93: {  	s3 =	sld [smem:$0x3FFC];
	_ =	sdelay $0x3  }
0x94: {  	_ =	strace s3  }
0x95: {  	s3 =	sld [smem:$0x3FFD];
	_ =	sdelay $0x3  }
0x96: {  	_ =	strace s3  }
0x97: {  	_ =	strace $0x8FFFFFFF  }
0x98: {  	s19 =	sld [smem:$0x3FDB];
	_ =	sdelay $0x1  }
0x99: {  	s4 =	simm.s32 $_scs_section_size  }
0x9a: {  	s5 =	simm.s32 $_size__tile_overlayer_lowered;
	s6 =	simm.s32 $_tile_overlayer_lowered  }
0x9b: {  	s22 =	simm.s32 $0x1BFF;
	s21 =	sshll.u32 s6, $0x1;
	s3 =	sadd.s32 s4, s19  }
0x9c: {  	s7 =	simm.s32 $0x0;
	s20 =	sshll.u32 s5, $0x1;
	s5 =	sadd.s32 s21, s3  }
0x9d: {  	[timem:s7], [sflag:s22] =	dma.local [hbm:s5], s20  }
0x9e: {  	_ =	swait.ge [sflag:s22], s20  }
0x9f: {  	s4 =	ssub.s32 $0x0, s20;
	[sflag:s22] =	ssyncset.done $0x0  }
0xa0: {  	[sflag:s22] =	ssyncadd.s32 s4;
	_ =	sdelay $0x1  }
0xa1: {  	s23 =	simm.s32 $0x1B8B  }
0xa2: {  	_ =	swait.ge [sflag:s23], $0x1  }
0xa3: {  	[sflag:s23] =	ssyncset.done $0x0  }
0xa4: {  	s25 =	simm.s32 $0x1B8E;
	s24 =	sld [smem:$0x3FFE];
	[sflag:s23] =	ssyncadd.s32 $0xFFFFFFFF  }
0xa5: {  	s26 =	simm.s32 $execute0_lowered;
	[smem:$0x3FD2] =	sst s25  }
0xa6: {  	s5 =	sshll.u32 s26, $0x1;
	_ =	strace $0x80000046;
	[dreg:$0x1] =	wrdreg $0xFFFFFFFF  }
0xa7: {  	s28 =	simm.s32 $_size_execute0_lowered;
	s3 =	sadd.s32 s3, s5;
	[dreg:$0x0] =	wrdreg $0x0  }
0xa8: {  	s5 =	sshll.u32 s28, $0x1;
	[dreg:$0x2] =	wrdreg s3  }
0xa9: {  	[dreg:$0x3] =	wrdreg s5  }
0xaa: {  	[dreg:$0x4] =	wrdreg $0xC0  }
0xab: {  	_ =	task [dreg:s7], $0x5FFFF  }
0xac: {  	[dreg:$0x1] =	wrdreg $0xFFFFFFFF  }
0xad: {  	[dreg:$0x0] =	wrdreg $0x60  }
0xae: {  	[dreg:$0x2] =	wrdreg s24  }
0xaf: {  	[dreg:$0x3] =	wrdreg s2  }
0xb0: {  	[dreg:$0x4] =	wrdreg $0x9  }
0xb1: {  	_ =	task.clear_ibuf [dreg:s7], $0x5FFFF;
	_ =	strace $0x90000046  }
0xb2: {  	s29 =	simm.s32 $0x9;
	_ =	strace $0x80000048  }
0xb3: {  	_ =	swait.ge [sflag:s29], $0x1  }
0xb4: {  	[sflag:s29] =	ssyncadd.s32 $0xFFFFFFFF  }
0xb5: {  	_ =	strace $0x90000048  }
0xb6: {  	_ =	sfence  }
0xb7: {  	s30 =	sld [smem:$0x0];
	_ =	sdelay $0x2  }
0xb8: {  	s31 =	sshll.u32 s1, $0xD;
	s1 =	sshrl.u32 s1, $0x2  }
0xb9: {  	s3 =	sand.u32 $0x4000, s31;
	s1 =	sadd.s32 s1, s30  }
0xba: {  	s0 =	sor.u32 s3, s0;
	s1 =	sshll.u32 s1, $0x11  }
0xbb: {  	s0 =	sor.u32 s1, s0  }
0xbc: {  	s0 =	sadd.s32 $0x8F2B, s0  }
0xbd: {  	[sflag:s0] =	ssyncadd.remote.s32 $0x1  }
0xbe: {  	_ =	sfence.sel $0xFFFF  }
0xbf: {  	[dreg:$0x0] =	wrdreg $0xFFFFFFFF;
	(pc) =	sbr.abs _section_cstart, $3  }
0xc0: {  	[dreg:$0x1] =	wrdreg $0xFFFFFFFF  }
0xc1: {  	_ =	task.clear_ibuf [dreg:s7], $0x2FFFF;
	_ =	strace $0x9FFFFFFF  }
0xc2: {  	(tm) =	ssettm $0x7FFFFFFF  }
0xc3: {  	_ =	shalt  }
tec
execute0_lowered:
.L_overlay_start_1:
0x0: {  	(tag) =	ssettag $0x1  }
0x1: {  	s4 =	rddreg [dreg:$0x0]  }
0x2: {  	s6 =	rddreg [dreg:$0x1];
	s1 =	stileid.u32  }
0x3: {  	s2 =	simm.s32 $0x0;
	s3 =	srdreg.scid;
	s12 =	simm.s32 $0x2500  }
0x4: {  	s13 =	simm.s32 $0x180;
	s14 =	simm.s32 $0x3500;
	s15 =	simm.s32 $0x200  }
0x5: {  	s16 =	simm.s32 $0x4500;
	s17 =	simm.s32 $0x280;
	s18 =	simm.s32 $0x5500  }
0x6: {  	s19 =	simm.s32 $0x300;
	s20 =	simm.s32 $0x6500;
	s21 =	simm.s32 $0x380  }
0x7: {  	s22 =	simm.s32 $0x7500;
	s23 =	simm.s32 $0x400;
	s24 =	simm.s32 $0x8500  }
0x8: {  	s25 =	simm.s32 $0x480;
	s26 =	simm.s32 $0x9500;
	s5 =	smul.u32 $0x19000, s1  }
0x9: {  	s28 =	simm.s32 $0x1;
	s7 =	sand.u32 $0x1, s3;
	s8 =	smul.u32 $0x6400, s1  }
0xa: {  	s29 =	simm.s32 $0x0;
	[smem:$0x7FF] =	sst s2;
	s10 =	smul.u32 $0x3200, s7  }
0xb: {  	s3 =	sadd.s32 $0xA00, s4;
	s9 =	ssub.s32 $0x2, s7;
	s7 =	smul.u32 $0xC800, s7  }
0xc: {  	_ =	strace $0x80000047;
	s11 =	sshrl.u32 s9, $0x1;
	s5 =	sadd.s32 s5, s4  }
0xd: {  	s30 =	ssub.s32 s9, s11;
	s8 =	sadd.s32 s10, s8;
	s5 =	sadd.s32 s7, s5  }
0xe: {  	s7 =	simm.s32 $0x2;
	s9 =	simm.s32 $0x500;
	s10 =	simm.s32 $0x1500  }
0xf: {  	s11 =	simm.s32 $0x100;
	s4 =	smax.u32 s30, $0x1;
	s31 =	sshrl.u32 s8, $0x3  }
0x10: {  	s5 =	sadd.s32 $0x7A1C00, s5;
	s8 =	simm.s32 $0x80;
	s6 =	sadd.s32 s31, s6  }
.LBB2_1:
0x11: {  	s30 =	smov.u32 s5;
	s31 =	simm.s32 $0x0  }
.LBB2_2:
0x12: {  	s0 =	sadd.s32 s31, s6  }
0x13: {  	[tilespmem:s2], [sflag:$0x2] =	stream.linear.gather [hbm4b:s0+s2], $0x500, $0x38;
	[tilespmem:$0xA500] =	vst v63  }
0x14: {  	_ =	swait.ge [sflag:s7], $0x500  }
0x15: {  	[sflag:s7] =	ssyncset.done $0x0  }
0x16: {  	[sflag:s7] =	ssyncadd.s32 $0xFFFFFB00  }
0x17: {  	v0 =	vld [tilespmem:$0x0]  }
0x18: {  	v1 =	vld [tilespmem:$0x10]  }
0x19: {  	v3 =	vld [tilespmem:$0x20]  }
0x1a: {  	v18 =	vld [tilespmem:$0x30]  }
0x1b: {  	v6 =	vld [tilespmem:$0x40]  }
0x1c: {  	v7 =	vld [tilespmem:$0x50]  }
0x1d: {  	v23 =	vld [tilespmem:$0x60]  }
0x1e: {  	v9 =	vld [tilespmem:$0x70]  }
0x1f: {  	v10 =	vld [tilespmem:$0x80];
	v2 =	vshll.u32 v0, $0x2;
	v4 =	vand.u32 $0xFFFFFF80, v0  }
0x20: {  	v13 =	vld [tilespmem:$0x90];
	v0 =	vshrl.u32 v0, $0x5;
	v19 =	vshll.u32 v1, $0x2;
	v5 =	vand.u32 $0xFFFFFF80, v1  }
0x21: {  	v36 =	vld [tilespmem:$0xA0];
	v1 =	vshrl.u32 v1, $0x5;
	v20 =	vshll.u32 v3, $0x2;
	v21 =	vand.u32 $0xFFFFFF80, v3  }
0x22: {  	v40 =	vld [tilespmem:$0xB0];
	v3 =	vshrl.u32 v3, $0x5;
	v22 =	vshll.u32 v18, $0x2;
	v8 =	vand.u32 $0xFFFFFF80, v18  }
0x23: {  	v42 =	vld [tilespmem:$0xC0];
	v24 =	vshll.u32 v6, $0x2;
	v25 =	vand.u32 $0xFFFFFF80, v6;
	v6 =	vshrl.u32 v6, $0x5  }
0x24: {  	v15 =	vld [tilespmem:$0xD0];
	v27 =	vshll.u32 v7, $0x2;
	v28 =	vand.u32 $0xFFFFFF80, v7;
	v29 =	vshrl.u32 v7, $0x5  }
0x25: {  	v55 =	vld [tilespmem:$0x100];
	v30 =	vshll.u32 v23, $0x2;
	v11 =	vand.u32 $0xFFFFFF80, v23;
	v31 =	vshll.u32 v9, $0x2  }
0x26: {  	v12 =	vand.u32 $0xFFFFFF80, v9;
	v33 =	vshrl.u32 v9, $0x5;
	v34 =	vadd.s32 $0xF4240, v10  }
0x27: {  	v10 =	vshll.u32 v10, $0x2;
	v38 =	vadd.s32 $0xF4240, v13;
	v39 =	vshll.u32 v13, $0x2  }
0x28: {  	v43 =	vadd.s32 $0xF4240, v36;
	v45 =	vadd.s32 $0xF4240, v40;
	v13 =	vshll.u32 v40, $0x2  }
0x29: {  	v16 =	vadd.s32 $0xF4240, v42;
	v49 =	vadd.s32 $0xF4240, v15;
	v15 =	vshll.u32 v15, $0x2  }
0x2a: {  	v62 =	vshll.u32 v55, $0x2;
	v2 =	vand.u32 $0x7C, v2;
	v0 =	vand.u32 $0x3, v0  }
0x2b: {  	v63 =	vld [tilespmem:$0x130];
	v1 =	vand.u32 $0x3, v1;
	v3 =	vand.u32 $0x3, v3;
	v26 =	vand.u32 $0x3, v6  }
0x2c: {  	v6 =	vand.u32 $0x7C, v27;
	v7 =	vand.u32 $0x7C, v30;
	v35 =	vand.u32 $0xFFFFFF80, v34  }
0x2d: {  	v10 =	vand.u32 $0x7C, v10;
	v9 =	vshrl.u32 v34, $0x5;
	v14 =	vand.u32 $0xFFFFFF80, v38  }
0x2e: {  	v44 =	vand.u32 $0xFFFFFF80, v43;
	v46 =	vand.u32 $0xFFFFFF80, v45;
	v13 =	vand.u32 $0x7C, v13  }
0x2f: {  	v17 =	vand.u32 $0xFFFFFF80, v16;
	v48 =	vshrl.u32 v16, $0x5;
	v50 =	vand.u32 $0xFFFFFF80, v49  }
0x30: {  	v15 =	vand.u32 $0x7C, v15;
	v52 =	vshrl.u32 v49, $0x5;
	v30 =	vshll.u32 v63, $0x2  }
0x31: {  	v2 =	vor.u32 v4, v2;
	v4 =	vshrl.u32 v18, $0x5;
	v7 =	vor.u32 v11, v7  }
0x32: {  	v11 =	vand.u32 $0x7C, v31;
	v37 =	vor.u32 v10, v35;
	v9 =	vand.u32 $0x3, v9  }
0x33: {  	v10 =	vshrl.u32 v38, $0x5;
	v51 =	vor.u32 v15, v50;
	v0 =	vor.u32 v0, v2  }
0x34: {  	v2 =	vand.u32 $0x7C, v19;
	v4 =	vand.u32 $0x3, v4;
	v32 =	vor.u32 v12, v11  }
0x35: {  	v11 =	vand.u32 $0x7C, v39;
	v9 =	vor.u32 v9, v37;
	v10 =	vand.u32 $0x3, v10  }
0x36: {  	v12 =	vshll.u32 v36, $0x2;
	v2 =	vor.u32 v5, v2;
	v5 =	vand.u32 $0x7C, v20  }
0x37: {  	v41 =	vor.u32 v11, v14;
	v12 =	vand.u32 $0x7C, v12;
	v11 =	vshll.u32 v42, $0x2  }
0x38: {  	v14 =	vshrl.u32 v45, $0x5;
	v1 =	vor.u32 v1, v2;
	v2 =	vor.u32 v21, v5  }
0x39: {  	v18 =	vld [tilespmem:$0xE0];
	v5 =	vand.u32 $0x7C, v22;
	v12 =	vor.u32 v12, v44;
	v11 =	vand.u32 $0x7C, v11  }
0x3a: {  	v60 =	vld [tilespmem:$0x110];
	v47 =	vand.u32 $0x3, v14;
	v14 =	vand.u32 $0x3, v48;
	v21 =	vand.u32 $0xFFFFFF80, v55  }
0x3b: {  	v31 =	vld [tilespmem:$0x160];
	v5 =	vor.u32 v8, v5;
	v3 =	vor.u32 v3, v2;
	v8 =	vshrl.u32 v23, $0x5  }
0x3c: {  	v11 =	vor.u32 v11, v17;
	v17 =	vshrl.u32 v55, $0x5;
	v2 =	vor.u32 v4, v5  }
0x3d: {  	v4 =	vand.u32 $0x7C, v24;
	v5 =	vor.u32 v28, v6;
	v6 =	vand.u32 $0x3, v29  }
0x3e: {  	v19 =	vld [tilespmem:$0xF0];
	v8 =	vand.u32 $0x3, v8;
	v11 =	vor.u32 v14, v11;
	v53 =	vadd.s32 $0xF4240, v18  }
0x3f: {  	v54 =	vshll.u32 v18, $0x2;
	v14 =	vand.u32 $0x3, v52;
	v17 =	vand.u32 $0x3, v17  }
0x40: {  	v24 =	vshll.u32 v60, $0x2;
	v38 =	vshll.u32 v31, $0x2;
	v4 =	vor.u32 v25, v4  }
0x41: {  	v6 =	vor.u32 v6, v5;
	v5 =	vor.u32 v8, v7;
	v8 =	vand.u32 $0x3, v33  }
0x42: {  	v20 =	vld [tilespmem:$0x120];
	v56 =	vand.u32 $0xFFFFFF80, v53;
	v16 =	vand.u32 $0x7C, v54;
	v15 =	vshrl.u32 v53, $0x5  }
0x43: {  	v58 =	vadd.s32 $0xF4240, v19;
	v59 =	vshll.u32 v19, $0x2;
	v25 =	vand.u32 $0xFFFFFF80, v60  }
0x44: {  	v19 =	vshrl.u32 v60, $0x5;
	v4 =	vor.u32 v26, v4;
	v7 =	vor.u32 v8, v32  }
0x45: {  	v22 =	vld [tilespmem:$0x140];
	v8 =	vor.u32 v10, v41;
	v10 =	vshrl.u32 v43, $0x5;
	v57 =	vor.u32 v16, v56  }
0x46: {  	v48 =	vld [tilespmem:$0x1B0];
	v15 =	vand.u32 $0x3, v15;
	v61 =	vand.u32 $0xFFFFFF80, v58;
	v18 =	vand.u32 $0x7C, v59  }
0x47: {  	v16 =	vshrl.u32 v58, $0x5;
	v26 =	vand.u32 $0x3, v19;
	v27 =	vshll.u32 v20, $0x2  }
0x48: {  	v28 =	vand.u32 $0xFFFFFF80, v20;
	v29 =	vshrl.u32 v20, $0x5;
	v20 =	vand.u32 $0x7C, v30  }
0x49: {  	v23 =	vld [tilespmem:$0x150];
	v10 =	vand.u32 $0x3, v10;
	v16 =	vand.u32 $0x3, v16;
	v19 =	vand.u32 $0x7C, v27  }
0x4a: {  	v44 =	vld [tilespmem:$0x1A0];
	v32 =	vshll.u32 v22, $0x2;
	v33 =	vand.u32 $0xFFFFFF80, v22;
	v22 =	vshrl.u32 v22, $0x5  }
0x4b: {  	v27 =	vand.u32 $0xFFFFFF80, v31;
	v53 =	vadd.s32 $0xF4240, v48;
	v10 =	vor.u32 v10, v12  }
0x4c: {  	v12 =	vor.u32 v13, v46;
	v13 =	vor.u32 v14, v51;
	v14 =	vor.u32 v15, v57  }
0x4d: {  	v15 =	vor.u32 v18, v61;
	v18 =	vand.u32 $0x7C, v62;
	v34 =	vand.u32 $0x3, v22  }
0x4e: {  	v35 =	vshll.u32 v23, $0x2;
	v36 =	vand.u32 $0xFFFFFF80, v23;
	v37 =	vshrl.u32 v23, $0x5  }
0x4f: {  	v23 =	vand.u32 $0x7C, v38;
	v51 =	vadd.s32 $0xF4240, v44;
	v54 =	vand.u32 $0xFFFFFF80, v53  }
0x50: {  	v12 =	vor.u32 v47, v12;
	v18 =	vor.u32 v21, v18;
	v16 =	vor.u32 v16, v15  }
0x51: {  	v21 =	vshrl.u32 v63, $0x5;
	v22 =	vand.u32 $0x7C, v35;
	v23 =	vor.u32 v27, v23  }
0x52: {  	v50 =	vld [tilespmem:$0x1C0];
	v52 =	vand.u32 $0xFFFFFF80, v51;
	v15 =	vor.u32 v17, v18;
	v17 =	vand.u32 $0x7C, v24  }
0x53: {  	v18 =	vor.u32 v28, v19;
	v24 =	vand.u32 $0xFFFFFF80, v63;
	v19 =	vand.u32 $0x3, v29  }
0x54: {  	v21 =	vand.u32 $0x3, v21;
	v17 =	vor.u32 v25, v17;
	v20 =	vor.u32 v24, v20  }
0x55: {  	v29 =	vld [tilespmem:$0x190];
	v19 =	vor.u32 v19, v18;
	v24 =	vshrl.u32 v31, $0x5;
	v17 =	vor.u32 v26, v17  }
0x56: {  	v25 =	vld [tilespmem:$0x170];
	v18 =	vor.u32 v21, v20;
	v20 =	vand.u32 $0x7C, v32;
	v21 =	vor.u32 v36, v22  }
0x57: {  	v31 =	vld [tilespmem:$0x1D0];
	v22 =	vand.u32 $0x3, v37;
	v24 =	vand.u32 $0x3, v24;
	v32 =	vadd.s32 $0xF4240, v50  }
0x58: {  	v26 =	vld [tilespmem:$0x180];
	v20 =	vor.u32 v33, v20;
	v22 =	vor.u32 v22, v21;
	v21 =	vor.u32 v24, v23  }
0x59: {  	v35 =	vld [tilespmem:$0x1F0];
	v33 =	vand.u32 $0xFFFFFF80, v32;
	v56 =	vshrl.u32 v32, $0x5;
	v20 =	vor.u32 v34, v20  }
0x5a: {  	v36 =	vld [tilespmem:$0x220];
	v46 =	vadd.s32 $0xF4240, v29;
	v47 =	vshll.u32 v29, $0x2;
	v29 =	vshll.u32 v48, $0x2  }
0x5b: {  	[tilespmem:$0x120] =	vst v19;
	v19 =	vld [tilespmem:$0x3B0];
	v39 =	vshll.u32 v25, $0x2;
	v28 =	vand.u32 $0xFFFFFF80, v25;
	v41 =	vshrl.u32 v25, $0x5  }
0x5c: {  	v30 =	vand.u32 $0xFFFFFF80, v46;
	v29 =	vand.u32 $0x7C, v29;
	v57 =	vadd.s32 $0xF4240, v31  }
0x5d: {  	v31 =	vshll.u32 v31, $0x2;
	v27 =	vand.u32 $0x7C, v39;
	v42 =	vadd.s32 $0xF4240, v26  }
0x5e: {  	v26 =	vshll.u32 v26, $0x2;
	v24 =	vand.u32 $0x3, v41;
	v58 =	vand.u32 $0xFFFFFF80, v57  }
0x5f: {  	v31 =	vand.u32 $0x7C, v31;
	v60 =	vshrl.u32 v57, $0x5;
	v39 =	vadd.s32 $0xF4240, v35  }
0x60: {  	[tilespmem:$0xD0] =	vst v13;
	v48 =	vshll.u32 v36, $0x2;
	v13 =	vshll.u32 v19, $0x2;
	v40 =	vor.u32 v28, v27  }
0x61: {  	v34 =	vld [tilespmem:$0x1E0];
	v43 =	vand.u32 $0xFFFFFF80, v42;
	v26 =	vand.u32 $0x7C, v26;
	v25 =	vshrl.u32 v42, $0x5  }
0x62: {  	v63 =	vld [tilespmem:$0x200];
	v27 =	vand.u32 $0x7C, v47;
	v28 =	vshll.u32 v44, $0x2;
	v59 =	vor.u32 v31, v58  }
0x63: {  	v42 =	vand.u32 $0xFFFFFF80, v39;
	v13 =	vand.u32 $0x7C, v13;
	v23 =	vor.u32 v24, v40  }
0x64: {  	v45 =	vor.u32 v26, v43;
	v25 =	vand.u32 $0x3, v25;
	v26 =	vshrl.u32 v46, $0x5  }
0x65: {  	v49 =	vor.u32 v27, v30;
	v28 =	vand.u32 $0x7C, v28;
	v27 =	vshll.u32 v50, $0x2  }
0x66: {  	v30 =	vshrl.u32 v53, $0x5;
	v61 =	vadd.s32 $0xF4240, v34;
	v62 =	vshll.u32 v34, $0x2  }
0x67: {  	v40 =	vshll.u32 v35, $0x2;
	v43 =	vshll.u32 v63, $0x2;
	v50 =	vshrl.u32 v36, $0x5  }
0x68: {  	v25 =	vor.u32 v25, v45;
	v26 =	vand.u32 $0x3, v26;
	v28 =	vor.u32 v28, v52  }
0x69: {  	v27 =	vand.u32 $0x7C, v27;
	v55 =	vand.u32 $0x3, v30;
	v30 =	vand.u32 $0x3, v56  }
0x6a: {  	v37 =	vand.u32 $0xFFFFFF80, v61;
	v32 =	vand.u32 $0x7C, v62;
	v31 =	vshrl.u32 v61, $0x5  }
0x6b: {  	v41 =	vld [tilespmem:$0x210];
	v34 =	vand.u32 $0x7C, v40;
	v24 =	vor.u32 v26, v49;
	v26 =	vshrl.u32 v51, $0x5  }
0x6c: {  	v27 =	vor.u32 v27, v33;
	v38 =	vor.u32 v32, v37;
	v31 =	vand.u32 $0x3, v31  }
0x6d: {  	v32 =	vshrl.u32 v39, $0x5;
	v37 =	vand.u32 $0xFFFFFF80, v63;
	v33 =	vshrl.u32 v63, $0x5  }
0x6e: {  	v44 =	vld [tilespmem:$0x230];
	v49 =	vand.u32 $0xFFFFFF80, v36;
	v26 =	vand.u32 $0x3, v26;
	v27 =	vor.u32 v30, v27  }
0x6f: {  	v30 =	vand.u32 $0x3, v60;
	v32 =	vand.u32 $0x3, v32;
	v33 =	vand.u32 $0x3, v33  }
0x70: {  	v45 =	vshll.u32 v41, $0x2;
	v46 =	vand.u32 $0xFFFFFF80, v41;
	v35 =	vshrl.u32 v41, $0x5  }
0x71: {  	v26 =	vor.u32 v26, v28;
	v28 =	vor.u32 v29, v54;
	v29 =	vor.u32 v30, v59  }
0x72: {  	v30 =	vor.u32 v31, v38;
	v31 =	vor.u32 v34, v42;
	v34 =	vand.u32 $0x7C, v43  }
0x73: {  	v52 =	vld [tilespmem:$0x260];
	v47 =	vand.u32 $0x3, v35;
	v35 =	vand.u32 $0x7C, v48;
	v51 =	vshll.u32 v44, $0x2  }
0x74: {  	v40 =	vand.u32 $0xFFFFFF80, v44;
	v28 =	vor.u32 v55, v28;
	v34 =	vor.u32 v37, v34  }
0x75: {  	v39 =	vld [tilespmem:$0x250];
	v32 =	vor.u32 v32, v31;
	v36 =	vand.u32 $0x7C, v51;
	v37 =	vshrl.u32 v44, $0x5  }
0x76: {  	[tilespmem:$0x180] =	vst v25;
	v25 =	vld [tilespmem:$0x400];
	v31 =	vor.u32 v33, v34;
	v33 =	vand.u32 $0x7C, v45;
	v34 =	vor.u32 v49, v35  }
0x77: {  	v41 =	vld [tilespmem:$0x270];
	v35 =	vand.u32 $0x3, v50;
	v36 =	vor.u32 v40, v36;
	v37 =	vand.u32 $0x3, v37  }
0x78: {  	v59 =	vshll.u32 v52, $0x2;
	v43 =	vand.u32 $0xFFFFFF80, v52;
	v40 =	vshrl.u32 v52, $0x5  }
0x79: {  	v38 =	vld [tilespmem:$0x240];
	v33 =	vor.u32 v46, v33;
	v35 =	vor.u32 v35, v34;
	v34 =	vor.u32 v37, v36  }
0x7a: {  	v42 =	vld [tilespmem:$0x280];
	v56 =	vshll.u32 v39, $0x2;
	v57 =	vand.u32 $0xFFFFFF80, v39;
	v58 =	vshrl.u32 v39, $0x5  }
0x7b: {  	[tilespmem:$0x1F0] =	vst v32;
	v39 =	vand.u32 $0x7C, v59;
	v40 =	vand.u32 $0x3, v40;
	v32 =	vshll.u32 v25, $0x2  }
0x7c: {  	v33 =	vor.u32 v47, v33;
	v39 =	vor.u32 v43, v39;
	v60 =	vshll.u32 v41, $0x2  }
0x7d: {  	v44 =	vand.u32 $0xFFFFFF80, v41;
	v62 =	vshrl.u32 v41, $0x5;
	[tilespmem:$0x230] =	vst v34;
	v34 =	vand.u32 $0xFFFFFF80, v25  }
0x7e: {  	v45 =	vld [tilespmem:$0x290];
	v53 =	vshll.u32 v38, $0x2;
	v54 =	vand.u32 $0xFFFFFF80, v38;
	v38 =	vshrl.u32 v38, $0x5  }
0x7f: {  	v49 =	vld [tilespmem:$0x2A0];
	v43 =	vand.u32 $0x7C, v60;
	v63 =	vadd.s32 $0xF4240, v42;
	v42 =	vshll.u32 v42, $0x2  }
0x80: {  	v36 =	vand.u32 $0x7C, v53;
	v55 =	vand.u32 $0x3, v38;
	v38 =	vand.u32 $0x7C, v56  }
0x81: {  	v61 =	vor.u32 v44, v43;
	v48 =	vand.u32 $0xFFFFFF80, v63;
	v42 =	vand.u32 $0x7C, v42  }
0x82: {  	v41 =	vshrl.u32 v63, $0x5;
	v36 =	vor.u32 v54, v36;
	v37 =	vor.u32 v57, v38  }
0x83: {  	v38 =	vand.u32 $0x3, v58;
	v50 =	vor.u32 v42, v48;
	v41 =	vand.u32 $0x3, v41  }
0x84: {  	[tilespmem:$0x1E0] =	vst v30;
	v30 =	vld [tilespmem:$0x410];
	v51 =	vadd.s32 $0xF4240, v45;
	v52 =	vshll.u32 v45, $0x2;
	v56 =	vadd.s32 $0xF4240, v49  }
0x85: {  	v47 =	vld [tilespmem:$0x2D0];
	v44 =	vshll.u32 v49, $0x2;
	v36 =	vor.u32 v55, v36;
	v38 =	vor.u32 v38, v37  }
0x86: {  	v37 =	vor.u32 v40, v39;
	v40 =	vand.u32 $0x3, v62;
	v46 =	vand.u32 $0xFFFFFF80, v51  }
0x87: {  	[tilespmem:$0x210] =	vst v33;
	v33 =	vld [tilespmem:$0x420];
	v43 =	vand.u32 $0x7C, v52;
	v42 =	vshrl.u32 v51, $0x5;
	v57 =	vand.u32 $0xFFFFFF80, v56  }
0x88: {  	v53 =	vld [tilespmem:$0x2B0];
	v44 =	vand.u32 $0x7C, v44;
	v39 =	vor.u32 v40, v61;
	v40 =	vor.u32 v41, v50  }
0x89: {  	v54 =	vor.u32 v43, v46;
	v42 =	vand.u32 $0x3, v42;
	v44 =	vor.u32 v44, v57  }
0x8a: {  	v62 =	vadd.s32 $0xF4240, v47;
	v47 =	vshll.u32 v47, $0x2;
	[tilespmem:$0x240] =	vst v36;
	v36 =	vshll.u32 v30, $0x2  }
0x8b: {  	v55 =	vld [tilespmem:$0x2C0];
	[tilespmem:$0x260] =	vst v37;
	v37 =	vand.u32 $0xFFFFFF80, v30;
	v41 =	vor.u32 v42, v54;
	v42 =	vshrl.u32 v56, $0x5  }
0x8c: {  	v51 =	vld [tilespmem:$0x2F0];
	v63 =	vand.u32 $0xFFFFFF80, v62;
	v47 =	vand.u32 $0x7C, v47;
	[tilespmem:$0x270] =	vst v39;
	v39 =	vshll.u32 v33, $0x2  }
0x8d: {  	v42 =	vand.u32 $0x3, v42;
	v58 =	vadd.s32 $0xF4240, v53;
	v45 =	vshll.u32 v53, $0x2  }
0x8e: {  	v50 =	vld [tilespmem:$0x2E0];
	v52 =	vor.u32 v47, v63;
	v53 =	vshrl.u32 v62, $0x5;
	[tilespmem:$0x290] =	vst v41;
	v41 =	vand.u32 $0xFFFFFF80, v33  }
0x8f: {  	v42 =	vor.u32 v42, v44;
	v59 =	vand.u32 $0xFFFFFF80, v58;
	v45 =	vand.u32 $0x7C, v45  }
0x90: {  	v46 =	vshrl.u32 v58, $0x5;
	v48 =	vadd.s32 $0xF4240, v55;
	v43 =	vshll.u32 v55, $0x2  }
0x91: {  	v44 =	vor.u32 v45, v59;
	v60 =	vand.u32 $0x3, v46;
	v59 =	vadd.s32 $0xF4240, v51  }
0x92: {  	v56 =	vld [tilespmem:$0x300];
	[tilespmem:$0x2A0] =	vst v42;
	v42 =	vshrl.u32 v33, $0x5;
	v49 =	vand.u32 $0xFFFFFF80, v48;
	v43 =	vand.u32 $0x7C, v43  }
0x93: {  	v61 =	vshrl.u32 v48, $0x5;
	v44 =	vor.u32 v60, v44;
	v54 =	vadd.s32 $0xF4240, v50  }
0x94: {  	v55 =	vshll.u32 v50, $0x2;
	v60 =	vshll.u32 v51, $0x2;
	v62 =	vand.u32 $0xFFFFFF80, v59  }
0x95: {  	v43 =	vor.u32 v43, v49;
	v46 =	vand.u32 $0x3, v61;
	v57 =	vand.u32 $0xFFFFFF80, v54  }
0x96: {  	[tilespmem:$0x220] =	vst v35;
	v35 =	vld [tilespmem:$0x430];
	v48 =	vand.u32 $0x7C, v55;
	v47 =	vshrl.u32 v54, $0x5;
	v50 =	vand.u32 $0x7C, v60  }
0x97: {  	v63 =	vshll.u32 v56, $0x2;
	v49 =	vshrl.u32 v56, $0x5;
	v43 =	vor.u32 v46, v43  }
0x98: {  	v46 =	vand.u32 $0x3, v53;
	v58 =	vor.u32 v48, v57;
	v47 =	vand.u32 $0x3, v47  }
0x99: {  	v61 =	vld [tilespmem:$0x310];
	v48 =	vshrl.u32 v59, $0x5;
	v53 =	vand.u32 $0xFFFFFF80, v56;
	v49 =	vand.u32 $0x3, v49  }
0x9a: {  	[tilespmem:$0x140] =	vst v20;
	v54 =	vld [tilespmem:$0x350];
	v45 =	vor.u32 v46, v52;
	v46 =	vor.u32 v47, v58;
	v47 =	vor.u32 v50, v62  }
0x9b: {  	v52 =	vld [tilespmem:$0x320];
	v50 =	vand.u32 $0x7C, v63;
	v48 =	vand.u32 $0x3, v48;
	[tilespmem:$0x2C0] =	vst v43;
	v43 =	vshll.u32 v35, $0x2  }
0x9c: {  	v50 =	vor.u32 v53, v50;
	[tilespmem:$0x2D0] =	vst v45;
	v45 =	vand.u32 $0xFFFFFF80, v35;
	v20 =	vand.u32 $0x7C, v43  }
0x9d: {  	[tilespmem:$0x0] =	vst v0;
	v53 =	vld [tilespmem:$0x330];
	v47 =	vor.u32 v48, v47;
	v0 =	vor.u32 v49, v50;
	v20 =	vor.u32 v45, v20  }
0x9e: {  	v56 =	vshll.u32 v61, $0x2;
	v57 =	vand.u32 $0xFFFFFF80, v61;
	v58 =	vshrl.u32 v61, $0x5  }
0x9f: {  	v49 =	vld [tilespmem:$0x340];
	v50 =	vand.u32 $0xFFFFFF80, v54;
	v51 =	vshrl.u32 v54, $0x5;
	v48 =	vand.u32 $0x7C, v56  }
0xa0: {  	[tilespmem:$0x10] =	vst v1;
	v59 =	vand.u32 $0x3, v58;
	v1 =	vor.u32 v57, v48;
	v60 =	vshll.u32 v52, $0x2  }
0xa1: {  	v61 =	vand.u32 $0xFFFFFF80, v52;
	v63 =	vshrl.u32 v52, $0x5;
	v1 =	vor.u32 v59, v1  }
0xa2: {  	[tilespmem:$0x20] =	vst v3;
	v62 =	vand.u32 $0x7C, v60;
	v52 =	vshll.u32 v53, $0x2;
	v55 =	vand.u32 $0xFFFFFF80, v53  }
0xa3: {  	[tilespmem:$0x30] =	vst v2;
	v58 =	vld [tilespmem:$0x360];
	v56 =	vshrl.u32 v53, $0x5;
	v3 =	vand.u32 $0x3, v63;
	v2 =	vor.u32 v61, v62  }
0xa4: {  	[tilespmem:$0x40] =	vst v4;
	v4 =	vand.u32 $0x7C, v52;
	v57 =	vand.u32 $0x3, v56;
	v59 =	vshll.u32 v49, $0x2  }
0xa5: {  	v60 =	vand.u32 $0xFFFFFF80, v49;
	v61 =	vshrl.u32 v49, $0x5;
	v49 =	vshll.u32 v54, $0x2  }
0xa6: {  	v53 =	vld [tilespmem:$0x380];
	v4 =	vor.u32 v55, v4;
	v3 =	vor.u32 v3, v2;
	v63 =	vand.u32 $0x3, v61  }
0xa7: {  	[tilespmem:$0x70] =	vst v7;
	v7 =	vand.u32 $0x7C, v49;
	v2 =	vor.u32 v57, v4;
	v4 =	vand.u32 $0x7C, v59  }
0xa8: {  	[tilespmem:$0x60] =	vst v5;
	v62 =	vld [tilespmem:$0x370];
	v5 =	vor.u32 v50, v7;
	v52 =	vshll.u32 v58, $0x2;
	v7 =	vand.u32 $0x3, v51  }
0xa9: {  	[tilespmem:$0x50] =	vst v6;
	v54 =	vand.u32 $0xFFFFFF80, v58;
	v6 =	vshrl.u32 v58, $0x5;
	v4 =	vor.u32 v60, v4  }
0xaa: {  	[tilespmem:$0x90] =	vst v8;
	v8 =	vand.u32 $0x7C, v52;
	v56 =	vand.u32 $0x3, v6;
	v6 =	vor.u32 v7, v5  }
0xab: {  	[tilespmem:$0xA0] =	vst v10;
	v4 =	vor.u32 v63, v4;
	v8 =	vor.u32 v54, v8;
	v61 =	vadd.s32 $0xF4240, v53  }
0xac: {  	[tilespmem:$0x2B0] =	vst v44;
	v44 =	vld [tilespmem:$0x450];
	v10 =	vshll.u32 v53, $0x2;
	v53 =	vadd.s32 $0xF4240, v19;
	v19 =	vshrl.u32 v30, $0x5  }
0xad: {  	[tilespmem:$0x80] =	vst v9;
	v58 =	vld [tilespmem:$0x390];
	v55 =	vshll.u32 v62, $0x2;
	v57 =	vand.u32 $0xFFFFFF80, v62;
	v5 =	vor.u32 v56, v8  }
0xae: {  	[tilespmem:$0xE0] =	vst v14;
	v50 =	vld [tilespmem:$0x3C0];
	v60 =	vshrl.u32 v62, $0x5;
	v62 =	vand.u32 $0xFFFFFF80, v61;
	v10 =	vand.u32 $0x7C, v10  }
0xaf: {  	[tilespmem:$0x250] =	vst v38;
	v9 =	vshrl.u32 v61, $0x5;
	v14 =	vshrl.u32 v53, $0x5;
	v38 =	vand.u32 $0x3, v19  }
0xb0: {  	[tilespmem:$0xC0] =	vst v11;
	v19 =	vand.u32 $0x7C, v39;
	v11 =	vand.u32 $0x7C, v55;
	v8 =	vand.u32 $0x3, v60  }
0xb1: {  	[tilespmem:$0xF0] =	vst v16;
	v16 =	vor.u32 v10, v62;
	v9 =	vand.u32 $0x3, v9;
	v55 =	vand.u32 $0xFFFFFF80, v53  }
0xb2: {  	[tilespmem:$0x110] =	vst v17;
	v63 =	vld [tilespmem:$0x3A0];
	v53 =	vshll.u32 v44, $0x2;
	v59 =	vor.u32 v57, v11;
	v17 =	vadd.s32 $0xF4240, v58  }
0xb3: {  	[tilespmem:$0x130] =	vst v18;
	v54 =	vld [tilespmem:$0x3D0];
	v18 =	vshll.u32 v58, $0x2;
	v56 =	vadd.s32 $0xF4240, v50;
	v7 =	vor.u32 v8, v59  }
0xb4: {  	[tilespmem:$0x280] =	vst v40;
	v40 =	vld [tilespmem:$0x440];
	v48 =	vand.u32 $0xFFFFFF80, v17;
	v11 =	vand.u32 $0x7C, v18;
	v10 =	vshrl.u32 v17, $0x5  }
0xb5: {  	[tilespmem:$0x2E0] =	vst v46;
	v46 =	vld [tilespmem:$0x460];
	v8 =	vor.u32 v9, v16;
	v57 =	vand.u32 $0xFFFFFF80, v56;
	v59 =	vand.u32 $0x3, v14  }
0xb6: {  	v30 =	vld [tilespmem:$0x4A0];
	v60 =	vshrl.u32 v56, $0x5;
	v17 =	vshrl.u32 v25, $0x5;
	v56 =	vshrl.u32 v44, $0x5  }
0xb7: {  	v49 =	vor.u32 v11, v48;
	v10 =	vand.u32 $0x3, v10;
	v51 =	vadd.s32 $0xF4240, v63  }
0xb8: {  	[tilespmem:$0xB0] =	vst v12;
	v12 =	vshll.u32 v63, $0x2;
	v11 =	vshll.u32 v50, $0x2;
	v61 =	vadd.s32 $0xF4240, v54  }
0xb9: {  	[tilespmem:$0x100] =	vst v15;
	v15 =	vshll.u32 v54, $0x2;
	v14 =	vand.u32 $0x3, v60;
	v17 =	vand.u32 $0x3, v17  }
0xba: {  	[tilespmem:$0x330] =	vst v2;
	v48 =	vshll.u32 v40, $0x2;
	v50 =	vshrl.u32 v40, $0x5;
	v54 =	vand.u32 $0xFFFFFF80, v44  }
0xbb: {  	v2 =	vand.u32 $0x3, v56;
	v60 =	vshrl.u32 v46, $0x5;
	[tilespmem:$0x380] =	vst v8;
	v8 =	vshll.u32 v30, $0x2  }
0xbc: {  	v9 =	vor.u32 v10, v49;
	v52 =	vand.u32 $0xFFFFFF80, v51;
	v12 =	vand.u32 $0x7C, v12  }
0xbd: {  	v58 =	vld [tilespmem:$0x3E0];
	v10 =	vshrl.u32 v51, $0x5;
	v11 =	vand.u32 $0x7C, v11;
	v62 =	vand.u32 $0xFFFFFF80, v61  }
0xbe: {  	[tilespmem:$0x150] =	vst v22;
	v15 =	vand.u32 $0x7C, v15;
	v22 =	vshrl.u32 v61, $0x5;
	v49 =	vand.u32 $0xFFFFFF80, v40  }
0xbf: {  	[tilespmem:$0x340] =	vst v4;
	v4 =	vand.u32 $0x3, v60;
	v8 =	vand.u32 $0x7C, v8;
	v12 =	vor.u32 v12, v52  }
0xc0: {  	[tilespmem:$0x160] =	vst v21;
	v10 =	vand.u32 $0x3, v10;
	v11 =	vor.u32 v11, v57;
	v21 =	vor.u32 v15, v62  }
0xc1: {  	[tilespmem:$0x170] =	vst v23;
	v52 =	vand.u32 $0x3, v50;
	v57 =	vshll.u32 v46, $0x2;
	v10 =	vor.u32 v10, v12  }
0xc2: {  	[tilespmem:$0x190] =	vst v24;
	v45 =	vld [tilespmem:$0x4E0];
	v12 =	vor.u32 v13, v55;
	v11 =	vor.u32 v14, v11;
	v23 =	vadd.s32 $0xF4240, v58  }
0xc3: {  	[tilespmem:$0x1A0] =	vst v26;
	v63 =	vld [tilespmem:$0x3F0];
	v24 =	vshll.u32 v58, $0x2;
	v14 =	vand.u32 $0x3, v22;
	v55 =	vand.u32 $0x7C, v53  }
0xc4: {  	[tilespmem:$0x320] =	vst v3;
	v3 =	vand.u32 $0x7C, v57;
	v12 =	vor.u32 v59, v12;
	v26 =	vand.u32 $0xFFFFFF80, v23  }
0xc5: {  	[tilespmem:$0x1C0] =	vst v27;
	v16 =	vand.u32 $0x7C, v24;
	v13 =	vor.u32 v14, v21;
	v15 =	vshrl.u32 v23, $0x5  }
0xc6: {  	[tilespmem:$0x310] =	vst v1;
	v21 =	vshrl.u32 v35, $0x5;
	v1 =	vor.u32 v54, v55;
	v59 =	vand.u32 $0xFFFFFF80, v46  }
0xc7: {  	[tilespmem:$0x1D0] =	vst v29;
	v51 =	vld [tilespmem:$0x470];
	v54 =	vadd.s32 $0xF4240, v45;
	v55 =	vshll.u32 v45, $0x2;
	v27 =	vor.u32 v16, v26  }
0xc8: {  	[tilespmem:$0x1B0] =	vst v28;
	v15 =	vand.u32 $0x3, v15;
	v28 =	vadd.s32 $0xF4240, v63;
	v29 =	vshll.u32 v63, $0x2  }
0xc9: {  	v21 =	vand.u32 $0x3, v21;
	v3 =	vor.u32 v59, v3;
	v1 =	vor.u32 v2, v1  }
0xca: {  	[tilespmem:$0x200] =	vst v31;
	v56 =	vand.u32 $0xFFFFFF80, v54;
	v14 =	vor.u32 v15, v27;
	v31 =	vand.u32 $0xFFFFFF80, v28  }
0xcb: {  	[tilespmem:$0x2F0] =	vst v47;
	v18 =	vand.u32 $0x7C, v29;
	v16 =	vshrl.u32 v28, $0x5;
	v47 =	vor.u32 v21, v20  }
0xcc: {  	v58 =	vld [tilespmem:$0x480];
	v20 =	vand.u32 $0x7C, v48;
	v61 =	vshll.u32 v51, $0x2;
	v62 =	vand.u32 $0xFFFFFF80, v51  }
0xcd: {  	v24 =	vor.u32 v4, v3;
	v26 =	vshrl.u32 v51, $0x5;
	v15 =	vor.u32 v18, v31  }
0xce: {  	[tilespmem:$0x300] =	vst v0;
	v18 =	vand.u32 $0x7C, v32;
	v16 =	vand.u32 $0x3, v16;
	v0 =	vor.u32 v49, v20  }
0xcf: {  	[tilespmem:$0x350] =	vst v6;
	v6 =	vand.u32 $0x7C, v61;
	v4 =	vand.u32 $0x3, v26;
	v18 =	vor.u32 v34, v18  }
0xd0: {  	[tilespmem:$0x360] =	vst v5;
	v63 =	vld [tilespmem:$0x490];
	v15 =	vor.u32 v16, v15;
	v0 =	vor.u32 v52, v0;
	v25 =	vor.u32 v62, v6  }
0xd1: {  	[tilespmem:$0x370] =	vst v7;
	v27 =	vadd.s32 $0xF4240, v58;
	v28 =	vshll.u32 v58, $0x2;
	v16 =	vor.u32 v17, v18  }
0xd2: {  	[tilespmem:$0x390] =	vst v9;
	v17 =	vand.u32 $0x7C, v36;
	v18 =	vor.u32 v41, v19;
	v19 =	vand.u32 $0x3, v42  }
0xd3: {  	[tilespmem:$0x3A0] =	vst v10;
	v29 =	vand.u32 $0xFFFFFF80, v27;
	v6 =	vand.u32 $0x7C, v28;
	v3 =	vor.u32 v4, v25  }
0xd4: {  	[tilespmem:$0x3C0] =	vst v11;
	v5 =	vshrl.u32 v27, $0x5;
	v17 =	vor.u32 v37, v17;
	v18 =	vor.u32 v19, v18  }
0xd5: {  	[tilespmem:$0x3B0] =	vst v12;
	v34 =	vld [tilespmem:$0x4B0];
	v31 =	vor.u32 v6, v29;
	v5 =	vand.u32 $0x3, v5;
	v32 =	vadd.s32 $0xF4240, v63  }
0xd6: {  	[tilespmem:$0x3D0] =	vst v13;
	v52 =	vld [tilespmem:$0x4F0];
	v33 =	vshll.u32 v63, $0x2;
	v17 =	vor.u32 v38, v17;
	v35 =	vand.u32 $0xFFFFFF80, v32  }
0xd7: {  	[tilespmem:$0x450] =	vst v1;
	v7 =	vand.u32 $0x7C, v33;
	v6 =	vshrl.u32 v32, $0x5;
	v4 =	vor.u32 v5, v31  }
0xd8: {  	[tilespmem:$0x3E0] =	vst v14;
	v41 =	vld [tilespmem:$0x4D0];
	v38 =	vadd.s32 $0xF4240, v30;
	v36 =	vor.u32 v7, v35;
	v6 =	vand.u32 $0x3, v6  }
0xd9: {  	v39 =	vand.u32 $0xFFFFFF80, v38;
	[tilespmem:$0x480] =	vst v4;
	v4 =	vshrl.u32 v54, $0x5;
	v5 =	vor.u32 v6, v36  }
0xda: {  	[tilespmem:$0x430] =	vst v47;
	v37 =	vld [tilespmem:$0x4C0];
	v6 =	vshrl.u32 v38, $0x5;
	v8 =	vor.u32 v8, v39;
	v40 =	vadd.s32 $0xF4240, v34  }
0xdb: {  	[tilespmem:$0x460] =	vst v24;
	v9 =	vshll.u32 v34, $0x2;
	v58 =	vand.u32 $0x3, v4;
	v59 =	vadd.s32 $0xF4240, v52  }
0xdc: {  	[tilespmem:$0x3F0] =	vst v15;
	v60 =	vshll.u32 v52, $0x2;
	v6 =	vand.u32 $0x3, v6;
	v42 =	vand.u32 $0xFFFFFF80, v40  }
0xdd: {  	[tilespmem:$0x440] =	vst v0;
	v9 =	vand.u32 $0x7C, v9;
	v10 =	vshrl.u32 v40, $0x5;
	v49 =	vadd.s32 $0xF4240, v41  }
0xde: {  	[tilespmem:$0x400] =	vst v16;
	v50 =	vshll.u32 v41, $0x2;
	v61 =	vand.u32 $0xFFFFFF80, v59;
	v6 =	vor.u32 v6, v8  }
0xdf: {  	[tilespmem:$0x470] =	vst v3;
	v43 =	vadd.s32 $0xF4240, v37;
	v7 =	vshll.u32 v37, $0x2;
	v46 =	vor.u32 v9, v42  }
0xe0: {  	[tilespmem:$0x420] =	vst v18;
	v47 =	vand.u32 $0x3, v10;
	v51 =	vand.u32 $0xFFFFFF80, v49;
	v10 =	vand.u32 $0x7C, v50  }
0xe1: {  	[tilespmem:$0x410] =	vst v17;
	v53 =	vshrl.u32 v49, $0x5;
	v44 =	vand.u32 $0xFFFFFF80, v43;
	v7 =	vand.u32 $0x7C, v7  }
0xe2: {  	[tilespmem:$0x490] =	vst v5;
	v48 =	vshrl.u32 v43, $0x5;
	v0 =	vor.u32 v47, v46;
	v2 =	vor.u32 v10, v51  }
0xe3: {  	v3 =	vand.u32 $0x3, v53;
	[tilespmem:$0x4A0] =	vst v6;
	v7 =	vor.u32 v7, v44;
	v1 =	vand.u32 $0x3, v48  }
0xe4: {  	v2 =	vor.u32 v3, v2;
	[tilespmem:$0x4B0] =	vst v0;
	v1 =	vor.u32 v1, v7;
	v7 =	vand.u32 $0x7C, v55  }
0xe5: {  	v5 =	vand.u32 $0x7C, v60;
	v4 =	vshrl.u32 v59, $0x5;
	[tilespmem:$0x4D0] =	vst v2;
	v57 =	vor.u32 v7, v56  }
0xe6: {  	v62 =	vand.u32 $0x3, v4;
	[tilespmem:$0x4C0] =	vst v1;
	v1 =	vor.u32 v5, v61;
	v0 =	vor.u32 v58, v57  }
0xe7: {  	v63 =	vor.u32 v62, v1;
	[tilespmem:$0x4E0] =	vst v0  }
0xe8: {  	[tilespmem:$0x4F0] =	vst v63  }
0xe9: {  	[tilespmem:s9], [sflag:$0x1] =	stream.indirect.gather [hbm4b:s3+s8], $0x20, s2, s8, $0xb8;
	[tilespmem:$0xA500] =	vst v63  }
0xea: {  	_ = 	snop  }
0xeb: {  	[tilespmem:s10], [sflag:$0x1] =	stream.indirect.gather [hbm4b:s3+s8], $0x20, s8, s8, $0xb8;
	[tilespmem:$0xA500] =	vst v63  }
0xec: {  	_ = 	snop  }
0xed: {  	[tilespmem:s12], [sflag:$0x1] =	stream.indirect.gather [hbm4b:s3+s8], $0x20, s11, s8, $0xb8;
	[tilespmem:$0xA500] =	vst v63  }
0xee: {  	_ = 	snop  }
0xef: {  	[tilespmem:s14], [sflag:$0x1] =	stream.indirect.gather [hbm4b:s3+s8], $0x20, s13, s8, $0xb8;
	[tilespmem:$0xA500] =	vst v63  }
0xf0: {  	_ = 	snop  }
0xf1: {  	[tilespmem:s16], [sflag:$0x1] =	stream.indirect.gather [hbm4b:s3+s8], $0x20, s15, s8, $0xb8;
	[tilespmem:$0xA500] =	vst v63  }
0xf2: {  	_ = 	snop  }
0xf3: {  	[tilespmem:s18], [sflag:$0x1] =	stream.indirect.gather [hbm4b:s3+s8], $0x20, s17, s8, $0xb8;
	[tilespmem:$0xA500] =	vst v63  }
0xf4: {  	_ = 	snop  }
0xf5: {  	[tilespmem:s20], [sflag:$0x1] =	stream.indirect.gather [hbm4b:s3+s8], $0x20, s19, s8, $0xb8;
	[tilespmem:$0xA500] =	vst v63  }
0xf6: {  	_ = 	snop  }
0xf7: {  	[tilespmem:s22], [sflag:$0x1] =	stream.indirect.gather [hbm4b:s3+s8], $0x20, s21, s8, $0xb8;
	[tilespmem:$0xA500] =	vst v63  }
0xf8: {  	_ = 	snop  }
0xf9: {  	[tilespmem:s24], [sflag:$0x1] =	stream.indirect.gather [hbm4b:s3+s8], $0x20, s23, s8, $0xb8;
	[tilespmem:$0xA500] =	vst v63  }
0xfa: {  	_ = 	snop  }
0xfb: {  	[tilespmem:s26], [sflag:$0x1] =	stream.indirect.gather [hbm4b:s3+s8], $0x20, s25, s8, $0xb8;
	[tilespmem:$0xA500] =	vst v63  }
0xfc: {  	_ =	swait.ge [sflag:s28], $0x1000  }
0xfd: {  	[sflag:s28] =	ssyncset.done $0x0  }
0xfe: {  	[sflag:s28] =	ssyncadd.s32 $0xFFFFF000  }
0xff: {  	_ =	swait.ge [sflag:s28], $0x1000  }
0x100: {  	[sflag:s28] =	ssyncset.done $0x0  }
0x101: {  	[sflag:s28] =	ssyncadd.s32 $0xFFFFF000  }
0x102: {  	_ =	swait.ge [sflag:s28], $0x1000  }
0x103: {  	[sflag:s28] =	ssyncset.done $0x0  }
0x104: {  	[sflag:s28] =	ssyncadd.s32 $0xFFFFF000  }
0x105: {  	_ =	swait.ge [sflag:s28], $0x1000  }
0x106: {  	[sflag:s28] =	ssyncset.done $0x0  }
0x107: {  	[sflag:s28] =	ssyncadd.s32 $0xFFFFF000  }
0x108: {  	_ =	swait.ge [sflag:s28], $0x1000  }
0x109: {  	[sflag:s28] =	ssyncset.done $0x0  }
0x10a: {  	[sflag:s28] =	ssyncadd.s32 $0xFFFFF000  }
0x10b: {  	_ =	swait.ge [sflag:s28], $0x1000  }
0x10c: {  	[sflag:s28] =	ssyncset.done $0x0  }
0x10d: {  	[sflag:s28] =	ssyncadd.s32 $0xFFFFF000  }
0x10e: {  	_ =	swait.ge [sflag:s28], $0x1000  }
0x10f: {  	[sflag:s28] =	ssyncset.done $0x0  }
0x110: {  	[sflag:s28] =	ssyncadd.s32 $0xFFFFF000  }
0x111: {  	_ =	swait.ge [sflag:s28], $0x1000  }
0x112: {  	[sflag:s28] =	ssyncset.done $0x0  }
0x113: {  	[sflag:s28] =	ssyncadd.s32 $0xFFFFF000  }
0x114: {  	_ =	swait.ge [sflag:s28], $0x1000  }
0x115: {  	[sflag:s28] =	ssyncset.done $0x0  }
0x116: {  	[sflag:s28] =	ssyncadd.s32 $0xFFFFF000  }
0x117: {  	_ =	swait.ge [sflag:s28], $0x1000  }
0x118: {  	p0 =	sne.s32 s31, $0x5A0;
	[sflag:s28] =	ssyncset.done $0x0  }
.Ltmp0:
0x119: {  	[sflag:s28] =	ssyncadd.s32 $0xFFFFF000;
	(pc) =	sbr.rel @p0 .LBB2_2-.Ltmp0, $4  }
0x11a: {  	[hbm4b:s30+s2] =	stream.linear.scatter [tilespmem:s9], [sflag:$0x2], $0xA000, $0x38;
	[tilespmem:$0xA500] =	vst v63  }
0x11b: {  	_ =	swait.ge [sflag:s7], $0xA000  }
0x11c: {  	[sflag:s7] =	ssyncset.done $0x0  }
0x11d: {  	s31 =	sadd.s32 $0xA0, s31;
	s30 =	sadd.s32 $0x1400, s30;
	[sflag:s7] =	ssyncadd.s32 $0xFFFF6000  }
0x11e: {  	s29 =	sadd.s32 $0x1, s29  }
0x11f: {  	p0 =	sne.s32 s29, s4  }
.Ltmp1:
0x120: {  	_ = 	snop;
	(pc) =	sbr.rel @p0 .LBB2_1-.Ltmp1, $1  }
0x121: {  	_ =	sdelay $0x3  }
0x122: {  	_ =	sfence.sel $0x180000  }
0x123: {  	[bflag:$0x0] =	sbarrier.arrive $0xFFFF  }
0x124: {  	_ =	strace $0x90000047  }
0x125: {  	[bflag:$0x2] =	sbarrier.arrive $0xFFFF  }
0x126: {  	p0 =	sne.s32 s1, $0x0;
	s0 =	rddreg [dreg:$0x2]  }
0x127: {  	s0 =	sadd.s32 @!p0 $0x100000, s0  }
0x128: {  	[sflag:s0] =	ssyncadd.tile.s32 @!p0 $0x1;
	_ =	shalt  }
.Lfunc_end2:
_tile_overlayer_lowered:
.L_overlay_start_2:
0x129: {  	(tag) =	ssettag $0x2  }
0x12a: {  	s0 =	rddreg [dreg:$0x0];
	s2 =	stileid.u32  }
0x12b: {  	s1 =	rddreg [dreg:$0x1];
	p0 =	sne.s32 s2, $0x0  }
0x12c: {  	s3 =	rddreg [dreg:$0x2];
	[bflag:$0x3] =	sbarrier.arrive $0xFFFF;
	s2 =	simm.s32 @!p0 $0x1C02  }
0x12d: {  	[timem:s3], [sflag:s2] =	dma.local @!p0 [hbm:s0], s1  }
0x12e: {  	s0 =	simm.s32 @!p0 $0x2  }
0x12f: {  	_ =	swait.ge @!p0 [sflag:s0], s1  }
0x130: {  	s1 =	ssub.s32 @!p0 $0x0, s1;
	[sflag:s0] =	ssyncset.done @!p0 $0x0  }
0x131: {  	[sflag:s0] =	ssyncadd.s32 @!p0 s1  }
0x132: {  	[bflag:$0x3] =	sbarrier.arrive $0xFFFF  }
0x133: {  	_ =	shalt  }

</sc_bundles>
